<compile_context>
chip_gen: v7x
topology: tpu7x:2x2x1
jax: 0.10.2.dev20260603
libtpu: 0.0.44.dev20260713+nightly
codegen_flags: <defaults>
</compile_context>

<pallas_src>
import functools

import jax
import jax.numpy as jnp
from jax import lax
from jax.experimental import pallas as pl
from jax.experimental.pallas import tpu as pltpu
from jax.experimental.pallas import tpu_sc as plsc

N = 10000
E = 320000
D = 128
P = 8
C = 10
K = 3

NR = 10240
NW = 32
CB = 128
NCH = (E + NW * CB - 1) // (NW * CB)
EP = NW * CB * NCH
RPS = NR // 16

C0_CHUNKS = 80
C1_CHUNKS = 80
CMAX = max(C0_CHUNKS, C1_CHUNKS)
NCHT = 16 * (C0_CHUNKS + C1_CHUNKS)
EP2 = NCHT * CB
SEG = 40
NSEG = (CMAX + SEG - 1) // SEG
CPAD = NSEG * SEG

BN = 2048


@functools.cache
def _sc_kernels():
    mesh = plsc.VectorSubcoreMesh(core_axis_name="c", subcore_axis_name="s")

    @functools.partial(
        pl.kernel,
        out_type=jax.ShapeDtypeStruct((2, NR), jnp.float32),
        mesh=mesh,
        scratch_types=[
            pltpu.VMEM((NCH, CB), jnp.int32),
            pltpu.VMEM((CB,), jnp.float32),
            pltpu.VMEM((RPS,), jnp.float32),
            pltpu.VMEM_SHARED((NR,), jnp.float32),
        ],
    )
    def deg_kernel(dst_hbm, out_hbm, idx_v, ones_v, zb_v, acc):
        c = lax.axis_index("c")
        s = lax.axis_index("s")
        wid = c * 16 + s
        for k in range(CB // 16):
            ones_v[pl.ds(k * 16, 16)] = jnp.ones((16,), jnp.float32)
        for k in range(RPS // 16):
            zb_v[pl.ds(k * 16, 16)] = jnp.zeros((16,), jnp.float32)
        pltpu.sync_copy(zb_v, acc.at[pl.ds(s * RPS, RPS)])
        pltpu.sync_copy(dst_hbm.at[wid], idx_v)
        plsc.subcore_barrier()

        def body(j, _):
            pltpu.sync_copy(ones_v, acc.at[idx_v.at[j]], add=True)
            return 0

        lax.fori_loop(0, NCH, body, 0)
        plsc.subcore_barrier()
        pltpu.sync_copy(acc.at[pl.ds(s * RPS, RPS)],
                        out_hbm.at[c, pl.ds(s * RPS, RPS)])

    @functools.partial(
        pl.kernel,
        out_type=jax.ShapeDtypeStruct((2, NR, D), jnp.float32),
        mesh=mesh,
        scratch_types=[
            pltpu.VMEM((SEG, CB), jnp.int32),
            pltpu.VMEM((SEG, CB), jnp.int32),
            pltpu.VMEM((CB, D), jnp.float32),
            pltpu.VMEM((CB, D), jnp.float32),
            pltpu.SemaphoreType.DMA,
            pltpu.SemaphoreType.DMA,
            pltpu.VMEM_SHARED((NR, D), jnp.float32),
        ],
    )
    def hop_kernel(g_hbm, src0_hbm, dst0_hbm, src1_hbm, dst1_hbm,
                   out_hbm,
                   src_v, dst_v, rows0_v, rows1_v, sem0, sem1, acc):
        c = lax.axis_index("c")
        s = lax.axis_index("s")
        n_my = jnp.where(c == 0, C0_CHUNKS, C1_CHUNKS)

        def zrow(i, _):
            for k in range(D // 16):
                rows0_v[i, pl.ds(k * 16, 16)] = jnp.zeros((16,), jnp.float32)
            return 0

        lax.fori_loop(0, CB, zrow, 0)
        for r in range(RPS // CB):
            pltpu.sync_copy(rows0_v,
                            acc.at[pl.ds(s * RPS + r * CB, CB)])
        plsc.subcore_barrier()

        for seg in range(NSEG):
            m = jnp.clip(n_my - seg * SEG, 0, SEG)

            @pl.when(m > 0)
            def _(seg=seg, m=m):
                @pl.when(c == 0)
                def _():
                    pltpu.sync_copy(src0_hbm.at[s, pl.ds(seg * SEG, SEG)],
                                    src_v)
                    pltpu.sync_copy(dst0_hbm.at[s, pl.ds(seg * SEG, SEG)],
                                    dst_v)

                @pl.when(c == 1)
                def _():
                    pltpu.sync_copy(src1_hbm.at[s, pl.ds(seg * SEG, SEG)],
                                    src_v)
                    pltpu.sync_copy(dst1_hbm.at[s, pl.ds(seg * SEG, SEG)],
                                    dst_v)

                pltpu.async_copy(g_hbm.at[src_v.at[0]], rows0_v, sem0)

                def body(j2, _):
                    ja = 2 * j2
                    jb = ja + 1
                    d1 = pltpu.async_copy(g_hbm.at[src_v.at[jb]], rows1_v,
                                          sem1)
                    pltpu.make_async_copy(g_hbm.at[src_v.at[0]], rows0_v,
                                          sem0).wait()
                    pltpu.sync_copy(rows0_v, acc.at[dst_v.at[ja]], add=True)
                    nxt = jnp.minimum(ja + 2, m - 1)
                    pltpu.async_copy(g_hbm.at[src_v.at[nxt]], rows0_v, sem0)
                    d1.wait()
                    pltpu.sync_copy(rows1_v, acc.at[dst_v.at[jb]], add=True)
                    return 0

                lax.fori_loop(0, m // 2, body, 0)
                pltpu.make_async_copy(g_hbm.at[src_v.at[0]], rows0_v,
                                      sem0).wait()

        plsc.subcore_barrier()
        pltpu.sync_copy(acc.at[pl.ds(s * RPS, RPS)],
                        out_hbm.at[c, pl.ds(s * RPS, RPS)])

    return deg_kernel, hop_kernel



def _prompt_body(x_ref, aw_ref, ab_ref, pl_ref, d0_ref, d1_ref,
                 g_ref, nrm_ref, nrm2_ref):
    xb = x_ref[...]
    score = jnp.dot(xb, aw_ref[...], preferred_element_type=jnp.float32)
    score = score + ab_ref[...]
    colmask = lax.broadcasted_iota(jnp.int32, (1, D), 1) < P
    score = jnp.where(colmask, score, -1e30)
    m = jnp.max(score, axis=1, keepdims=True)
    e = jnp.exp(score - m)
    e = jnp.where(colmask, e, 0.0)
    w = e / jnp.sum(e, axis=1, keepdims=True)
    p = jnp.dot(w, pl_ref[...], preferred_element_type=jnp.float32)
    deg = jnp.maximum(d0_ref[...] + d1_ref[...], 1.0)
    nrm = lax.rsqrt(deg)
    g_ref[...] = (xb + p) * nrm
    nrm_ref[...] = nrm
    nrm2_ref[...] = nrm * nrm


def _combine_body(part_ref, n2_ref, out_ref):
    pb = part_ref[...]
    out_ref[...] = (pb[0] + pb[1]) * n2_ref[...]


def _cls_body(part_ref, n_ref, wc_ref, bc_ref, out_ref):
    pb = part_ref[...]
    h = (pb[0] + pb[1]) * n_ref[...]
    out_ref[...] = jnp.dot(h, wc_ref[...],
                           preferred_element_type=jnp.float32) + bc_ref[...]


_row_spec = pl.BlockSpec((BN, D), lambda i: (i, 0))
_col_spec = pl.BlockSpec((BN, 1), lambda i: (i, 0))
_full_spec = pl.BlockSpec((D, D), lambda i: (0, 0))
_bias_spec = pl.BlockSpec((1, D), lambda i: (0, 0))
_part_spec = pl.BlockSpec((2, BN, D), lambda i: (0, i, 0))

_prompt_call = pl.pallas_call(
    _prompt_body,
    grid=(NR // BN,),
    in_specs=[_row_spec, _full_spec, _bias_spec, _full_spec,
              _col_spec, _col_spec],
    out_specs=[_row_spec, _col_spec, _col_spec],
    out_shape=[jax.ShapeDtypeStruct((NR, D), jnp.float32),
               jax.ShapeDtypeStruct((NR, 1), jnp.float32),
               jax.ShapeDtypeStruct((NR, 1), jnp.float32)],
)

_combine_call = pl.pallas_call(
    _combine_body,
    grid=(NR // BN,),
    in_specs=[_part_spec, _col_spec],
    out_specs=_row_spec,
    out_shape=jax.ShapeDtypeStruct((NR, D), jnp.float32),
)

_cls_call = pl.pallas_call(
    _cls_body,
    grid=(NR // BN,),
    in_specs=[_part_spec, _col_spec, _full_spec, _bias_spec],
    out_specs=_row_spec,
    out_shape=jax.ShapeDtypeStruct((NR, D), jnp.float32),
)



def kernel(x, edge_index, p_list, a_W, a_b, W_cls, b_cls):
    x_p = jnp.pad(x, ((0, NR - N), (0, 0)))
    pad_d = jnp.arange(EP - E, dtype=jnp.int32)
    dst = jnp.concatenate(
        [edge_index[1], N + pad_d % (NR - N)]).reshape(NW, NCH, CB)
    pad_i = jnp.arange(EP2 - E, dtype=jnp.int32)
    src_f = jnp.concatenate([edge_index[0], pad_i % N])
    dst_f = jnp.concatenate([edge_index[1], N + pad_i % (NR - N)])
    n0 = 16 * C0_CHUNKS * CB

    def _slab(flat, nch, fill):
        slab = flat.reshape(16, nch, CB)
        return jnp.pad(slab, ((0, 0), (0, CPAD - nch), (0, 0)),
                       constant_values=fill)

    src0 = _slab(src_f[:n0], C0_CHUNKS, 0)
    dst0 = _slab(dst_f[:n0], C0_CHUNKS, N)
    src1 = _slab(src_f[n0:], C1_CHUNKS, 0)
    dst1 = _slab(dst_f[n0:], C1_CHUNKS, N)

    aw_p = jnp.pad(a_W, ((0, 0), (0, D - P)))
    ab_p = jnp.pad(a_b, (0, D - P)).reshape(1, D)
    pl_p = jnp.pad(p_list, ((0, D - P), (0, 0)))
    wc_p = jnp.pad(W_cls, ((0, 0), (0, D - C)))
    bc_p = jnp.pad(b_cls, (0, D - C)).reshape(1, D)

    deg_kernel, hop_kernel = _sc_kernels()
    degp = deg_kernel(dst)
    d0 = degp[0].reshape(NR, 1)
    d1 = degp[1].reshape(NR, 1)
    g, nrm, nrm2 = _prompt_call(x_p, aw_p, ab_p, pl_p, d0, d1)
    for _ in range(K - 1):
        part = hop_kernel(g, src0, dst0, src1, dst1)
        g = _combine_call(part, nrm2)
    part = hop_kernel(g, src0, dst0, src1, dst1)
    out_full = _cls_call(part, nrm, wc_p, bc_p)
    return out_full[:N, :C]

# --- scband reference (transcript-rebuilt; emitter-appended) ---
"""Pipeline reference for scband-net-82506321756906 (READ-ONLY COPY).

The authoritative reference and input builder live on the scoring server;
editing this copy changes nothing except your own understanding.
"""

import jax, jax.numpy as jnp
import numpy as np

N = 10000
E = 320000
D = 128
P = 8
C = 10
K = 3


def setup_inputs(seed: int = 0) -> dict:
    key = jax.random.key(seed)
    ks = jax.random.split(key, 6)
    x = jax.random.normal(ks[0], (N, D), dtype=jnp.float32)
    edge_index = jax.random.randint(ks[1], (2, E), 0, N, dtype=jnp.int32)
    # learned parameters
    p_list = jax.random.normal(ks[2], (P, D), dtype=jnp.float32) * 0.1  # GPFplusAtt.p_list
    a_W = jax.random.normal(ks[3], (D, P), dtype=jnp.float32) * 0.1     # GPFplusAtt.a (Linear)
    a_b = jnp.zeros((P,), dtype=jnp.float32)
    W_cls = jax.random.normal(ks[4], (D, C), dtype=jnp.float32) * 0.1   # LogReg head
    b_cls = jnp.zeros((C,), dtype=jnp.float32)
    return {"x": x, "edge_index": edge_index, "p_list": p_list, "a_W": a_W,
            "a_b": a_b, "W_cls": W_cls, "b_cls": b_cls}


def reference(x, edge_index, p_list, a_W, a_b, W_cls, b_cls):
    # GPFplusAtt.add: attention-weighted prompt added to node features
    score = x @ a_W + a_b
    weight = jax.nn.softmax(score, axis=1)
    p = weight @ p_list
    h = x + p
    # SGC-style k-hop aggregation (getpred path: model(g, features))
    src = edge_index[0]
    dst = edge_index[1]
    deg = jnp.zeros((N,), dtype=jnp.float32).at[dst].add(1.0)
    deg = jnp.clip(deg, 1.0, None)
    norm = deg ** (-0.5)
    for _ in range(K):
        h = h * norm[:, None]
        m = jax.ops.segment_sum(h[src], dst, num_segments=N)
        h = m * norm[:, None]
    # classification head (LogReg)
    out = h @ W_cls + b_cls
    return out

if __name__ == "__main__":
    import jax
    _d = setup_inputs()
    print(jax.jit(kernel)(*tuple(_d.values())))

</pallas_src>

<mosaic_0001>
#map = affine_map<(d0, d1) -> (0, 0, 0)>
#map1 = affine_map<(d0, d1) -> (0, 0)>
module attributes {stable_mosaic.version = 14 : i64} {
  func.func @deg_kernel(%arg0: i32, %arg1: i32, %arg2: memref<32x79x128xi32, #tpu.memory_space<hbm>>, %arg3: memref<2x10240xf32, #tpu.memory_space<hbm>>, %arg4: memref<79x128xi32, #tpu.memory_space<vmem>>, %arg5: memref<128xf32, #tpu.memory_space<vmem>>, %arg6: memref<640xf32, #tpu.memory_space<vmem>>, %arg7: memref<10240xf32, #tpu.memory_space<vmem_shared>>) attributes {dimension_semantics = [#tpu.dimension_semantics<core_parallel>, #tpu.dimension_semantics<subcore_parallel>], iteration_bounds = array<i64: 2, 16>, scalar_prefetch = 0 : i64, scratch_operands = 4 : i64, tpu.core_type = #tpu.core_type<sc_vector_subcore>, window_params = [{transform_indices = #map}, {transform_indices = #map1}]} {
    %mul3A = arith.constant 16 : i32
    %mul3A_0 = arith.muli %arg0, %mul3A : i32
    %add3A = arith.addi %mul3A_0, %arg1 : i32
    %broadcast_in_dim3A = arith.constant 1.000000e+00 : f32
    %broadcast_in_dim3A_1 = vector.broadcast %broadcast_in_dim3A : f32 to vector<16xf32>
    %swap3A = arith.constant 0 : index
    %swap3A_2 = tpu.vector_load %arg5[%swap3A] {strides = array<i32>} : memref<128xf32, #tpu.memory_space<vmem>>, vector<16xf32>,
    %swap3A_3 = vector.shape_cast %swap3A_2 : vector<16xf32> to vector<16xf32>
    %swap3A_4 = vector.shape_cast %broadcast_in_dim3A_1 : vector<16xf32> to vector<16xf32>
    tpu.vector_store %arg5[%swap3A], %swap3A_4 {strides = array<i32>} : memref<128xf32, #tpu.memory_space<vmem>>, vector<16xf32>,
    %broadcast_in_dim3A_5 = arith.constant 1.000000e+00 : f32
    %broadcast_in_dim3A_6 = vector.broadcast %broadcast_in_dim3A_5 : f32 to vector<16xf32>
    %swap3A_7 = arith.constant 16 : index
    %swap3A_8 = tpu.vector_load %arg5[%swap3A_7] {strides = array<i32>} : memref<128xf32, #tpu.memory_space<vmem>>, vector<16xf32>,
    %swap3A_9 = vector.shape_cast %swap3A_8 : vector<16xf32> to vector<16xf32>
    %swap3A_10 = vector.shape_cast %broadcast_in_dim3A_6 : vector<16xf32> to vector<16xf32>
    tpu.vector_store %arg5[%swap3A_7], %swap3A_10 {strides = array<i32>} : memref<128xf32, #tpu.memory_space<vmem>>, vector<16xf32>,
    %broadcast_in_dim3A_11 = arith.constant 1.000000e+00 : f32
    %broadcast_in_dim3A_12 = vector.broadcast %broadcast_in_dim3A_11 : f32 to vector<16xf32>
    %swap3A_13 = arith.constant 32 : index
    %swap3A_14 = tpu.vector_load %arg5[%swap3A_13] {strides = array<i32>} : memref<128xf32, #tpu.memory_space<vmem>>, vector<16xf32>,
    %swap3A_15 = vector.shape_cast %swap3A_14 : vector<16xf32> to vector<16xf32>
    %swap3A_16 = vector.shape_cast %broadcast_in_dim3A_12 : vector<16xf32> to vector<16xf32>
    tpu.vector_store %arg5[%swap3A_13], %swap3A_16 {strides = array<i32>} : memref<128xf32, #tpu.memory_space<vmem>>, vector<16xf32>,
    %broadcast_in_dim3A_17 = arith.constant 1.000000e+00 : f32
    %broadcast_in_dim3A_18 = vector.broadcast %broadcast_in_dim3A_17 : f32 to vector<16xf32>
    %swap3A_19 = arith.constant 48 : index
    %swap3A_20 = tpu.vector_load %arg5[%swap3A_19] {strides = array<i32>} : memref<128xf32, #tpu.memory_space<vmem>>, vector<16xf32>,
    %swap3A_21 = vector.shape_cast %swap3A_20 : vector<16xf32> to vector<16xf32>
    %swap3A_22 = vector.shape_cast %broadcast_in_dim3A_18 : vector<16xf32> to vector<16xf32>
    tpu.vector_store %arg5[%swap3A_19], %swap3A_22 {strides = array<i32>} : memref<128xf32, #tpu.memory_space<vmem>>, vector<16xf32>,
    %broadcast_in_dim3A_23 = arith.constant 1.000000e+00 : f32
    %broadcast_in_dim3A_24 = vector.broadcast %broadcast_in_dim3A_23 : f32 to vector<16xf32>
    %swap3A_25 = arith.constant 64 : index
    %swap3A_26 = tpu.vector_load %arg5[%swap3A_25] {strides = array<i32>} : memref<128xf32, #tpu.memory_space<vmem>>, vector<16xf32>,
    %swap3A_27 = vector.shape_cast %swap3A_26 : vector<16xf32> to vector<16xf32>
    %swap3A_28 = vector.shape_cast %broadcast_in_dim3A_24 : vector<16xf32> to vector<16xf32>
    tpu.vector_store %arg5[%swap3A_25], %swap3A_28 {strides = array<i32>} : memref<128xf32, #tpu.memory_space<vmem>>, vector<16xf32>,
    %broadcast_in_dim3A_29 = arith.constant 1.000000e+00 : f32
    %broadcast_in_dim3A_30 = vector.broadcast %broadcast_in_dim3A_29 : f32 to vector<16xf32>
    %swap3A_31 = arith.constant 80 : index
    %swap3A_32 = tpu.vector_load %arg5[%swap3A_31] {strides = array<i32>} : memref<128xf32, #tpu.memory_space<vmem>>, vector<16xf32>,
    %swap3A_33 = vector.shape_cast %swap3A_32 : vector<16xf32> to vector<16xf32>
    %swap3A_34 = vector.shape_cast %broadcast_in_dim3A_30 : vector<16xf32> to vector<16xf32>
    tpu.vector_store %arg5[%swap3A_31], %swap3A_34 {strides = array<i32>} : memref<128xf32, #tpu.memory_space<vmem>>, vector<16xf32>,
    %broadcast_in_dim3A_35 = arith.constant 1.000000e+00 : f32
    %broadcast_in_dim3A_36 = vector.broadcast %broadcast_in_dim3A_35 : f32 to vector<16xf32>
    %swap3A_37 = arith.constant 96 : index
    %swap3A_38 = tpu.vector_load %arg5[%swap3A_37] {strides = array<i32>} : memref<128xf32, #tpu.memory_space<vmem>>, vector<16xf32>,
    %swap3A_39 = vector.shape_cast %swap3A_38 : vector<16xf32> to vector<16xf32>
    %swap3A_40 = vector.shape_cast %broadcast_in_dim3A_36 : vector<16xf32> to vector<16xf32>
    tpu.vector_store %arg5[%swap3A_37], %swap3A_40 {strides = array<i32>} : memref<128xf32, #tpu.memory_space<vmem>>, vector<16xf32>,
    %broadcast_in_dim3A_41 = arith.constant 1.000000e+00 : f32
    %broadcast_in_dim3A_42 = vector.broadcast %broadcast_in_dim3A_41 : f32 to vector<16xf32>
    %swap3A_43 = arith.constant 112 : index
    %swap3A_44 = tpu.vector_load %arg5[%swap3A_43] {strides = array<i32>} : memref<128xf32, #tpu.memory_space<vmem>>, vector<16xf32>,
    %swap3A_45 = vector.shape_cast %swap3A_44 : vector<16xf32> to vector<16xf32>
    %swap3A_46 = vector.shape_cast %broadcast_in_dim3A_42 : vector<16xf32> to vector<16xf32>
    tpu.vector_store %arg5[%swap3A_43], %swap3A_46 {strides = array<i32>} : memref<128xf32, #tpu.memory_space<vmem>>, vector<16xf32>,
    %broadcast_in_dim3A_47 = arith.constant 0.000000e+00 : f32
    %broadcast_in_dim3A_48 = vector.broadcast %broadcast_in_dim3A_47 : f32 to vector<16xf32>
    %swap3A_49 = arith.constant 0 : index
    %swap3A_50 = tpu.vector_load %arg6[%swap3A_49] {strides = array<i32>} : memref<640xf32, #tpu.memory_space<vmem>>, vector<16xf32>,
    %swap3A_51 = vector.shape_cast %swap3A_50 : vector<16xf32> to vector<16xf32>
    %swap3A_52 = vector.shape_cast %broadcast_in_dim3A_48 : vector<16xf32> to vector<16xf32>
    tpu.vector_store %arg6[%swap3A_49], %swap3A_52 {strides = array<i32>} : memref<640xf32, #tpu.memory_space<vmem>>, vector<16xf32>,
    %broadcast_in_dim3A_53 = arith.constant 0.000000e+00 : f32
    %broadcast_in_dim3A_54 = vector.broadcast %broadcast_in_dim3A_53 : f32 to vector<16xf32>
    %swap3A_55 = arith.constant 16 : index
    %swap3A_56 = tpu.vector_load %arg6[%swap3A_55] {strides = array<i32>} : memref<640xf32, #tpu.memory_space<vmem>>, vector<16xf32>,
    %swap3A_57 = vector.shape_cast %swap3A_56 : vector<16xf32> to vector<16xf32>
    %swap3A_58 = vector.shape_cast %broadcast_in_dim3A_54 : vector<16xf32> to vector<16xf32>
    tpu.vector_store %arg6[%swap3A_55], %swap3A_58 {strides = array<i32>} : memref<640xf32, #tpu.memory_space<vmem>>, vector<16xf32>,
    %broadcast_in_dim3A_59 = arith.constant 0.000000e+00 : f32
    %broadcast_in_dim3A_60 = vector.broadcast %broadcast_in_dim3A_59 : f32 to vector<16xf32>
    %swap3A_61 = arith.constant 32 : index
    %swap3A_62 = tpu.vector_load %arg6[%swap3A_61] {strides = array<i32>} : memref<640xf32, #tpu.memory_space<vmem>>, vector<16xf32>,
    %swap3A_63 = vector.shape_cast %swap3A_62 : vector<16xf32> to vector<16xf32>
    %swap3A_64 = vector.shape_cast %broadcast_in_dim3A_60 : vector<16xf32> to vector<16xf32>
    tpu.vector_store %arg6[%swap3A_61], %swap3A_64 {strides = array<i32>} : memref<640xf32, #tpu.memory_space<vmem>>, vector<16xf32>,
    %broadcast_in_dim3A_65 = arith.constant 0.000000e+00 : f32
    %broadcast_in_dim3A_66 = vector.broadcast %broadcast_in_dim3A_65 : f32 to vector<16xf32>
    %swap3A_67 = arith.constant 48 : index
    %swap3A_68 = tpu.vector_load %arg6[%swap3A_67] {strides = array<i32>} : memref<640xf32, #tpu.memory_space<vmem>>, vector<16xf32>,
    %swap3A_69 = vector.shape_cast %swap3A_68 : vector<16xf32> to vector<16xf32>
    %swap3A_70 = vector.shape_cast %broadcast_in_dim3A_66 : vector<16xf32> to vector<16xf32>
    tpu.vector_store %arg6[%swap3A_67], %swap3A_70 {strides = array<i32>} : memref<640xf32, #tpu.memory_space<vmem>>, vector<16xf32>,
    %broadcast_in_dim3A_71 = arith.constant 0.000000e+00 : f32
    %broadcast_in_dim3A_72 = vector.broadcast %broadcast_in_dim3A_71 : f32 to vector<16xf32>
    %swap3A_73 = arith.constant 64 : index
    %swap3A_74 = tpu.vector_load %arg6[%swap3A_73] {strides = array<i32>} : memref<640xf32, #tpu.memory_space<vmem>>, vector<16xf32>,
    %swap3A_75 = vector.shape_cast %swap3A_74 : vector<16xf32> to vector<16xf32>
    %swap3A_76 = vector.shape_cast %broadcast_in_dim3A_72 : vector<16xf32> to vector<16xf32>
    tpu.vector_store %arg6[%swap3A_73], %swap3A_76 {strides = array<i32>} : memref<640xf32, #tpu.memory_space<vmem>>, vector<16xf32>,
    %broadcast_in_dim3A_77 = arith.constant 0.000000e+00 : f32
    %broadcast_in_dim3A_78 = vector.broadcast %broadcast_in_dim3A_77 : f32 to vector<16xf32>
    %swap3A_79 = arith.constant 80 : index
    %swap3A_80 = tpu.vector_load %arg6[%swap3A_79] {strides = array<i32>} : memref<640xf32, #tpu.memory_space<vmem>>, vector<16xf32>,
    %swap3A_81 = vector.shape_cast %swap3A_80 : vector<16xf32> to vector<16xf32>
    %swap3A_82 = vector.shape_cast %broadcast_in_dim3A_78 : vector<16xf32> to vector<16xf32>
    tpu.vector_store %arg6[%swap3A_79], %swap3A_82 {strides = array<i32>} : memref<640xf32, #tpu.memory_space<vmem>>, vector<16xf32>,
    %broadcast_in_dim3A_83 = arith.constant 0.000000e+00 : f32
    %broadcast_in_dim3A_84 = vector.broadcast %broadcast_in_dim3A_83 : f32 to vector<16xf32>
    %swap3A_85 = arith.constant 96 : index
    %swap3A_86 = tpu.vector_load %arg6[%swap3A_85] {strides = array<i32>} : memref<640xf32, #tpu.memory_space<vmem>>, vector<16xf32>,
    %swap3A_87 = vector.shape_cast %swap3A_86 : vector<16xf32> to vector<16xf32>
    %swap3A_88 = vector.shape_cast %broadcast_in_dim3A_84 : vector<16xf32> to vector<16xf32>
    tpu.vector_store %arg6[%swap3A_85], %swap3A_88 {strides = array<i32>} : memref<640xf32, #tpu.memory_space<vmem>>, vector<16xf32>,
    %broadcast_in_dim3A_89 = arith.constant 0.000000e+00 : f32
    %broadcast_in_dim3A_90 = vector.broadcast %broadcast_in_dim3A_89 : f32 to vector<16xf32>
    %swap3A_91 = arith.constant 112 : index
    %swap3A_92 = tpu.vector_load %arg6[%swap3A_91] {strides = array<i32>} : memref<640xf32, #tpu.memory_space<vmem>>, vector<16xf32>,
    %swap3A_93 = vector.shape_cast %swap3A_92 : vector<16xf32> to vector<16xf32>
    %swap3A_94 = vector.shape_cast %broadcast_in_dim3A_90 : vector<16xf32> to vector<16xf32>
    tpu.vector_store %arg6[%swap3A_91], %swap3A_94 {strides = array<i32>} : memref<640xf32, #tpu.memory_space<vmem>>, vector<16xf32>,
    %broadcast_in_dim3A_95 = arith.constant 0.000000e+00 : f32
    %broadcast_in_dim3A_96 = vector.broadcast %broadcast_in_dim3A_95 : f32 to vector<16xf32>
    %swap3A_97 = arith.constant 128 : index
    %swap3A_98 = tpu.vector_load %arg6[%swap3A_97] {strides = array<i32>} : memref<640xf32, #tpu.memory_space<vmem>>, vector<16xf32>,
    %swap3A_99 = vector.shape_cast %swap3A_98 : vector<16xf32> to vector<16xf32>
    %swap3A_100 = vector.shape_cast %broadcast_in_dim3A_96 : vector<16xf32> to vector<16xf32>
    tpu.vector_store %arg6[%swap3A_97], %swap3A_100 {strides = array<i32>} : memref<640xf32, #tpu.memory_space<vmem>>, vector<16xf32>,
    %broadcast_in_dim3A_101 = arith.constant 0.000000e+00 : f32
    %broadcast_in_dim3A_102 = vector.broadcast %broadcast_in_dim3A_101 : f32 to vector<16xf32>
    %swap3A_103 = arith.constant 144 : index
    %swap3A_104 = tpu.vector_load %arg6[%swap3A_103] {strides = array<i32>} : memref<640xf32, #tpu.memory_space<vmem>>, vector<16xf32>,
    %swap3A_105 = vector.shape_cast %swap3A_104 : vector<16xf32> to vector<16xf32>
    %swap3A_106 = vector.shape_cast %broadcast_in_dim3A_102 : vector<16xf32> to vector<16xf32>
    tpu.vector_store %arg6[%swap3A_103], %swap3A_106 {strides = array<i32>} : memref<640xf32, #tpu.memory_space<vmem>>, vector<16xf32>,
    %broadcast_in_dim3A_107 = arith.constant 0.000000e+00 : f32
    %broadcast_in_dim3A_108 = vector.broadcast %broadcast_in_dim3A_107 : f32 to vector<16xf32>
    %swap3A_109 = arith.constant 160 : index
    %swap3A_110 = tpu.vector_load %arg6[%swap3A_109] {strides = array<i32>} : memref<640xf32, #tpu.memory_space<vmem>>, vector<16xf32>,
    %swap3A_111 = vector.shape_cast %swap3A_110 : vector<16xf32> to vector<16xf32>
    %swap3A_112 = vector.shape_cast %broadcast_in_dim3A_108 : vector<16xf32> to vector<16xf32>
    tpu.vector_store %arg6[%swap3A_109], %swap3A_112 {strides = array<i32>} : memref<640xf32, #tpu.memory_space<vmem>>, vector<16xf32>,
    %broadcast_in_dim3A_113 = arith.constant 0.000000e+00 : f32
    %broadcast_in_dim3A_114 = vector.broadcast %broadcast_in_dim3A_113 : f32 to vector<16xf32>
    %swap3A_115 = arith.constant 176 : index
    %swap3A_116 = tpu.vector_load %arg6[%swap3A_115] {strides = array<i32>} : memref<640xf32, #tpu.memory_space<vmem>>, vector<16xf32>,
    %swap3A_117 = vector.shape_cast %swap3A_116 : vector<16xf32> to vector<16xf32>
    %swap3A_118 = vector.shape_cast %broadcast_in_dim3A_114 : vector<16xf32> to vector<16xf32>
    tpu.vector_store %arg6[%swap3A_115], %swap3A_118 {strides = array<i32>} : memref<640xf32, #tpu.memory_space<vmem>>, vector<16xf32>,
    %broadcast_in_dim3A_119 = arith.constant 0.000000e+00 : f32
    %broadcast_in_dim3A_120 = vector.broadcast %broadcast_in_dim3A_119 : f32 to vector<16xf32>
    %swap3A_121 = arith.constant 192 : index
    %swap3A_122 = tpu.vector_load %arg6[%swap3A_121] {strides = array<i32>} : memref<640xf32, #tpu.memory_space<vmem>>, vector<16xf32>,
    %swap3A_123 = vector.shape_cast %swap3A_122 : vector<16xf32> to vector<16xf32>
    %swap3A_124 = vector.shape_cast %broadcast_in_dim3A_120 : vector<16xf32> to vector<16xf32>
    tpu.vector_store %arg6[%swap3A_121], %swap3A_124 {strides = array<i32>} : memref<640xf32, #tpu.memory_space<vmem>>, vector<16xf32>,
    %broadcast_in_dim3A_125 = arith.constant 0.000000e+00 : f32
    %broadcast_in_dim3A_126 = vector.broadcast %broadcast_in_dim3A_125 : f32 to vector<16xf32>
    %swap3A_127 = arith.constant 208 : index
    %swap3A_128 = tpu.vector_load %arg6[%swap3A_127] {strides = array<i32>} : memref<640xf32, #tpu.memory_space<vmem>>, vector<16xf32>,
    %swap3A_129 = vector.shape_cast %swap3A_128 : vector<16xf32> to vector<16xf32>
    %swap3A_130 = vector.shape_cast %broadcast_in_dim3A_126 : vector<16xf32> to vector<16xf32>
    tpu.vector_store %arg6[%swap3A_127], %swap3A_130 {strides = array<i32>} : memref<640xf32, #tpu.memory_space<vmem>>, vector<16xf32>,
    %broadcast_in_dim3A_131 = arith.constant 0.000000e+00 : f32
    %broadcast_in_dim3A_132 = vector.broadcast %broadcast_in_dim3A_131 : f32 to vector<16xf32>
    %swap3A_133 = arith.constant 224 : index
    %swap3A_134 = tpu.vector_load %arg6[%swap3A_133] {strides = array<i32>} : memref<640xf32, #tpu.memory_space<vmem>>, vector<16xf32>,
    %swap3A_135 = vector.shape_cast %swap3A_134 : vector<16xf32> to vector<16xf32>
    %swap3A_136 = vector.shape_cast %broadcast_in_dim3A_132 : vector<16xf32> to vector<16xf32>
    tpu.vector_store %arg6[%swap3A_133], %swap3A_136 {strides = array<i32>} : memref<640xf32, #tpu.memory_space<vmem>>, vector<16xf32>,
    %broadcast_in_dim3A_137 = arith.constant 0.000000e+00 : f32
    %broadcast_in_dim3A_138 = vector.broadcast %broadcast_in_dim3A_137 : f32 to vector<16xf32>
    %swap3A_139 = arith.constant 240 : index
    %swap3A_140 = tpu.vector_load %arg6[%swap3A_139] {strides = array<i32>} : memref<640xf32, #tpu.memory_space<vmem>>, vector<16xf32>,
    %swap3A_141 = vector.shape_cast %swap3A_140 : vector<16xf32> to vector<16xf32>
    %swap3A_142 = vector.shape_cast %broadcast_in_dim3A_138 : vector<16xf32> to vector<16xf32>
    tpu.vector_store %arg6[%swap3A_139], %swap3A_142 {strides = array<i32>} : memref<640xf32, #tpu.memory_space<vmem>>, vector<16xf32>,
    %broadcast_in_dim3A_143 = arith.constant 0.000000e+00 : f32
    %broadcast_in_dim3A_144 = vector.broadcast %broadcast_in_dim3A_143 : f32 to vector<16xf32>
    %swap3A_145 = arith.constant 256 : index
    %swap3A_146 = tpu.vector_load %arg6[%swap3A_145] {strides = array<i32>} : memref<640xf32, #tpu.memory_space<vmem>>, vector<16xf32>,
    %swap3A_147 = vector.shape_cast %swap3A_146 : vector<16xf32> to vector<16xf32>
    %swap3A_148 = vector.shape_cast %broadcast_in_dim3A_144 : vector<16xf32> to vector<16xf32>
    tpu.vector_store %arg6[%swap3A_145], %swap3A_148 {strides = array<i32>} : memref<640xf32, #tpu.memory_space<vmem>>, vector<16xf32>,
    %broadcast_in_dim3A_149 = arith.constant 0.000000e+00 : f32
    %broadcast_in_dim3A_150 = vector.broadcast %broadcast_in_dim3A_149 : f32 to vector<16xf32>
    %swap3A_151 = arith.constant 272 : index
    %swap3A_152 = tpu.vector_load %arg6[%swap3A_151] {strides = array<i32>} : memref<640xf32, #tpu.memory_space<vmem>>, vector<16xf32>,
    %swap3A_153 = vector.shape_cast %swap3A_152 : vector<16xf32> to vector<16xf32>
    %swap3A_154 = vector.shape_cast %broadcast_in_dim3A_150 : vector<16xf32> to vector<16xf32>
    tpu.vector_store %arg6[%swap3A_151], %swap3A_154 {strides = array<i32>} : memref<640xf32, #tpu.memory_space<vmem>>, vector<16xf32>,
    %broadcast_in_dim3A_155 = arith.constant 0.000000e+00 : f32
    %broadcast_in_dim3A_156 = vector.broadcast %broadcast_in_dim3A_155 : f32 to vector<16xf32>
    %swap3A_157 = arith.constant 288 : index
    %swap3A_158 = tpu.vector_load %arg6[%swap3A_157] {strides = array<i32>} : memref<640xf32, #tpu.memory_space<vmem>>, vector<16xf32>,
    %swap3A_159 = vector.shape_cast %swap3A_158 : vector<16xf32> to vector<16xf32>
    %swap3A_160 = vector.shape_cast %broadcast_in_dim3A_156 : vector<16xf32> to vector<16xf32>
    tpu.vector_store %arg6[%swap3A_157], %swap3A_160 {strides = array<i32>} : memref<640xf32, #tpu.memory_space<vmem>>, vector<16xf32>,
    %broadcast_in_dim3A_161 = arith.constant 0.000000e+00 : f32
    %broadcast_in_dim3A_162 = vector.broadcast %broadcast_in_dim3A_161 : f32 to vector<16xf32>
    %swap3A_163 = arith.constant 304 : index
    %swap3A_164 = tpu.vector_load %arg6[%swap3A_163] {strides = array<i32>} : memref<640xf32, #tpu.memory_space<vmem>>, vector<16xf32>,
    %swap3A_165 = vector.shape_cast %swap3A_164 : vector<16xf32> to vector<16xf32>
    %swap3A_166 = vector.shape_cast %broadcast_in_dim3A_162 : vector<16xf32> to vector<16xf32>
    tpu.vector_store %arg6[%swap3A_163], %swap3A_166 {strides = array<i32>} : memref<640xf32, #tpu.memory_space<vmem>>, vector<16xf32>,
    %broadcast_in_dim3A_167 = arith.constant 0.000000e+00 : f32
    %broadcast_in_dim3A_168 = vector.broadcast %broadcast_in_dim3A_167 : f32 to vector<16xf32>
    %swap3A_169 = arith.constant 320 : index
    %swap3A_170 = tpu.vector_load %arg6[%swap3A_169] {strides = array<i32>} : memref<640xf32, #tpu.memory_space<vmem>>, vector<16xf32>,
    %swap3A_171 = vector.shape_cast %swap3A_170 : vector<16xf32> to vector<16xf32>
    %swap3A_172 = vector.shape_cast %broadcast_in_dim3A_168 : vector<16xf32> to vector<16xf32>
    tpu.vector_store %arg6[%swap3A_169], %swap3A_172 {strides = array<i32>} : memref<640xf32, #tpu.memory_space<vmem>>, vector<16xf32>,
    %broadcast_in_dim3A_173 = arith.constant 0.000000e+00 : f32
    %broadcast_in_dim3A_174 = vector.broadcast %broadcast_in_dim3A_173 : f32 to vector<16xf32>
    %swap3A_175 = arith.constant 336 : index
    %swap3A_176 = tpu.vector_load %arg6[%swap3A_175] {strides = array<i32>} : memref<640xf32, #tpu.memory_space<vmem>>, vector<16xf32>,
    %swap3A_177 = vector.shape_cast %swap3A_176 : vector<16xf32> to vector<16xf32>
    %swap3A_178 = vector.shape_cast %broadcast_in_dim3A_174 : vector<16xf32> to vector<16xf32>
    tpu.vector_store %arg6[%swap3A_175], %swap3A_178 {strides = array<i32>} : memref<640xf32, #tpu.memory_space<vmem>>, vector<16xf32>,
    %broadcast_in_dim3A_179 = arith.constant 0.000000e+00 : f32
    %broadcast_in_dim3A_180 = vector.broadcast %broadcast_in_dim3A_179 : f32 to vector<16xf32>
    %swap3A_181 = arith.constant 352 : index
    %swap3A_182 = tpu.vector_load %arg6[%swap3A_181] {strides = array<i32>} : memref<640xf32, #tpu.memory_space<vmem>>, vector<16xf32>,
    %swap3A_183 = vector.shape_cast %swap3A_182 : vector<16xf32> to vector<16xf32>
    %swap3A_184 = vector.shape_cast %broadcast_in_dim3A_180 : vector<16xf32> to vector<16xf32>
    tpu.vector_store %arg6[%swap3A_181], %swap3A_184 {strides = array<i32>} : memref<640xf32, #tpu.memory_space<vmem>>, vector<16xf32>,
    %broadcast_in_dim3A_185 = arith.constant 0.000000e+00 : f32
    %broadcast_in_dim3A_186 = vector.broadcast %broadcast_in_dim3A_185 : f32 to vector<16xf32>
    %swap3A_187 = arith.constant 368 : index
    %swap3A_188 = tpu.vector_load %arg6[%swap3A_187] {strides = array<i32>} : memref<640xf32, #tpu.memory_space<vmem>>, vector<16xf32>,
    %swap3A_189 = vector.shape_cast %swap3A_188 : vector<16xf32> to vector<16xf32>
    %swap3A_190 = vector.shape_cast %broadcast_in_dim3A_186 : vector<16xf32> to vector<16xf32>
    tpu.vector_store %arg6[%swap3A_187], %swap3A_190 {strides = array<i32>} : memref<640xf32, #tpu.memory_space<vmem>>, vector<16xf32>,
    %broadcast_in_dim3A_191 = arith.constant 0.000000e+00 : f32
    %broadcast_in_dim3A_192 = vector.broadcast %broadcast_in_dim3A_191 : f32 to vector<16xf32>
    %swap3A_193 = arith.constant 384 : index
    %swap3A_194 = tpu.vector_load %arg6[%swap3A_193] {strides = array<i32>} : memref<640xf32, #tpu.memory_space<vmem>>, vector<16xf32>,
    %swap3A_195 = vector.shape_cast %swap3A_194 : vector<16xf32> to vector<16xf32>
    %swap3A_196 = vector.shape_cast %broadcast_in_dim3A_192 : vector<16xf32> to vector<16xf32>
    tpu.vector_store %arg6[%swap3A_193], %swap3A_196 {strides = array<i32>} : memref<640xf32, #tpu.memory_space<vmem>>, vector<16xf32>,
    %broadcast_in_dim3A_197 = arith.constant 0.000000e+00 : f32
    %broadcast_in_dim3A_198 = vector.broadcast %broadcast_in_dim3A_197 : f32 to vector<16xf32>
    %swap3A_199 = arith.constant 400 : index
    %swap3A_200 = tpu.vector_load %arg6[%swap3A_199] {strides = array<i32>} : memref<640xf32, #tpu.memory_space<vmem>>, vector<16xf32>,
    %swap3A_201 = vector.shape_cast %swap3A_200 : vector<16xf32> to vector<16xf32>
    %swap3A_202 = vector.shape_cast %broadcast_in_dim3A_198 : vector<16xf32> to vector<16xf32>
    tpu.vector_store %arg6[%swap3A_199], %swap3A_202 {strides = array<i32>} : memref<640xf32, #tpu.memory_space<vmem>>, vector<16xf32>,
    %broadcast_in_dim3A_203 = arith.constant 0.000000e+00 : f32
    %broadcast_in_dim3A_204 = vector.broadcast %broadcast_in_dim3A_203 : f32 to vector<16xf32>
    %swap3A_205 = arith.constant 416 : index
    %swap3A_206 = tpu.vector_load %arg6[%swap3A_205] {strides = array<i32>} : memref<640xf32, #tpu.memory_space<vmem>>, vector<16xf32>,
    %swap3A_207 = vector.shape_cast %swap3A_206 : vector<16xf32> to vector<16xf32>
    %swap3A_208 = vector.shape_cast %broadcast_in_dim3A_204 : vector<16xf32> to vector<16xf32>
    tpu.vector_store %arg6[%swap3A_205], %swap3A_208 {strides = array<i32>} : memref<640xf32, #tpu.memory_space<vmem>>, vector<16xf32>,
    %broadcast_in_dim3A_209 = arith.constant 0.000000e+00 : f32
    %broadcast_in_dim3A_210 = vector.broadcast %broadcast_in_dim3A_209 : f32 to vector<16xf32>
    %swap3A_211 = arith.constant 432 : index
    %swap3A_212 = tpu.vector_load %arg6[%swap3A_211] {strides = array<i32>} : memref<640xf32, #tpu.memory_space<vmem>>, vector<16xf32>,
    %swap3A_213 = vector.shape_cast %swap3A_212 : vector<16xf32> to vector<16xf32>
    %swap3A_214 = vector.shape_cast %broadcast_in_dim3A_210 : vector<16xf32> to vector<16xf32>
    tpu.vector_store %arg6[%swap3A_211], %swap3A_214 {strides = array<i32>} : memref<640xf32, #tpu.memory_space<vmem>>, vector<16xf32>,
    %broadcast_in_dim3A_215 = arith.constant 0.000000e+00 : f32
    %broadcast_in_dim3A_216 = vector.broadcast %broadcast_in_dim3A_215 : f32 to vector<16xf32>
    %swap3A_217 = arith.constant 448 : index
    %swap3A_218 = tpu.vector_load %arg6[%swap3A_217] {strides = array<i32>} : memref<640xf32, #tpu.memory_space<vmem>>, vector<16xf32>,
    %swap3A_219 = vector.shape_cast %swap3A_218 : vector<16xf32> to vector<16xf32>
    %swap3A_220 = vector.shape_cast %broadcast_in_dim3A_216 : vector<16xf32> to vector<16xf32>
    tpu.vector_store %arg6[%swap3A_217], %swap3A_220 {strides = array<i32>} : memref<640xf32, #tpu.memory_space<vmem>>, vector<16xf32>,
    %broadcast_in_dim3A_221 = arith.constant 0.000000e+00 : f32
    %broadcast_in_dim3A_222 = vector.broadcast %broadcast_in_dim3A_221 : f32 to vector<16xf32>
    %swap3A_223 = arith.constant 464 : index
    %swap3A_224 = tpu.vector_load %arg6[%swap3A_223] {strides = array<i32>} : memref<640xf32, #tpu.memory_space<vmem>>, vector<16xf32>,
    %swap3A_225 = vector.shape_cast %swap3A_224 : vector<16xf32> to vector<16xf32>
    %swap3A_226 = vector.shape_cast %broadcast_in_dim3A_222 : vector<16xf32> to vector<16xf32>
    tpu.vector_store %arg6[%swap3A_223], %swap3A_226 {strides = array<i32>} : memref<640xf32, #tpu.memory_space<vmem>>, vector<16xf32>,
    %broadcast_in_dim3A_227 = arith.constant 0.000000e+00 : f32
    %broadcast_in_dim3A_228 = vector.broadcast %broadcast_in_dim3A_227 : f32 to vector<16xf32>
    %swap3A_229 = arith.constant 480 : index
    %swap3A_230 = tpu.vector_load %arg6[%swap3A_229] {strides = array<i32>} : memref<640xf32, #tpu.memory_space<vmem>>, vector<16xf32>,
    %swap3A_231 = vector.shape_cast %swap3A_230 : vector<16xf32> to vector<16xf32>
    %swap3A_232 = vector.shape_cast %broadcast_in_dim3A_228 : vector<16xf32> to vector<16xf32>
    tpu.vector_store %arg6[%swap3A_229], %swap3A_232 {strides = array<i32>} : memref<640xf32, #tpu.memory_space<vmem>>, vector<16xf32>,
    %broadcast_in_dim3A_233 = arith.constant 0.000000e+00 : f32
    %broadcast_in_dim3A_234 = vector.broadcast %broadcast_in_dim3A_233 : f32 to vector<16xf32>
    %swap3A_235 = arith.constant 496 : index
    %swap3A_236 = tpu.vector_load %arg6[%swap3A_235] {strides = array<i32>} : memref<640xf32, #tpu.memory_space<vmem>>, vector<16xf32>,
    %swap3A_237 = vector.shape_cast %swap3A_236 : vector<16xf32> to vector<16xf32>
    %swap3A_238 = vector.shape_cast %broadcast_in_dim3A_234 : vector<16xf32> to vector<16xf32>
    tpu.vector_store %arg6[%swap3A_235], %swap3A_238 {strides = array<i32>} : memref<640xf32, #tpu.memory_space<vmem>>, vector<16xf32>,
    %broadcast_in_dim3A_239 = arith.constant 0.000000e+00 : f32
    %broadcast_in_dim3A_240 = vector.broadcast %broadcast_in_dim3A_239 : f32 to vector<16xf32>
    %swap3A_241 = arith.constant 512 : index
    %swap3A_242 = tpu.vector_load %arg6[%swap3A_241] {strides = array<i32>} : memref<640xf32, #tpu.memory_space<vmem>>, vector<16xf32>,
    %swap3A_243 = vector.shape_cast %swap3A_242 : vector<16xf32> to vector<16xf32>
    %swap3A_244 = vector.shape_cast %broadcast_in_dim3A_240 : vector<16xf32> to vector<16xf32>
    tpu.vector_store %arg6[%swap3A_241], %swap3A_244 {strides = array<i32>} : memref<640xf32, #tpu.memory_space<vmem>>, vector<16xf32>,
    %broadcast_in_dim3A_245 = arith.constant 0.000000e+00 : f32
    %broadcast_in_dim3A_246 = vector.broadcast %broadcast_in_dim3A_245 : f32 to vector<16xf32>
    %swap3A_247 = arith.constant 528 : index
    %swap3A_248 = tpu.vector_load %arg6[%swap3A_247] {strides = array<i32>} : memref<640xf32, #tpu.memory_space<vmem>>, vector<16xf32>,
    %swap3A_249 = vector.shape_cast %swap3A_248 : vector<16xf32> to vector<16xf32>
    %swap3A_250 = vector.shape_cast %broadcast_in_dim3A_246 : vector<16xf32> to vector<16xf32>
    tpu.vector_store %arg6[%swap3A_247], %swap3A_250 {strides = array<i32>} : memref<640xf32, #tpu.memory_space<vmem>>, vector<16xf32>,
    %broadcast_in_dim3A_251 = arith.constant 0.000000e+00 : f32
    %broadcast_in_dim3A_252 = vector.broadcast %broadcast_in_dim3A_251 : f32 to vector<16xf32>
    %swap3A_253 = arith.constant 544 : index
    %swap3A_254 = tpu.vector_load %arg6[%swap3A_253] {strides = array<i32>} : memref<640xf32, #tpu.memory_space<vmem>>, vector<16xf32>,
    %swap3A_255 = vector.shape_cast %swap3A_254 : vector<16xf32> to vector<16xf32>
    %swap3A_256 = vector.shape_cast %broadcast_in_dim3A_252 : vector<16xf32> to vector<16xf32>
    tpu.vector_store %arg6[%swap3A_253], %swap3A_256 {strides = array<i32>} : memref<640xf32, #tpu.memory_space<vmem>>, vector<16xf32>,
    %broadcast_in_dim3A_257 = arith.constant 0.000000e+00 : f32
    %broadcast_in_dim3A_258 = vector.broadcast %broadcast_in_dim3A_257 : f32 to vector<16xf32>
    %swap3A_259 = arith.constant 560 : index
    %swap3A_260 = tpu.vector_load %arg6[%swap3A_259] {strides = array<i32>} : memref<640xf32, #tpu.memory_space<vmem>>, vector<16xf32>,
    %swap3A_261 = vector.shape_cast %swap3A_260 : vector<16xf32> to vector<16xf32>
    %swap3A_262 = vector.shape_cast %broadcast_in_dim3A_258 : vector<16xf32> to vector<16xf32>
    tpu.vector_store %arg6[%swap3A_259], %swap3A_262 {strides = array<i32>} : memref<640xf32, #tpu.memory_space<vmem>>, vector<16xf32>,
    %broadcast_in_dim3A_263 = arith.constant 0.000000e+00 : f32
    %broadcast_in_dim3A_264 = vector.broadcast %broadcast_in_dim3A_263 : f32 to vector<16xf32>
    %swap3A_265 = arith.constant 576 : index
    %swap3A_266 = tpu.vector_load %arg6[%swap3A_265] {strides = array<i32>} : memref<640xf32, #tpu.memory_space<vmem>>, vector<16xf32>,
    %swap3A_267 = vector.shape_cast %swap3A_266 : vector<16xf32> to vector<16xf32>
    %swap3A_268 = vector.shape_cast %broadcast_in_dim3A_264 : vector<16xf32> to vector<16xf32>
    tpu.vector_store %arg6[%swap3A_265], %swap3A_268 {strides = array<i32>} : memref<640xf32, #tpu.memory_space<vmem>>, vector<16xf32>,
    %broadcast_in_dim3A_269 = arith.constant 0.000000e+00 : f32
    %broadcast_in_dim3A_270 = vector.broadcast %broadcast_in_dim3A_269 : f32 to vector<16xf32>
    %swap3A_271 = arith.constant 592 : index
    %swap3A_272 = tpu.vector_load %arg6[%swap3A_271] {strides = array<i32>} : memref<640xf32, #tpu.memory_space<vmem>>, vector<16xf32>,
    %swap3A_273 = vector.shape_cast %swap3A_272 : vector<16xf32> to vector<16xf32>
    %swap3A_274 = vector.shape_cast %broadcast_in_dim3A_270 : vector<16xf32> to vector<16xf32>
    tpu.vector_store %arg6[%swap3A_271], %swap3A_274 {strides = array<i32>} : memref<640xf32, #tpu.memory_space<vmem>>, vector<16xf32>,
    %broadcast_in_dim3A_275 = arith.constant 0.000000e+00 : f32
    %broadcast_in_dim3A_276 = vector.broadcast %broadcast_in_dim3A_275 : f32 to vector<16xf32>
    %swap3A_277 = arith.constant 608 : index
    %swap3A_278 = tpu.vector_load %arg6[%swap3A_277] {strides = array<i32>} : memref<640xf32, #tpu.memory_space<vmem>>, vector<16xf32>,
    %swap3A_279 = vector.shape_cast %swap3A_278 : vector<16xf32> to vector<16xf32>
    %swap3A_280 = vector.shape_cast %broadcast_in_dim3A_276 : vector<16xf32> to vector<16xf32>
    tpu.vector_store %arg6[%swap3A_277], %swap3A_280 {strides = array<i32>} : memref<640xf32, #tpu.memory_space<vmem>>, vector<16xf32>,
    %broadcast_in_dim3A_281 = arith.constant 0.000000e+00 : f32
    %broadcast_in_dim3A_282 = vector.broadcast %broadcast_in_dim3A_281 : f32 to vector<16xf32>
    %swap3A_283 = arith.constant 624 : index
    %swap3A_284 = tpu.vector_load %arg6[%swap3A_283] {strides = array<i32>} : memref<640xf32, #tpu.memory_space<vmem>>, vector<16xf32>,
    %swap3A_285 = vector.shape_cast %swap3A_284 : vector<16xf32> to vector<16xf32>
    %swap3A_286 = vector.shape_cast %broadcast_in_dim3A_282 : vector<16xf32> to vector<16xf32>
    tpu.vector_store %arg6[%swap3A_283], %swap3A_286 {strides = array<i32>} : memref<640xf32, #tpu.memory_space<vmem>>, vector<16xf32>,
    %mul3A_287 = arith.constant 640 : i32
    %mul3A_288 = arith.muli %arg1, %mul3A_287 : i32
    "tpu.region"() ({
      %run_scoped3A = tpu.sem_alloc : memref<!tpu.dma_semaphore, #tpu.memory_space<semaphore_mem>>
      %dma_start3A = tpu.memref_slice %arg7[%mul3A_288] : memref<10240xf32, #tpu.memory_space<vmem_shared>> -> memref<640xf32, #tpu.memory_space<vmem_shared>>
      %dma_start3A_300 = tpu.memref_slice %arg7[%mul3A_288] : memref<10240xf32, #tpu.memory_space<vmem_shared>> -> memref<640xf32, #tpu.memory_space<vmem_shared>>
      tpu.enqueue_dma source(%arg6 : memref<640xf32, #tpu.memory_space<vmem>>) target(%dma_start3A_300 : memref<640xf32, #tpu.memory_space<vmem_shared>>) target_semaphore(%run_scoped3A : memref<!tpu.dma_semaphore, #tpu.memory_space<semaphore_mem>>)
      %dma_wait3A = tpu.memref_slice %arg7[%mul3A_288] : memref<10240xf32, #tpu.memory_space<vmem_shared>> -> memref<640xf32, #tpu.memory_space<vmem_shared>>
      %dma_wait3A_301 = tpu.memref_slice %arg7[%mul3A_288] : memref<10240xf32, #tpu.memory_space<vmem_shared>> -> memref<640xf32, #tpu.memory_space<vmem_shared>>
      tpu.wait_dma2 semaphore(%run_scoped3A : memref<!tpu.dma_semaphore, #tpu.memory_space<semaphore_mem>>) src(%arg6 : memref<640xf32, #tpu.memory_space<vmem>>) dst(%dma_wait3A_301 : memref<640xf32, #tpu.memory_space<vmem_shared>>)
      tpu.yield
    }) : () -> ()
    "tpu.region"() ({
      %run_scoped3A = tpu.sem_alloc : memref<!tpu.dma_semaphore, #tpu.memory_space<semaphore_mem>>
      %dma_start3A = arith.constant 0 : i32
      %dma_start3A_300 = arith.constant 0 : i32
      %dma_start3A_301 = tpu.memref_slice %arg2[%add3A, %dma_start3A, %dma_start3A_300] : memref<32x79x128xi32, #tpu.memory_space<hbm>> -> memref<1x79x128xi32, #tpu.memory_space<hbm>>
      %dma_start3A_302 = tpu.memref_squeeze %dma_start3A_301 : memref<1x79x128xi32, #tpu.memory_space<hbm>> -> memref<79x128xi32, #tpu.memory_space<hbm>>
      %dma_start3A_303 = arith.constant 0 : i32
      %dma_start3A_304 = arith.constant 0 : i32
      %dma_start3A_305 = tpu.memref_slice %arg2[%add3A, %dma_start3A_303, %dma_start3A_304] : memref<32x79x128xi32, #tpu.memory_space<hbm>> -> memref<1x79x128xi32, #tpu.memory_space<hbm>>
      %dma_start3A_306 = tpu.memref_squeeze %dma_start3A_305 : memref<1x79x128xi32, #tpu.memory_space<hbm>> -> memref<79x128xi32, #tpu.memory_space<hbm>>
      tpu.enqueue_dma source(%dma_start3A_306 : memref<79x128xi32, #tpu.memory_space<hbm>>) target(%arg4 : memref<79x128xi32, #tpu.memory_space<vmem>>) target_semaphore(%run_scoped3A : memref<!tpu.dma_semaphore, #tpu.memory_space<semaphore_mem>>)
      %dma_wait3A = arith.constant 0 : i32
      %dma_wait3A_307 = arith.constant 0 : i32
      %dma_wait3A_308 = tpu.memref_slice %arg2[%add3A, %dma_wait3A, %dma_wait3A_307] : memref<32x79x128xi32, #tpu.memory_space<hbm>> -> memref<1x79x128xi32, #tpu.memory_space<hbm>>
      %dma_wait3A_309 = tpu.memref_squeeze %dma_wait3A_308 : memref<1x79x128xi32, #tpu.memory_space<hbm>> -> memref<79x128xi32, #tpu.memory_space<hbm>>
      %dma_wait3A_310 = arith.constant 0 : i32
      %dma_wait3A_311 = arith.constant 0 : i32
      %dma_wait3A_312 = tpu.memref_slice %arg2[%add3A, %dma_wait3A_310, %dma_wait3A_311] : memref<32x79x128xi32, #tpu.memory_space<hbm>> -> memref<1x79x128xi32, #tpu.memory_space<hbm>>
      %dma_wait3A_313 = tpu.memref_squeeze %dma_wait3A_312 : memref<1x79x128xi32, #tpu.memory_space<hbm>> -> memref<79x128xi32, #tpu.memory_space<hbm>>
      tpu.wait_dma2 semaphore(%run_scoped3A : memref<!tpu.dma_semaphore, #tpu.memory_space<semaphore_mem>>) src(%dma_wait3A_313 : memref<79x128xi32, #tpu.memory_space<hbm>>) dst(%arg4 : memref<79x128xi32, #tpu.memory_space<vmem>>)
      tpu.yield
    }) : () -> ()
    %barrier3A = arith.constant 0 : index
    tpu.barrier barrier_id(%barrier3A)
    %scan3A = arith.constant 0 : i32
    %scan3A_289 = arith.constant 0 : i32
    %scan3A_290 = arith.constant 79 : i32
    %scan3A_291 = arith.addi %scan3A_289, %scan3A_290 : i32
    %scan3A_292 = arith.constant 1 : i32
    %scan3A_293 = scf.for %scan3A_300 = %scan3A_289 to %scan3A_291 step %scan3A_292 iter_args(%scan3A_301 = %scan3A) -> (i32)  : i32 {
      "tpu.region"() ({
        %run_scoped3A = tpu.sem_alloc : memref<!tpu.dma_semaphore, #tpu.memory_space<semaphore_mem>>
        %dma_start3A = arith.constant 0 : i32
        %dma_start3A_303 = tpu.memref_slice %arg4[%scan3A_300, %dma_start3A] : memref<79x128xi32, #tpu.memory_space<vmem>> -> memref<1x128xi32, #tpu.memory_space<vmem>>
        %dma_start3A_304 = tpu.memref_squeeze %dma_start3A_303 : memref<1x128xi32, #tpu.memory_space<vmem>> -> memref<128xi32, #tpu.memory_space<vmem>>
        %dma_start3A_305 = arith.constant 0 : i32
        %dma_start3A_306 = tpu.memref_slice %arg7[%dma_start3A_305] : memref<10240xf32, #tpu.memory_space<vmem_shared>> -> memref<10240xf32, #tpu.memory_space<vmem_shared>>
        tpu.enqueue_indirect_dma source(%arg5 : memref<128xf32, #tpu.memory_space<vmem>>) target(%dma_start3A_306 : memref<10240xf32, #tpu.memory_space<vmem_shared>>) offsets(%dma_start3A_304 : memref<128xi32, #tpu.memory_space<vmem>>) semaphore(%run_scoped3A : memref<!tpu.dma_semaphore, #tpu.memory_space<semaphore_mem>>) {add = true}
        %dma_wait3A = arith.constant 0 : i32
        %dma_wait3A_307 = tpu.memref_slice %arg4[%scan3A_300, %dma_wait3A] : memref<79x128xi32, #tpu.memory_space<vmem>> -> memref<1x128xi32, #tpu.memory_space<vmem>>
        %dma_wait3A_308 = tpu.memref_squeeze %dma_wait3A_307 : memref<1x128xi32, #tpu.memory_space<vmem>> -> memref<128xi32, #tpu.memory_space<vmem>>
        %dma_wait3A_309 = arith.constant 0 : i32
        %dma_wait3A_310 = tpu.memref_slice %arg7[%dma_wait3A_309] : memref<10240xf32, #tpu.memory_space<vmem_shared>> -> memref<10240xf32, #tpu.memory_space<vmem_shared>>
        tpu.wait_indirect_dma semaphore(%run_scoped3A : memref<!tpu.dma_semaphore, #tpu.memory_space<semaphore_mem>>) src(%arg5 : memref<128xf32, #tpu.memory_space<vmem>>) dst(%dma_wait3A_310 : memref<10240xf32, #tpu.memory_space<vmem_shared>>)
        tpu.yield
      }) : () -> ()
      %scan3A_302 = arith.constant 0 : i32
      scf.yield %scan3A_302 : i32
    }
    %scan3A_294 = arith.constant 79 : i32
    %barrier3A_295 = arith.constant 0 : index
    tpu.barrier barrier_id(%barrier3A_295)
    %mul3A_296 = arith.constant 640 : i32
    %mul3A_297 = arith.muli %arg1, %mul3A_296 : i32
    %mul3A_298 = arith.constant 640 : i32
    %mul3A_299 = arith.muli %arg1, %mul3A_298 : i32
    "tpu.region"() ({
      %run_scoped3A = tpu.sem_alloc : memref<!tpu.dma_semaphore, #tpu.memory_space<semaphore_mem>>
      %dma_start3A = tpu.memref_slice %arg3[%arg0, %mul3A_299] : memref<2x10240xf32, #tpu.memory_space<hbm>> -> memref<1x640xf32, #tpu.memory_space<hbm>>
      %dma_start3A_300 = tpu.memref_squeeze %dma_start3A : memref<1x640xf32, #tpu.memory_space<hbm>> -> memref<640xf32, #tpu.memory_space<hbm>>
      %dma_start3A_301 = tpu.memref_slice %arg7[%mul3A_297] : memref<10240xf32, #tpu.memory_space<vmem_shared>> -> memref<640xf32, #tpu.memory_space<vmem_shared>>
      tpu.enqueue_dma source(%dma_start3A_301 : memref<640xf32, #tpu.memory_space<vmem_shared>>) target(%dma_start3A_300 : memref<640xf32, #tpu.memory_space<hbm>>) target_semaphore(%run_scoped3A : memref<!tpu.dma_semaphore, #tpu.memory_space<semaphore_mem>>)
      %dma_wait3A = tpu.memref_slice %arg3[%arg0, %mul3A_299] : memref<2x10240xf32, #tpu.memory_space<hbm>> -> memref<1x640xf32, #tpu.memory_space<hbm>>
      %dma_wait3A_302 = tpu.memref_squeeze %dma_wait3A : memref<1x640xf32, #tpu.memory_space<hbm>> -> memref<640xf32, #tpu.memory_space<hbm>>
      %dma_wait3A_303 = tpu.memref_slice %arg7[%mul3A_297] : memref<10240xf32, #tpu.memory_space<vmem_shared>> -> memref<640xf32, #tpu.memory_space<vmem_shared>>
      tpu.wait_dma2 semaphore(%run_scoped3A : memref<!tpu.dma_semaphore, #tpu.memory_space<semaphore_mem>>) src(%dma_wait3A_303 : memref<640xf32, #tpu.memory_space<vmem_shared>>) dst(%dma_wait3A_302 : memref<640xf32, #tpu.memory_space<hbm>>)
      tpu.yield
    }) : () -> ()
    return
  }
}

#map = affine_map<(d0, d1) -> (0, 0)>
#map1 = affine_map<(d0, d1) -> (0, 0, 0)>
module attributes {stable_mosaic.version = 14 : i64} {
  func.func @hop_kernel(%arg0: i32, %arg1: i32, %arg2: memref<10240x128xf32, #tpu.memory_space<hbm>>, %arg3: memref<16x80x128xi32, #tpu.memory_space<hbm>>, %arg4: memref<16x80x128xi32, #tpu.memory_space<hbm>>, %arg5: memref<16x80x128xi32, #tpu.memory_space<hbm>>, %arg6: memref<16x80x128xi32, #tpu.memory_space<hbm>>, %arg7: memref<2x10240x128xf32, #tpu.memory_space<hbm>>, %arg8: memref<40x128xi32, #tpu.memory_space<vmem>>, %arg9: memref<40x128xi32, #tpu.memory_space<vmem>>, %arg10: memref<128x128xf32, #tpu.memory_space<vmem>>, %arg11: memref<128x128xf32, #tpu.memory_space<vmem>>, %arg12: memref<!tpu.dma_semaphore, #tpu.memory_space<semaphore_mem>>, %arg13: memref<!tpu.dma_semaphore, #tpu.memory_space<semaphore_mem>>, %arg14: memref<10240x128xf32, #tpu.memory_space<vmem_shared>>) attributes {dimension_semantics = [#tpu.dimension_semantics<core_parallel>, #tpu.dimension_semantics<subcore_parallel>], iteration_bounds = array<i64: 2, 16>, scalar_prefetch = 0 : i64, scratch_operands = 7 : i64, tpu.core_type = #tpu.core_type<sc_vector_subcore>, window_params = [{transform_indices = #map}, {transform_indices = #map1}, {transform_indices = #map1}, {transform_indices = #map1}, {transform_indices = #map1}, {transform_indices = #map1}]} {
    %eq3A = arith.constant 0 : i32
    %eq3A_0 = arith.cmpi eq, %arg0, %eq3A : i32
    %jit3A = arith.constant 80 : i32
    %jit3A_1 = arith.constant 80 : i32
    %select_n3A = arith.select %eq3A_0, %jit3A, %jit3A_1 : i32
    %scan3A = arith.constant 0 : i32
    %scan3A_2 = arith.constant 0 : i32
    %scan3A_3 = arith.constant 128 : i32
    %scan3A_4 = arith.addi %scan3A_2, %scan3A_3 : i32
    %scan3A_5 = arith.constant 1 : i32
    %scan3A_6 = scf.for %scan3A_47 = %scan3A_2 to %scan3A_4 step %scan3A_5 iter_args(%scan3A_48 = %scan3A) -> (i32)  : i32 {
      %broadcast_in_dim3A = arith.constant 0.000000e+00 : f32
      %broadcast_in_dim3A_49 = vector.broadcast %broadcast_in_dim3A : f32 to vector<16xf32>
      %swap3A = arith.index_cast %scan3A_47 : i32 to index
      %swap3A_50 = arith.constant 0 : index
      %swap3A_51 = tpu.vector_load %arg10[%swap3A, %swap3A_50] {strides = array<i32>} : memref<128x128xf32, #tpu.memory_space<vmem>>, vector<1x16xf32>,
      %swap3A_52 = vector.shape_cast %swap3A_51 : vector<1x16xf32> to vector<16xf32>
      %swap3A_53 = vector.shape_cast %broadcast_in_dim3A_49 : vector<16xf32> to vector<1x16xf32>
      tpu.vector_store %arg10[%swap3A, %swap3A_50], %swap3A_53 {strides = array<i32>} : memref<128x128xf32, #tpu.memory_space<vmem>>, vector<1x16xf32>,
      %broadcast_in_dim3A_54 = arith.constant 0.000000e+00 : f32
      %broadcast_in_dim3A_55 = vector.broadcast %broadcast_in_dim3A_54 : f32 to vector<16xf32>
      %swap3A_56 = arith.index_cast %scan3A_47 : i32 to index
      %swap3A_57 = arith.constant 16 : index
      %swap3A_58 = tpu.vector_load %arg10[%swap3A_56, %swap3A_57] {strides = array<i32>} : memref<128x128xf32, #tpu.memory_space<vmem>>, vector<1x16xf32>,
      %swap3A_59 = vector.shape_cast %swap3A_58 : vector<1x16xf32> to vector<16xf32>
      %swap3A_60 = vector.shape_cast %broadcast_in_dim3A_55 : vector<16xf32> to vector<1x16xf32>
      tpu.vector_store %arg10[%swap3A_56, %swap3A_57], %swap3A_60 {strides = array<i32>} : memref<128x128xf32, #tpu.memory_space<vmem>>, vector<1x16xf32>,
      %broadcast_in_dim3A_61 = arith.constant 0.000000e+00 : f32
      %broadcast_in_dim3A_62 = vector.broadcast %broadcast_in_dim3A_61 : f32 to vector<16xf32>
      %swap3A_63 = arith.index_cast %scan3A_47 : i32 to index
      %swap3A_64 = arith.constant 32 : index
      %swap3A_65 = tpu.vector_load %arg10[%swap3A_63, %swap3A_64] {strides = array<i32>} : memref<128x128xf32, #tpu.memory_space<vmem>>, vector<1x16xf32>,
      %swap3A_66 = vector.shape_cast %swap3A_65 : vector<1x16xf32> to vector<16xf32>
      %swap3A_67 = vector.shape_cast %broadcast_in_dim3A_62 : vector<16xf32> to vector<1x16xf32>
      tpu.vector_store %arg10[%swap3A_63, %swap3A_64], %swap3A_67 {strides = array<i32>} : memref<128x128xf32, #tpu.memory_space<vmem>>, vector<1x16xf32>,
      %broadcast_in_dim3A_68 = arith.constant 0.000000e+00 : f32
      %broadcast_in_dim3A_69 = vector.broadcast %broadcast_in_dim3A_68 : f32 to vector<16xf32>
      %swap3A_70 = arith.index_cast %scan3A_47 : i32 to index
      %swap3A_71 = arith.constant 48 : index
      %swap3A_72 = tpu.vector_load %arg10[%swap3A_70, %swap3A_71] {strides = array<i32>} : memref<128x128xf32, #tpu.memory_space<vmem>>, vector<1x16xf32>,
      %swap3A_73 = vector.shape_cast %swap3A_72 : vector<1x16xf32> to vector<16xf32>
      %swap3A_74 = vector.shape_cast %broadcast_in_dim3A_69 : vector<16xf32> to vector<1x16xf32>
      tpu.vector_store %arg10[%swap3A_70, %swap3A_71], %swap3A_74 {strides = array<i32>} : memref<128x128xf32, #tpu.memory_space<vmem>>, vector<1x16xf32>,
      %broadcast_in_dim3A_75 = arith.constant 0.000000e+00 : f32
      %broadcast_in_dim3A_76 = vector.broadcast %broadcast_in_dim3A_75 : f32 to vector<16xf32>
      %swap3A_77 = arith.index_cast %scan3A_47 : i32 to index
      %swap3A_78 = arith.constant 64 : index
      %swap3A_79 = tpu.vector_load %arg10[%swap3A_77, %swap3A_78] {strides = array<i32>} : memref<128x128xf32, #tpu.memory_space<vmem>>, vector<1x16xf32>,
      %swap3A_80 = vector.shape_cast %swap3A_79 : vector<1x16xf32> to vector<16xf32>
      %swap3A_81 = vector.shape_cast %broadcast_in_dim3A_76 : vector<16xf32> to vector<1x16xf32>
      tpu.vector_store %arg10[%swap3A_77, %swap3A_78], %swap3A_81 {strides = array<i32>} : memref<128x128xf32, #tpu.memory_space<vmem>>, vector<1x16xf32>,
      %broadcast_in_dim3A_82 = arith.constant 0.000000e+00 : f32
      %broadcast_in_dim3A_83 = vector.broadcast %broadcast_in_dim3A_82 : f32 to vector<16xf32>
      %swap3A_84 = arith.index_cast %scan3A_47 : i32 to index
      %swap3A_85 = arith.constant 80 : index
      %swap3A_86 = tpu.vector_load %arg10[%swap3A_84, %swap3A_85] {strides = array<i32>} : memref<128x128xf32, #tpu.memory_space<vmem>>, vector<1x16xf32>,
      %swap3A_87 = vector.shape_cast %swap3A_86 : vector<1x16xf32> to vector<16xf32>
      %swap3A_88 = vector.shape_cast %broadcast_in_dim3A_83 : vector<16xf32> to vector<1x16xf32>
      tpu.vector_store %arg10[%swap3A_84, %swap3A_85], %swap3A_88 {strides = array<i32>} : memref<128x128xf32, #tpu.memory_space<vmem>>, vector<1x16xf32>,
      %broadcast_in_dim3A_89 = arith.constant 0.000000e+00 : f32
      %broadcast_in_dim3A_90 = vector.broadcast %broadcast_in_dim3A_89 : f32 to vector<16xf32>
      %swap3A_91 = arith.index_cast %scan3A_47 : i32 to index
      %swap3A_92 = arith.constant 96 : index
      %swap3A_93 = tpu.vector_load %arg10[%swap3A_91, %swap3A_92] {strides = array<i32>} : memref<128x128xf32, #tpu.memory_space<vmem>>, vector<1x16xf32>,
      %swap3A_94 = vector.shape_cast %swap3A_93 : vector<1x16xf32> to vector<16xf32>
      %swap3A_95 = vector.shape_cast %broadcast_in_dim3A_90 : vector<16xf32> to vector<1x16xf32>
      tpu.vector_store %arg10[%swap3A_91, %swap3A_92], %swap3A_95 {strides = array<i32>} : memref<128x128xf32, #tpu.memory_space<vmem>>, vector<1x16xf32>,
      %broadcast_in_dim3A_96 = arith.constant 0.000000e+00 : f32
      %broadcast_in_dim3A_97 = vector.broadcast %broadcast_in_dim3A_96 : f32 to vector<16xf32>
      %swap3A_98 = arith.index_cast %scan3A_47 : i32 to index
      %swap3A_99 = arith.constant 112 : index
      %swap3A_100 = tpu.vector_load %arg10[%swap3A_98, %swap3A_99] {strides = array<i32>} : memref<128x128xf32, #tpu.memory_space<vmem>>, vector<1x16xf32>,
      %swap3A_101 = vector.shape_cast %swap3A_100 : vector<1x16xf32> to vector<16xf32>
      %swap3A_102 = vector.shape_cast %broadcast_in_dim3A_97 : vector<16xf32> to vector<1x16xf32>
      tpu.vector_store %arg10[%swap3A_98, %swap3A_99], %swap3A_102 {strides = array<i32>} : memref<128x128xf32, #tpu.memory_space<vmem>>, vector<1x16xf32>,
      %scan3A_103 = arith.constant 0 : i32
      scf.yield %scan3A_103 : i32
    }
    %scan3A_7 = arith.constant 128 : i32
    %mul3A = arith.constant 640 : i32
    %mul3A_8 = arith.muli %arg1, %mul3A : i32
    %add3A = arith.constant 0 : i32
    %add3A_9 = arith.addi %mul3A_8, %add3A : i32
    "tpu.region"() ({
      %run_scoped3A = tpu.sem_alloc : memref<!tpu.dma_semaphore, #tpu.memory_space<semaphore_mem>>
      %dma_start3A = arith.constant 0 : i32
      %dma_start3A_47 = tpu.memref_slice %arg14[%add3A_9, %dma_start3A] : memref<10240x128xf32, #tpu.memory_space<vmem_shared>> -> memref<128x128xf32, #tpu.memory_space<vmem_shared>>
      %dma_start3A_48 = arith.constant 0 : i32
      %dma_start3A_49 = tpu.memref_slice %arg14[%add3A_9, %dma_start3A_48] : memref<10240x128xf32, #tpu.memory_space<vmem_shared>> -> memref<128x128xf32, #tpu.memory_space<vmem_shared>>
      tpu.enqueue_dma source(%arg10 : memref<128x128xf32, #tpu.memory_space<vmem>>) target(%dma_start3A_49 : memref<128x128xf32, #tpu.memory_space<vmem_shared>>) target_semaphore(%run_scoped3A : memref<!tpu.dma_semaphore, #tpu.memory_space<semaphore_mem>>)
      %dma_wait3A = arith.constant 0 : i32
      %dma_wait3A_50 = tpu.memref_slice %arg14[%add3A_9, %dma_wait3A] : memref<10240x128xf32, #tpu.memory_space<vmem_shared>> -> memref<128x128xf32, #tpu.memory_space<vmem_shared>>
      %dma_wait3A_51 = arith.constant 0 : i32
      %dma_wait3A_52 = tpu.memref_slice %arg14[%add3A_9, %dma_wait3A_51] : memref<10240x128xf32, #tpu.memory_space<vmem_shared>> -> memref<128x128xf32, #tpu.memory_space<vmem_shared>>
      tpu.wait_dma2 semaphore(%run_scoped3A : memref<!tpu.dma_semaphore, #tpu.memory_space<semaphore_mem>>) src(%arg10 : memref<128x128xf32, #tpu.memory_space<vmem>>) dst(%dma_wait3A_52 : memref<128x128xf32, #tpu.memory_space<vmem_shared>>)
      tpu.yield
    }) : () -> ()
    %mul3A_10 = arith.constant 640 : i32
    %mul3A_11 = arith.muli %arg1, %mul3A_10 : i32
    %add3A_12 = arith.constant 128 : i32
    %add3A_13 = arith.addi %mul3A_11, %add3A_12 : i32
    "tpu.region"() ({
      %run_scoped3A = tpu.sem_alloc : memref<!tpu.dma_semaphore, #tpu.memory_space<semaphore_mem>>
      %dma_start3A = arith.constant 0 : i32
      %dma_start3A_47 = tpu.memref_slice %arg14[%add3A_13, %dma_start3A] : memref<10240x128xf32, #tpu.memory_space<vmem_shared>> -> memref<128x128xf32, #tpu.memory_space<vmem_shared>>
      %dma_start3A_48 = arith.constant 0 : i32
      %dma_start3A_49 = tpu.memref_slice %arg14[%add3A_13, %dma_start3A_48] : memref<10240x128xf32, #tpu.memory_space<vmem_shared>> -> memref<128x128xf32, #tpu.memory_space<vmem_shared>>
      tpu.enqueue_dma source(%arg10 : memref<128x128xf32, #tpu.memory_space<vmem>>) target(%dma_start3A_49 : memref<128x128xf32, #tpu.memory_space<vmem_shared>>) target_semaphore(%run_scoped3A : memref<!tpu.dma_semaphore, #tpu.memory_space<semaphore_mem>>)
      %dma_wait3A = arith.constant 0 : i32
      %dma_wait3A_50 = tpu.memref_slice %arg14[%add3A_13, %dma_wait3A] : memref<10240x128xf32, #tpu.memory_space<vmem_shared>> -> memref<128x128xf32, #tpu.memory_space<vmem_shared>>
      %dma_wait3A_51 = arith.constant 0 : i32
      %dma_wait3A_52 = tpu.memref_slice %arg14[%add3A_13, %dma_wait3A_51] : memref<10240x128xf32, #tpu.memory_space<vmem_shared>> -> memref<128x128xf32, #tpu.memory_space<vmem_shared>>
      tpu.wait_dma2 semaphore(%run_scoped3A : memref<!tpu.dma_semaphore, #tpu.memory_space<semaphore_mem>>) src(%arg10 : memref<128x128xf32, #tpu.memory_space<vmem>>) dst(%dma_wait3A_52 : memref<128x128xf32, #tpu.memory_space<vmem_shared>>)
      tpu.yield
    }) : () -> ()
    %mul3A_14 = arith.constant 640 : i32
    %mul3A_15 = arith.muli %arg1, %mul3A_14 : i32
    %add3A_16 = arith.constant 256 : i32
    %add3A_17 = arith.addi %mul3A_15, %add3A_16 : i32
    "tpu.region"() ({
      %run_scoped3A = tpu.sem_alloc : memref<!tpu.dma_semaphore, #tpu.memory_space<semaphore_mem>>
      %dma_start3A = arith.constant 0 : i32
      %dma_start3A_47 = tpu.memref_slice %arg14[%add3A_17, %dma_start3A] : memref<10240x128xf32, #tpu.memory_space<vmem_shared>> -> memref<128x128xf32, #tpu.memory_space<vmem_shared>>
      %dma_start3A_48 = arith.constant 0 : i32
      %dma_start3A_49 = tpu.memref_slice %arg14[%add3A_17, %dma_start3A_48] : memref<10240x128xf32, #tpu.memory_space<vmem_shared>> -> memref<128x128xf32, #tpu.memory_space<vmem_shared>>
      tpu.enqueue_dma source(%arg10 : memref<128x128xf32, #tpu.memory_space<vmem>>) target(%dma_start3A_49 : memref<128x128xf32, #tpu.memory_space<vmem_shared>>) target_semaphore(%run_scoped3A : memref<!tpu.dma_semaphore, #tpu.memory_space<semaphore_mem>>)
      %dma_wait3A = arith.constant 0 : i32
      %dma_wait3A_50 = tpu.memref_slice %arg14[%add3A_17, %dma_wait3A] : memref<10240x128xf32, #tpu.memory_space<vmem_shared>> -> memref<128x128xf32, #tpu.memory_space<vmem_shared>>
      %dma_wait3A_51 = arith.constant 0 : i32
      %dma_wait3A_52 = tpu.memref_slice %arg14[%add3A_17, %dma_wait3A_51] : memref<10240x128xf32, #tpu.memory_space<vmem_shared>> -> memref<128x128xf32, #tpu.memory_space<vmem_shared>>
      tpu.wait_dma2 semaphore(%run_scoped3A : memref<!tpu.dma_semaphore, #tpu.memory_space<semaphore_mem>>) src(%arg10 : memref<128x128xf32, #tpu.memory_space<vmem>>) dst(%dma_wait3A_52 : memref<128x128xf32, #tpu.memory_space<vmem_shared>>)
      tpu.yield
    }) : () -> ()
    %mul3A_18 = arith.constant 640 : i32
    %mul3A_19 = arith.muli %arg1, %mul3A_18 : i32
    %add3A_20 = arith.constant 384 : i32
    %add3A_21 = arith.addi %mul3A_19, %add3A_20 : i32
    "tpu.region"() ({
      %run_scoped3A = tpu.sem_alloc : memref<!tpu.dma_semaphore, #tpu.memory_space<semaphore_mem>>
      %dma_start3A = arith.constant 0 : i32
      %dma_start3A_47 = tpu.memref_slice %arg14[%add3A_21, %dma_start3A] : memref<10240x128xf32, #tpu.memory_space<vmem_shared>> -> memref<128x128xf32, #tpu.memory_space<vmem_shared>>
      %dma_start3A_48 = arith.constant 0 : i32
      %dma_start3A_49 = tpu.memref_slice %arg14[%add3A_21, %dma_start3A_48] : memref<10240x128xf32, #tpu.memory_space<vmem_shared>> -> memref<128x128xf32, #tpu.memory_space<vmem_shared>>
      tpu.enqueue_dma source(%arg10 : memref<128x128xf32, #tpu.memory_space<vmem>>) target(%dma_start3A_49 : memref<128x128xf32, #tpu.memory_space<vmem_shared>>) target_semaphore(%run_scoped3A : memref<!tpu.dma_semaphore, #tpu.memory_space<semaphore_mem>>)
      %dma_wait3A = arith.constant 0 : i32
      %dma_wait3A_50 = tpu.memref_slice %arg14[%add3A_21, %dma_wait3A] : memref<10240x128xf32, #tpu.memory_space<vmem_shared>> -> memref<128x128xf32, #tpu.memory_space<vmem_shared>>
      %dma_wait3A_51 = arith.constant 0 : i32
      %dma_wait3A_52 = tpu.memref_slice %arg14[%add3A_21, %dma_wait3A_51] : memref<10240x128xf32, #tpu.memory_space<vmem_shared>> -> memref<128x128xf32, #tpu.memory_space<vmem_shared>>
      tpu.wait_dma2 semaphore(%run_scoped3A : memref<!tpu.dma_semaphore, #tpu.memory_space<semaphore_mem>>) src(%arg10 : memref<128x128xf32, #tpu.memory_space<vmem>>) dst(%dma_wait3A_52 : memref<128x128xf32, #tpu.memory_space<vmem_shared>>)
      tpu.yield
    }) : () -> ()
    %mul3A_22 = arith.constant 640 : i32
    %mul3A_23 = arith.muli %arg1, %mul3A_22 : i32
    %add3A_24 = arith.constant 512 : i32
    %add3A_25 = arith.addi %mul3A_23, %add3A_24 : i32
    "tpu.region"() ({
      %run_scoped3A = tpu.sem_alloc : memref<!tpu.dma_semaphore, #tpu.memory_space<semaphore_mem>>
      %dma_start3A = arith.constant 0 : i32
      %dma_start3A_47 = tpu.memref_slice %arg14[%add3A_25, %dma_start3A] : memref<10240x128xf32, #tpu.memory_space<vmem_shared>> -> memref<128x128xf32, #tpu.memory_space<vmem_shared>>
      %dma_start3A_48 = arith.constant 0 : i32
      %dma_start3A_49 = tpu.memref_slice %arg14[%add3A_25, %dma_start3A_48] : memref<10240x128xf32, #tpu.memory_space<vmem_shared>> -> memref<128x128xf32, #tpu.memory_space<vmem_shared>>
      tpu.enqueue_dma source(%arg10 : memref<128x128xf32, #tpu.memory_space<vmem>>) target(%dma_start3A_49 : memref<128x128xf32, #tpu.memory_space<vmem_shared>>) target_semaphore(%run_scoped3A : memref<!tpu.dma_semaphore, #tpu.memory_space<semaphore_mem>>)
      %dma_wait3A = arith.constant 0 : i32
      %dma_wait3A_50 = tpu.memref_slice %arg14[%add3A_25, %dma_wait3A] : memref<10240x128xf32, #tpu.memory_space<vmem_shared>> -> memref<128x128xf32, #tpu.memory_space<vmem_shared>>
      %dma_wait3A_51 = arith.constant 0 : i32
      %dma_wait3A_52 = tpu.memref_slice %arg14[%add3A_25, %dma_wait3A_51] : memref<10240x128xf32, #tpu.memory_space<vmem_shared>> -> memref<128x128xf32, #tpu.memory_space<vmem_shared>>
      tpu.wait_dma2 semaphore(%run_scoped3A : memref<!tpu.dma_semaphore, #tpu.memory_space<semaphore_mem>>) src(%arg10 : memref<128x128xf32, #tpu.memory_space<vmem>>) dst(%dma_wait3A_52 : memref<128x128xf32, #tpu.memory_space<vmem_shared>>)
      tpu.yield
    }) : () -> ()
    %barrier3A = arith.constant 0 : index
    tpu.barrier barrier_id(%barrier3A)
    %sub3A = arith.constant 0 : i32
    %sub3A_26 = arith.subi %select_n3A, %sub3A : i32
    %jit3A_27 = arith.constant 0 : i32
    %jit3A_28 = arith.constant 40 : i32
    %max3A = arith.maxsi %jit3A_27, %sub3A_26 : i32
    %min3A = arith.minsi %jit3A_28, %max3A : i32
    %gt3A = arith.constant 0 : i32
    %gt3A_29 = arith.cmpi sgt, %min3A, %gt3A : i32
    %convert_element_type3A = arith.extui %gt3A_29 : i1 to i32
    %cond3A = arith.constant 0 : i32
    %cond3A_30 = arith.cmpi ne, %convert_element_type3A, %cond3A : i32
    scf.if %cond3A_30 {
      %eq3A_47 = arith.constant 0 : i32
      %eq3A_48 = arith.cmpi eq, %arg0, %eq3A_47 : i32
      %convert_element_type3A_49 = arith.extui %eq3A_48 : i1 to i32
      %cond3A_50 = arith.constant 0 : i32
      %cond3A_51 = arith.cmpi ne, %convert_element_type3A_49, %cond3A_50 : i32
      scf.if %cond3A_51 {
        "tpu.region"() ({
          %run_scoped3A = tpu.sem_alloc : memref<!tpu.dma_semaphore, #tpu.memory_space<semaphore_mem>>
          %dma_start3A_99 = arith.constant 0 : i32
          %dma_start3A_100 = arith.constant 0 : i32
          %dma_start3A_101 = tpu.memref_slice %arg3[%arg1, %dma_start3A_99, %dma_start3A_100] : memref<16x80x128xi32, #tpu.memory_space<hbm>> -> memref<1x40x128xi32, #tpu.memory_space<hbm>>
          %dma_start3A_102 = tpu.memref_squeeze %dma_start3A_101 : memref<1x40x128xi32, #tpu.memory_space<hbm>> -> memref<40x128xi32, #tpu.memory_space<hbm>>
          %dma_start3A_103 = arith.constant 0 : i32
          %dma_start3A_104 = arith.constant 0 : i32
          %dma_start3A_105 = tpu.memref_slice %arg3[%arg1, %dma_start3A_103, %dma_start3A_104] : memref<16x80x128xi32, #tpu.memory_space<hbm>> -> memref<1x40x128xi32, #tpu.memory_space<hbm>>
          %dma_start3A_106 = tpu.memref_squeeze %dma_start3A_105 : memref<1x40x128xi32, #tpu.memory_space<hbm>> -> memref<40x128xi32, #tpu.memory_space<hbm>>
          tpu.enqueue_dma source(%dma_start3A_106 : memref<40x128xi32, #tpu.memory_space<hbm>>) target(%arg8 : memref<40x128xi32, #tpu.memory_space<vmem>>) target_semaphore(%run_scoped3A : memref<!tpu.dma_semaphore, #tpu.memory_space<semaphore_mem>>)
          %dma_wait3A_107 = arith.constant 0 : i32
          %dma_wait3A_108 = arith.constant 0 : i32
          %dma_wait3A_109 = tpu.memref_slice %arg3[%arg1, %dma_wait3A_107, %dma_wait3A_108] : memref<16x80x128xi32, #tpu.memory_space<hbm>> -> memref<1x40x128xi32, #tpu.memory_space<hbm>>
          %dma_wait3A_110 = tpu.memref_squeeze %dma_wait3A_109 : memref<1x40x128xi32, #tpu.memory_space<hbm>> -> memref<40x128xi32, #tpu.memory_space<hbm>>
          %dma_wait3A_111 = arith.constant 0 : i32
          %dma_wait3A_112 = arith.constant 0 : i32
          %dma_wait3A_113 = tpu.memref_slice %arg3[%arg1, %dma_wait3A_111, %dma_wait3A_112] : memref<16x80x128xi32, #tpu.memory_space<hbm>> -> memref<1x40x128xi32, #tpu.memory_space<hbm>>
          %dma_wait3A_114 = tpu.memref_squeeze %dma_wait3A_113 : memref<1x40x128xi32, #tpu.memory_space<hbm>> -> memref<40x128xi32, #tpu.memory_space<hbm>>
          tpu.wait_dma2 semaphore(%run_scoped3A : memref<!tpu.dma_semaphore, #tpu.memory_space<semaphore_mem>>) src(%dma_wait3A_114 : memref<40x128xi32, #tpu.memory_space<hbm>>) dst(%arg8 : memref<40x128xi32, #tpu.memory_space<vmem>>)
          tpu.yield
        }) : () -> ()
        "tpu.region"() ({
          %run_scoped3A = tpu.sem_alloc : memref<!tpu.dma_semaphore, #tpu.memory_space<semaphore_mem>>
          %dma_start3A_99 = arith.constant 0 : i32
          %dma_start3A_100 = arith.constant 0 : i32
          %dma_start3A_101 = tpu.memref_slice %arg4[%arg1, %dma_start3A_99, %dma_start3A_100] : memref<16x80x128xi32, #tpu.memory_space<hbm>> -> memref<1x40x128xi32, #tpu.memory_space<hbm>>
          %dma_start3A_102 = tpu.memref_squeeze %dma_start3A_101 : memref<1x40x128xi32, #tpu.memory_space<hbm>> -> memref<40x128xi32, #tpu.memory_space<hbm>>
          %dma_start3A_103 = arith.constant 0 : i32
          %dma_start3A_104 = arith.constant 0 : i32
          %dma_start3A_105 = tpu.memref_slice %arg4[%arg1, %dma_start3A_103, %dma_start3A_104] : memref<16x80x128xi32, #tpu.memory_space<hbm>> -> memref<1x40x128xi32, #tpu.memory_space<hbm>>
          %dma_start3A_106 = tpu.memref_squeeze %dma_start3A_105 : memref<1x40x128xi32, #tpu.memory_space<hbm>> -> memref<40x128xi32, #tpu.memory_space<hbm>>
          tpu.enqueue_dma source(%dma_start3A_106 : memref<40x128xi32, #tpu.memory_space<hbm>>) target(%arg9 : memref<40x128xi32, #tpu.memory_space<vmem>>) target_semaphore(%run_scoped3A : memref<!tpu.dma_semaphore, #tpu.memory_space<semaphore_mem>>)
          %dma_wait3A_107 = arith.constant 0 : i32
          %dma_wait3A_108 = arith.constant 0 : i32
          %dma_wait3A_109 = tpu.memref_slice %arg4[%arg1, %dma_wait3A_107, %dma_wait3A_108] : memref<16x80x128xi32, #tpu.memory_space<hbm>> -> memref<1x40x128xi32, #tpu.memory_space<hbm>>
          %dma_wait3A_110 = tpu.memref_squeeze %dma_wait3A_109 : memref<1x40x128xi32, #tpu.memory_space<hbm>> -> memref<40x128xi32, #tpu.memory_space<hbm>>
          %dma_wait3A_111 = arith.constant 0 : i32
          %dma_wait3A_112 = arith.constant 0 : i32
          %dma_wait3A_113 = tpu.memref_slice %arg4[%arg1, %dma_wait3A_111, %dma_wait3A_112] : memref<16x80x128xi32, #tpu.memory_space<hbm>> -> memref<1x40x128xi32, #tpu.memory_space<hbm>>
          %dma_wait3A_114 = tpu.memref_squeeze %dma_wait3A_113 : memref<1x40x128xi32, #tpu.memory_space<hbm>> -> memref<40x128xi32, #tpu.memory_space<hbm>>
          tpu.wait_dma2 semaphore(%run_scoped3A : memref<!tpu.dma_semaphore, #tpu.memory_space<semaphore_mem>>) src(%dma_wait3A_114 : memref<40x128xi32, #tpu.memory_space<hbm>>) dst(%arg9 : memref<40x128xi32, #tpu.memory_space<vmem>>)
          tpu.yield
        }) : () -> ()
      } else {
      }
      %eq3A_52 = arith.constant 1 : i32
      %eq3A_53 = arith.cmpi eq, %arg0, %eq3A_52 : i32
      %convert_element_type3A_54 = arith.extui %eq3A_53 : i1 to i32
      %cond3A_55 = arith.constant 0 : i32
      %cond3A_56 = arith.cmpi ne, %convert_element_type3A_54, %cond3A_55 : i32
      scf.if %cond3A_56 {
        "tpu.region"() ({
          %run_scoped3A = tpu.sem_alloc : memref<!tpu.dma_semaphore, #tpu.memory_space<semaphore_mem>>
          %dma_start3A_99 = arith.constant 0 : i32
          %dma_start3A_100 = arith.constant 0 : i32
          %dma_start3A_101 = tpu.memref_slice %arg5[%arg1, %dma_start3A_99, %dma_start3A_100] : memref<16x80x128xi32, #tpu.memory_space<hbm>> -> memref<1x40x128xi32, #tpu.memory_space<hbm>>
          %dma_start3A_102 = tpu.memref_squeeze %dma_start3A_101 : memref<1x40x128xi32, #tpu.memory_space<hbm>> -> memref<40x128xi32, #tpu.memory_space<hbm>>
          %dma_start3A_103 = arith.constant 0 : i32
          %dma_start3A_104 = arith.constant 0 : i32
          %dma_start3A_105 = tpu.memref_slice %arg5[%arg1, %dma_start3A_103, %dma_start3A_104] : memref<16x80x128xi32, #tpu.memory_space<hbm>> -> memref<1x40x128xi32, #tpu.memory_space<hbm>>
          %dma_start3A_106 = tpu.memref_squeeze %dma_start3A_105 : memref<1x40x128xi32, #tpu.memory_space<hbm>> -> memref<40x128xi32, #tpu.memory_space<hbm>>
          tpu.enqueue_dma source(%dma_start3A_106 : memref<40x128xi32, #tpu.memory_space<hbm>>) target(%arg8 : memref<40x128xi32, #tpu.memory_space<vmem>>) target_semaphore(%run_scoped3A : memref<!tpu.dma_semaphore, #tpu.memory_space<semaphore_mem>>)
          %dma_wait3A_107 = arith.constant 0 : i32
          %dma_wait3A_108 = arith.constant 0 : i32
          %dma_wait3A_109 = tpu.memref_slice %arg5[%arg1, %dma_wait3A_107, %dma_wait3A_108] : memref<16x80x128xi32, #tpu.memory_space<hbm>> -> memref<1x40x128xi32, #tpu.memory_space<hbm>>
          %dma_wait3A_110 = tpu.memref_squeeze %dma_wait3A_109 : memref<1x40x128xi32, #tpu.memory_space<hbm>> -> memref<40x128xi32, #tpu.memory_space<hbm>>
          %dma_wait3A_111 = arith.constant 0 : i32
          %dma_wait3A_112 = arith.constant 0 : i32
          %dma_wait3A_113 = tpu.memref_slice %arg5[%arg1, %dma_wait3A_111, %dma_wait3A_112] : memref<16x80x128xi32, #tpu.memory_space<hbm>> -> memref<1x40x128xi32, #tpu.memory_space<hbm>>
          %dma_wait3A_114 = tpu.memref_squeeze %dma_wait3A_113 : memref<1x40x128xi32, #tpu.memory_space<hbm>> -> memref<40x128xi32, #tpu.memory_space<hbm>>
          tpu.wait_dma2 semaphore(%run_scoped3A : memref<!tpu.dma_semaphore, #tpu.memory_space<semaphore_mem>>) src(%dma_wait3A_114 : memref<40x128xi32, #tpu.memory_space<hbm>>) dst(%arg8 : memref<40x128xi32, #tpu.memory_space<vmem>>)
          tpu.yield
        }) : () -> ()
        "tpu.region"() ({
          %run_scoped3A = tpu.sem_alloc : memref<!tpu.dma_semaphore, #tpu.memory_space<semaphore_mem>>
          %dma_start3A_99 = arith.constant 0 : i32
          %dma_start3A_100 = arith.constant 0 : i32
          %dma_start3A_101 = tpu.memref_slice %arg6[%arg1, %dma_start3A_99, %dma_start3A_100] : memref<16x80x128xi32, #tpu.memory_space<hbm>> -> memref<1x40x128xi32, #tpu.memory_space<hbm>>
          %dma_start3A_102 = tpu.memref_squeeze %dma_start3A_101 : memref<1x40x128xi32, #tpu.memory_space<hbm>> -> memref<40x128xi32, #tpu.memory_space<hbm>>
          %dma_start3A_103 = arith.constant 0 : i32
          %dma_start3A_104 = arith.constant 0 : i32
          %dma_start3A_105 = tpu.memref_slice %arg6[%arg1, %dma_start3A_103, %dma_start3A_104] : memref<16x80x128xi32, #tpu.memory_space<hbm>> -> memref<1x40x128xi32, #tpu.memory_space<hbm>>
          %dma_start3A_106 = tpu.memref_squeeze %dma_start3A_105 : memref<1x40x128xi32, #tpu.memory_space<hbm>> -> memref<40x128xi32, #tpu.memory_space<hbm>>
          tpu.enqueue_dma source(%dma_start3A_106 : memref<40x128xi32, #tpu.memory_space<hbm>>) target(%arg9 : memref<40x128xi32, #tpu.memory_space<vmem>>) target_semaphore(%run_scoped3A : memref<!tpu.dma_semaphore, #tpu.memory_space<semaphore_mem>>)
          %dma_wait3A_107 = arith.constant 0 : i32
          %dma_wait3A_108 = arith.constant 0 : i32
          %dma_wait3A_109 = tpu.memref_slice %arg6[%arg1, %dma_wait3A_107, %dma_wait3A_108] : memref<16x80x128xi32, #tpu.memory_space<hbm>> -> memref<1x40x128xi32, #tpu.memory_space<hbm>>
          %dma_wait3A_110 = tpu.memref_squeeze %dma_wait3A_109 : memref<1x40x128xi32, #tpu.memory_space<hbm>> -> memref<40x128xi32, #tpu.memory_space<hbm>>
          %dma_wait3A_111 = arith.constant 0 : i32
          %dma_wait3A_112 = arith.constant 0 : i32
          %dma_wait3A_113 = tpu.memref_slice %arg6[%arg1, %dma_wait3A_111, %dma_wait3A_112] : memref<16x80x128xi32, #tpu.memory_space<hbm>> -> memref<1x40x128xi32, #tpu.memory_space<hbm>>
          %dma_wait3A_114 = tpu.memref_squeeze %dma_wait3A_113 : memref<1x40x128xi32, #tpu.memory_space<hbm>> -> memref<40x128xi32, #tpu.memory_space<hbm>>
          tpu.wait_dma2 semaphore(%run_scoped3A : memref<!tpu.dma_semaphore, #tpu.memory_space<semaphore_mem>>) src(%dma_wait3A_114 : memref<40x128xi32, #tpu.memory_space<hbm>>) dst(%arg9 : memref<40x128xi32, #tpu.memory_space<vmem>>)
          tpu.yield
        }) : () -> ()
      } else {
      }
      %dma_start3A = arith.constant 0 : i32
      %dma_start3A_57 = arith.constant 0 : i32
      %dma_start3A_58 = tpu.memref_slice %arg8[%dma_start3A, %dma_start3A_57] : memref<40x128xi32, #tpu.memory_space<vmem>> -> memref<1x128xi32, #tpu.memory_space<vmem>>
      %dma_start3A_59 = tpu.memref_squeeze %dma_start3A_58 : memref<1x128xi32, #tpu.memory_space<vmem>> -> memref<128xi32, #tpu.memory_space<vmem>>
      %dma_start3A_60 = arith.constant 0 : i32
      %dma_start3A_61 = arith.constant 0 : i32
      %dma_start3A_62 = tpu.memref_slice %arg2[%dma_start3A_60, %dma_start3A_61] : memref<10240x128xf32, #tpu.memory_space<hbm>> -> memref<10240x128xf32, #tpu.memory_space<hbm>>
      tpu.enqueue_indirect_dma source(%dma_start3A_62 : memref<10240x128xf32, #tpu.memory_space<hbm>>) target(%arg10 : memref<128x128xf32, #tpu.memory_space<vmem>>) offsets(%dma_start3A_59 : memref<128xi32, #tpu.memory_space<vmem>>) semaphore(%arg12 : memref<!tpu.dma_semaphore, #tpu.memory_space<semaphore_mem>>)
      %jit3A_63 = arith.constant 2 : i32
      %div3A = arith.divsi %min3A, %jit3A_63 : i32
      %sign3A = arith.constant 0 : i32
      %sign3A_64 = arith.cmpi sgt, %min3A, %sign3A : i32
      %sign3A_65 = arith.extui %sign3A_64 : i1 to i32
      %sign3A_66 = arith.constant 0 : i32
      %sign3A_67 = arith.cmpi slt, %min3A, %sign3A_66 : i32
      %sign3A_68 = arith.extui %sign3A_67 : i1 to i32
      %sign3A_69 = arith.subi %sign3A_65, %sign3A_68 : i32
      %sign3A_70 = arith.constant 0 : i32
      %sign3A_71 = arith.cmpi sgt, %jit3A_63, %sign3A_70 : i32
      %sign3A_72 = arith.extui %sign3A_71 : i1 to i32
      %sign3A_73 = arith.constant 0 : i32
      %sign3A_74 = arith.cmpi slt, %jit3A_63, %sign3A_73 : i32
      %sign3A_75 = arith.extui %sign3A_74 : i1 to i32
      %sign3A_76 = arith.subi %sign3A_72, %sign3A_75 : i32
      %ne3A = arith.cmpi ne, %sign3A_69, %sign3A_76 : i32
      %rem3A = arith.remsi %min3A, %jit3A_63 : i32
      %ne3A_77 = arith.constant 0 : i32
      %ne3A_78 = arith.cmpi ne, %rem3A, %ne3A_77 : i32
      %and3A = arith.andi %ne3A, %ne3A_78 : i1
      %sub3A_79 = arith.constant 1 : i32
      %sub3A_80 = arith.subi %div3A, %sub3A_79 : i32
      %select_n3A_81 = arith.select %and3A, %sub3A_80, %div3A : i32
      %while3A = arith.constant 0 : i32
      %while3A_82 = arith.constant 0 : i32
      %while3A_83 = arith.subi %select_n3A_81, %while3A : i32
      %while3A_84 = arith.addi %while3A, %while3A_83 : i32
      %while3A_85 = arith.constant 1 : i32
      %while3A_86 = arith.divsi %while3A_83, %while3A_85 : i32
      %while3A_87 = arith.muli %while3A_86, %while3A_85 : i32
      %while3A_88 = arith.addi %while3A, %while3A_87 : i32
      %while3A_89 = arith.constant 1 : i32
      %while3A_90 = scf.for %while3A_99 = %while3A to %while3A_88 step %while3A_89 iter_args(%while3A_100 = %while3A_82) -> (i32)  : i32 {
        %mul3A_101 = arith.constant 2 : i32
        %mul3A_102 = arith.muli %mul3A_101, %while3A_99 : i32
        %add3A_103 = arith.constant 1 : i32
        %add3A_104 = arith.addi %mul3A_102, %add3A_103 : i32
        %dma_start3A_105 = arith.constant 0 : i32
        %dma_start3A_106 = tpu.memref_slice %arg8[%add3A_104, %dma_start3A_105] : memref<40x128xi32, #tpu.memory_space<vmem>> -> memref<1x128xi32, #tpu.memory_space<vmem>>
        %dma_start3A_107 = tpu.memref_squeeze %dma_start3A_106 : memref<1x128xi32, #tpu.memory_space<vmem>> -> memref<128xi32, #tpu.memory_space<vmem>>
        %dma_start3A_108 = arith.constant 0 : i32
        %dma_start3A_109 = arith.constant 0 : i32
        %dma_start3A_110 = tpu.memref_slice %arg2[%dma_start3A_108, %dma_start3A_109] : memref<10240x128xf32, #tpu.memory_space<hbm>> -> memref<10240x128xf32, #tpu.memory_space<hbm>>
        tpu.enqueue_indirect_dma source(%dma_start3A_110 : memref<10240x128xf32, #tpu.memory_space<hbm>>) target(%arg11 : memref<128x128xf32, #tpu.memory_space<vmem>>) offsets(%dma_start3A_107 : memref<128xi32, #tpu.memory_space<vmem>>) semaphore(%arg13 : memref<!tpu.dma_semaphore, #tpu.memory_space<semaphore_mem>>)
        %dma_wait3A_111 = arith.constant 0 : i32
        %dma_wait3A_112 = arith.constant 0 : i32
        %dma_wait3A_113 = tpu.memref_slice %arg8[%dma_wait3A_111, %dma_wait3A_112] : memref<40x128xi32, #tpu.memory_space<vmem>> -> memref<1x128xi32, #tpu.memory_space<vmem>>
        %dma_wait3A_114 = tpu.memref_squeeze %dma_wait3A_113 : memref<1x128xi32, #tpu.memory_space<vmem>> -> memref<128xi32, #tpu.memory_space<vmem>>
        %dma_wait3A_115 = arith.constant 0 : i32
        %dma_wait3A_116 = arith.constant 0 : i32
        %dma_wait3A_117 = tpu.memref_slice %arg2[%dma_wait3A_115, %dma_wait3A_116] : memref<10240x128xf32, #tpu.memory_space<hbm>> -> memref<10240x128xf32, #tpu.memory_space<hbm>>
        tpu.wait_indirect_dma semaphore(%arg12 : memref<!tpu.dma_semaphore, #tpu.memory_space<semaphore_mem>>) src(%dma_wait3A_117 : memref<10240x128xf32, #tpu.memory_space<hbm>>) dst(%arg10 : memref<128x128xf32, #tpu.memory_space<vmem>>)
        "tpu.region"() ({
          %run_scoped3A = tpu.sem_alloc : memref<!tpu.dma_semaphore, #tpu.memory_space<semaphore_mem>>
          %dma_start3A_136 = arith.constant 0 : i32
          %dma_start3A_137 = tpu.memref_slice %arg9[%mul3A_102, %dma_start3A_136] : memref<40x128xi32, #tpu.memory_space<vmem>> -> memref<1x128xi32, #tpu.memory_space<vmem>>
          %dma_start3A_138 = tpu.memref_squeeze %dma_start3A_137 : memref<1x128xi32, #tpu.memory_space<vmem>> -> memref<128xi32, #tpu.memory_space<vmem>>
          %dma_start3A_139 = arith.constant 0 : i32
          %dma_start3A_140 = arith.constant 0 : i32
          %dma_start3A_141 = tpu.memref_slice %arg14[%dma_start3A_139, %dma_start3A_140] : memref<10240x128xf32, #tpu.memory_space<vmem_shared>> -> memref<10240x128xf32, #tpu.memory_space<vmem_shared>>
          tpu.enqueue_indirect_dma source(%arg10 : memref<128x128xf32, #tpu.memory_space<vmem>>) target(%dma_start3A_141 : memref<10240x128xf32, #tpu.memory_space<vmem_shared>>) offsets(%dma_start3A_138 : memref<128xi32, #tpu.memory_space<vmem>>) semaphore(%run_scoped3A : memref<!tpu.dma_semaphore, #tpu.memory_space<semaphore_mem>>) {add = true}
          %dma_wait3A_142 = arith.constant 0 : i32
          %dma_wait3A_143 = tpu.memref_slice %arg9[%mul3A_102, %dma_wait3A_142] : memref<40x128xi32, #tpu.memory_space<vmem>> -> memref<1x128xi32, #tpu.memory_space<vmem>>
          %dma_wait3A_144 = tpu.memref_squeeze %dma_wait3A_143 : memref<1x128xi32, #tpu.memory_space<vmem>> -> memref<128xi32, #tpu.memory_space<vmem>>
          %dma_wait3A_145 = arith.constant 0 : i32
          %dma_wait3A_146 = arith.constant 0 : i32
          %dma_wait3A_147 = tpu.memref_slice %arg14[%dma_wait3A_145, %dma_wait3A_146] : memref<10240x128xf32, #tpu.memory_space<vmem_shared>> -> memref<10240x128xf32, #tpu.memory_space<vmem_shared>>
          tpu.wait_indirect_dma semaphore(%run_scoped3A : memref<!tpu.dma_semaphore, #tpu.memory_space<semaphore_mem>>) src(%arg10 : memref<128x128xf32, #tpu.memory_space<vmem>>) dst(%dma_wait3A_147 : memref<10240x128xf32, #tpu.memory_space<vmem_shared>>)
          tpu.yield
        }) : () -> ()
        %add3A_118 = arith.constant 2 : i32
        %add3A_119 = arith.addi %mul3A_102, %add3A_118 : i32
        %sub3A_120 = arith.constant 1 : i32
        %sub3A_121 = arith.subi %min3A, %sub3A_120 : i32
        %min3A_122 = arith.minsi %add3A_119, %sub3A_121 : i32
        %dma_start3A_123 = arith.constant 0 : i32
        %dma_start3A_124 = tpu.memref_slice %arg8[%min3A_122, %dma_start3A_123] : memref<40x128xi32, #tpu.memory_space<vmem>> -> memref<1x128xi32, #tpu.memory_space<vmem>>
        %dma_start3A_125 = tpu.memref_squeeze %dma_start3A_124 : memref<1x128xi32, #tpu.memory_space<vmem>> -> memref<128xi32, #tpu.memory_space<vmem>>
        %dma_start3A_126 = arith.constant 0 : i32
        %dma_start3A_127 = arith.constant 0 : i32
        %dma_start3A_128 = tpu.memref_slice %arg2[%dma_start3A_126, %dma_start3A_127] : memref<10240x128xf32, #tpu.memory_space<hbm>> -> memref<10240x128xf32, #tpu.memory_space<hbm>>
        tpu.enqueue_indirect_dma source(%dma_start3A_128 : memref<10240x128xf32, #tpu.memory_space<hbm>>) target(%arg10 : memref<128x128xf32, #tpu.memory_space<vmem>>) offsets(%dma_start3A_125 : memref<128xi32, #tpu.memory_space<vmem>>) semaphore(%arg12 : memref<!tpu.dma_semaphore, #tpu.memory_space<semaphore_mem>>)
        %dma_wait3A_129 = arith.constant 0 : i32
        %dma_wait3A_130 = tpu.memref_slice %arg8[%add3A_104, %dma_wait3A_129] : memref<40x128xi32, #tpu.memory_space<vmem>> -> memref<1x128xi32, #tpu.memory_space<vmem>>
        %dma_wait3A_131 = tpu.memref_squeeze %dma_wait3A_130 : memref<1x128xi32, #tpu.memory_space<vmem>> -> memref<128xi32, #tpu.memory_space<vmem>>
        %dma_wait3A_132 = arith.constant 0 : i32
        %dma_wait3A_133 = arith.constant 0 : i32
        %dma_wait3A_134 = tpu.memref_slice %arg2[%dma_wait3A_132, %dma_wait3A_133] : memref<10240x128xf32, #tpu.memory_space<hbm>> -> memref<10240x128xf32, #tpu.memory_space<hbm>>
        tpu.wait_indirect_dma semaphore(%arg13 : memref<!tpu.dma_semaphore, #tpu.memory_space<semaphore_mem>>) src(%dma_wait3A_134 : memref<10240x128xf32, #tpu.memory_space<hbm>>) dst(%arg11 : memref<128x128xf32, #tpu.memory_space<vmem>>)
        "tpu.region"() ({
          %run_scoped3A = tpu.sem_alloc : memref<!tpu.dma_semaphore, #tpu.memory_space<semaphore_mem>>
          %dma_start3A_136 = arith.constant 0 : i32
          %dma_start3A_137 = tpu.memref_slice %arg9[%add3A_104, %dma_start3A_136] : memref<40x128xi32, #tpu.memory_space<vmem>> -> memref<1x128xi32, #tpu.memory_space<vmem>>
          %dma_start3A_138 = tpu.memref_squeeze %dma_start3A_137 : memref<1x128xi32, #tpu.memory_space<vmem>> -> memref<128xi32, #tpu.memory_space<vmem>>
          %dma_start3A_139 = arith.constant 0 : i32
          %dma_start3A_140 = arith.constant 0 : i32
          %dma_start3A_141 = tpu.memref_slice %arg14[%dma_start3A_139, %dma_start3A_140] : memref<10240x128xf32, #tpu.memory_space<vmem_shared>> -> memref<10240x128xf32, #tpu.memory_space<vmem_shared>>
          tpu.enqueue_indirect_dma source(%arg11 : memref<128x128xf32, #tpu.memory_space<vmem>>) target(%dma_start3A_141 : memref<10240x128xf32, #tpu.memory_space<vmem_shared>>) offsets(%dma_start3A_138 : memref<128xi32, #tpu.memory_space<vmem>>) semaphore(%run_scoped3A : memref<!tpu.dma_semaphore, #tpu.memory_space<semaphore_mem>>) {add = true}
          %dma_wait3A_142 = arith.constant 0 : i32
          %dma_wait3A_143 = tpu.memref_slice %arg9[%add3A_104, %dma_wait3A_142] : memref<40x128xi32, #tpu.memory_space<vmem>> -> memref<1x128xi32, #tpu.memory_space<vmem>>
          %dma_wait3A_144 = tpu.memref_squeeze %dma_wait3A_143 : memref<1x128xi32, #tpu.memory_space<vmem>> -> memref<128xi32, #tpu.memory_space<vmem>>
          %dma_wait3A_145 = arith.constant 0 : i32
          %dma_wait3A_146 = arith.constant 0 : i32
          %dma_wait3A_147 = tpu.memref_slice %arg14[%dma_wait3A_145, %dma_wait3A_146] : memref<10240x128xf32, #tpu.memory_space<vmem_shared>> -> memref<10240x128xf32, #tpu.memory_space<vmem_shared>>
          tpu.wait_indirect_dma semaphore(%run_scoped3A : memref<!tpu.dma_semaphore, #tpu.memory_space<semaphore_mem>>) src(%arg11 : memref<128x128xf32, #tpu.memory_space<vmem>>) dst(%dma_wait3A_147 : memref<10240x128xf32, #tpu.memory_space<vmem_shared>>)
          tpu.yield
        }) : () -> ()
        %while3A_135 = arith.constant 0 : i32
        scf.yield %while3A_135 : i32
      }
      %while3A_91 = arith.constant 1 : i32
      %while3A_92 = scf.for %while3A_99 = %while3A_88 to %while3A_84 step %while3A_91 iter_args(%while3A_100 = %while3A_90) -> (i32)  : i32 {
        %mul3A_101 = arith.constant 2 : i32
        %mul3A_102 = arith.muli %mul3A_101, %while3A_99 : i32
        %add3A_103 = arith.constant 1 : i32
        %add3A_104 = arith.addi %mul3A_102, %add3A_103 : i32
        %dma_start3A_105 = arith.constant 0 : i32
        %dma_start3A_106 = tpu.memref_slice %arg8[%add3A_104, %dma_start3A_105] : memref<40x128xi32, #tpu.memory_space<vmem>> -> memref<1x128xi32, #tpu.memory_space<vmem>>
        %dma_start3A_107 = tpu.memref_squeeze %dma_start3A_106 : memref<1x128xi32, #tpu.memory_space<vmem>> -> memref<128xi32, #tpu.memory_space<vmem>>
        %dma_start3A_108 = arith.constant 0 : i32
        %dma_start3A_109 = arith.constant 0 : i32
        %dma_start3A_110 = tpu.memref_slice %arg2[%dma_start3A_108, %dma_start3A_109] : memref<10240x128xf32, #tpu.memory_space<hbm>> -> memref<10240x128xf32, #tpu.memory_space<hbm>>
        tpu.enqueue_indirect_dma source(%dma_start3A_110 : memref<10240x128xf32, #tpu.memory_space<hbm>>) target(%arg11 : memref<128x128xf32, #tpu.memory_space<vmem>>) offsets(%dma_start3A_107 : memref<128xi32, #tpu.memory_space<vmem>>) semaphore(%arg13 : memref<!tpu.dma_semaphore, #tpu.memory_space<semaphore_mem>>)
        %dma_wait3A_111 = arith.constant 0 : i32
        %dma_wait3A_112 = arith.constant 0 : i32
        %dma_wait3A_113 = tpu.memref_slice %arg8[%dma_wait3A_111, %dma_wait3A_112] : memref<40x128xi32, #tpu.memory_space<vmem>> -> memref<1x128xi32, #tpu.memory_space<vmem>>
        %dma_wait3A_114 = tpu.memref_squeeze %dma_wait3A_113 : memref<1x128xi32, #tpu.memory_space<vmem>> -> memref<128xi32, #tpu.memory_space<vmem>>
        %dma_wait3A_115 = arith.constant 0 : i32
        %dma_wait3A_116 = arith.constant 0 : i32
        %dma_wait3A_117 = tpu.memref_slice %arg2[%dma_wait3A_115, %dma_wait3A_116] : memref<10240x128xf32, #tpu.memory_space<hbm>> -> memref<10240x128xf32, #tpu.memory_space<hbm>>
        tpu.wait_indirect_dma semaphore(%arg12 : memref<!tpu.dma_semaphore, #tpu.memory_space<semaphore_mem>>) src(%dma_wait3A_117 : memref<10240x128xf32, #tpu.memory_space<hbm>>) dst(%arg10 : memref<128x128xf32, #tpu.memory_space<vmem>>)
        "tpu.region"() ({
          %run_scoped3A = tpu.sem_alloc : memref<!tpu.dma_semaphore, #tpu.memory_space<semaphore_mem>>
          %dma_start3A_136 = arith.constant 0 : i32
          %dma_start3A_137 = tpu.memref_slice %arg9[%mul3A_102, %dma_start3A_136] : memref<40x128xi32, #tpu.memory_space<vmem>> -> memref<1x128xi32, #tpu.memory_space<vmem>>
          %dma_start3A_138 = tpu.memref_squeeze %dma_start3A_137 : memref<1x128xi32, #tpu.memory_space<vmem>> -> memref<128xi32, #tpu.memory_space<vmem>>
          %dma_start3A_139 = arith.constant 0 : i32
          %dma_start3A_140 = arith.constant 0 : i32
          %dma_start3A_141 = tpu.memref_slice %arg14[%dma_start3A_139, %dma_start3A_140] : memref<10240x128xf32, #tpu.memory_space<vmem_shared>> -> memref<10240x128xf32, #tpu.memory_space<vmem_shared>>
          tpu.enqueue_indirect_dma source(%arg10 : memref<128x128xf32, #tpu.memory_space<vmem>>) target(%dma_start3A_141 : memref<10240x128xf32, #tpu.memory_space<vmem_shared>>) offsets(%dma_start3A_138 : memref<128xi32, #tpu.memory_space<vmem>>) semaphore(%run_scoped3A : memref<!tpu.dma_semaphore, #tpu.memory_space<semaphore_mem>>) {add = true}
          %dma_wait3A_142 = arith.constant 0 : i32
          %dma_wait3A_143 = tpu.memref_slice %arg9[%mul3A_102, %dma_wait3A_142] : memref<40x128xi32, #tpu.memory_space<vmem>> -> memref<1x128xi32, #tpu.memory_space<vmem>>
          %dma_wait3A_144 = tpu.memref_squeeze %dma_wait3A_143 : memref<1x128xi32, #tpu.memory_space<vmem>> -> memref<128xi32, #tpu.memory_space<vmem>>
          %dma_wait3A_145 = arith.constant 0 : i32
          %dma_wait3A_146 = arith.constant 0 : i32
          %dma_wait3A_147 = tpu.memref_slice %arg14[%dma_wait3A_145, %dma_wait3A_146] : memref<10240x128xf32, #tpu.memory_space<vmem_shared>> -> memref<10240x128xf32, #tpu.memory_space<vmem_shared>>
          tpu.wait_indirect_dma semaphore(%run_scoped3A : memref<!tpu.dma_semaphore, #tpu.memory_space<semaphore_mem>>) src(%arg10 : memref<128x128xf32, #tpu.memory_space<vmem>>) dst(%dma_wait3A_147 : memref<10240x128xf32, #tpu.memory_space<vmem_shared>>)
          tpu.yield
        }) : () -> ()
        %add3A_118 = arith.constant 2 : i32
        %add3A_119 = arith.addi %mul3A_102, %add3A_118 : i32
        %sub3A_120 = arith.constant 1 : i32
        %sub3A_121 = arith.subi %min3A, %sub3A_120 : i32
        %min3A_122 = arith.minsi %add3A_119, %sub3A_121 : i32
        %dma_start3A_123 = arith.constant 0 : i32
        %dma_start3A_124 = tpu.memref_slice %arg8[%min3A_122, %dma_start3A_123] : memref<40x128xi32, #tpu.memory_space<vmem>> -> memref<1x128xi32, #tpu.memory_space<vmem>>
        %dma_start3A_125 = tpu.memref_squeeze %dma_start3A_124 : memref<1x128xi32, #tpu.memory_space<vmem>> -> memref<128xi32, #tpu.memory_space<vmem>>
        %dma_start3A_126 = arith.constant 0 : i32
        %dma_start3A_127 = arith.constant 0 : i32
        %dma_start3A_128 = tpu.memref_slice %arg2[%dma_start3A_126, %dma_start3A_127] : memref<10240x128xf32, #tpu.memory_space<hbm>> -> memref<10240x128xf32, #tpu.memory_space<hbm>>
        tpu.enqueue_indirect_dma source(%dma_start3A_128 : memref<10240x128xf32, #tpu.memory_space<hbm>>) target(%arg10 : memref<128x128xf32, #tpu.memory_space<vmem>>) offsets(%dma_start3A_125 : memref<128xi32, #tpu.memory_space<vmem>>) semaphore(%arg12 : memref<!tpu.dma_semaphore, #tpu.memory_space<semaphore_mem>>)
        %dma_wait3A_129 = arith.constant 0 : i32
        %dma_wait3A_130 = tpu.memref_slice %arg8[%add3A_104, %dma_wait3A_129] : memref<40x128xi32, #tpu.memory_space<vmem>> -> memref<1x128xi32, #tpu.memory_space<vmem>>
        %dma_wait3A_131 = tpu.memref_squeeze %dma_wait3A_130 : memref<1x128xi32, #tpu.memory_space<vmem>> -> memref<128xi32, #tpu.memory_space<vmem>>
        %dma_wait3A_132 = arith.constant 0 : i32
        %dma_wait3A_133 = arith.constant 0 : i32
        %dma_wait3A_134 = tpu.memref_slice %arg2[%dma_wait3A_132, %dma_wait3A_133] : memref<10240x128xf32, #tpu.memory_space<hbm>> -> memref<10240x128xf32, #tpu.memory_space<hbm>>
        tpu.wait_indirect_dma semaphore(%arg13 : memref<!tpu.dma_semaphore, #tpu.memory_space<semaphore_mem>>) src(%dma_wait3A_134 : memref<10240x128xf32, #tpu.memory_space<hbm>>) dst(%arg11 : memref<128x128xf32, #tpu.memory_space<vmem>>)
        "tpu.region"() ({
          %run_scoped3A = tpu.sem_alloc : memref<!tpu.dma_semaphore, #tpu.memory_space<semaphore_mem>>
          %dma_start3A_136 = arith.constant 0 : i32
          %dma_start3A_137 = tpu.memref_slice %arg9[%add3A_104, %dma_start3A_136] : memref<40x128xi32, #tpu.memory_space<vmem>> -> memref<1x128xi32, #tpu.memory_space<vmem>>
          %dma_start3A_138 = tpu.memref_squeeze %dma_start3A_137 : memref<1x128xi32, #tpu.memory_space<vmem>> -> memref<128xi32, #tpu.memory_space<vmem>>
          %dma_start3A_139 = arith.constant 0 : i32
          %dma_start3A_140 = arith.constant 0 : i32
          %dma_start3A_141 = tpu.memref_slice %arg14[%dma_start3A_139, %dma_start3A_140] : memref<10240x128xf32, #tpu.memory_space<vmem_shared>> -> memref<10240x128xf32, #tpu.memory_space<vmem_shared>>
          tpu.enqueue_indirect_dma source(%arg11 : memref<128x128xf32, #tpu.memory_space<vmem>>) target(%dma_start3A_141 : memref<10240x128xf32, #tpu.memory_space<vmem_shared>>) offsets(%dma_start3A_138 : memref<128xi32, #tpu.memory_space<vmem>>) semaphore(%run_scoped3A : memref<!tpu.dma_semaphore, #tpu.memory_space<semaphore_mem>>) {add = true}
          %dma_wait3A_142 = arith.constant 0 : i32
          %dma_wait3A_143 = tpu.memref_slice %arg9[%add3A_104, %dma_wait3A_142] : memref<40x128xi32, #tpu.memory_space<vmem>> -> memref<1x128xi32, #tpu.memory_space<vmem>>
          %dma_wait3A_144 = tpu.memref_squeeze %dma_wait3A_143 : memref<1x128xi32, #tpu.memory_space<vmem>> -> memref<128xi32, #tpu.memory_space<vmem>>
          %dma_wait3A_145 = arith.constant 0 : i32
          %dma_wait3A_146 = arith.constant 0 : i32
          %dma_wait3A_147 = tpu.memref_slice %arg14[%dma_wait3A_145, %dma_wait3A_146] : memref<10240x128xf32, #tpu.memory_space<vmem_shared>> -> memref<10240x128xf32, #tpu.memory_space<vmem_shared>>
          tpu.wait_indirect_dma semaphore(%run_scoped3A : memref<!tpu.dma_semaphore, #tpu.memory_space<semaphore_mem>>) src(%arg11 : memref<128x128xf32, #tpu.memory_space<vmem>>) dst(%dma_wait3A_147 : memref<10240x128xf32, #tpu.memory_space<vmem_shared>>)
          tpu.yield
        }) : () -> ()
        %while3A_135 = arith.constant 0 : i32
        scf.yield %while3A_135 : i32
      }
      %dma_wait3A = arith.constant 0 : i32
      %dma_wait3A_93 = arith.constant 0 : i32
      %dma_wait3A_94 = tpu.memref_slice %arg8[%dma_wait3A, %dma_wait3A_93] : memref<40x128xi32, #tpu.memory_space<vmem>> -> memref<1x128xi32, #tpu.memory_space<vmem>>
      %dma_wait3A_95 = tpu.memref_squeeze %dma_wait3A_94 : memref<1x128xi32, #tpu.memory_space<vmem>> -> memref<128xi32, #tpu.memory_space<vmem>>
      %dma_wait3A_96 = arith.constant 0 : i32
      %dma_wait3A_97 = arith.constant 0 : i32
      %dma_wait3A_98 = tpu.memref_slice %arg2[%dma_wait3A_96, %dma_wait3A_97] : memref<10240x128xf32, #tpu.memory_space<hbm>> -> memref<10240x128xf32, #tpu.memory_space<hbm>>
      tpu.wait_indirect_dma semaphore(%arg12 : memref<!tpu.dma_semaphore, #tpu.memory_space<semaphore_mem>>) src(%dma_wait3A_98 : memref<10240x128xf32, #tpu.memory_space<hbm>>) dst(%arg10 : memref<128x128xf32, #tpu.memory_space<vmem>>)
    } else {
    }
    %sub3A_31 = arith.constant 40 : i32
    %sub3A_32 = arith.subi %select_n3A, %sub3A_31 : i32
    %jit3A_33 = arith.constant 0 : i32
    %jit3A_34 = arith.constant 40 : i32
    %max3A_35 = arith.maxsi %jit3A_33, %sub3A_32 : i32
    %min3A_36 = arith.minsi %jit3A_34, %max3A_35 : i32
    %gt3A_37 = arith.constant 0 : i32
    %gt3A_38 = arith.cmpi sgt, %min3A_36, %gt3A_37 : i32
    %convert_element_type3A_39 = arith.extui %gt3A_38 : i1 to i32
    %cond3A_40 = arith.constant 0 : i32
    %cond3A_41 = arith.cmpi ne, %convert_element_type3A_39, %cond3A_40 : i32
    scf.if %cond3A_41 {
      %eq3A_47 = arith.constant 0 : i32
      %eq3A_48 = arith.cmpi eq, %arg0, %eq3A_47 : i32
      %convert_element_type3A_49 = arith.extui %eq3A_48 : i1 to i32
      %cond3A_50 = arith.constant 0 : i32
      %cond3A_51 = arith.cmpi ne, %convert_element_type3A_49, %cond3A_50 : i32
      scf.if %cond3A_51 {
        "tpu.region"() ({
          %run_scoped3A = tpu.sem_alloc : memref<!tpu.dma_semaphore, #tpu.memory_space<semaphore_mem>>
          %dma_start3A_99 = arith.constant 40 : i32
          %dma_start3A_100 = arith.constant 0 : i32
          %dma_start3A_101 = tpu.memref_slice %arg3[%arg1, %dma_start3A_99, %dma_start3A_100] : memref<16x80x128xi32, #tpu.memory_space<hbm>> -> memref<1x40x128xi32, #tpu.memory_space<hbm>>
          %dma_start3A_102 = tpu.memref_squeeze %dma_start3A_101 : memref<1x40x128xi32, #tpu.memory_space<hbm>> -> memref<40x128xi32, #tpu.memory_space<hbm>>
          %dma_start3A_103 = arith.constant 40 : i32
          %dma_start3A_104 = arith.constant 0 : i32
          %dma_start3A_105 = tpu.memref_slice %arg3[%arg1, %dma_start3A_103, %dma_start3A_104] : memref<16x80x128xi32, #tpu.memory_space<hbm>> -> memref<1x40x128xi32, #tpu.memory_space<hbm>>
          %dma_start3A_106 = tpu.memref_squeeze %dma_start3A_105 : memref<1x40x128xi32, #tpu.memory_space<hbm>> -> memref<40x128xi32, #tpu.memory_space<hbm>>
          tpu.enqueue_dma source(%dma_start3A_106 : memref<40x128xi32, #tpu.memory_space<hbm>>) target(%arg8 : memref<40x128xi32, #tpu.memory_space<vmem>>) target_semaphore(%run_scoped3A : memref<!tpu.dma_semaphore, #tpu.memory_space<semaphore_mem>>)
          %dma_wait3A_107 = arith.constant 40 : i32
          %dma_wait3A_108 = arith.constant 0 : i32
          %dma_wait3A_109 = tpu.memref_slice %arg3[%arg1, %dma_wait3A_107, %dma_wait3A_108] : memref<16x80x128xi32, #tpu.memory_space<hbm>> -> memref<1x40x128xi32, #tpu.memory_space<hbm>>
          %dma_wait3A_110 = tpu.memref_squeeze %dma_wait3A_109 : memref<1x40x128xi32, #tpu.memory_space<hbm>> -> memref<40x128xi32, #tpu.memory_space<hbm>>
          %dma_wait3A_111 = arith.constant 40 : i32
          %dma_wait3A_112 = arith.constant 0 : i32
          %dma_wait3A_113 = tpu.memref_slice %arg3[%arg1, %dma_wait3A_111, %dma_wait3A_112] : memref<16x80x128xi32, #tpu.memory_space<hbm>> -> memref<1x40x128xi32, #tpu.memory_space<hbm>>
          %dma_wait3A_114 = tpu.memref_squeeze %dma_wait3A_113 : memref<1x40x128xi32, #tpu.memory_space<hbm>> -> memref<40x128xi32, #tpu.memory_space<hbm>>
          tpu.wait_dma2 semaphore(%run_scoped3A : memref<!tpu.dma_semaphore, #tpu.memory_space<semaphore_mem>>) src(%dma_wait3A_114 : memref<40x128xi32, #tpu.memory_space<hbm>>) dst(%arg8 : memref<40x128xi32, #tpu.memory_space<vmem>>)
          tpu.yield
        }) : () -> ()
        "tpu.region"() ({
          %run_scoped3A = tpu.sem_alloc : memref<!tpu.dma_semaphore, #tpu.memory_space<semaphore_mem>>
          %dma_start3A_99 = arith.constant 40 : i32
          %dma_start3A_100 = arith.constant 0 : i32
          %dma_start3A_101 = tpu.memref_slice %arg4[%arg1, %dma_start3A_99, %dma_start3A_100] : memref<16x80x128xi32, #tpu.memory_space<hbm>> -> memref<1x40x128xi32, #tpu.memory_space<hbm>>
          %dma_start3A_102 = tpu.memref_squeeze %dma_start3A_101 : memref<1x40x128xi32, #tpu.memory_space<hbm>> -> memref<40x128xi32, #tpu.memory_space<hbm>>
          %dma_start3A_103 = arith.constant 40 : i32
          %dma_start3A_104 = arith.constant 0 : i32
          %dma_start3A_105 = tpu.memref_slice %arg4[%arg1, %dma_start3A_103, %dma_start3A_104] : memref<16x80x128xi32, #tpu.memory_space<hbm>> -> memref<1x40x128xi32, #tpu.memory_space<hbm>>
          %dma_start3A_106 = tpu.memref_squeeze %dma_start3A_105 : memref<1x40x128xi32, #tpu.memory_space<hbm>> -> memref<40x128xi32, #tpu.memory_space<hbm>>
          tpu.enqueue_dma source(%dma_start3A_106 : memref<40x128xi32, #tpu.memory_space<hbm>>) target(%arg9 : memref<40x128xi32, #tpu.memory_space<vmem>>) target_semaphore(%run_scoped3A : memref<!tpu.dma_semaphore, #tpu.memory_space<semaphore_mem>>)
          %dma_wait3A_107 = arith.constant 40 : i32
          %dma_wait3A_108 = arith.constant 0 : i32
          %dma_wait3A_109 = tpu.memref_slice %arg4[%arg1, %dma_wait3A_107, %dma_wait3A_108] : memref<16x80x128xi32, #tpu.memory_space<hbm>> -> memref<1x40x128xi32, #tpu.memory_space<hbm>>
          %dma_wait3A_110 = tpu.memref_squeeze %dma_wait3A_109 : memref<1x40x128xi32, #tpu.memory_space<hbm>> -> memref<40x128xi32, #tpu.memory_space<hbm>>
          %dma_wait3A_111 = arith.constant 40 : i32
          %dma_wait3A_112 = arith.constant 0 : i32
          %dma_wait3A_113 = tpu.memref_slice %arg4[%arg1, %dma_wait3A_111, %dma_wait3A_112] : memref<16x80x128xi32, #tpu.memory_space<hbm>> -> memref<1x40x128xi32, #tpu.memory_space<hbm>>
          %dma_wait3A_114 = tpu.memref_squeeze %dma_wait3A_113 : memref<1x40x128xi32, #tpu.memory_space<hbm>> -> memref<40x128xi32, #tpu.memory_space<hbm>>
          tpu.wait_dma2 semaphore(%run_scoped3A : memref<!tpu.dma_semaphore, #tpu.memory_space<semaphore_mem>>) src(%dma_wait3A_114 : memref<40x128xi32, #tpu.memory_space<hbm>>) dst(%arg9 : memref<40x128xi32, #tpu.memory_space<vmem>>)
          tpu.yield
        }) : () -> ()
      } else {
      }
      %eq3A_52 = arith.constant 1 : i32
      %eq3A_53 = arith.cmpi eq, %arg0, %eq3A_52 : i32
      %convert_element_type3A_54 = arith.extui %eq3A_53 : i1 to i32
      %cond3A_55 = arith.constant 0 : i32
      %cond3A_56 = arith.cmpi ne, %convert_element_type3A_54, %cond3A_55 : i32
      scf.if %cond3A_56 {
        "tpu.region"() ({
          %run_scoped3A = tpu.sem_alloc : memref<!tpu.dma_semaphore, #tpu.memory_space<semaphore_mem>>
          %dma_start3A_99 = arith.constant 40 : i32
          %dma_start3A_100 = arith.constant 0 : i32
          %dma_start3A_101 = tpu.memref_slice %arg5[%arg1, %dma_start3A_99, %dma_start3A_100] : memref<16x80x128xi32, #tpu.memory_space<hbm>> -> memref<1x40x128xi32, #tpu.memory_space<hbm>>
          %dma_start3A_102 = tpu.memref_squeeze %dma_start3A_101 : memref<1x40x128xi32, #tpu.memory_space<hbm>> -> memref<40x128xi32, #tpu.memory_space<hbm>>
          %dma_start3A_103 = arith.constant 40 : i32
          %dma_start3A_104 = arith.constant 0 : i32
          %dma_start3A_105 = tpu.memref_slice %arg5[%arg1, %dma_start3A_103, %dma_start3A_104] : memref<16x80x128xi32, #tpu.memory_space<hbm>> -> memref<1x40x128xi32, #tpu.memory_space<hbm>>
          %dma_start3A_106 = tpu.memref_squeeze %dma_start3A_105 : memref<1x40x128xi32, #tpu.memory_space<hbm>> -> memref<40x128xi32, #tpu.memory_space<hbm>>
          tpu.enqueue_dma source(%dma_start3A_106 : memref<40x128xi32, #tpu.memory_space<hbm>>) target(%arg8 : memref<40x128xi32, #tpu.memory_space<vmem>>) target_semaphore(%run_scoped3A : memref<!tpu.dma_semaphore, #tpu.memory_space<semaphore_mem>>)
          %dma_wait3A_107 = arith.constant 40 : i32
          %dma_wait3A_108 = arith.constant 0 : i32
          %dma_wait3A_109 = tpu.memref_slice %arg5[%arg1, %dma_wait3A_107, %dma_wait3A_108] : memref<16x80x128xi32, #tpu.memory_space<hbm>> -> memref<1x40x128xi32, #tpu.memory_space<hbm>>
          %dma_wait3A_110 = tpu.memref_squeeze %dma_wait3A_109 : memref<1x40x128xi32, #tpu.memory_space<hbm>> -> memref<40x128xi32, #tpu.memory_space<hbm>>
          %dma_wait3A_111 = arith.constant 40 : i32
          %dma_wait3A_112 = arith.constant 0 : i32
          %dma_wait3A_113 = tpu.memref_slice %arg5[%arg1, %dma_wait3A_111, %dma_wait3A_112] : memref<16x80x128xi32, #tpu.memory_space<hbm>> -> memref<1x40x128xi32, #tpu.memory_space<hbm>>
          %dma_wait3A_114 = tpu.memref_squeeze %dma_wait3A_113 : memref<1x40x128xi32, #tpu.memory_space<hbm>> -> memref<40x128xi32, #tpu.memory_space<hbm>>
          tpu.wait_dma2 semaphore(%run_scoped3A : memref<!tpu.dma_semaphore, #tpu.memory_space<semaphore_mem>>) src(%dma_wait3A_114 : memref<40x128xi32, #tpu.memory_space<hbm>>) dst(%arg8 : memref<40x128xi32, #tpu.memory_space<vmem>>)
          tpu.yield
        }) : () -> ()
        "tpu.region"() ({
          %run_scoped3A = tpu.sem_alloc : memref<!tpu.dma_semaphore, #tpu.memory_space<semaphore_mem>>
          %dma_start3A_99 = arith.constant 40 : i32
          %dma_start3A_100 = arith.constant 0 : i32
          %dma_start3A_101 = tpu.memref_slice %arg6[%arg1, %dma_start3A_99, %dma_start3A_100] : memref<16x80x128xi32, #tpu.memory_space<hbm>> -> memref<1x40x128xi32, #tpu.memory_space<hbm>>
          %dma_start3A_102 = tpu.memref_squeeze %dma_start3A_101 : memref<1x40x128xi32, #tpu.memory_space<hbm>> -> memref<40x128xi32, #tpu.memory_space<hbm>>
          %dma_start3A_103 = arith.constant 40 : i32
          %dma_start3A_104 = arith.constant 0 : i32
          %dma_start3A_105 = tpu.memref_slice %arg6[%arg1, %dma_start3A_103, %dma_start3A_104] : memref<16x80x128xi32, #tpu.memory_space<hbm>> -> memref<1x40x128xi32, #tpu.memory_space<hbm>>
          %dma_start3A_106 = tpu.memref_squeeze %dma_start3A_105 : memref<1x40x128xi32, #tpu.memory_space<hbm>> -> memref<40x128xi32, #tpu.memory_space<hbm>>
          tpu.enqueue_dma source(%dma_start3A_106 : memref<40x128xi32, #tpu.memory_space<hbm>>) target(%arg9 : memref<40x128xi32, #tpu.memory_space<vmem>>) target_semaphore(%run_scoped3A : memref<!tpu.dma_semaphore, #tpu.memory_space<semaphore_mem>>)
          %dma_wait3A_107 = arith.constant 40 : i32
          %dma_wait3A_108 = arith.constant 0 : i32
          %dma_wait3A_109 = tpu.memref_slice %arg6[%arg1, %dma_wait3A_107, %dma_wait3A_108] : memref<16x80x128xi32, #tpu.memory_space<hbm>> -> memref<1x40x128xi32, #tpu.memory_space<hbm>>
          %dma_wait3A_110 = tpu.memref_squeeze %dma_wait3A_109 : memref<1x40x128xi32, #tpu.memory_space<hbm>> -> memref<40x128xi32, #tpu.memory_space<hbm>>
          %dma_wait3A_111 = arith.constant 40 : i32
          %dma_wait3A_112 = arith.constant 0 : i32
          %dma_wait3A_113 = tpu.memref_slice %arg6[%arg1, %dma_wait3A_111, %dma_wait3A_112] : memref<16x80x128xi32, #tpu.memory_space<hbm>> -> memref<1x40x128xi32, #tpu.memory_space<hbm>>
          %dma_wait3A_114 = tpu.memref_squeeze %dma_wait3A_113 : memref<1x40x128xi32, #tpu.memory_space<hbm>> -> memref<40x128xi32, #tpu.memory_space<hbm>>
          tpu.wait_dma2 semaphore(%run_scoped3A : memref<!tpu.dma_semaphore, #tpu.memory_space<semaphore_mem>>) src(%dma_wait3A_114 : memref<40x128xi32, #tpu.memory_space<hbm>>) dst(%arg9 : memref<40x128xi32, #tpu.memory_space<vmem>>)
          tpu.yield
        }) : () -> ()
      } else {
      }
      %dma_start3A = arith.constant 0 : i32
      %dma_start3A_57 = arith.constant 0 : i32
      %dma_start3A_58 = tpu.memref_slice %arg8[%dma_start3A, %dma_start3A_57] : memref<40x128xi32, #tpu.memory_space<vmem>> -> memref<1x128xi32, #tpu.memory_space<vmem>>
      %dma_start3A_59 = tpu.memref_squeeze %dma_start3A_58 : memref<1x128xi32, #tpu.memory_space<vmem>> -> memref<128xi32, #tpu.memory_space<vmem>>
      %dma_start3A_60 = arith.constant 0 : i32
      %dma_start3A_61 = arith.constant 0 : i32
      %dma_start3A_62 = tpu.memref_slice %arg2[%dma_start3A_60, %dma_start3A_61] : memref<10240x128xf32, #tpu.memory_space<hbm>> -> memref<10240x128xf32, #tpu.memory_space<hbm>>
      tpu.enqueue_indirect_dma source(%dma_start3A_62 : memref<10240x128xf32, #tpu.memory_space<hbm>>) target(%arg10 : memref<128x128xf32, #tpu.memory_space<vmem>>) offsets(%dma_start3A_59 : memref<128xi32, #tpu.memory_space<vmem>>) semaphore(%arg12 : memref<!tpu.dma_semaphore, #tpu.memory_space<semaphore_mem>>)
      %jit3A_63 = arith.constant 2 : i32
      %div3A = arith.divsi %min3A_36, %jit3A_63 : i32
      %sign3A = arith.constant 0 : i32
      %sign3A_64 = arith.cmpi sgt, %min3A_36, %sign3A : i32
      %sign3A_65 = arith.extui %sign3A_64 : i1 to i32
      %sign3A_66 = arith.constant 0 : i32
      %sign3A_67 = arith.cmpi slt, %min3A_36, %sign3A_66 : i32
      %sign3A_68 = arith.extui %sign3A_67 : i1 to i32
      %sign3A_69 = arith.subi %sign3A_65, %sign3A_68 : i32
      %sign3A_70 = arith.constant 0 : i32
      %sign3A_71 = arith.cmpi sgt, %jit3A_63, %sign3A_70 : i32
      %sign3A_72 = arith.extui %sign3A_71 : i1 to i32
      %sign3A_73 = arith.constant 0 : i32
      %sign3A_74 = arith.cmpi slt, %jit3A_63, %sign3A_73 : i32
      %sign3A_75 = arith.extui %sign3A_74 : i1 to i32
      %sign3A_76 = arith.subi %sign3A_72, %sign3A_75 : i32
      %ne3A = arith.cmpi ne, %sign3A_69, %sign3A_76 : i32
      %rem3A = arith.remsi %min3A_36, %jit3A_63 : i32
      %ne3A_77 = arith.constant 0 : i32
      %ne3A_78 = arith.cmpi ne, %rem3A, %ne3A_77 : i32
      %and3A = arith.andi %ne3A, %ne3A_78 : i1
      %sub3A_79 = arith.constant 1 : i32
      %sub3A_80 = arith.subi %div3A, %sub3A_79 : i32
      %select_n3A_81 = arith.select %and3A, %sub3A_80, %div3A : i32
      %while3A = arith.constant 0 : i32
      %while3A_82 = arith.constant 0 : i32
      %while3A_83 = arith.subi %select_n3A_81, %while3A : i32
      %while3A_84 = arith.addi %while3A, %while3A_83 : i32
      %while3A_85 = arith.constant 1 : i32
      %while3A_86 = arith.divsi %while3A_83, %while3A_85 : i32
      %while3A_87 = arith.muli %while3A_86, %while3A_85 : i32
      %while3A_88 = arith.addi %while3A, %while3A_87 : i32
      %while3A_89 = arith.constant 1 : i32
      %while3A_90 = scf.for %while3A_99 = %while3A to %while3A_88 step %while3A_89 iter_args(%while3A_100 = %while3A_82) -> (i32)  : i32 {
        %mul3A_101 = arith.constant 2 : i32
        %mul3A_102 = arith.muli %mul3A_101, %while3A_99 : i32
        %add3A_103 = arith.constant 1 : i32
        %add3A_104 = arith.addi %mul3A_102, %add3A_103 : i32
        %dma_start3A_105 = arith.constant 0 : i32
        %dma_start3A_106 = tpu.memref_slice %arg8[%add3A_104, %dma_start3A_105] : memref<40x128xi32, #tpu.memory_space<vmem>> -> memref<1x128xi32, #tpu.memory_space<vmem>>
        %dma_start3A_107 = tpu.memref_squeeze %dma_start3A_106 : memref<1x128xi32, #tpu.memory_space<vmem>> -> memref<128xi32, #tpu.memory_space<vmem>>
        %dma_start3A_108 = arith.constant 0 : i32
        %dma_start3A_109 = arith.constant 0 : i32
        %dma_start3A_110 = tpu.memref_slice %arg2[%dma_start3A_108, %dma_start3A_109] : memref<10240x128xf32, #tpu.memory_space<hbm>> -> memref<10240x128xf32, #tpu.memory_space<hbm>>
        tpu.enqueue_indirect_dma source(%dma_start3A_110 : memref<10240x128xf32, #tpu.memory_space<hbm>>) target(%arg11 : memref<128x128xf32, #tpu.memory_space<vmem>>) offsets(%dma_start3A_107 : memref<128xi32, #tpu.memory_space<vmem>>) semaphore(%arg13 : memref<!tpu.dma_semaphore, #tpu.memory_space<semaphore_mem>>)
        %dma_wait3A_111 = arith.constant 0 : i32
        %dma_wait3A_112 = arith.constant 0 : i32
        %dma_wait3A_113 = tpu.memref_slice %arg8[%dma_wait3A_111, %dma_wait3A_112] : memref<40x128xi32, #tpu.memory_space<vmem>> -> memref<1x128xi32, #tpu.memory_space<vmem>>
        %dma_wait3A_114 = tpu.memref_squeeze %dma_wait3A_113 : memref<1x128xi32, #tpu.memory_space<vmem>> -> memref<128xi32, #tpu.memory_space<vmem>>
        %dma_wait3A_115 = arith.constant 0 : i32
        %dma_wait3A_116 = arith.constant 0 : i32
        %dma_wait3A_117 = tpu.memref_slice %arg2[%dma_wait3A_115, %dma_wait3A_116] : memref<10240x128xf32, #tpu.memory_space<hbm>> -> memref<10240x128xf32, #tpu.memory_space<hbm>>
        tpu.wait_indirect_dma semaphore(%arg12 : memref<!tpu.dma_semaphore, #tpu.memory_space<semaphore_mem>>) src(%dma_wait3A_117 : memref<10240x128xf32, #tpu.memory_space<hbm>>) dst(%arg10 : memref<128x128xf32, #tpu.memory_space<vmem>>)
        "tpu.region"() ({
          %run_scoped3A = tpu.sem_alloc : memref<!tpu.dma_semaphore, #tpu.memory_space<semaphore_mem>>
          %dma_start3A_136 = arith.constant 0 : i32
          %dma_start3A_137 = tpu.memref_slice %arg9[%mul3A_102, %dma_start3A_136] : memref<40x128xi32, #tpu.memory_space<vmem>> -> memref<1x128xi32, #tpu.memory_space<vmem>>
          %dma_start3A_138 = tpu.memref_squeeze %dma_start3A_137 : memref<1x128xi32, #tpu.memory_space<vmem>> -> memref<128xi32, #tpu.memory_space<vmem>>
          %dma_start3A_139 = arith.constant 0 : i32
          %dma_start3A_140 = arith.constant 0 : i32
          %dma_start3A_141 = tpu.memref_slice %arg14[%dma_start3A_139, %dma_start3A_140] : memref<10240x128xf32, #tpu.memory_space<vmem_shared>> -> memref<10240x128xf32, #tpu.memory_space<vmem_shared>>
          tpu.enqueue_indirect_dma source(%arg10 : memref<128x128xf32, #tpu.memory_space<vmem>>) target(%dma_start3A_141 : memref<10240x128xf32, #tpu.memory_space<vmem_shared>>) offsets(%dma_start3A_138 : memref<128xi32, #tpu.memory_space<vmem>>) semaphore(%run_scoped3A : memref<!tpu.dma_semaphore, #tpu.memory_space<semaphore_mem>>) {add = true}
          %dma_wait3A_142 = arith.constant 0 : i32
          %dma_wait3A_143 = tpu.memref_slice %arg9[%mul3A_102, %dma_wait3A_142] : memref<40x128xi32, #tpu.memory_space<vmem>> -> memref<1x128xi32, #tpu.memory_space<vmem>>
          %dma_wait3A_144 = tpu.memref_squeeze %dma_wait3A_143 : memref<1x128xi32, #tpu.memory_space<vmem>> -> memref<128xi32, #tpu.memory_space<vmem>>
          %dma_wait3A_145 = arith.constant 0 : i32
          %dma_wait3A_146 = arith.constant 0 : i32
          %dma_wait3A_147 = tpu.memref_slice %arg14[%dma_wait3A_145, %dma_wait3A_146] : memref<10240x128xf32, #tpu.memory_space<vmem_shared>> -> memref<10240x128xf32, #tpu.memory_space<vmem_shared>>
          tpu.wait_indirect_dma semaphore(%run_scoped3A : memref<!tpu.dma_semaphore, #tpu.memory_space<semaphore_mem>>) src(%arg10 : memref<128x128xf32, #tpu.memory_space<vmem>>) dst(%dma_wait3A_147 : memref<10240x128xf32, #tpu.memory_space<vmem_shared>>)
          tpu.yield
        }) : () -> ()
        %add3A_118 = arith.constant 2 : i32
        %add3A_119 = arith.addi %mul3A_102, %add3A_118 : i32
        %sub3A_120 = arith.constant 1 : i32
        %sub3A_121 = arith.subi %min3A_36, %sub3A_120 : i32
        %min3A_122 = arith.minsi %add3A_119, %sub3A_121 : i32
        %dma_start3A_123 = arith.constant 0 : i32
        %dma_start3A_124 = tpu.memref_slice %arg8[%min3A_122, %dma_start3A_123] : memref<40x128xi32, #tpu.memory_space<vmem>> -> memref<1x128xi32, #tpu.memory_space<vmem>>
        %dma_start3A_125 = tpu.memref_squeeze %dma_start3A_124 : memref<1x128xi32, #tpu.memory_space<vmem>> -> memref<128xi32, #tpu.memory_space<vmem>>
        %dma_start3A_126 = arith.constant 0 : i32
        %dma_start3A_127 = arith.constant 0 : i32
        %dma_start3A_128 = tpu.memref_slice %arg2[%dma_start3A_126, %dma_start3A_127] : memref<10240x128xf32, #tpu.memory_space<hbm>> -> memref<10240x128xf32, #tpu.memory_space<hbm>>
        tpu.enqueue_indirect_dma source(%dma_start3A_128 : memref<10240x128xf32, #tpu.memory_space<hbm>>) target(%arg10 : memref<128x128xf32, #tpu.memory_space<vmem>>) offsets(%dma_start3A_125 : memref<128xi32, #tpu.memory_space<vmem>>) semaphore(%arg12 : memref<!tpu.dma_semaphore, #tpu.memory_space<semaphore_mem>>)
        %dma_wait3A_129 = arith.constant 0 : i32
        %dma_wait3A_130 = tpu.memref_slice %arg8[%add3A_104, %dma_wait3A_129] : memref<40x128xi32, #tpu.memory_space<vmem>> -> memref<1x128xi32, #tpu.memory_space<vmem>>
        %dma_wait3A_131 = tpu.memref_squeeze %dma_wait3A_130 : memref<1x128xi32, #tpu.memory_space<vmem>> -> memref<128xi32, #tpu.memory_space<vmem>>
        %dma_wait3A_132 = arith.constant 0 : i32
        %dma_wait3A_133 = arith.constant 0 : i32
        %dma_wait3A_134 = tpu.memref_slice %arg2[%dma_wait3A_132, %dma_wait3A_133] : memref<10240x128xf32, #tpu.memory_space<hbm>> -> memref<10240x128xf32, #tpu.memory_space<hbm>>
        tpu.wait_indirect_dma semaphore(%arg13 : memref<!tpu.dma_semaphore, #tpu.memory_space<semaphore_mem>>) src(%dma_wait3A_134 : memref<10240x128xf32, #tpu.memory_space<hbm>>) dst(%arg11 : memref<128x128xf32, #tpu.memory_space<vmem>>)
        "tpu.region"() ({
          %run_scoped3A = tpu.sem_alloc : memref<!tpu.dma_semaphore, #tpu.memory_space<semaphore_mem>>
          %dma_start3A_136 = arith.constant 0 : i32
          %dma_start3A_137 = tpu.memref_slice %arg9[%add3A_104, %dma_start3A_136] : memref<40x128xi32, #tpu.memory_space<vmem>> -> memref<1x128xi32, #tpu.memory_space<vmem>>
          %dma_start3A_138 = tpu.memref_squeeze %dma_start3A_137 : memref<1x128xi32, #tpu.memory_space<vmem>> -> memref<128xi32, #tpu.memory_space<vmem>>
          %dma_start3A_139 = arith.constant 0 : i32
          %dma_start3A_140 = arith.constant 0 : i32
          %dma_start3A_141 = tpu.memref_slice %arg14[%dma_start3A_139, %dma_start3A_140] : memref<10240x128xf32, #tpu.memory_space<vmem_shared>> -> memref<10240x128xf32, #tpu.memory_space<vmem_shared>>
          tpu.enqueue_indirect_dma source(%arg11 : memref<128x128xf32, #tpu.memory_space<vmem>>) target(%dma_start3A_141 : memref<10240x128xf32, #tpu.memory_space<vmem_shared>>) offsets(%dma_start3A_138 : memref<128xi32, #tpu.memory_space<vmem>>) semaphore(%run_scoped3A : memref<!tpu.dma_semaphore, #tpu.memory_space<semaphore_mem>>) {add = true}
          %dma_wait3A_142 = arith.constant 0 : i32
          %dma_wait3A_143 = tpu.memref_slice %arg9[%add3A_104, %dma_wait3A_142] : memref<40x128xi32, #tpu.memory_space<vmem>> -> memref<1x128xi32, #tpu.memory_space<vmem>>
          %dma_wait3A_144 = tpu.memref_squeeze %dma_wait3A_143 : memref<1x128xi32, #tpu.memory_space<vmem>> -> memref<128xi32, #tpu.memory_space<vmem>>
          %dma_wait3A_145 = arith.constant 0 : i32
          %dma_wait3A_146 = arith.constant 0 : i32
          %dma_wait3A_147 = tpu.memref_slice %arg14[%dma_wait3A_145, %dma_wait3A_146] : memref<10240x128xf32, #tpu.memory_space<vmem_shared>> -> memref<10240x128xf32, #tpu.memory_space<vmem_shared>>
          tpu.wait_indirect_dma semaphore(%run_scoped3A : memref<!tpu.dma_semaphore, #tpu.memory_space<semaphore_mem>>) src(%arg11 : memref<128x128xf32, #tpu.memory_space<vmem>>) dst(%dma_wait3A_147 : memref<10240x128xf32, #tpu.memory_space<vmem_shared>>)
          tpu.yield
        }) : () -> ()
        %while3A_135 = arith.constant 0 : i32
        scf.yield %while3A_135 : i32
      }
      %while3A_91 = arith.constant 1 : i32
      %while3A_92 = scf.for %while3A_99 = %while3A_88 to %while3A_84 step %while3A_91 iter_args(%while3A_100 = %while3A_90) -> (i32)  : i32 {
        %mul3A_101 = arith.constant 2 : i32
        %mul3A_102 = arith.muli %mul3A_101, %while3A_99 : i32
        %add3A_103 = arith.constant 1 : i32
        %add3A_104 = arith.addi %mul3A_102, %add3A_103 : i32
        %dma_start3A_105 = arith.constant 0 : i32
        %dma_start3A_106 = tpu.memref_slice %arg8[%add3A_104, %dma_start3A_105] : memref<40x128xi32, #tpu.memory_space<vmem>> -> memref<1x128xi32, #tpu.memory_space<vmem>>
        %dma_start3A_107 = tpu.memref_squeeze %dma_start3A_106 : memref<1x128xi32, #tpu.memory_space<vmem>> -> memref<128xi32, #tpu.memory_space<vmem>>
        %dma_start3A_108 = arith.constant 0 : i32
        %dma_start3A_109 = arith.constant 0 : i32
        %dma_start3A_110 = tpu.memref_slice %arg2[%dma_start3A_108, %dma_start3A_109] : memref<10240x128xf32, #tpu.memory_space<hbm>> -> memref<10240x128xf32, #tpu.memory_space<hbm>>
        tpu.enqueue_indirect_dma source(%dma_start3A_110 : memref<10240x128xf32, #tpu.memory_space<hbm>>) target(%arg11 : memref<128x128xf32, #tpu.memory_space<vmem>>) offsets(%dma_start3A_107 : memref<128xi32, #tpu.memory_space<vmem>>) semaphore(%arg13 : memref<!tpu.dma_semaphore, #tpu.memory_space<semaphore_mem>>)
        %dma_wait3A_111 = arith.constant 0 : i32
        %dma_wait3A_112 = arith.constant 0 : i32
        %dma_wait3A_113 = tpu.memref_slice %arg8[%dma_wait3A_111, %dma_wait3A_112] : memref<40x128xi32, #tpu.memory_space<vmem>> -> memref<1x128xi32, #tpu.memory_space<vmem>>
        %dma_wait3A_114 = tpu.memref_squeeze %dma_wait3A_113 : memref<1x128xi32, #tpu.memory_space<vmem>> -> memref<128xi32, #tpu.memory_space<vmem>>
        %dma_wait3A_115 = arith.constant 0 : i32
        %dma_wait3A_116 = arith.constant 0 : i32
        %dma_wait3A_117 = tpu.memref_slice %arg2[%dma_wait3A_115, %dma_wait3A_116] : memref<10240x128xf32, #tpu.memory_space<hbm>> -> memref<10240x128xf32, #tpu.memory_space<hbm>>
        tpu.wait_indirect_dma semaphore(%arg12 : memref<!tpu.dma_semaphore, #tpu.memory_space<semaphore_mem>>) src(%dma_wait3A_117 : memref<10240x128xf32, #tpu.memory_space<hbm>>) dst(%arg10 : memref<128x128xf32, #tpu.memory_space<vmem>>)
        "tpu.region"() ({
          %run_scoped3A = tpu.sem_alloc : memref<!tpu.dma_semaphore, #tpu.memory_space<semaphore_mem>>
          %dma_start3A_136 = arith.constant 0 : i32
          %dma_start3A_137 = tpu.memref_slice %arg9[%mul3A_102, %dma_start3A_136] : memref<40x128xi32, #tpu.memory_space<vmem>> -> memref<1x128xi32, #tpu.memory_space<vmem>>
          %dma_start3A_138 = tpu.memref_squeeze %dma_start3A_137 : memref<1x128xi32, #tpu.memory_space<vmem>> -> memref<128xi32, #tpu.memory_space<vmem>>
          %dma_start3A_139 = arith.constant 0 : i32
          %dma_start3A_140 = arith.constant 0 : i32
          %dma_start3A_141 = tpu.memref_slice %arg14[%dma_start3A_139, %dma_start3A_140] : memref<10240x128xf32, #tpu.memory_space<vmem_shared>> -> memref<10240x128xf32, #tpu.memory_space<vmem_shared>>
          tpu.enqueue_indirect_dma source(%arg10 : memref<128x128xf32, #tpu.memory_space<vmem>>) target(%dma_start3A_141 : memref<10240x128xf32, #tpu.memory_space<vmem_shared>>) offsets(%dma_start3A_138 : memref<128xi32, #tpu.memory_space<vmem>>) semaphore(%run_scoped3A : memref<!tpu.dma_semaphore, #tpu.memory_space<semaphore_mem>>) {add = true}
          %dma_wait3A_142 = arith.constant 0 : i32
          %dma_wait3A_143 = tpu.memref_slice %arg9[%mul3A_102, %dma_wait3A_142] : memref<40x128xi32, #tpu.memory_space<vmem>> -> memref<1x128xi32, #tpu.memory_space<vmem>>
          %dma_wait3A_144 = tpu.memref_squeeze %dma_wait3A_143 : memref<1x128xi32, #tpu.memory_space<vmem>> -> memref<128xi32, #tpu.memory_space<vmem>>
          %dma_wait3A_145 = arith.constant 0 : i32
          %dma_wait3A_146 = arith.constant 0 : i32
          %dma_wait3A_147 = tpu.memref_slice %arg14[%dma_wait3A_145, %dma_wait3A_146] : memref<10240x128xf32, #tpu.memory_space<vmem_shared>> -> memref<10240x128xf32, #tpu.memory_space<vmem_shared>>
          tpu.wait_indirect_dma semaphore(%run_scoped3A : memref<!tpu.dma_semaphore, #tpu.memory_space<semaphore_mem>>) src(%arg10 : memref<128x128xf32, #tpu.memory_space<vmem>>) dst(%dma_wait3A_147 : memref<10240x128xf32, #tpu.memory_space<vmem_shared>>)
          tpu.yield
        }) : () -> ()
        %add3A_118 = arith.constant 2 : i32
        %add3A_119 = arith.addi %mul3A_102, %add3A_118 : i32
        %sub3A_120 = arith.constant 1 : i32
        %sub3A_121 = arith.subi %min3A_36, %sub3A_120 : i32
        %min3A_122 = arith.minsi %add3A_119, %sub3A_121 : i32
        %dma_start3A_123 = arith.constant 0 : i32
        %dma_start3A_124 = tpu.memref_slice %arg8[%min3A_122, %dma_start3A_123] : memref<40x128xi32, #tpu.memory_space<vmem>> -> memref<1x128xi32, #tpu.memory_space<vmem>>
        %dma_start3A_125 = tpu.memref_squeeze %dma_start3A_124 : memref<1x128xi32, #tpu.memory_space<vmem>> -> memref<128xi32, #tpu.memory_space<vmem>>
        %dma_start3A_126 = arith.constant 0 : i32
        %dma_start3A_127 = arith.constant 0 : i32
        %dma_start3A_128 = tpu.memref_slice %arg2[%dma_start3A_126, %dma_start3A_127] : memref<10240x128xf32, #tpu.memory_space<hbm>> -> memref<10240x128xf32, #tpu.memory_space<hbm>>
        tpu.enqueue_indirect_dma source(%dma_start3A_128 : memref<10240x128xf32, #tpu.memory_space<hbm>>) target(%arg10 : memref<128x128xf32, #tpu.memory_space<vmem>>) offsets(%dma_start3A_125 : memref<128xi32, #tpu.memory_space<vmem>>) semaphore(%arg12 : memref<!tpu.dma_semaphore, #tpu.memory_space<semaphore_mem>>)
        %dma_wait3A_129 = arith.constant 0 : i32
        %dma_wait3A_130 = tpu.memref_slice %arg8[%add3A_104, %dma_wait3A_129] : memref<40x128xi32, #tpu.memory_space<vmem>> -> memref<1x128xi32, #tpu.memory_space<vmem>>
        %dma_wait3A_131 = tpu.memref_squeeze %dma_wait3A_130 : memref<1x128xi32, #tpu.memory_space<vmem>> -> memref<128xi32, #tpu.memory_space<vmem>>
        %dma_wait3A_132 = arith.constant 0 : i32
        %dma_wait3A_133 = arith.constant 0 : i32
        %dma_wait3A_134 = tpu.memref_slice %arg2[%dma_wait3A_132, %dma_wait3A_133] : memref<10240x128xf32, #tpu.memory_space<hbm>> -> memref<10240x128xf32, #tpu.memory_space<hbm>>
        tpu.wait_indirect_dma semaphore(%arg13 : memref<!tpu.dma_semaphore, #tpu.memory_space<semaphore_mem>>) src(%dma_wait3A_134 : memref<10240x128xf32, #tpu.memory_space<hbm>>) dst(%arg11 : memref<128x128xf32, #tpu.memory_space<vmem>>)
        "tpu.region"() ({
          %run_scoped3A = tpu.sem_alloc : memref<!tpu.dma_semaphore, #tpu.memory_space<semaphore_mem>>
          %dma_start3A_136 = arith.constant 0 : i32
          %dma_start3A_137 = tpu.memref_slice %arg9[%add3A_104, %dma_start3A_136] : memref<40x128xi32, #tpu.memory_space<vmem>> -> memref<1x128xi32, #tpu.memory_space<vmem>>
          %dma_start3A_138 = tpu.memref_squeeze %dma_start3A_137 : memref<1x128xi32, #tpu.memory_space<vmem>> -> memref<128xi32, #tpu.memory_space<vmem>>
          %dma_start3A_139 = arith.constant 0 : i32
          %dma_start3A_140 = arith.constant 0 : i32
          %dma_start3A_141 = tpu.memref_slice %arg14[%dma_start3A_139, %dma_start3A_140] : memref<10240x128xf32, #tpu.memory_space<vmem_shared>> -> memref<10240x128xf32, #tpu.memory_space<vmem_shared>>
          tpu.enqueue_indirect_dma source(%arg11 : memref<128x128xf32, #tpu.memory_space<vmem>>) target(%dma_start3A_141 : memref<10240x128xf32, #tpu.memory_space<vmem_shared>>) offsets(%dma_start3A_138 : memref<128xi32, #tpu.memory_space<vmem>>) semaphore(%run_scoped3A : memref<!tpu.dma_semaphore, #tpu.memory_space<semaphore_mem>>) {add = true}
          %dma_wait3A_142 = arith.constant 0 : i32
          %dma_wait3A_143 = tpu.memref_slice %arg9[%add3A_104, %dma_wait3A_142] : memref<40x128xi32, #tpu.memory_space<vmem>> -> memref<1x128xi32, #tpu.memory_space<vmem>>
          %dma_wait3A_144 = tpu.memref_squeeze %dma_wait3A_143 : memref<1x128xi32, #tpu.memory_space<vmem>> -> memref<128xi32, #tpu.memory_space<vmem>>
          %dma_wait3A_145 = arith.constant 0 : i32
          %dma_wait3A_146 = arith.constant 0 : i32
          %dma_wait3A_147 = tpu.memref_slice %arg14[%dma_wait3A_145, %dma_wait3A_146] : memref<10240x128xf32, #tpu.memory_space<vmem_shared>> -> memref<10240x128xf32, #tpu.memory_space<vmem_shared>>
          tpu.wait_indirect_dma semaphore(%run_scoped3A : memref<!tpu.dma_semaphore, #tpu.memory_space<semaphore_mem>>) src(%arg11 : memref<128x128xf32, #tpu.memory_space<vmem>>) dst(%dma_wait3A_147 : memref<10240x128xf32, #tpu.memory_space<vmem_shared>>)
          tpu.yield
        }) : () -> ()
        %while3A_135 = arith.constant 0 : i32
        scf.yield %while3A_135 : i32
      }
      %dma_wait3A = arith.constant 0 : i32
      %dma_wait3A_93 = arith.constant 0 : i32
      %dma_wait3A_94 = tpu.memref_slice %arg8[%dma_wait3A, %dma_wait3A_93] : memref<40x128xi32, #tpu.memory_space<vmem>> -> memref<1x128xi32, #tpu.memory_space<vmem>>
      %dma_wait3A_95 = tpu.memref_squeeze %dma_wait3A_94 : memref<1x128xi32, #tpu.memory_space<vmem>> -> memref<128xi32, #tpu.memory_space<vmem>>
      %dma_wait3A_96 = arith.constant 0 : i32
      %dma_wait3A_97 = arith.constant 0 : i32
      %dma_wait3A_98 = tpu.memref_slice %arg2[%dma_wait3A_96, %dma_wait3A_97] : memref<10240x128xf32, #tpu.memory_space<hbm>> -> memref<10240x128xf32, #tpu.memory_space<hbm>>
      tpu.wait_indirect_dma semaphore(%arg12 : memref<!tpu.dma_semaphore, #tpu.memory_space<semaphore_mem>>) src(%dma_wait3A_98 : memref<10240x128xf32, #tpu.memory_space<hbm>>) dst(%arg10 : memref<128x128xf32, #tpu.memory_space<vmem>>)
    } else {
    }
    %barrier3A_42 = arith.constant 0 : index
    tpu.barrier barrier_id(%barrier3A_42)
    %mul3A_43 = arith.constant 640 : i32
    %mul3A_44 = arith.muli %arg1, %mul3A_43 : i32
    %mul3A_45 = arith.constant 640 : i32
    %mul3A_46 = arith.muli %arg1, %mul3A_45 : i32
    "tpu.region"() ({
      %run_scoped3A = tpu.sem_alloc : memref<!tpu.dma_semaphore, #tpu.memory_space<semaphore_mem>>
      %dma_start3A = arith.constant 0 : i32
      %dma_start3A_47 = tpu.memref_slice %arg7[%arg0, %mul3A_46, %dma_start3A] : memref<2x10240x128xf32, #tpu.memory_space<hbm>> -> memref<1x640x128xf32, #tpu.memory_space<hbm>>
      %dma_start3A_48 = tpu.memref_squeeze %dma_start3A_47 : memref<1x640x128xf32, #tpu.memory_space<hbm>> -> memref<640x128xf32, #tpu.memory_space<hbm>>
      %dma_start3A_49 = arith.constant 0 : i32
      %dma_start3A_50 = tpu.memref_slice %arg14[%mul3A_44, %dma_start3A_49] : memref<10240x128xf32, #tpu.memory_space<vmem_shared>> -> memref<640x128xf32, #tpu.memory_space<vmem_shared>>
      tpu.enqueue_dma source(%dma_start3A_50 : memref<640x128xf32, #tpu.memory_space<vmem_shared>>) target(%dma_start3A_48 : memref<640x128xf32, #tpu.memory_space<hbm>>) target_semaphore(%run_scoped3A : memref<!tpu.dma_semaphore, #tpu.memory_space<semaphore_mem>>)
      %dma_wait3A = arith.constant 0 : i32
      %dma_wait3A_51 = tpu.memref_slice %arg7[%arg0, %mul3A_46, %dma_wait3A] : memref<2x10240x128xf32, #tpu.memory_space<hbm>> -> memref<1x640x128xf32, #tpu.memory_space<hbm>>
      %dma_wait3A_52 = tpu.memref_squeeze %dma_wait3A_51 : memref<1x640x128xf32, #tpu.memory_space<hbm>> -> memref<640x128xf32, #tpu.memory_space<hbm>>
      %dma_wait3A_53 = arith.constant 0 : i32
      %dma_wait3A_54 = tpu.memref_slice %arg14[%mul3A_44, %dma_wait3A_53] : memref<10240x128xf32, #tpu.memory_space<vmem_shared>> -> memref<640x128xf32, #tpu.memory_space<vmem_shared>>
      tpu.wait_dma2 semaphore(%run_scoped3A : memref<!tpu.dma_semaphore, #tpu.memory_space<semaphore_mem>>) src(%dma_wait3A_54 : memref<640x128xf32, #tpu.memory_space<vmem_shared>>) dst(%dma_wait3A_52 : memref<640x128xf32, #tpu.memory_space<hbm>>)
      tpu.yield
    }) : () -> ()
    return
  }
}

#map = affine_map<(d0, d1) -> (0, 0)>
#map1 = affine_map<(d0, d1) -> (0, 0, 0)>
module attributes {stable_mosaic.version = 14 : i64} {
  func.func @hop_kernel(%arg0: i32, %arg1: i32, %arg2: memref<10240x128xf32, #tpu.memory_space<hbm>>, %arg3: memref<16x80x128xi32, #tpu.memory_space<hbm>>, %arg4: memref<16x80x128xi32, #tpu.memory_space<hbm>>, %arg5: memref<16x80x128xi32, #tpu.memory_space<hbm>>, %arg6: memref<16x80x128xi32, #tpu.memory_space<hbm>>, %arg7: memref<2x10240x128xf32, #tpu.memory_space<hbm>>, %arg8: memref<40x128xi32, #tpu.memory_space<vmem>>, %arg9: memref<40x128xi32, #tpu.memory_space<vmem>>, %arg10: memref<128x128xf32, #tpu.memory_space<vmem>>, %arg11: memref<128x128xf32, #tpu.memory_space<vmem>>, %arg12: memref<!tpu.dma_semaphore, #tpu.memory_space<semaphore_mem>>, %arg13: memref<!tpu.dma_semaphore, #tpu.memory_space<semaphore_mem>>, %arg14: memref<10240x128xf32, #tpu.memory_space<vmem_shared>>) attributes {dimension_semantics = [#tpu.dimension_semantics<core_parallel>, #tpu.dimension_semantics<subcore_parallel>], iteration_bounds = array<i64: 2, 16>, scalar_prefetch = 0 : i64, scratch_operands = 7 : i64, tpu.core_type = #tpu.core_type<sc_vector_subcore>, window_params = [{transform_indices = #map}, {transform_indices = #map1}, {transform_indices = #map1}, {transform_indices = #map1}, {transform_indices = #map1}, {transform_indices = #map1}]} {
    %eq3A = arith.constant 0 : i32
    %eq3A_0 = arith.cmpi eq, %arg0, %eq3A : i32
    %jit3A = arith.constant 80 : i32
    %jit3A_1 = arith.constant 80 : i32
    %select_n3A = arith.select %eq3A_0, %jit3A, %jit3A_1 : i32
    %scan3A = arith.constant 0 : i32
    %scan3A_2 = arith.constant 0 : i32
    %scan3A_3 = arith.constant 128 : i32
    %scan3A_4 = arith.addi %scan3A_2, %scan3A_3 : i32
    %scan3A_5 = arith.constant 1 : i32
    %scan3A_6 = scf.for %scan3A_47 = %scan3A_2 to %scan3A_4 step %scan3A_5 iter_args(%scan3A_48 = %scan3A) -> (i32)  : i32 {
      %broadcast_in_dim3A = arith.constant 0.000000e+00 : f32
      %broadcast_in_dim3A_49 = vector.broadcast %broadcast_in_dim3A : f32 to vector<16xf32>
      %swap3A = arith.index_cast %scan3A_47 : i32 to index
      %swap3A_50 = arith.constant 0 : index
      %swap3A_51 = tpu.vector_load %arg10[%swap3A, %swap3A_50] {strides = array<i32>} : memref<128x128xf32, #tpu.memory_space<vmem>>, vector<1x16xf32>,
      %swap3A_52 = vector.shape_cast %swap3A_51 : vector<1x16xf32> to vector<16xf32>
      %swap3A_53 = vector.shape_cast %broadcast_in_dim3A_49 : vector<16xf32> to vector<1x16xf32>
      tpu.vector_store %arg10[%swap3A, %swap3A_50], %swap3A_53 {strides = array<i32>} : memref<128x128xf32, #tpu.memory_space<vmem>>, vector<1x16xf32>,
      %broadcast_in_dim3A_54 = arith.constant 0.000000e+00 : f32
      %broadcast_in_dim3A_55 = vector.broadcast %broadcast_in_dim3A_54 : f32 to vector<16xf32>
      %swap3A_56 = arith.index_cast %scan3A_47 : i32 to index
      %swap3A_57 = arith.constant 16 : index
      %swap3A_58 = tpu.vector_load %arg10[%swap3A_56, %swap3A_57] {strides = array<i32>} : memref<128x128xf32, #tpu.memory_space<vmem>>, vector<1x16xf32>,
      %swap3A_59 = vector.shape_cast %swap3A_58 : vector<1x16xf32> to vector<16xf32>
      %swap3A_60 = vector.shape_cast %broadcast_in_dim3A_55 : vector<16xf32> to vector<1x16xf32>
      tpu.vector_store %arg10[%swap3A_56, %swap3A_57], %swap3A_60 {strides = array<i32>} : memref<128x128xf32, #tpu.memory_space<vmem>>, vector<1x16xf32>,
      %broadcast_in_dim3A_61 = arith.constant 0.000000e+00 : f32
      %broadcast_in_dim3A_62 = vector.broadcast %broadcast_in_dim3A_61 : f32 to vector<16xf32>
      %swap3A_63 = arith.index_cast %scan3A_47 : i32 to index
      %swap3A_64 = arith.constant 32 : index
      %swap3A_65 = tpu.vector_load %arg10[%swap3A_63, %swap3A_64] {strides = array<i32>} : memref<128x128xf32, #tpu.memory_space<vmem>>, vector<1x16xf32>,
      %swap3A_66 = vector.shape_cast %swap3A_65 : vector<1x16xf32> to vector<16xf32>
      %swap3A_67 = vector.shape_cast %broadcast_in_dim3A_62 : vector<16xf32> to vector<1x16xf32>
      tpu.vector_store %arg10[%swap3A_63, %swap3A_64], %swap3A_67 {strides = array<i32>} : memref<128x128xf32, #tpu.memory_space<vmem>>, vector<1x16xf32>,
      %broadcast_in_dim3A_68 = arith.constant 0.000000e+00 : f32
      %broadcast_in_dim3A_69 = vector.broadcast %broadcast_in_dim3A_68 : f32 to vector<16xf32>
      %swap3A_70 = arith.index_cast %scan3A_47 : i32 to index
      %swap3A_71 = arith.constant 48 : index
      %swap3A_72 = tpu.vector_load %arg10[%swap3A_70, %swap3A_71] {strides = array<i32>} : memref<128x128xf32, #tpu.memory_space<vmem>>, vector<1x16xf32>,
      %swap3A_73 = vector.shape_cast %swap3A_72 : vector<1x16xf32> to vector<16xf32>
      %swap3A_74 = vector.shape_cast %broadcast_in_dim3A_69 : vector<16xf32> to vector<1x16xf32>
      tpu.vector_store %arg10[%swap3A_70, %swap3A_71], %swap3A_74 {strides = array<i32>} : memref<128x128xf32, #tpu.memory_space<vmem>>, vector<1x16xf32>,
      %broadcast_in_dim3A_75 = arith.constant 0.000000e+00 : f32
      %broadcast_in_dim3A_76 = vector.broadcast %broadcast_in_dim3A_75 : f32 to vector<16xf32>
      %swap3A_77 = arith.index_cast %scan3A_47 : i32 to index
      %swap3A_78 = arith.constant 64 : index
      %swap3A_79 = tpu.vector_load %arg10[%swap3A_77, %swap3A_78] {strides = array<i32>} : memref<128x128xf32, #tpu.memory_space<vmem>>, vector<1x16xf32>,
      %swap3A_80 = vector.shape_cast %swap3A_79 : vector<1x16xf32> to vector<16xf32>
      %swap3A_81 = vector.shape_cast %broadcast_in_dim3A_76 : vector<16xf32> to vector<1x16xf32>
      tpu.vector_store %arg10[%swap3A_77, %swap3A_78], %swap3A_81 {strides = array<i32>} : memref<128x128xf32, #tpu.memory_space<vmem>>, vector<1x16xf32>,
      %broadcast_in_dim3A_82 = arith.constant 0.000000e+00 : f32
      %broadcast_in_dim3A_83 = vector.broadcast %broadcast_in_dim3A_82 : f32 to vector<16xf32>
      %swap3A_84 = arith.index_cast %scan3A_47 : i32 to index
      %swap3A_85 = arith.constant 80 : index
      %swap3A_86 = tpu.vector_load %arg10[%swap3A_84, %swap3A_85] {strides = array<i32>} : memref<128x128xf32, #tpu.memory_space<vmem>>, vector<1x16xf32>,
      %swap3A_87 = vector.shape_cast %swap3A_86 : vector<1x16xf32> to vector<16xf32>
      %swap3A_88 = vector.shape_cast %broadcast_in_dim3A_83 : vector<16xf32> to vector<1x16xf32>
      tpu.vector_store %arg10[%swap3A_84, %swap3A_85], %swap3A_88 {strides = array<i32>} : memref<128x128xf32, #tpu.memory_space<vmem>>, vector<1x16xf32>,
      %broadcast_in_dim3A_89 = arith.constant 0.000000e+00 : f32
      %broadcast_in_dim3A_90 = vector.broadcast %broadcast_in_dim3A_89 : f32 to vector<16xf32>
      %swap3A_91 = arith.index_cast %scan3A_47 : i32 to index
      %swap3A_92 = arith.constant 96 : index
      %swap3A_93 = tpu.vector_load %arg10[%swap3A_91, %swap3A_92] {strides = array<i32>} : memref<128x128xf32, #tpu.memory_space<vmem>>, vector<1x16xf32>,
      %swap3A_94 = vector.shape_cast %swap3A_93 : vector<1x16xf32> to vector<16xf32>
      %swap3A_95 = vector.shape_cast %broadcast_in_dim3A_90 : vector<16xf32> to vector<1x16xf32>
      tpu.vector_store %arg10[%swap3A_91, %swap3A_92], %swap3A_95 {strides = array<i32>} : memref<128x128xf32, #tpu.memory_space<vmem>>, vector<1x16xf32>,
      %broadcast_in_dim3A_96 = arith.constant 0.000000e+00 : f32
      %broadcast_in_dim3A_97 = vector.broadcast %broadcast_in_dim3A_96 : f32 to vector<16xf32>
      %swap3A_98 = arith.index_cast %scan3A_47 : i32 to index
      %swap3A_99 = arith.constant 112 : index
      %swap3A_100 = tpu.vector_load %arg10[%swap3A_98, %swap3A_99] {strides = array<i32>} : memref<128x128xf32, #tpu.memory_space<vmem>>, vector<1x16xf32>,
      %swap3A_101 = vector.shape_cast %swap3A_100 : vector<1x16xf32> to vector<16xf32>
      %swap3A_102 = vector.shape_cast %broadcast_in_dim3A_97 : vector<16xf32> to vector<1x16xf32>
      tpu.vector_store %arg10[%swap3A_98, %swap3A_99], %swap3A_102 {strides = array<i32>} : memref<128x128xf32, #tpu.memory_space<vmem>>, vector<1x16xf32>,
      %scan3A_103 = arith.constant 0 : i32
      scf.yield %scan3A_103 : i32
    }
    %scan3A_7 = arith.constant 128 : i32
    %mul3A = arith.constant 640 : i32
    %mul3A_8 = arith.muli %arg1, %mul3A : i32
    %add3A = arith.constant 0 : i32
    %add3A_9 = arith.addi %mul3A_8, %add3A : i32
    "tpu.region"() ({
      %run_scoped3A = tpu.sem_alloc : memref<!tpu.dma_semaphore, #tpu.memory_space<semaphore_mem>>
      %dma_start3A = arith.constant 0 : i32
      %dma_start3A_47 = tpu.memref_slice %arg14[%add3A_9, %dma_start3A] : memref<10240x128xf32, #tpu.memory_space<vmem_shared>> -> memref<128x128xf32, #tpu.memory_space<vmem_shared>>
      %dma_start3A_48 = arith.constant 0 : i32
      %dma_start3A_49 = tpu.memref_slice %arg14[%add3A_9, %dma_start3A_48] : memref<10240x128xf32, #tpu.memory_space<vmem_shared>> -> memref<128x128xf32, #tpu.memory_space<vmem_shared>>
      tpu.enqueue_dma source(%arg10 : memref<128x128xf32, #tpu.memory_space<vmem>>) target(%dma_start3A_49 : memref<128x128xf32, #tpu.memory_space<vmem_shared>>) target_semaphore(%run_scoped3A : memref<!tpu.dma_semaphore, #tpu.memory_space<semaphore_mem>>)
      %dma_wait3A = arith.constant 0 : i32
      %dma_wait3A_50 = tpu.memref_slice %arg14[%add3A_9, %dma_wait3A] : memref<10240x128xf32, #tpu.memory_space<vmem_shared>> -> memref<128x128xf32, #tpu.memory_space<vmem_shared>>
      %dma_wait3A_51 = arith.constant 0 : i32
      %dma_wait3A_52 = tpu.memref_slice %arg14[%add3A_9, %dma_wait3A_51] : memref<10240x128xf32, #tpu.memory_space<vmem_shared>> -> memref<128x128xf32, #tpu.memory_space<vmem_shared>>
      tpu.wait_dma2 semaphore(%run_scoped3A : memref<!tpu.dma_semaphore, #tpu.memory_space<semaphore_mem>>) src(%arg10 : memref<128x128xf32, #tpu.memory_space<vmem>>) dst(%dma_wait3A_52 : memref<128x128xf32, #tpu.memory_space<vmem_shared>>)
      tpu.yield
    }) : () -> ()
    %mul3A_10 = arith.constant 640 : i32
    %mul3A_11 = arith.muli %arg1, %mul3A_10 : i32
    %add3A_12 = arith.constant 128 : i32
    %add3A_13 = arith.addi %mul3A_11, %add3A_12 : i32
    "tpu.region"() ({
      %run_scoped3A = tpu.sem_alloc : memref<!tpu.dma_semaphore, #tpu.memory_space<semaphore_mem>>
      %dma_start3A = arith.constant 0 : i32
      %dma_start3A_47 = tpu.memref_slice %arg14[%add3A_13, %dma_start3A] : memref<10240x128xf32, #tpu.memory_space<vmem_shared>> -> memref<128x128xf32, #tpu.memory_space<vmem_shared>>
      %dma_start3A_48 = arith.constant 0 : i32
      %dma_start3A_49 = tpu.memref_slice %arg14[%add3A_13, %dma_start3A_48] : memref<10240x128xf32, #tpu.memory_space<vmem_shared>> -> memref<128x128xf32, #tpu.memory_space<vmem_shared>>
      tpu.enqueue_dma source(%arg10 : memref<128x128xf32, #tpu.memory_space<vmem>>) target(%dma_start3A_49 : memref<128x128xf32, #tpu.memory_space<vmem_shared>>) target_semaphore(%run_scoped3A : memref<!tpu.dma_semaphore, #tpu.memory_space<semaphore_mem>>)
      %dma_wait3A = arith.constant 0 : i32
      %dma_wait3A_50 = tpu.memref_slice %arg14[%add3A_13, %dma_wait3A] : memref<10240x128xf32, #tpu.memory_space<vmem_shared>> -> memref<128x128xf32, #tpu.memory_space<vmem_shared>>
      %dma_wait3A_51 = arith.constant 0 : i32
      %dma_wait3A_52 = tpu.memref_slice %arg14[%add3A_13, %dma_wait3A_51] : memref<10240x128xf32, #tpu.memory_space<vmem_shared>> -> memref<128x128xf32, #tpu.memory_space<vmem_shared>>
      tpu.wait_dma2 semaphore(%run_scoped3A : memref<!tpu.dma_semaphore, #tpu.memory_space<semaphore_mem>>) src(%arg10 : memref<128x128xf32, #tpu.memory_space<vmem>>) dst(%dma_wait3A_52 : memref<128x128xf32, #tpu.memory_space<vmem_shared>>)
      tpu.yield
    }) : () -> ()
    %mul3A_14 = arith.constant 640 : i32
    %mul3A_15 = arith.muli %arg1, %mul3A_14 : i32
    %add3A_16 = arith.constant 256 : i32
    %add3A_17 = arith.addi %mul3A_15, %add3A_16 : i32
    "tpu.region"() ({
      %run_scoped3A = tpu.sem_alloc : memref<!tpu.dma_semaphore, #tpu.memory_space<semaphore_mem>>
      %dma_start3A = arith.constant 0 : i32
      %dma_start3A_47 = tpu.memref_slice %arg14[%add3A_17, %dma_start3A] : memref<10240x128xf32, #tpu.memory_space<vmem_shared>> -> memref<128x128xf32, #tpu.memory_space<vmem_shared>>
      %dma_start3A_48 = arith.constant 0 : i32
      %dma_start3A_49 = tpu.memref_slice %arg14[%add3A_17, %dma_start3A_48] : memref<10240x128xf32, #tpu.memory_space<vmem_shared>> -> memref<128x128xf32, #tpu.memory_space<vmem_shared>>
      tpu.enqueue_dma source(%arg10 : memref<128x128xf32, #tpu.memory_space<vmem>>) target(%dma_start3A_49 : memref<128x128xf32, #tpu.memory_space<vmem_shared>>) target_semaphore(%run_scoped3A : memref<!tpu.dma_semaphore, #tpu.memory_space<semaphore_mem>>)
      %dma_wait3A = arith.constant 0 : i32
      %dma_wait3A_50 = tpu.memref_slice %arg14[%add3A_17, %dma_wait3A] : memref<10240x128xf32, #tpu.memory_space<vmem_shared>> -> memref<128x128xf32, #tpu.memory_space<vmem_shared>>
      %dma_wait3A_51 = arith.constant 0 : i32
      %dma_wait3A_52 = tpu.memref_slice %arg14[%add3A_17, %dma_wait3A_51] : memref<10240x128xf32, #tpu.memory_space<vmem_shared>> -> memref<128x128xf32, #tpu.memory_space<vmem_shared>>
      tpu.wait_dma2 semaphore(%run_scoped3A : memref<!tpu.dma_semaphore, #tpu.memory_space<semaphore_mem>>) src(%arg10 : memref<128x128xf32, #tpu.memory_space<vmem>>) dst(%dma_wait3A_52 : memref<128x128xf32, #tpu.memory_space<vmem_shared>>)
      tpu.yield
    }) : () -> ()
    %mul3A_18 = arith.constant 640 : i32
    %mul3A_19 = arith.muli %arg1, %mul3A_18 : i32
    %add3A_20 = arith.constant 384 : i32
    %add3A_21 = arith.addi %mul3A_19, %add3A_20 : i32
    "tpu.region"() ({
      %run_scoped3A = tpu.sem_alloc : memref<!tpu.dma_semaphore, #tpu.memory_space<semaphore_mem>>
      %dma_start3A = arith.constant 0 : i32
      %dma_start3A_47 = tpu.memref_slice %arg14[%add3A_21, %dma_start3A] : memref<10240x128xf32, #tpu.memory_space<vmem_shared>> -> memref<128x128xf32, #tpu.memory_space<vmem_shared>>
      %dma_start3A_48 = arith.constant 0 : i32
      %dma_start3A_49 = tpu.memref_slice %arg14[%add3A_21, %dma_start3A_48] : memref<10240x128xf32, #tpu.memory_space<vmem_shared>> -> memref<128x128xf32, #tpu.memory_space<vmem_shared>>
      tpu.enqueue_dma source(%arg10 : memref<128x128xf32, #tpu.memory_space<vmem>>) target(%dma_start3A_49 : memref<128x128xf32, #tpu.memory_space<vmem_shared>>) target_semaphore(%run_scoped3A : memref<!tpu.dma_semaphore, #tpu.memory_space<semaphore_mem>>)
      %dma_wait3A = arith.constant 0 : i32
      %dma_wait3A_50 = tpu.memref_slice %arg14[%add3A_21, %dma_wait3A] : memref<10240x128xf32, #tpu.memory_space<vmem_shared>> -> memref<128x128xf32, #tpu.memory_space<vmem_shared>>
      %dma_wait3A_51 = arith.constant 0 : i32
      %dma_wait3A_52 = tpu.memref_slice %arg14[%add3A_21, %dma_wait3A_51] : memref<10240x128xf32, #tpu.memory_space<vmem_shared>> -> memref<128x128xf32, #tpu.memory_space<vmem_shared>>
      tpu.wait_dma2 semaphore(%run_scoped3A : memref<!tpu.dma_semaphore, #tpu.memory_space<semaphore_mem>>) src(%arg10 : memref<128x128xf32, #tpu.memory_space<vmem>>) dst(%dma_wait3A_52 : memref<128x128xf32, #tpu.memory_space<vmem_shared>>)
      tpu.yield
    }) : () -> ()
    %mul3A_22 = arith.constant 640 : i32
    %mul3A_23 = arith.muli %arg1, %mul3A_22 : i32
    %add3A_24 = arith.constant 512 : i32
    %add3A_25 = arith.addi %mul3A_23, %add3A_24 : i32
    "tpu.region"() ({
      %run_scoped3A = tpu.sem_alloc : memref<!tpu.dma_semaphore, #tpu.memory_space<semaphore_mem>>
      %dma_start3A = arith.constant 0 : i32
      %dma_start3A_47 = tpu.memref_slice %arg14[%add3A_25, %dma_start3A] : memref<10240x128xf32, #tpu.memory_space<vmem_shared>> -> memref<128x128xf32, #tpu.memory_space<vmem_shared>>
      %dma_start3A_48 = arith.constant 0 : i32
      %dma_start3A_49 = tpu.memref_slice %arg14[%add3A_25, %dma_start3A_48] : memref<10240x128xf32, #tpu.memory_space<vmem_shared>> -> memref<128x128xf32, #tpu.memory_space<vmem_shared>>
      tpu.enqueue_dma source(%arg10 : memref<128x128xf32, #tpu.memory_space<vmem>>) target(%dma_start3A_49 : memref<128x128xf32, #tpu.memory_space<vmem_shared>>) target_semaphore(%run_scoped3A : memref<!tpu.dma_semaphore, #tpu.memory_space<semaphore_mem>>)
      %dma_wait3A = arith.constant 0 : i32
      %dma_wait3A_50 = tpu.memref_slice %arg14[%add3A_25, %dma_wait3A] : memref<10240x128xf32, #tpu.memory_space<vmem_shared>> -> memref<128x128xf32, #tpu.memory_space<vmem_shared>>
      %dma_wait3A_51 = arith.constant 0 : i32
      %dma_wait3A_52 = tpu.memref_slice %arg14[%add3A_25, %dma_wait3A_51] : memref<10240x128xf32, #tpu.memory_space<vmem_shared>> -> memref<128x128xf32, #tpu.memory_space<vmem_shared>>
      tpu.wait_dma2 semaphore(%run_scoped3A : memref<!tpu.dma_semaphore, #tpu.memory_space<semaphore_mem>>) src(%arg10 : memref<128x128xf32, #tpu.memory_space<vmem>>) dst(%dma_wait3A_52 : memref<128x128xf32, #tpu.memory_space<vmem_shared>>)
      tpu.yield
    }) : () -> ()
    %barrier3A = arith.constant 0 : index
    tpu.barrier barrier_id(%barrier3A)
    %sub3A = arith.constant 0 : i32
    %sub3A_26 = arith.subi %select_n3A, %sub3A : i32
    %jit3A_27 = arith.constant 0 : i32
    %jit3A_28 = arith.constant 40 : i32
    %max3A = arith.maxsi %jit3A_27, %sub3A_26 : i32
    %min3A = arith.minsi %jit3A_28, %max3A : i32
    %gt3A = arith.constant 0 : i32
    %gt3A_29 = arith.cmpi sgt, %min3A, %gt3A : i32
    %convert_element_type3A = arith.extui %gt3A_29 : i1 to i32
    %cond3A = arith.constant 0 : i32
    %cond3A_30 = arith.cmpi ne, %convert_element_type3A, %cond3A : i32
    scf.if %cond3A_30 {
      %eq3A_47 = arith.constant 0 : i32
      %eq3A_48 = arith.cmpi eq, %arg0, %eq3A_47 : i32
      %convert_element_type3A_49 = arith.extui %eq3A_48 : i1 to i32
      %cond3A_50 = arith.constant 0 : i32
      %cond3A_51 = arith.cmpi ne, %convert_element_type3A_49, %cond3A_50 : i32
      scf.if %cond3A_51 {
        "tpu.region"() ({
          %run_scoped3A = tpu.sem_alloc : memref<!tpu.dma_semaphore, #tpu.memory_space<semaphore_mem>>
          %dma_start3A_99 = arith.constant 0 : i32
          %dma_start3A_100 = arith.constant 0 : i32
          %dma_start3A_101 = tpu.memref_slice %arg3[%arg1, %dma_start3A_99, %dma_start3A_100] : memref<16x80x128xi32, #tpu.memory_space<hbm>> -> memref<1x40x128xi32, #tpu.memory_space<hbm>>
          %dma_start3A_102 = tpu.memref_squeeze %dma_start3A_101 : memref<1x40x128xi32, #tpu.memory_space<hbm>> -> memref<40x128xi32, #tpu.memory_space<hbm>>
          %dma_start3A_103 = arith.constant 0 : i32
          %dma_start3A_104 = arith.constant 0 : i32
          %dma_start3A_105 = tpu.memref_slice %arg3[%arg1, %dma_start3A_103, %dma_start3A_104] : memref<16x80x128xi32, #tpu.memory_space<hbm>> -> memref<1x40x128xi32, #tpu.memory_space<hbm>>
          %dma_start3A_106 = tpu.memref_squeeze %dma_start3A_105 : memref<1x40x128xi32, #tpu.memory_space<hbm>> -> memref<40x128xi32, #tpu.memory_space<hbm>>
          tpu.enqueue_dma source(%dma_start3A_106 : memref<40x128xi32, #tpu.memory_space<hbm>>) target(%arg8 : memref<40x128xi32, #tpu.memory_space<vmem>>) target_semaphore(%run_scoped3A : memref<!tpu.dma_semaphore, #tpu.memory_space<semaphore_mem>>)
          %dma_wait3A_107 = arith.constant 0 : i32
          %dma_wait3A_108 = arith.constant 0 : i32
          %dma_wait3A_109 = tpu.memref_slice %arg3[%arg1, %dma_wait3A_107, %dma_wait3A_108] : memref<16x80x128xi32, #tpu.memory_space<hbm>> -> memref<1x40x128xi32, #tpu.memory_space<hbm>>
          %dma_wait3A_110 = tpu.memref_squeeze %dma_wait3A_109 : memref<1x40x128xi32, #tpu.memory_space<hbm>> -> memref<40x128xi32, #tpu.memory_space<hbm>>
          %dma_wait3A_111 = arith.constant 0 : i32
          %dma_wait3A_112 = arith.constant 0 : i32
          %dma_wait3A_113 = tpu.memref_slice %arg3[%arg1, %dma_wait3A_111, %dma_wait3A_112] : memref<16x80x128xi32, #tpu.memory_space<hbm>> -> memref<1x40x128xi32, #tpu.memory_space<hbm>>
          %dma_wait3A_114 = tpu.memref_squeeze %dma_wait3A_113 : memref<1x40x128xi32, #tpu.memory_space<hbm>> -> memref<40x128xi32, #tpu.memory_space<hbm>>
          tpu.wait_dma2 semaphore(%run_scoped3A : memref<!tpu.dma_semaphore, #tpu.memory_space<semaphore_mem>>) src(%dma_wait3A_114 : memref<40x128xi32, #tpu.memory_space<hbm>>) dst(%arg8 : memref<40x128xi32, #tpu.memory_space<vmem>>)
          tpu.yield
        }) : () -> ()
        "tpu.region"() ({
          %run_scoped3A = tpu.sem_alloc : memref<!tpu.dma_semaphore, #tpu.memory_space<semaphore_mem>>
          %dma_start3A_99 = arith.constant 0 : i32
          %dma_start3A_100 = arith.constant 0 : i32
          %dma_start3A_101 = tpu.memref_slice %arg4[%arg1, %dma_start3A_99, %dma_start3A_100] : memref<16x80x128xi32, #tpu.memory_space<hbm>> -> memref<1x40x128xi32, #tpu.memory_space<hbm>>
          %dma_start3A_102 = tpu.memref_squeeze %dma_start3A_101 : memref<1x40x128xi32, #tpu.memory_space<hbm>> -> memref<40x128xi32, #tpu.memory_space<hbm>>
          %dma_start3A_103 = arith.constant 0 : i32
          %dma_start3A_104 = arith.constant 0 : i32
          %dma_start3A_105 = tpu.memref_slice %arg4[%arg1, %dma_start3A_103, %dma_start3A_104] : memref<16x80x128xi32, #tpu.memory_space<hbm>> -> memref<1x40x128xi32, #tpu.memory_space<hbm>>
          %dma_start3A_106 = tpu.memref_squeeze %dma_start3A_105 : memref<1x40x128xi32, #tpu.memory_space<hbm>> -> memref<40x128xi32, #tpu.memory_space<hbm>>
          tpu.enqueue_dma source(%dma_start3A_106 : memref<40x128xi32, #tpu.memory_space<hbm>>) target(%arg9 : memref<40x128xi32, #tpu.memory_space<vmem>>) target_semaphore(%run_scoped3A : memref<!tpu.dma_semaphore, #tpu.memory_space<semaphore_mem>>)
          %dma_wait3A_107 = arith.constant 0 : i32
          %dma_wait3A_108 = arith.constant 0 : i32
          %dma_wait3A_109 = tpu.memref_slice %arg4[%arg1, %dma_wait3A_107, %dma_wait3A_108] : memref<16x80x128xi32, #tpu.memory_space<hbm>> -> memref<1x40x128xi32, #tpu.memory_space<hbm>>
          %dma_wait3A_110 = tpu.memref_squeeze %dma_wait3A_109 : memref<1x40x128xi32, #tpu.memory_space<hbm>> -> memref<40x128xi32, #tpu.memory_space<hbm>>
          %dma_wait3A_111 = arith.constant 0 : i32
          %dma_wait3A_112 = arith.constant 0 : i32
          %dma_wait3A_113 = tpu.memref_slice %arg4[%arg1, %dma_wait3A_111, %dma_wait3A_112] : memref<16x80x128xi32, #tpu.memory_space<hbm>> -> memref<1x40x128xi32, #tpu.memory_space<hbm>>
          %dma_wait3A_114 = tpu.memref_squeeze %dma_wait3A_113 : memref<1x40x128xi32, #tpu.memory_space<hbm>> -> memref<40x128xi32, #tpu.memory_space<hbm>>
          tpu.wait_dma2 semaphore(%run_scoped3A : memref<!tpu.dma_semaphore, #tpu.memory_space<semaphore_mem>>) src(%dma_wait3A_114 : memref<40x128xi32, #tpu.memory_space<hbm>>) dst(%arg9 : memref<40x128xi32, #tpu.memory_space<vmem>>)
          tpu.yield
        }) : () -> ()
      } else {
      }
      %eq3A_52 = arith.constant 1 : i32
      %eq3A_53 = arith.cmpi eq, %arg0, %eq3A_52 : i32
      %convert_element_type3A_54 = arith.extui %eq3A_53 : i1 to i32
      %cond3A_55 = arith.constant 0 : i32
      %cond3A_56 = arith.cmpi ne, %convert_element_type3A_54, %cond3A_55 : i32
      scf.if %cond3A_56 {
        "tpu.region"() ({
          %run_scoped3A = tpu.sem_alloc : memref<!tpu.dma_semaphore, #tpu.memory_space<semaphore_mem>>
          %dma_start3A_99 = arith.constant 0 : i32
          %dma_start3A_100 = arith.constant 0 : i32
          %dma_start3A_101 = tpu.memref_slice %arg5[%arg1, %dma_start3A_99, %dma_start3A_100] : memref<16x80x128xi32, #tpu.memory_space<hbm>> -> memref<1x40x128xi32, #tpu.memory_space<hbm>>
          %dma_start3A_102 = tpu.memref_squeeze %dma_start3A_101 : memref<1x40x128xi32, #tpu.memory_space<hbm>> -> memref<40x128xi32, #tpu.memory_space<hbm>>
          %dma_start3A_103 = arith.constant 0 : i32
          %dma_start3A_104 = arith.constant 0 : i32
          %dma_start3A_105 = tpu.memref_slice %arg5[%arg1, %dma_start3A_103, %dma_start3A_104] : memref<16x80x128xi32, #tpu.memory_space<hbm>> -> memref<1x40x128xi32, #tpu.memory_space<hbm>>
          %dma_start3A_106 = tpu.memref_squeeze %dma_start3A_105 : memref<1x40x128xi32, #tpu.memory_space<hbm>> -> memref<40x128xi32, #tpu.memory_space<hbm>>
          tpu.enqueue_dma source(%dma_start3A_106 : memref<40x128xi32, #tpu.memory_space<hbm>>) target(%arg8 : memref<40x128xi32, #tpu.memory_space<vmem>>) target_semaphore(%run_scoped3A : memref<!tpu.dma_semaphore, #tpu.memory_space<semaphore_mem>>)
          %dma_wait3A_107 = arith.constant 0 : i32
          %dma_wait3A_108 = arith.constant 0 : i32
          %dma_wait3A_109 = tpu.memref_slice %arg5[%arg1, %dma_wait3A_107, %dma_wait3A_108] : memref<16x80x128xi32, #tpu.memory_space<hbm>> -> memref<1x40x128xi32, #tpu.memory_space<hbm>>
          %dma_wait3A_110 = tpu.memref_squeeze %dma_wait3A_109 : memref<1x40x128xi32, #tpu.memory_space<hbm>> -> memref<40x128xi32, #tpu.memory_space<hbm>>
          %dma_wait3A_111 = arith.constant 0 : i32
          %dma_wait3A_112 = arith.constant 0 : i32
          %dma_wait3A_113 = tpu.memref_slice %arg5[%arg1, %dma_wait3A_111, %dma_wait3A_112] : memref<16x80x128xi32, #tpu.memory_space<hbm>> -> memref<1x40x128xi32, #tpu.memory_space<hbm>>
          %dma_wait3A_114 = tpu.memref_squeeze %dma_wait3A_113 : memref<1x40x128xi32, #tpu.memory_space<hbm>> -> memref<40x128xi32, #tpu.memory_space<hbm>>
          tpu.wait_dma2 semaphore(%run_scoped3A : memref<!tpu.dma_semaphore, #tpu.memory_space<semaphore_mem>>) src(%dma_wait3A_114 : memref<40x128xi32, #tpu.memory_space<hbm>>) dst(%arg8 : memref<40x128xi32, #tpu.memory_space<vmem>>)
          tpu.yield
        }) : () -> ()
        "tpu.region"() ({
          %run_scoped3A = tpu.sem_alloc : memref<!tpu.dma_semaphore, #tpu.memory_space<semaphore_mem>>
          %dma_start3A_99 = arith.constant 0 : i32
          %dma_start3A_100 = arith.constant 0 : i32
          %dma_start3A_101 = tpu.memref_slice %arg6[%arg1, %dma_start3A_99, %dma_start3A_100] : memref<16x80x128xi32, #tpu.memory_space<hbm>> -> memref<1x40x128xi32, #tpu.memory_space<hbm>>
          %dma_start3A_102 = tpu.memref_squeeze %dma_start3A_101 : memref<1x40x128xi32, #tpu.memory_space<hbm>> -> memref<40x128xi32, #tpu.memory_space<hbm>>
          %dma_start3A_103 = arith.constant 0 : i32
          %dma_start3A_104 = arith.constant 0 : i32
          %dma_start3A_105 = tpu.memref_slice %arg6[%arg1, %dma_start3A_103, %dma_start3A_104] : memref<16x80x128xi32, #tpu.memory_space<hbm>> -> memref<1x40x128xi32, #tpu.memory_space<hbm>>
          %dma_start3A_106 = tpu.memref_squeeze %dma_start3A_105 : memref<1x40x128xi32, #tpu.memory_space<hbm>> -> memref<40x128xi32, #tpu.memory_space<hbm>>
          tpu.enqueue_dma source(%dma_start3A_106 : memref<40x128xi32, #tpu.memory_space<hbm>>) target(%arg9 : memref<40x128xi32, #tpu.memory_space<vmem>>) target_semaphore(%run_scoped3A : memref<!tpu.dma_semaphore, #tpu.memory_space<semaphore_mem>>)
          %dma_wait3A_107 = arith.constant 0 : i32
          %dma_wait3A_108 = arith.constant 0 : i32
          %dma_wait3A_109 = tpu.memref_slice %arg6[%arg1, %dma_wait3A_107, %dma_wait3A_108] : memref<16x80x128xi32, #tpu.memory_space<hbm>> -> memref<1x40x128xi32, #tpu.memory_space<hbm>>
          %dma_wait3A_110 = tpu.memref_squeeze %dma_wait3A_109 : memref<1x40x128xi32, #tpu.memory_space<hbm>> -> memref<40x128xi32, #tpu.memory_space<hbm>>
          %dma_wait3A_111 = arith.constant 0 : i32
          %dma_wait3A_112 = arith.constant 0 : i32
          %dma_wait3A_113 = tpu.memref_slice %arg6[%arg1, %dma_wait3A_111, %dma_wait3A_112] : memref<16x80x128xi32, #tpu.memory_space<hbm>> -> memref<1x40x128xi32, #tpu.memory_space<hbm>>
          %dma_wait3A_114 = tpu.memref_squeeze %dma_wait3A_113 : memref<1x40x128xi32, #tpu.memory_space<hbm>> -> memref<40x128xi32, #tpu.memory_space<hbm>>
          tpu.wait_dma2 semaphore(%run_scoped3A : memref<!tpu.dma_semaphore, #tpu.memory_space<semaphore_mem>>) src(%dma_wait3A_114 : memref<40x128xi32, #tpu.memory_space<hbm>>) dst(%arg9 : memref<40x128xi32, #tpu.memory_space<vmem>>)
          tpu.yield
        }) : () -> ()
      } else {
      }
      %dma_start3A = arith.constant 0 : i32
      %dma_start3A_57 = arith.constant 0 : i32
      %dma_start3A_58 = tpu.memref_slice %arg8[%dma_start3A, %dma_start3A_57] : memref<40x128xi32, #tpu.memory_space<vmem>> -> memref<1x128xi32, #tpu.memory_space<vmem>>
      %dma_start3A_59 = tpu.memref_squeeze %dma_start3A_58 : memref<1x128xi32, #tpu.memory_space<vmem>> -> memref<128xi32, #tpu.memory_space<vmem>>
      %dma_start3A_60 = arith.constant 0 : i32
      %dma_start3A_61 = arith.constant 0 : i32
      %dma_start3A_62 = tpu.memref_slice %arg2[%dma_start3A_60, %dma_start3A_61] : memref<10240x128xf32, #tpu.memory_space<hbm>> -> memref<10240x128xf32, #tpu.memory_space<hbm>>
      tpu.enqueue_indirect_dma source(%dma_start3A_62 : memref<10240x128xf32, #tpu.memory_space<hbm>>) target(%arg10 : memref<128x128xf32, #tpu.memory_space<vmem>>) offsets(%dma_start3A_59 : memref<128xi32, #tpu.memory_space<vmem>>) semaphore(%arg12 : memref<!tpu.dma_semaphore, #tpu.memory_space<semaphore_mem>>)
      %jit3A_63 = arith.constant 2 : i32
      %div3A = arith.divsi %min3A, %jit3A_63 : i32
      %sign3A = arith.constant 0 : i32
      %sign3A_64 = arith.cmpi sgt, %min3A, %sign3A : i32
      %sign3A_65 = arith.extui %sign3A_64 : i1 to i32
      %sign3A_66 = arith.constant 0 : i32
      %sign3A_67 = arith.cmpi slt, %min3A, %sign3A_66 : i32
      %sign3A_68 = arith.extui %sign3A_67 : i1 to i32
      %sign3A_69 = arith.subi %sign3A_65, %sign3A_68 : i32
      %sign3A_70 = arith.constant 0 : i32
      %sign3A_71 = arith.cmpi sgt, %jit3A_63, %sign3A_70 : i32
      %sign3A_72 = arith.extui %sign3A_71 : i1 to i32
      %sign3A_73 = arith.constant 0 : i32
      %sign3A_74 = arith.cmpi slt, %jit3A_63, %sign3A_73 : i32
      %sign3A_75 = arith.extui %sign3A_74 : i1 to i32
      %sign3A_76 = arith.subi %sign3A_72, %sign3A_75 : i32
      %ne3A = arith.cmpi ne, %sign3A_69, %sign3A_76 : i32
      %rem3A = arith.remsi %min3A, %jit3A_63 : i32
      %ne3A_77 = arith.constant 0 : i32
      %ne3A_78 = arith.cmpi ne, %rem3A, %ne3A_77 : i32
      %and3A = arith.andi %ne3A, %ne3A_78 : i1
      %sub3A_79 = arith.constant 1 : i32
      %sub3A_80 = arith.subi %div3A, %sub3A_79 : i32
      %select_n3A_81 = arith.select %and3A, %sub3A_80, %div3A : i32
      %while3A = arith.constant 0 : i32
      %while3A_82 = arith.constant 0 : i32
      %while3A_83 = arith.subi %select_n3A_81, %while3A : i32
      %while3A_84 = arith.addi %while3A, %while3A_83 : i32
      %while3A_85 = arith.constant 1 : i32
      %while3A_86 = arith.divsi %while3A_83, %while3A_85 : i32
      %while3A_87 = arith.muli %while3A_86, %while3A_85 : i32
      %while3A_88 = arith.addi %while3A, %while3A_87 : i32
      %while3A_89 = arith.constant 1 : i32
      %while3A_90 = scf.for %while3A_99 = %while3A to %while3A_88 step %while3A_89 iter_args(%while3A_100 = %while3A_82) -> (i32)  : i32 {
        %mul3A_101 = arith.constant 2 : i32
        %mul3A_102 = arith.muli %mul3A_101, %while3A_99 : i32
        %add3A_103 = arith.constant 1 : i32
        %add3A_104 = arith.addi %mul3A_102, %add3A_103 : i32
        %dma_start3A_105 = arith.constant 0 : i32
        %dma_start3A_106 = tpu.memref_slice %arg8[%add3A_104, %dma_start3A_105] : memref<40x128xi32, #tpu.memory_space<vmem>> -> memref<1x128xi32, #tpu.memory_space<vmem>>
        %dma_start3A_107 = tpu.memref_squeeze %dma_start3A_106 : memref<1x128xi32, #tpu.memory_space<vmem>> -> memref<128xi32, #tpu.memory_space<vmem>>
        %dma_start3A_108 = arith.constant 0 : i32
        %dma_start3A_109 = arith.constant 0 : i32
        %dma_start3A_110 = tpu.memref_slice %arg2[%dma_start3A_108, %dma_start3A_109] : memref<10240x128xf32, #tpu.memory_space<hbm>> -> memref<10240x128xf32, #tpu.memory_space<hbm>>
        tpu.enqueue_indirect_dma source(%dma_start3A_110 : memref<10240x128xf32, #tpu.memory_space<hbm>>) target(%arg11 : memref<128x128xf32, #tpu.memory_space<vmem>>) offsets(%dma_start3A_107 : memref<128xi32, #tpu.memory_space<vmem>>) semaphore(%arg13 : memref<!tpu.dma_semaphore, #tpu.memory_space<semaphore_mem>>)
        %dma_wait3A_111 = arith.constant 0 : i32
        %dma_wait3A_112 = arith.constant 0 : i32
        %dma_wait3A_113 = tpu.memref_slice %arg8[%dma_wait3A_111, %dma_wait3A_112] : memref<40x128xi32, #tpu.memory_space<vmem>> -> memref<1x128xi32, #tpu.memory_space<vmem>>
        %dma_wait3A_114 = tpu.memref_squeeze %dma_wait3A_113 : memref<1x128xi32, #tpu.memory_space<vmem>> -> memref<128xi32, #tpu.memory_space<vmem>>
        %dma_wait3A_115 = arith.constant 0 : i32
        %dma_wait3A_116 = arith.constant 0 : i32
        %dma_wait3A_117 = tpu.memref_slice %arg2[%dma_wait3A_115, %dma_wait3A_116] : memref<10240x128xf32, #tpu.memory_space<hbm>> -> memref<10240x128xf32, #tpu.memory_space<hbm>>
        tpu.wait_indirect_dma semaphore(%arg12 : memref<!tpu.dma_semaphore, #tpu.memory_space<semaphore_mem>>) src(%dma_wait3A_117 : memref<10240x128xf32, #tpu.memory_space<hbm>>) dst(%arg10 : memref<128x128xf32, #tpu.memory_space<vmem>>)
        "tpu.region"() ({
          %run_scoped3A = tpu.sem_alloc : memref<!tpu.dma_semaphore, #tpu.memory_space<semaphore_mem>>
          %dma_start3A_136 = arith.constant 0 : i32
          %dma_start3A_137 = tpu.memref_slice %arg9[%mul3A_102, %dma_start3A_136] : memref<40x128xi32, #tpu.memory_space<vmem>> -> memref<1x128xi32, #tpu.memory_space<vmem>>
          %dma_start3A_138 = tpu.memref_squeeze %dma_start3A_137 : memref<1x128xi32, #tpu.memory_space<vmem>> -> memref<128xi32, #tpu.memory_space<vmem>>
          %dma_start3A_139 = arith.constant 0 : i32
          %dma_start3A_140 = arith.constant 0 : i32
          %dma_start3A_141 = tpu.memref_slice %arg14[%dma_start3A_139, %dma_start3A_140] : memref<10240x128xf32, #tpu.memory_space<vmem_shared>> -> memref<10240x128xf32, #tpu.memory_space<vmem_shared>>
          tpu.enqueue_indirect_dma source(%arg10 : memref<128x128xf32, #tpu.memory_space<vmem>>) target(%dma_start3A_141 : memref<10240x128xf32, #tpu.memory_space<vmem_shared>>) offsets(%dma_start3A_138 : memref<128xi32, #tpu.memory_space<vmem>>) semaphore(%run_scoped3A : memref<!tpu.dma_semaphore, #tpu.memory_space<semaphore_mem>>) {add = true}
          %dma_wait3A_142 = arith.constant 0 : i32
          %dma_wait3A_143 = tpu.memref_slice %arg9[%mul3A_102, %dma_wait3A_142] : memref<40x128xi32, #tpu.memory_space<vmem>> -> memref<1x128xi32, #tpu.memory_space<vmem>>
          %dma_wait3A_144 = tpu.memref_squeeze %dma_wait3A_143 : memref<1x128xi32, #tpu.memory_space<vmem>> -> memref<128xi32, #tpu.memory_space<vmem>>
          %dma_wait3A_145 = arith.constant 0 : i32
          %dma_wait3A_146 = arith.constant 0 : i32
          %dma_wait3A_147 = tpu.memref_slice %arg14[%dma_wait3A_145, %dma_wait3A_146] : memref<10240x128xf32, #tpu.memory_space<vmem_shared>> -> memref<10240x128xf32, #tpu.memory_space<vmem_shared>>
          tpu.wait_indirect_dma semaphore(%run_scoped3A : memref<!tpu.dma_semaphore, #tpu.memory_space<semaphore_mem>>) src(%arg10 : memref<128x128xf32, #tpu.memory_space<vmem>>) dst(%dma_wait3A_147 : memref<10240x128xf32, #tpu.memory_space<vmem_shared>>)
          tpu.yield
        }) : () -> ()
        %add3A_118 = arith.constant 2 : i32
        %add3A_119 = arith.addi %mul3A_102, %add3A_118 : i32
        %sub3A_120 = arith.constant 1 : i32
        %sub3A_121 = arith.subi %min3A, %sub3A_120 : i32
        %min3A_122 = arith.minsi %add3A_119, %sub3A_121 : i32
        %dma_start3A_123 = arith.constant 0 : i32
        %dma_start3A_124 = tpu.memref_slice %arg8[%min3A_122, %dma_start3A_123] : memref<40x128xi32, #tpu.memory_space<vmem>> -> memref<1x128xi32, #tpu.memory_space<vmem>>
        %dma_start3A_125 = tpu.memref_squeeze %dma_start3A_124 : memref<1x128xi32, #tpu.memory_space<vmem>> -> memref<128xi32, #tpu.memory_space<vmem>>
        %dma_start3A_126 = arith.constant 0 : i32
        %dma_start3A_127 = arith.constant 0 : i32
        %dma_start3A_128 = tpu.memref_slice %arg2[%dma_start3A_126, %dma_start3A_127] : memref<10240x128xf32, #tpu.memory_space<hbm>> -> memref<10240x128xf32, #tpu.memory_space<hbm>>
        tpu.enqueue_indirect_dma source(%dma_start3A_128 : memref<10240x128xf32, #tpu.memory_space<hbm>>) target(%arg10 : memref<128x128xf32, #tpu.memory_space<vmem>>) offsets(%dma_start3A_125 : memref<128xi32, #tpu.memory_space<vmem>>) semaphore(%arg12 : memref<!tpu.dma_semaphore, #tpu.memory_space<semaphore_mem>>)
        %dma_wait3A_129 = arith.constant 0 : i32
        %dma_wait3A_130 = tpu.memref_slice %arg8[%add3A_104, %dma_wait3A_129] : memref<40x128xi32, #tpu.memory_space<vmem>> -> memref<1x128xi32, #tpu.memory_space<vmem>>
        %dma_wait3A_131 = tpu.memref_squeeze %dma_wait3A_130 : memref<1x128xi32, #tpu.memory_space<vmem>> -> memref<128xi32, #tpu.memory_space<vmem>>
        %dma_wait3A_132 = arith.constant 0 : i32
        %dma_wait3A_133 = arith.constant 0 : i32
        %dma_wait3A_134 = tpu.memref_slice %arg2[%dma_wait3A_132, %dma_wait3A_133] : memref<10240x128xf32, #tpu.memory_space<hbm>> -> memref<10240x128xf32, #tpu.memory_space<hbm>>
        tpu.wait_indirect_dma semaphore(%arg13 : memref<!tpu.dma_semaphore, #tpu.memory_space<semaphore_mem>>) src(%dma_wait3A_134 : memref<10240x128xf32, #tpu.memory_space<hbm>>) dst(%arg11 : memref<128x128xf32, #tpu.memory_space<vmem>>)
        "tpu.region"() ({
          %run_scoped3A = tpu.sem_alloc : memref<!tpu.dma_semaphore, #tpu.memory_space<semaphore_mem>>
          %dma_start3A_136 = arith.constant 0 : i32
          %dma_start3A_137 = tpu.memref_slice %arg9[%add3A_104, %dma_start3A_136] : memref<40x128xi32, #tpu.memory_space<vmem>> -> memref<1x128xi32, #tpu.memory_space<vmem>>
          %dma_start3A_138 = tpu.memref_squeeze %dma_start3A_137 : memref<1x128xi32, #tpu.memory_space<vmem>> -> memref<128xi32, #tpu.memory_space<vmem>>
          %dma_start3A_139 = arith.constant 0 : i32
          %dma_start3A_140 = arith.constant 0 : i32
          %dma_start3A_141 = tpu.memref_slice %arg14[%dma_start3A_139, %dma_start3A_140] : memref<10240x128xf32, #tpu.memory_space<vmem_shared>> -> memref<10240x128xf32, #tpu.memory_space<vmem_shared>>
          tpu.enqueue_indirect_dma source(%arg11 : memref<128x128xf32, #tpu.memory_space<vmem>>) target(%dma_start3A_141 : memref<10240x128xf32, #tpu.memory_space<vmem_shared>>) offsets(%dma_start3A_138 : memref<128xi32, #tpu.memory_space<vmem>>) semaphore(%run_scoped3A : memref<!tpu.dma_semaphore, #tpu.memory_space<semaphore_mem>>) {add = true}
          %dma_wait3A_142 = arith.constant 0 : i32
          %dma_wait3A_143 = tpu.memref_slice %arg9[%add3A_104, %dma_wait3A_142] : memref<40x128xi32, #tpu.memory_space<vmem>> -> memref<1x128xi32, #tpu.memory_space<vmem>>
          %dma_wait3A_144 = tpu.memref_squeeze %dma_wait3A_143 : memref<1x128xi32, #tpu.memory_space<vmem>> -> memref<128xi32, #tpu.memory_space<vmem>>
          %dma_wait3A_145 = arith.constant 0 : i32
          %dma_wait3A_146 = arith.constant 0 : i32
          %dma_wait3A_147 = tpu.memref_slice %arg14[%dma_wait3A_145, %dma_wait3A_146] : memref<10240x128xf32, #tpu.memory_space<vmem_shared>> -> memref<10240x128xf32, #tpu.memory_space<vmem_shared>>
          tpu.wait_indirect_dma semaphore(%run_scoped3A : memref<!tpu.dma_semaphore, #tpu.memory_space<semaphore_mem>>) src(%arg11 : memref<128x128xf32, #tpu.memory_space<vmem>>) dst(%dma_wait3A_147 : memref<10240x128xf32, #tpu.memory_space<vmem_shared>>)
          tpu.yield
        }) : () -> ()
        %while3A_135 = arith.constant 0 : i32
        scf.yield %while3A_135 : i32
      }
      %while3A_91 = arith.constant 1 : i32
      %while3A_92 = scf.for %while3A_99 = %while3A_88 to %while3A_84 step %while3A_91 iter_args(%while3A_100 = %while3A_90) -> (i32)  : i32 {
        %mul3A_101 = arith.constant 2 : i32
        %mul3A_102 = arith.muli %mul3A_101, %while3A_99 : i32
        %add3A_103 = arith.constant 1 : i32
        %add3A_104 = arith.addi %mul3A_102, %add3A_103 : i32
        %dma_start3A_105 = arith.constant 0 : i32
        %dma_start3A_106 = tpu.memref_slice %arg8[%add3A_104, %dma_start3A_105] : memref<40x128xi32, #tpu.memory_space<vmem>> -> memref<1x128xi32, #tpu.memory_space<vmem>>
        %dma_start3A_107 = tpu.memref_squeeze %dma_start3A_106 : memref<1x128xi32, #tpu.memory_space<vmem>> -> memref<128xi32, #tpu.memory_space<vmem>>
        %dma_start3A_108 = arith.constant 0 : i32
        %dma_start3A_109 = arith.constant 0 : i32
        %dma_start3A_110 = tpu.memref_slice %arg2[%dma_start3A_108, %dma_start3A_109] : memref<10240x128xf32, #tpu.memory_space<hbm>> -> memref<10240x128xf32, #tpu.memory_space<hbm>>
        tpu.enqueue_indirect_dma source(%dma_start3A_110 : memref<10240x128xf32, #tpu.memory_space<hbm>>) target(%arg11 : memref<128x128xf32, #tpu.memory_space<vmem>>) offsets(%dma_start3A_107 : memref<128xi32, #tpu.memory_space<vmem>>) semaphore(%arg13 : memref<!tpu.dma_semaphore, #tpu.memory_space<semaphore_mem>>)
        %dma_wait3A_111 = arith.constant 0 : i32
        %dma_wait3A_112 = arith.constant 0 : i32
        %dma_wait3A_113 = tpu.memref_slice %arg8[%dma_wait3A_111, %dma_wait3A_112] : memref<40x128xi32, #tpu.memory_space<vmem>> -> memref<1x128xi32, #tpu.memory_space<vmem>>
        %dma_wait3A_114 = tpu.memref_squeeze %dma_wait3A_113 : memref<1x128xi32, #tpu.memory_space<vmem>> -> memref<128xi32, #tpu.memory_space<vmem>>
        %dma_wait3A_115 = arith.constant 0 : i32
        %dma_wait3A_116 = arith.constant 0 : i32
        %dma_wait3A_117 = tpu.memref_slice %arg2[%dma_wait3A_115, %dma_wait3A_116] : memref<10240x128xf32, #tpu.memory_space<hbm>> -> memref<10240x128xf32, #tpu.memory_space<hbm>>
        tpu.wait_indirect_dma semaphore(%arg12 : memref<!tpu.dma_semaphore, #tpu.memory_space<semaphore_mem>>) src(%dma_wait3A_117 : memref<10240x128xf32, #tpu.memory_space<hbm>>) dst(%arg10 : memref<128x128xf32, #tpu.memory_space<vmem>>)
        "tpu.region"() ({
          %run_scoped3A = tpu.sem_alloc : memref<!tpu.dma_semaphore, #tpu.memory_space<semaphore_mem>>
          %dma_start3A_136 = arith.constant 0 : i32
          %dma_start3A_137 = tpu.memref_slice %arg9[%mul3A_102, %dma_start3A_136] : memref<40x128xi32, #tpu.memory_space<vmem>> -> memref<1x128xi32, #tpu.memory_space<vmem>>
          %dma_start3A_138 = tpu.memref_squeeze %dma_start3A_137 : memref<1x128xi32, #tpu.memory_space<vmem>> -> memref<128xi32, #tpu.memory_space<vmem>>
          %dma_start3A_139 = arith.constant 0 : i32
          %dma_start3A_140 = arith.constant 0 : i32
          %dma_start3A_141 = tpu.memref_slice %arg14[%dma_start3A_139, %dma_start3A_140] : memref<10240x128xf32, #tpu.memory_space<vmem_shared>> -> memref<10240x128xf32, #tpu.memory_space<vmem_shared>>
          tpu.enqueue_indirect_dma source(%arg10 : memref<128x128xf32, #tpu.memory_space<vmem>>) target(%dma_start3A_141 : memref<10240x128xf32, #tpu.memory_space<vmem_shared>>) offsets(%dma_start3A_138 : memref<128xi32, #tpu.memory_space<vmem>>) semaphore(%run_scoped3A : memref<!tpu.dma_semaphore, #tpu.memory_space<semaphore_mem>>) {add = true}
          %dma_wait3A_142 = arith.constant 0 : i32
          %dma_wait3A_143 = tpu.memref_slice %arg9[%mul3A_102, %dma_wait3A_142] : memref<40x128xi32, #tpu.memory_space<vmem>> -> memref<1x128xi32, #tpu.memory_space<vmem>>
          %dma_wait3A_144 = tpu.memref_squeeze %dma_wait3A_143 : memref<1x128xi32, #tpu.memory_space<vmem>> -> memref<128xi32, #tpu.memory_space<vmem>>
          %dma_wait3A_145 = arith.constant 0 : i32
          %dma_wait3A_146 = arith.constant 0 : i32
          %dma_wait3A_147 = tpu.memref_slice %arg14[%dma_wait3A_145, %dma_wait3A_146] : memref<10240x128xf32, #tpu.memory_space<vmem_shared>> -> memref<10240x128xf32, #tpu.memory_space<vmem_shared>>
          tpu.wait_indirect_dma semaphore(%run_scoped3A : memref<!tpu.dma_semaphore, #tpu.memory_space<semaphore_mem>>) src(%arg10 : memref<128x128xf32, #tpu.memory_space<vmem>>) dst(%dma_wait3A_147 : memref<10240x128xf32, #tpu.memory_space<vmem_shared>>)
          tpu.yield
        }) : () -> ()
        %add3A_118 = arith.constant 2 : i32
        %add3A_119 = arith.addi %mul3A_102, %add3A_118 : i32
        %sub3A_120 = arith.constant 1 : i32
        %sub3A_121 = arith.subi %min3A, %sub3A_120 : i32
        %min3A_122 = arith.minsi %add3A_119, %sub3A_121 : i32
        %dma_start3A_123 = arith.constant 0 : i32
        %dma_start3A_124 = tpu.memref_slice %arg8[%min3A_122, %dma_start3A_123] : memref<40x128xi32, #tpu.memory_space<vmem>> -> memref<1x128xi32, #tpu.memory_space<vmem>>
        %dma_start3A_125 = tpu.memref_squeeze %dma_start3A_124 : memref<1x128xi32, #tpu.memory_space<vmem>> -> memref<128xi32, #tpu.memory_space<vmem>>
        %dma_start3A_126 = arith.constant 0 : i32
        %dma_start3A_127 = arith.constant 0 : i32
        %dma_start3A_128 = tpu.memref_slice %arg2[%dma_start3A_126, %dma_start3A_127] : memref<10240x128xf32, #tpu.memory_space<hbm>> -> memref<10240x128xf32, #tpu.memory_space<hbm>>
        tpu.enqueue_indirect_dma source(%dma_start3A_128 : memref<10240x128xf32, #tpu.memory_space<hbm>>) target(%arg10 : memref<128x128xf32, #tpu.memory_space<vmem>>) offsets(%dma_start3A_125 : memref<128xi32, #tpu.memory_space<vmem>>) semaphore(%arg12 : memref<!tpu.dma_semaphore, #tpu.memory_space<semaphore_mem>>)
        %dma_wait3A_129 = arith.constant 0 : i32
        %dma_wait3A_130 = tpu.memref_slice %arg8[%add3A_104, %dma_wait3A_129] : memref<40x128xi32, #tpu.memory_space<vmem>> -> memref<1x128xi32, #tpu.memory_space<vmem>>
        %dma_wait3A_131 = tpu.memref_squeeze %dma_wait3A_130 : memref<1x128xi32, #tpu.memory_space<vmem>> -> memref<128xi32, #tpu.memory_space<vmem>>
        %dma_wait3A_132 = arith.constant 0 : i32
        %dma_wait3A_133 = arith.constant 0 : i32
        %dma_wait3A_134 = tpu.memref_slice %arg2[%dma_wait3A_132, %dma_wait3A_133] : memref<10240x128xf32, #tpu.memory_space<hbm>> -> memref<10240x128xf32, #tpu.memory_space<hbm>>
        tpu.wait_indirect_dma semaphore(%arg13 : memref<!tpu.dma_semaphore, #tpu.memory_space<semaphore_mem>>) src(%dma_wait3A_134 : memref<10240x128xf32, #tpu.memory_space<hbm>>) dst(%arg11 : memref<128x128xf32, #tpu.memory_space<vmem>>)
        "tpu.region"() ({
          %run_scoped3A = tpu.sem_alloc : memref<!tpu.dma_semaphore, #tpu.memory_space<semaphore_mem>>
          %dma_start3A_136 = arith.constant 0 : i32
          %dma_start3A_137 = tpu.memref_slice %arg9[%add3A_104, %dma_start3A_136] : memref<40x128xi32, #tpu.memory_space<vmem>> -> memref<1x128xi32, #tpu.memory_space<vmem>>
          %dma_start3A_138 = tpu.memref_squeeze %dma_start3A_137 : memref<1x128xi32, #tpu.memory_space<vmem>> -> memref<128xi32, #tpu.memory_space<vmem>>
          %dma_start3A_139 = arith.constant 0 : i32
          %dma_start3A_140 = arith.constant 0 : i32
          %dma_start3A_141 = tpu.memref_slice %arg14[%dma_start3A_139, %dma_start3A_140] : memref<10240x128xf32, #tpu.memory_space<vmem_shared>> -> memref<10240x128xf32, #tpu.memory_space<vmem_shared>>
          tpu.enqueue_indirect_dma source(%arg11 : memref<128x128xf32, #tpu.memory_space<vmem>>) target(%dma_start3A_141 : memref<10240x128xf32, #tpu.memory_space<vmem_shared>>) offsets(%dma_start3A_138 : memref<128xi32, #tpu.memory_space<vmem>>) semaphore(%run_scoped3A : memref<!tpu.dma_semaphore, #tpu.memory_space<semaphore_mem>>) {add = true}
          %dma_wait3A_142 = arith.constant 0 : i32
          %dma_wait3A_143 = tpu.memref_slice %arg9[%add3A_104, %dma_wait3A_142] : memref<40x128xi32, #tpu.memory_space<vmem>> -> memref<1x128xi32, #tpu.memory_space<vmem>>
          %dma_wait3A_144 = tpu.memref_squeeze %dma_wait3A_143 : memref<1x128xi32, #tpu.memory_space<vmem>> -> memref<128xi32, #tpu.memory_space<vmem>>
          %dma_wait3A_145 = arith.constant 0 : i32
          %dma_wait3A_146 = arith.constant 0 : i32
          %dma_wait3A_147 = tpu.memref_slice %arg14[%dma_wait3A_145, %dma_wait3A_146] : memref<10240x128xf32, #tpu.memory_space<vmem_shared>> -> memref<10240x128xf32, #tpu.memory_space<vmem_shared>>
          tpu.wait_indirect_dma semaphore(%run_scoped3A : memref<!tpu.dma_semaphore, #tpu.memory_space<semaphore_mem>>) src(%arg11 : memref<128x128xf32, #tpu.memory_space<vmem>>) dst(%dma_wait3A_147 : memref<10240x128xf32, #tpu.memory_space<vmem_shared>>)
          tpu.yield
        }) : () -> ()
        %while3A_135 = arith.constant 0 : i32
        scf.yield %while3A_135 : i32
      }
      %dma_wait3A = arith.constant 0 : i32
      %dma_wait3A_93 = arith.constant 0 : i32
      %dma_wait3A_94 = tpu.memref_slice %arg8[%dma_wait3A, %dma_wait3A_93] : memref<40x128xi32, #tpu.memory_space<vmem>> -> memref<1x128xi32, #tpu.memory_space<vmem>>
      %dma_wait3A_95 = tpu.memref_squeeze %dma_wait3A_94 : memref<1x128xi32, #tpu.memory_space<vmem>> -> memref<128xi32, #tpu.memory_space<vmem>>
      %dma_wait3A_96 = arith.constant 0 : i32
      %dma_wait3A_97 = arith.constant 0 : i32
      %dma_wait3A_98 = tpu.memref_slice %arg2[%dma_wait3A_96, %dma_wait3A_97] : memref<10240x128xf32, #tpu.memory_space<hbm>> -> memref<10240x128xf32, #tpu.memory_space<hbm>>
      tpu.wait_indirect_dma semaphore(%arg12 : memref<!tpu.dma_semaphore, #tpu.memory_space<semaphore_mem>>) src(%dma_wait3A_98 : memref<10240x128xf32, #tpu.memory_space<hbm>>) dst(%arg10 : memref<128x128xf32, #tpu.memory_space<vmem>>)
    } else {
    }
    %sub3A_31 = arith.constant 40 : i32
    %sub3A_32 = arith.subi %select_n3A, %sub3A_31 : i32
    %jit3A_33 = arith.constant 0 : i32
    %jit3A_34 = arith.constant 40 : i32
    %max3A_35 = arith.maxsi %jit3A_33, %sub3A_32 : i32
    %min3A_36 = arith.minsi %jit3A_34, %max3A_35 : i32
    %gt3A_37 = arith.constant 0 : i32
    %gt3A_38 = arith.cmpi sgt, %min3A_36, %gt3A_37 : i32
    %convert_element_type3A_39 = arith.extui %gt3A_38 : i1 to i32
    %cond3A_40 = arith.constant 0 : i32
    %cond3A_41 = arith.cmpi ne, %convert_element_type3A_39, %cond3A_40 : i32
    scf.if %cond3A_41 {
      %eq3A_47 = arith.constant 0 : i32
      %eq3A_48 = arith.cmpi eq, %arg0, %eq3A_47 : i32
      %convert_element_type3A_49 = arith.extui %eq3A_48 : i1 to i32
      %cond3A_50 = arith.constant 0 : i32
      %cond3A_51 = arith.cmpi ne, %convert_element_type3A_49, %cond3A_50 : i32
      scf.if %cond3A_51 {
        "tpu.region"() ({
          %run_scoped3A = tpu.sem_alloc : memref<!tpu.dma_semaphore, #tpu.memory_space<semaphore_mem>>
          %dma_start3A_99 = arith.constant 40 : i32
          %dma_start3A_100 = arith.constant 0 : i32
          %dma_start3A_101 = tpu.memref_slice %arg3[%arg1, %dma_start3A_99, %dma_start3A_100] : memref<16x80x128xi32, #tpu.memory_space<hbm>> -> memref<1x40x128xi32, #tpu.memory_space<hbm>>
          %dma_start3A_102 = tpu.memref_squeeze %dma_start3A_101 : memref<1x40x128xi32, #tpu.memory_space<hbm>> -> memref<40x128xi32, #tpu.memory_space<hbm>>
          %dma_start3A_103 = arith.constant 40 : i32
          %dma_start3A_104 = arith.constant 0 : i32
          %dma_start3A_105 = tpu.memref_slice %arg3[%arg1, %dma_start3A_103, %dma_start3A_104] : memref<16x80x128xi32, #tpu.memory_space<hbm>> -> memref<1x40x128xi32, #tpu.memory_space<hbm>>
          %dma_start3A_106 = tpu.memref_squeeze %dma_start3A_105 : memref<1x40x128xi32, #tpu.memory_space<hbm>> -> memref<40x128xi32, #tpu.memory_space<hbm>>
          tpu.enqueue_dma source(%dma_start3A_106 : memref<40x128xi32, #tpu.memory_space<hbm>>) target(%arg8 : memref<40x128xi32, #tpu.memory_space<vmem>>) target_semaphore(%run_scoped3A : memref<!tpu.dma_semaphore, #tpu.memory_space<semaphore_mem>>)
          %dma_wait3A_107 = arith.constant 40 : i32
          %dma_wait3A_108 = arith.constant 0 : i32
          %dma_wait3A_109 = tpu.memref_slice %arg3[%arg1, %dma_wait3A_107, %dma_wait3A_108] : memref<16x80x128xi32, #tpu.memory_space<hbm>> -> memref<1x40x128xi32, #tpu.memory_space<hbm>>
          %dma_wait3A_110 = tpu.memref_squeeze %dma_wait3A_109 : memref<1x40x128xi32, #tpu.memory_space<hbm>> -> memref<40x128xi32, #tpu.memory_space<hbm>>
          %dma_wait3A_111 = arith.constant 40 : i32
          %dma_wait3A_112 = arith.constant 0 : i32
          %dma_wait3A_113 = tpu.memref_slice %arg3[%arg1, %dma_wait3A_111, %dma_wait3A_112] : memref<16x80x128xi32, #tpu.memory_space<hbm>> -> memref<1x40x128xi32, #tpu.memory_space<hbm>>
          %dma_wait3A_114 = tpu.memref_squeeze %dma_wait3A_113 : memref<1x40x128xi32, #tpu.memory_space<hbm>> -> memref<40x128xi32, #tpu.memory_space<hbm>>
          tpu.wait_dma2 semaphore(%run_scoped3A : memref<!tpu.dma_semaphore, #tpu.memory_space<semaphore_mem>>) src(%dma_wait3A_114 : memref<40x128xi32, #tpu.memory_space<hbm>>) dst(%arg8 : memref<40x128xi32, #tpu.memory_space<vmem>>)
          tpu.yield
        }) : () -> ()
        "tpu.region"() ({
          %run_scoped3A = tpu.sem_alloc : memref<!tpu.dma_semaphore, #tpu.memory_space<semaphore_mem>>
          %dma_start3A_99 = arith.constant 40 : i32
          %dma_start3A_100 = arith.constant 0 : i32
          %dma_start3A_101 = tpu.memref_slice %arg4[%arg1, %dma_start3A_99, %dma_start3A_100] : memref<16x80x128xi32, #tpu.memory_space<hbm>> -> memref<1x40x128xi32, #tpu.memory_space<hbm>>
          %dma_start3A_102 = tpu.memref_squeeze %dma_start3A_101 : memref<1x40x128xi32, #tpu.memory_space<hbm>> -> memref<40x128xi32, #tpu.memory_space<hbm>>
          %dma_start3A_103 = arith.constant 40 : i32
          %dma_start3A_104 = arith.constant 0 : i32
          %dma_start3A_105 = tpu.memref_slice %arg4[%arg1, %dma_start3A_103, %dma_start3A_104] : memref<16x80x128xi32, #tpu.memory_space<hbm>> -> memref<1x40x128xi32, #tpu.memory_space<hbm>>
          %dma_start3A_106 = tpu.memref_squeeze %dma_start3A_105 : memref<1x40x128xi32, #tpu.memory_space<hbm>> -> memref<40x128xi32, #tpu.memory_space<hbm>>
          tpu.enqueue_dma source(%dma_start3A_106 : memref<40x128xi32, #tpu.memory_space<hbm>>) target(%arg9 : memref<40x128xi32, #tpu.memory_space<vmem>>) target_semaphore(%run_scoped3A : memref<!tpu.dma_semaphore, #tpu.memory_space<semaphore_mem>>)
          %dma_wait3A_107 = arith.constant 40 : i32
          %dma_wait3A_108 = arith.constant 0 : i32
          %dma_wait3A_109 = tpu.memref_slice %arg4[%arg1, %dma_wait3A_107, %dma_wait3A_108] : memref<16x80x128xi32, #tpu.memory_space<hbm>> -> memref<1x40x128xi32, #tpu.memory_space<hbm>>
          %dma_wait3A_110 = tpu.memref_squeeze %dma_wait3A_109 : memref<1x40x128xi32, #tpu.memory_space<hbm>> -> memref<40x128xi32, #tpu.memory_space<hbm>>
          %dma_wait3A_111 = arith.constant 40 : i32
          %dma_wait3A_112 = arith.constant 0 : i32
          %dma_wait3A_113 = tpu.memref_slice %arg4[%arg1, %dma_wait3A_111, %dma_wait3A_112] : memref<16x80x128xi32, #tpu.memory_space<hbm>> -> memref<1x40x128xi32, #tpu.memory_space<hbm>>
          %dma_wait3A_114 = tpu.memref_squeeze %dma_wait3A_113 : memref<1x40x128xi32, #tpu.memory_space<hbm>> -> memref<40x128xi32, #tpu.memory_space<hbm>>
          tpu.wait_dma2 semaphore(%run_scoped3A : memref<!tpu.dma_semaphore, #tpu.memory_space<semaphore_mem>>) src(%dma_wait3A_114 : memref<40x128xi32, #tpu.memory_space<hbm>>) dst(%arg9 : memref<40x128xi32, #tpu.memory_space<vmem>>)
          tpu.yield
        }) : () -> ()
      } else {
      }
      %eq3A_52 = arith.constant 1 : i32
      %eq3A_53 = arith.cmpi eq, %arg0, %eq3A_52 : i32
      %convert_element_type3A_54 = arith.extui %eq3A_53 : i1 to i32
      %cond3A_55 = arith.constant 0 : i32
      %cond3A_56 = arith.cmpi ne, %convert_element_type3A_54, %cond3A_55 : i32
      scf.if %cond3A_56 {
        "tpu.region"() ({
          %run_scoped3A = tpu.sem_alloc : memref<!tpu.dma_semaphore, #tpu.memory_space<semaphore_mem>>
          %dma_start3A_99 = arith.constant 40 : i32
          %dma_start3A_100 = arith.constant 0 : i32
          %dma_start3A_101 = tpu.memref_slice %arg5[%arg1, %dma_start3A_99, %dma_start3A_100] : memref<16x80x128xi32, #tpu.memory_space<hbm>> -> memref<1x40x128xi32, #tpu.memory_space<hbm>>
          %dma_start3A_102 = tpu.memref_squeeze %dma_start3A_101 : memref<1x40x128xi32, #tpu.memory_space<hbm>> -> memref<40x128xi32, #tpu.memory_space<hbm>>
          %dma_start3A_103 = arith.constant 40 : i32
          %dma_start3A_104 = arith.constant 0 : i32
          %dma_start3A_105 = tpu.memref_slice %arg5[%arg1, %dma_start3A_103, %dma_start3A_104] : memref<16x80x128xi32, #tpu.memory_space<hbm>> -> memref<1x40x128xi32, #tpu.memory_space<hbm>>
          %dma_start3A_106 = tpu.memref_squeeze %dma_start3A_105 : memref<1x40x128xi32, #tpu.memory_space<hbm>> -> memref<40x128xi32, #tpu.memory_space<hbm>>
          tpu.enqueue_dma source(%dma_start3A_106 : memref<40x128xi32, #tpu.memory_space<hbm>>) target(%arg8 : memref<40x128xi32, #tpu.memory_space<vmem>>) target_semaphore(%run_scoped3A : memref<!tpu.dma_semaphore, #tpu.memory_space<semaphore_mem>>)
          %dma_wait3A_107 = arith.constant 40 : i32
          %dma_wait3A_108 = arith.constant 0 : i32
          %dma_wait3A_109 = tpu.memref_slice %arg5[%arg1, %dma_wait3A_107, %dma_wait3A_108] : memref<16x80x128xi32, #tpu.memory_space<hbm>> -> memref<1x40x128xi32, #tpu.memory_space<hbm>>
          %dma_wait3A_110 = tpu.memref_squeeze %dma_wait3A_109 : memref<1x40x128xi32, #tpu.memory_space<hbm>> -> memref<40x128xi32, #tpu.memory_space<hbm>>
          %dma_wait3A_111 = arith.constant 40 : i32
          %dma_wait3A_112 = arith.constant 0 : i32
          %dma_wait3A_113 = tpu.memref_slice %arg5[%arg1, %dma_wait3A_111, %dma_wait3A_112] : memref<16x80x128xi32, #tpu.memory_space<hbm>> -> memref<1x40x128xi32, #tpu.memory_space<hbm>>
          %dma_wait3A_114 = tpu.memref_squeeze %dma_wait3A_113 : memref<1x40x128xi32, #tpu.memory_space<hbm>> -> memref<40x128xi32, #tpu.memory_space<hbm>>
          tpu.wait_dma2 semaphore(%run_scoped3A : memref<!tpu.dma_semaphore, #tpu.memory_space<semaphore_mem>>) src(%dma_wait3A_114 : memref<40x128xi32, #tpu.memory_space<hbm>>) dst(%arg8 : memref<40x128xi32, #tpu.memory_space<vmem>>)
          tpu.yield
        }) : () -> ()
        "tpu.region"() ({
          %run_scoped3A = tpu.sem_alloc : memref<!tpu.dma_semaphore, #tpu.memory_space<semaphore_mem>>
          %dma_start3A_99 = arith.constant 40 : i32
          %dma_start3A_100 = arith.constant 0 : i32
          %dma_start3A_101 = tpu.memref_slice %arg6[%arg1, %dma_start3A_99, %dma_start3A_100] : memref<16x80x128xi32, #tpu.memory_space<hbm>> -> memref<1x40x128xi32, #tpu.memory_space<hbm>>
          %dma_start3A_102 = tpu.memref_squeeze %dma_start3A_101 : memref<1x40x128xi32, #tpu.memory_space<hbm>> -> memref<40x128xi32, #tpu.memory_space<hbm>>
          %dma_start3A_103 = arith.constant 40 : i32
          %dma_start3A_104 = arith.constant 0 : i32
          %dma_start3A_105 = tpu.memref_slice %arg6[%arg1, %dma_start3A_103, %dma_start3A_104] : memref<16x80x128xi32, #tpu.memory_space<hbm>> -> memref<1x40x128xi32, #tpu.memory_space<hbm>>
          %dma_start3A_106 = tpu.memref_squeeze %dma_start3A_105 : memref<1x40x128xi32, #tpu.memory_space<hbm>> -> memref<40x128xi32, #tpu.memory_space<hbm>>
          tpu.enqueue_dma source(%dma_start3A_106 : memref<40x128xi32, #tpu.memory_space<hbm>>) target(%arg9 : memref<40x128xi32, #tpu.memory_space<vmem>>) target_semaphore(%run_scoped3A : memref<!tpu.dma_semaphore, #tpu.memory_space<semaphore_mem>>)
          %dma_wait3A_107 = arith.constant 40 : i32
          %dma_wait3A_108 = arith.constant 0 : i32
          %dma_wait3A_109 = tpu.memref_slice %arg6[%arg1, %dma_wait3A_107, %dma_wait3A_108] : memref<16x80x128xi32, #tpu.memory_space<hbm>> -> memref<1x40x128xi32, #tpu.memory_space<hbm>>
          %dma_wait3A_110 = tpu.memref_squeeze %dma_wait3A_109 : memref<1x40x128xi32, #tpu.memory_space<hbm>> -> memref<40x128xi32, #tpu.memory_space<hbm>>
          %dma_wait3A_111 = arith.constant 40 : i32
          %dma_wait3A_112 = arith.constant 0 : i32
          %dma_wait3A_113 = tpu.memref_slice %arg6[%arg1, %dma_wait3A_111, %dma_wait3A_112] : memref<16x80x128xi32, #tpu.memory_space<hbm>> -> memref<1x40x128xi32, #tpu.memory_space<hbm>>
          %dma_wait3A_114 = tpu.memref_squeeze %dma_wait3A_113 : memref<1x40x128xi32, #tpu.memory_space<hbm>> -> memref<40x128xi32, #tpu.memory_space<hbm>>
          tpu.wait_dma2 semaphore(%run_scoped3A : memref<!tpu.dma_semaphore, #tpu.memory_space<semaphore_mem>>) src(%dma_wait3A_114 : memref<40x128xi32, #tpu.memory_space<hbm>>) dst(%arg9 : memref<40x128xi32, #tpu.memory_space<vmem>>)
          tpu.yield
        }) : () -> ()
      } else {
      }
      %dma_start3A = arith.constant 0 : i32
      %dma_start3A_57 = arith.constant 0 : i32
      %dma_start3A_58 = tpu.memref_slice %arg8[%dma_start3A, %dma_start3A_57] : memref<40x128xi32, #tpu.memory_space<vmem>> -> memref<1x128xi32, #tpu.memory_space<vmem>>
      %dma_start3A_59 = tpu.memref_squeeze %dma_start3A_58 : memref<1x128xi32, #tpu.memory_space<vmem>> -> memref<128xi32, #tpu.memory_space<vmem>>
      %dma_start3A_60 = arith.constant 0 : i32
      %dma_start3A_61 = arith.constant 0 : i32
      %dma_start3A_62 = tpu.memref_slice %arg2[%dma_start3A_60, %dma_start3A_61] : memref<10240x128xf32, #tpu.memory_space<hbm>> -> memref<10240x128xf32, #tpu.memory_space<hbm>>
      tpu.enqueue_indirect_dma source(%dma_start3A_62 : memref<10240x128xf32, #tpu.memory_space<hbm>>) target(%arg10 : memref<128x128xf32, #tpu.memory_space<vmem>>) offsets(%dma_start3A_59 : memref<128xi32, #tpu.memory_space<vmem>>) semaphore(%arg12 : memref<!tpu.dma_semaphore, #tpu.memory_space<semaphore_mem>>)
      %jit3A_63 = arith.constant 2 : i32
      %div3A = arith.divsi %min3A_36, %jit3A_63 : i32
      %sign3A = arith.constant 0 : i32
      %sign3A_64 = arith.cmpi sgt, %min3A_36, %sign3A : i32
      %sign3A_65 = arith.extui %sign3A_64 : i1 to i32
      %sign3A_66 = arith.constant 0 : i32
      %sign3A_67 = arith.cmpi slt, %min3A_36, %sign3A_66 : i32
      %sign3A_68 = arith.extui %sign3A_67 : i1 to i32
      %sign3A_69 = arith.subi %sign3A_65, %sign3A_68 : i32
      %sign3A_70 = arith.constant 0 : i32
      %sign3A_71 = arith.cmpi sgt, %jit3A_63, %sign3A_70 : i32
      %sign3A_72 = arith.extui %sign3A_71 : i1 to i32
      %sign3A_73 = arith.constant 0 : i32
      %sign3A_74 = arith.cmpi slt, %jit3A_63, %sign3A_73 : i32
      %sign3A_75 = arith.extui %sign3A_74 : i1 to i32
      %sign3A_76 = arith.subi %sign3A_72, %sign3A_75 : i32
      %ne3A = arith.cmpi ne, %sign3A_69, %sign3A_76 : i32
      %rem3A = arith.remsi %min3A_36, %jit3A_63 : i32
      %ne3A_77 = arith.constant 0 : i32
      %ne3A_78 = arith.cmpi ne, %rem3A, %ne3A_77 : i32
      %and3A = arith.andi %ne3A, %ne3A_78 : i1
      %sub3A_79 = arith.constant 1 : i32
      %sub3A_80 = arith.subi %div3A, %sub3A_79 : i32
      %select_n3A_81 = arith.select %and3A, %sub3A_80, %div3A : i32
      %while3A = arith.constant 0 : i32
      %while3A_82 = arith.constant 0 : i32
      %while3A_83 = arith.subi %select_n3A_81, %while3A : i32
      %while3A_84 = arith.addi %while3A, %while3A_83 : i32
      %while3A_85 = arith.constant 1 : i32
      %while3A_86 = arith.divsi %while3A_83, %while3A_85 : i32
      %while3A_87 = arith.muli %while3A_86, %while3A_85 : i32
      %while3A_88 = arith.addi %while3A, %while3A_87 : i32
      %while3A_89 = arith.constant 1 : i32
      %while3A_90 = scf.for %while3A_99 = %while3A to %while3A_88 step %while3A_89 iter_args(%while3A_100 = %while3A_82) -> (i32)  : i32 {
        %mul3A_101 = arith.constant 2 : i32
        %mul3A_102 = arith.muli %mul3A_101, %while3A_99 : i32
        %add3A_103 = arith.constant 1 : i32
        %add3A_104 = arith.addi %mul3A_102, %add3A_103 : i32
        %dma_start3A_105 = arith.constant 0 : i32
        %dma_start3A_106 = tpu.memref_slice %arg8[%add3A_104, %dma_start3A_105] : memref<40x128xi32, #tpu.memory_space<vmem>> -> memref<1x128xi32, #tpu.memory_space<vmem>>
        %dma_start3A_107 = tpu.memref_squeeze %dma_start3A_106 : memref<1x128xi32, #tpu.memory_space<vmem>> -> memref<128xi32, #tpu.memory_space<vmem>>
        %dma_start3A_108 = arith.constant 0 : i32
        %dma_start3A_109 = arith.constant 0 : i32
        %dma_start3A_110 = tpu.memref_slice %arg2[%dma_start3A_108, %dma_start3A_109] : memref<10240x128xf32, #tpu.memory_space<hbm>> -> memref<10240x128xf32, #tpu.memory_space<hbm>>
        tpu.enqueue_indirect_dma source(%dma_start3A_110 : memref<10240x128xf32, #tpu.memory_space<hbm>>) target(%arg11 : memref<128x128xf32, #tpu.memory_space<vmem>>) offsets(%dma_start3A_107 : memref<128xi32, #tpu.memory_space<vmem>>) semaphore(%arg13 : memref<!tpu.dma_semaphore, #tpu.memory_space<semaphore_mem>>)
        %dma_wait3A_111 = arith.constant 0 : i32
        %dma_wait3A_112 = arith.constant 0 : i32
        %dma_wait3A_113 = tpu.memref_slice %arg8[%dma_wait3A_111, %dma_wait3A_112] : memref<40x128xi32, #tpu.memory_space<vmem>> -> memref<1x128xi32, #tpu.memory_space<vmem>>
        %dma_wait3A_114 = tpu.memref_squeeze %dma_wait3A_113 : memref<1x128xi32, #tpu.memory_space<vmem>> -> memref<128xi32, #tpu.memory_space<vmem>>
        %dma_wait3A_115 = arith.constant 0 : i32
        %dma_wait3A_116 = arith.constant 0 : i32
        %dma_wait3A_117 = tpu.memref_slice %arg2[%dma_wait3A_115, %dma_wait3A_116] : memref<10240x128xf32, #tpu.memory_space<hbm>> -> memref<10240x128xf32, #tpu.memory_space<hbm>>
        tpu.wait_indirect_dma semaphore(%arg12 : memref<!tpu.dma_semaphore, #tpu.memory_space<semaphore_mem>>) src(%dma_wait3A_117 : memref<10240x128xf32, #tpu.memory_space<hbm>>) dst(%arg10 : memref<128x128xf32, #tpu.memory_space<vmem>>)
        "tpu.region"() ({
          %run_scoped3A = tpu.sem_alloc : memref<!tpu.dma_semaphore, #tpu.memory_space<semaphore_mem>>
          %dma_start3A_136 = arith.constant 0 : i32
          %dma_start3A_137 = tpu.memref_slice %arg9[%mul3A_102, %dma_start3A_136] : memref<40x128xi32, #tpu.memory_space<vmem>> -> memref<1x128xi32, #tpu.memory_space<vmem>>
          %dma_start3A_138 = tpu.memref_squeeze %dma_start3A_137 : memref<1x128xi32, #tpu.memory_space<vmem>> -> memref<128xi32, #tpu.memory_space<vmem>>
          %dma_start3A_139 = arith.constant 0 : i32
          %dma_start3A_140 = arith.constant 0 : i32
          %dma_start3A_141 = tpu.memref_slice %arg14[%dma_start3A_139, %dma_start3A_140] : memref<10240x128xf32, #tpu.memory_space<vmem_shared>> -> memref<10240x128xf32, #tpu.memory_space<vmem_shared>>
          tpu.enqueue_indirect_dma source(%arg10 : memref<128x128xf32, #tpu.memory_space<vmem>>) target(%dma_start3A_141 : memref<10240x128xf32, #tpu.memory_space<vmem_shared>>) offsets(%dma_start3A_138 : memref<128xi32, #tpu.memory_space<vmem>>) semaphore(%run_scoped3A : memref<!tpu.dma_semaphore, #tpu.memory_space<semaphore_mem>>) {add = true}
          %dma_wait3A_142 = arith.constant 0 : i32
          %dma_wait3A_143 = tpu.memref_slice %arg9[%mul3A_102, %dma_wait3A_142] : memref<40x128xi32, #tpu.memory_space<vmem>> -> memref<1x128xi32, #tpu.memory_space<vmem>>
          %dma_wait3A_144 = tpu.memref_squeeze %dma_wait3A_143 : memref<1x128xi32, #tpu.memory_space<vmem>> -> memref<128xi32, #tpu.memory_space<vmem>>
          %dma_wait3A_145 = arith.constant 0 : i32
          %dma_wait3A_146 = arith.constant 0 : i32
          %dma_wait3A_147 = tpu.memref_slice %arg14[%dma_wait3A_145, %dma_wait3A_146] : memref<10240x128xf32, #tpu.memory_space<vmem_shared>> -> memref<10240x128xf32, #tpu.memory_space<vmem_shared>>
          tpu.wait_indirect_dma semaphore(%run_scoped3A : memref<!tpu.dma_semaphore, #tpu.memory_space<semaphore_mem>>) src(%arg10 : memref<128x128xf32, #tpu.memory_space<vmem>>) dst(%dma_wait3A_147 : memref<10240x128xf32, #tpu.memory_space<vmem_shared>>)
          tpu.yield
        }) : () -> ()
        %add3A_118 = arith.constant 2 : i32
        %add3A_119 = arith.addi %mul3A_102, %add3A_118 : i32
        %sub3A_120 = arith.constant 1 : i32
        %sub3A_121 = arith.subi %min3A_36, %sub3A_120 : i32
        %min3A_122 = arith.minsi %add3A_119, %sub3A_121 : i32
        %dma_start3A_123 = arith.constant 0 : i32
        %dma_start3A_124 = tpu.memref_slice %arg8[%min3A_122, %dma_start3A_123] : memref<40x128xi32, #tpu.memory_space<vmem>> -> memref<1x128xi32, #tpu.memory_space<vmem>>
        %dma_start3A_125 = tpu.memref_squeeze %dma_start3A_124 : memref<1x128xi32, #tpu.memory_space<vmem>> -> memref<128xi32, #tpu.memory_space<vmem>>
        %dma_start3A_126 = arith.constant 0 : i32
        %dma_start3A_127 = arith.constant 0 : i32
        %dma_start3A_128 = tpu.memref_slice %arg2[%dma_start3A_126, %dma_start3A_127] : memref<10240x128xf32, #tpu.memory_space<hbm>> -> memref<10240x128xf32, #tpu.memory_space<hbm>>
        tpu.enqueue_indirect_dma source(%dma_start3A_128 : memref<10240x128xf32, #tpu.memory_space<hbm>>) target(%arg10 : memref<128x128xf32, #tpu.memory_space<vmem>>) offsets(%dma_start3A_125 : memref<128xi32, #tpu.memory_space<vmem>>) semaphore(%arg12 : memref<!tpu.dma_semaphore, #tpu.memory_space<semaphore_mem>>)
        %dma_wait3A_129 = arith.constant 0 : i32
        %dma_wait3A_130 = tpu.memref_slice %arg8[%add3A_104, %dma_wait3A_129] : memref<40x128xi32, #tpu.memory_space<vmem>> -> memref<1x128xi32, #tpu.memory_space<vmem>>
        %dma_wait3A_131 = tpu.memref_squeeze %dma_wait3A_130 : memref<1x128xi32, #tpu.memory_space<vmem>> -> memref<128xi32, #tpu.memory_space<vmem>>
        %dma_wait3A_132 = arith.constant 0 : i32
        %dma_wait3A_133 = arith.constant 0 : i32
        %dma_wait3A_134 = tpu.memref_slice %arg2[%dma_wait3A_132, %dma_wait3A_133] : memref<10240x128xf32, #tpu.memory_space<hbm>> -> memref<10240x128xf32, #tpu.memory_space<hbm>>
        tpu.wait_indirect_dma semaphore(%arg13 : memref<!tpu.dma_semaphore, #tpu.memory_space<semaphore_mem>>) src(%dma_wait3A_134 : memref<10240x128xf32, #tpu.memory_space<hbm>>) dst(%arg11 : memref<128x128xf32, #tpu.memory_space<vmem>>)
        "tpu.region"() ({
          %run_scoped3A = tpu.sem_alloc : memref<!tpu.dma_semaphore, #tpu.memory_space<semaphore_mem>>
          %dma_start3A_136 = arith.constant 0 : i32
          %dma_start3A_137 = tpu.memref_slice %arg9[%add3A_104, %dma_start3A_136] : memref<40x128xi32, #tpu.memory_space<vmem>> -> memref<1x128xi32, #tpu.memory_space<vmem>>
          %dma_start3A_138 = tpu.memref_squeeze %dma_start3A_137 : memref<1x128xi32, #tpu.memory_space<vmem>> -> memref<128xi32, #tpu.memory_space<vmem>>
          %dma_start3A_139 = arith.constant 0 : i32
          %dma_start3A_140 = arith.constant 0 : i32
          %dma_start3A_141 = tpu.memref_slice %arg14[%dma_start3A_139, %dma_start3A_140] : memref<10240x128xf32, #tpu.memory_space<vmem_shared>> -> memref<10240x128xf32, #tpu.memory_space<vmem_shared>>
          tpu.enqueue_indirect_dma source(%arg11 : memref<128x128xf32, #tpu.memory_space<vmem>>) target(%dma_start3A_141 : memref<10240x128xf32, #tpu.memory_space<vmem_shared>>) offsets(%dma_start3A_138 : memref<128xi32, #tpu.memory_space<vmem>>) semaphore(%run_scoped3A : memref<!tpu.dma_semaphore, #tpu.memory_space<semaphore_mem>>) {add = true}
          %dma_wait3A_142 = arith.constant 0 : i32
          %dma_wait3A_143 = tpu.memref_slice %arg9[%add3A_104, %dma_wait3A_142] : memref<40x128xi32, #tpu.memory_space<vmem>> -> memref<1x128xi32, #tpu.memory_space<vmem>>
          %dma_wait3A_144 = tpu.memref_squeeze %dma_wait3A_143 : memref<1x128xi32, #tpu.memory_space<vmem>> -> memref<128xi32, #tpu.memory_space<vmem>>
          %dma_wait3A_145 = arith.constant 0 : i32
          %dma_wait3A_146 = arith.constant 0 : i32
          %dma_wait3A_147 = tpu.memref_slice %arg14[%dma_wait3A_145, %dma_wait3A_146] : memref<10240x128xf32, #tpu.memory_space<vmem_shared>> -> memref<10240x128xf32, #tpu.memory_space<vmem_shared>>
          tpu.wait_indirect_dma semaphore(%run_scoped3A : memref<!tpu.dma_semaphore, #tpu.memory_space<semaphore_mem>>) src(%arg11 : memref<128x128xf32, #tpu.memory_space<vmem>>) dst(%dma_wait3A_147 : memref<10240x128xf32, #tpu.memory_space<vmem_shared>>)
          tpu.yield
        }) : () -> ()
        %while3A_135 = arith.constant 0 : i32
        scf.yield %while3A_135 : i32
      }
      %while3A_91 = arith.constant 1 : i32
      %while3A_92 = scf.for %while3A_99 = %while3A_88 to %while3A_84 step %while3A_91 iter_args(%while3A_100 = %while3A_90) -> (i32)  : i32 {
        %mul3A_101 = arith.constant 2 : i32
        %mul3A_102 = arith.muli %mul3A_101, %while3A_99 : i32
        %add3A_103 = arith.constant 1 : i32
        %add3A_104 = arith.addi %mul3A_102, %add3A_103 : i32
        %dma_start3A_105 = arith.constant 0 : i32
        %dma_start3A_106 = tpu.memref_slice %arg8[%add3A_104, %dma_start3A_105] : memref<40x128xi32, #tpu.memory_space<vmem>> -> memref<1x128xi32, #tpu.memory_space<vmem>>
        %dma_start3A_107 = tpu.memref_squeeze %dma_start3A_106 : memref<1x128xi32, #tpu.memory_space<vmem>> -> memref<128xi32, #tpu.memory_space<vmem>>
        %dma_start3A_108 = arith.constant 0 : i32
        %dma_start3A_109 = arith.constant 0 : i32
        %dma_start3A_110 = tpu.memref_slice %arg2[%dma_start3A_108, %dma_start3A_109] : memref<10240x128xf32, #tpu.memory_space<hbm>> -> memref<10240x128xf32, #tpu.memory_space<hbm>>
        tpu.enqueue_indirect_dma source(%dma_start3A_110 : memref<10240x128xf32, #tpu.memory_space<hbm>>) target(%arg11 : memref<128x128xf32, #tpu.memory_space<vmem>>) offsets(%dma_start3A_107 : memref<128xi32, #tpu.memory_space<vmem>>) semaphore(%arg13 : memref<!tpu.dma_semaphore, #tpu.memory_space<semaphore_mem>>)
        %dma_wait3A_111 = arith.constant 0 : i32
        %dma_wait3A_112 = arith.constant 0 : i32
        %dma_wait3A_113 = tpu.memref_slice %arg8[%dma_wait3A_111, %dma_wait3A_112] : memref<40x128xi32, #tpu.memory_space<vmem>> -> memref<1x128xi32, #tpu.memory_space<vmem>>
        %dma_wait3A_114 = tpu.memref_squeeze %dma_wait3A_113 : memref<1x128xi32, #tpu.memory_space<vmem>> -> memref<128xi32, #tpu.memory_space<vmem>>
        %dma_wait3A_115 = arith.constant 0 : i32
        %dma_wait3A_116 = arith.constant 0 : i32
        %dma_wait3A_117 = tpu.memref_slice %arg2[%dma_wait3A_115, %dma_wait3A_116] : memref<10240x128xf32, #tpu.memory_space<hbm>> -> memref<10240x128xf32, #tpu.memory_space<hbm>>
        tpu.wait_indirect_dma semaphore(%arg12 : memref<!tpu.dma_semaphore, #tpu.memory_space<semaphore_mem>>) src(%dma_wait3A_117 : memref<10240x128xf32, #tpu.memory_space<hbm>>) dst(%arg10 : memref<128x128xf32, #tpu.memory_space<vmem>>)
        "tpu.region"() ({
          %run_scoped3A = tpu.sem_alloc : memref<!tpu.dma_semaphore, #tpu.memory_space<semaphore_mem>>
          %dma_start3A_136 = arith.constant 0 : i32
          %dma_start3A_137 = tpu.memref_slice %arg9[%mul3A_102, %dma_start3A_136] : memref<40x128xi32, #tpu.memory_space<vmem>> -> memref<1x128xi32, #tpu.memory_space<vmem>>
          %dma_start3A_138 = tpu.memref_squeeze %dma_start3A_137 : memref<1x128xi32, #tpu.memory_space<vmem>> -> memref<128xi32, #tpu.memory_space<vmem>>
          %dma_start3A_139 = arith.constant 0 : i32
          %dma_start3A_140 = arith.constant 0 : i32
          %dma_start3A_141 = tpu.memref_slice %arg14[%dma_start3A_139, %dma_start3A_140] : memref<10240x128xf32, #tpu.memory_space<vmem_shared>> -> memref<10240x128xf32, #tpu.memory_space<vmem_shared>>
          tpu.enqueue_indirect_dma source(%arg10 : memref<128x128xf32, #tpu.memory_space<vmem>>) target(%dma_start3A_141 : memref<10240x128xf32, #tpu.memory_space<vmem_shared>>) offsets(%dma_start3A_138 : memref<128xi32, #tpu.memory_space<vmem>>) semaphore(%run_scoped3A : memref<!tpu.dma_semaphore, #tpu.memory_space<semaphore_mem>>) {add = true}
          %dma_wait3A_142 = arith.constant 0 : i32
          %dma_wait3A_143 = tpu.memref_slice %arg9[%mul3A_102, %dma_wait3A_142] : memref<40x128xi32, #tpu.memory_space<vmem>> -> memref<1x128xi32, #tpu.memory_space<vmem>>
          %dma_wait3A_144 = tpu.memref_squeeze %dma_wait3A_143 : memref<1x128xi32, #tpu.memory_space<vmem>> -> memref<128xi32, #tpu.memory_space<vmem>>
          %dma_wait3A_145 = arith.constant 0 : i32
          %dma_wait3A_146 = arith.constant 0 : i32
          %dma_wait3A_147 = tpu.memref_slice %arg14[%dma_wait3A_145, %dma_wait3A_146] : memref<10240x128xf32, #tpu.memory_space<vmem_shared>> -> memref<10240x128xf32, #tpu.memory_space<vmem_shared>>
          tpu.wait_indirect_dma semaphore(%run_scoped3A : memref<!tpu.dma_semaphore, #tpu.memory_space<semaphore_mem>>) src(%arg10 : memref<128x128xf32, #tpu.memory_space<vmem>>) dst(%dma_wait3A_147 : memref<10240x128xf32, #tpu.memory_space<vmem_shared>>)
          tpu.yield
        }) : () -> ()
        %add3A_118 = arith.constant 2 : i32
        %add3A_119 = arith.addi %mul3A_102, %add3A_118 : i32
        %sub3A_120 = arith.constant 1 : i32
        %sub3A_121 = arith.subi %min3A_36, %sub3A_120 : i32
        %min3A_122 = arith.minsi %add3A_119, %sub3A_121 : i32
        %dma_start3A_123 = arith.constant 0 : i32
        %dma_start3A_124 = tpu.memref_slice %arg8[%min3A_122, %dma_start3A_123] : memref<40x128xi32, #tpu.memory_space<vmem>> -> memref<1x128xi32, #tpu.memory_space<vmem>>
        %dma_start3A_125 = tpu.memref_squeeze %dma_start3A_124 : memref<1x128xi32, #tpu.memory_space<vmem>> -> memref<128xi32, #tpu.memory_space<vmem>>
        %dma_start3A_126 = arith.constant 0 : i32
        %dma_start3A_127 = arith.constant 0 : i32
        %dma_start3A_128 = tpu.memref_slice %arg2[%dma_start3A_126, %dma_start3A_127] : memref<10240x128xf32, #tpu.memory_space<hbm>> -> memref<10240x128xf32, #tpu.memory_space<hbm>>
        tpu.enqueue_indirect_dma source(%dma_start3A_128 : memref<10240x128xf32, #tpu.memory_space<hbm>>) target(%arg10 : memref<128x128xf32, #tpu.memory_space<vmem>>) offsets(%dma_start3A_125 : memref<128xi32, #tpu.memory_space<vmem>>) semaphore(%arg12 : memref<!tpu.dma_semaphore, #tpu.memory_space<semaphore_mem>>)
        %dma_wait3A_129 = arith.constant 0 : i32
        %dma_wait3A_130 = tpu.memref_slice %arg8[%add3A_104, %dma_wait3A_129] : memref<40x128xi32, #tpu.memory_space<vmem>> -> memref<1x128xi32, #tpu.memory_space<vmem>>
        %dma_wait3A_131 = tpu.memref_squeeze %dma_wait3A_130 : memref<1x128xi32, #tpu.memory_space<vmem>> -> memref<128xi32, #tpu.memory_space<vmem>>
        %dma_wait3A_132 = arith.constant 0 : i32
        %dma_wait3A_133 = arith.constant 0 : i32
        %dma_wait3A_134 = tpu.memref_slice %arg2[%dma_wait3A_132, %dma_wait3A_133] : memref<10240x128xf32, #tpu.memory_space<hbm>> -> memref<10240x128xf32, #tpu.memory_space<hbm>>
        tpu.wait_indirect_dma semaphore(%arg13 : memref<!tpu.dma_semaphore, #tpu.memory_space<semaphore_mem>>) src(%dma_wait3A_134 : memref<10240x128xf32, #tpu.memory_space<hbm>>) dst(%arg11 : memref<128x128xf32, #tpu.memory_space<vmem>>)
        "tpu.region"() ({
          %run_scoped3A = tpu.sem_alloc : memref<!tpu.dma_semaphore, #tpu.memory_space<semaphore_mem>>
          %dma_start3A_136 = arith.constant 0 : i32
          %dma_start3A_137 = tpu.memref_slice %arg9[%add3A_104, %dma_start3A_136] : memref<40x128xi32, #tpu.memory_space<vmem>> -> memref<1x128xi32, #tpu.memory_space<vmem>>
          %dma_start3A_138 = tpu.memref_squeeze %dma_start3A_137 : memref<1x128xi32, #tpu.memory_space<vmem>> -> memref<128xi32, #tpu.memory_space<vmem>>
          %dma_start3A_139 = arith.constant 0 : i32
          %dma_start3A_140 = arith.constant 0 : i32
          %dma_start3A_141 = tpu.memref_slice %arg14[%dma_start3A_139, %dma_start3A_140] : memref<10240x128xf32, #tpu.memory_space<vmem_shared>> -> memref<10240x128xf32, #tpu.memory_space<vmem_shared>>
          tpu.enqueue_indirect_dma source(%arg11 : memref<128x128xf32, #tpu.memory_space<vmem>>) target(%dma_start3A_141 : memref<10240x128xf32, #tpu.memory_space<vmem_shared>>) offsets(%dma_start3A_138 : memref<128xi32, #tpu.memory_space<vmem>>) semaphore(%run_scoped3A : memref<!tpu.dma_semaphore, #tpu.memory_space<semaphore_mem>>) {add = true}
          %dma_wait3A_142 = arith.constant 0 : i32
          %dma_wait3A_143 = tpu.memref_slice %arg9[%add3A_104, %dma_wait3A_142] : memref<40x128xi32, #tpu.memory_space<vmem>> -> memref<1x128xi32, #tpu.memory_space<vmem>>
          %dma_wait3A_144 = tpu.memref_squeeze %dma_wait3A_143 : memref<1x128xi32, #tpu.memory_space<vmem>> -> memref<128xi32, #tpu.memory_space<vmem>>
          %dma_wait3A_145 = arith.constant 0 : i32
          %dma_wait3A_146 = arith.constant 0 : i32
          %dma_wait3A_147 = tpu.memref_slice %arg14[%dma_wait3A_145, %dma_wait3A_146] : memref<10240x128xf32, #tpu.memory_space<vmem_shared>> -> memref<10240x128xf32, #tpu.memory_space<vmem_shared>>
          tpu.wait_indirect_dma semaphore(%run_scoped3A : memref<!tpu.dma_semaphore, #tpu.memory_space<semaphore_mem>>) src(%arg11 : memref<128x128xf32, #tpu.memory_space<vmem>>) dst(%dma_wait3A_147 : memref<10240x128xf32, #tpu.memory_space<vmem_shared>>)
          tpu.yield
        }) : () -> ()
        %while3A_135 = arith.constant 0 : i32
        scf.yield %while3A_135 : i32
      }
      %dma_wait3A = arith.constant 0 : i32
      %dma_wait3A_93 = arith.constant 0 : i32
      %dma_wait3A_94 = tpu.memref_slice %arg8[%dma_wait3A, %dma_wait3A_93] : memref<40x128xi32, #tpu.memory_space<vmem>> -> memref<1x128xi32, #tpu.memory_space<vmem>>
      %dma_wait3A_95 = tpu.memref_squeeze %dma_wait3A_94 : memref<1x128xi32, #tpu.memory_space<vmem>> -> memref<128xi32, #tpu.memory_space<vmem>>
      %dma_wait3A_96 = arith.constant 0 : i32
      %dma_wait3A_97 = arith.constant 0 : i32
      %dma_wait3A_98 = tpu.memref_slice %arg2[%dma_wait3A_96, %dma_wait3A_97] : memref<10240x128xf32, #tpu.memory_space<hbm>> -> memref<10240x128xf32, #tpu.memory_space<hbm>>
      tpu.wait_indirect_dma semaphore(%arg12 : memref<!tpu.dma_semaphore, #tpu.memory_space<semaphore_mem>>) src(%dma_wait3A_98 : memref<10240x128xf32, #tpu.memory_space<hbm>>) dst(%arg10 : memref<128x128xf32, #tpu.memory_space<vmem>>)
    } else {
    }
    %barrier3A_42 = arith.constant 0 : index
    tpu.barrier barrier_id(%barrier3A_42)
    %mul3A_43 = arith.constant 640 : i32
    %mul3A_44 = arith.muli %arg1, %mul3A_43 : i32
    %mul3A_45 = arith.constant 640 : i32
    %mul3A_46 = arith.muli %arg1, %mul3A_45 : i32
    "tpu.region"() ({
      %run_scoped3A = tpu.sem_alloc : memref<!tpu.dma_semaphore, #tpu.memory_space<semaphore_mem>>
      %dma_start3A = arith.constant 0 : i32
      %dma_start3A_47 = tpu.memref_slice %arg7[%arg0, %mul3A_46, %dma_start3A] : memref<2x10240x128xf32, #tpu.memory_space<hbm>> -> memref<1x640x128xf32, #tpu.memory_space<hbm>>
      %dma_start3A_48 = tpu.memref_squeeze %dma_start3A_47 : memref<1x640x128xf32, #tpu.memory_space<hbm>> -> memref<640x128xf32, #tpu.memory_space<hbm>>
      %dma_start3A_49 = arith.constant 0 : i32
      %dma_start3A_50 = tpu.memref_slice %arg14[%mul3A_44, %dma_start3A_49] : memref<10240x128xf32, #tpu.memory_space<vmem_shared>> -> memref<640x128xf32, #tpu.memory_space<vmem_shared>>
      tpu.enqueue_dma source(%dma_start3A_50 : memref<640x128xf32, #tpu.memory_space<vmem_shared>>) target(%dma_start3A_48 : memref<640x128xf32, #tpu.memory_space<hbm>>) target_semaphore(%run_scoped3A : memref<!tpu.dma_semaphore, #tpu.memory_space<semaphore_mem>>)
      %dma_wait3A = arith.constant 0 : i32
      %dma_wait3A_51 = tpu.memref_slice %arg7[%arg0, %mul3A_46, %dma_wait3A] : memref<2x10240x128xf32, #tpu.memory_space<hbm>> -> memref<1x640x128xf32, #tpu.memory_space<hbm>>
      %dma_wait3A_52 = tpu.memref_squeeze %dma_wait3A_51 : memref<1x640x128xf32, #tpu.memory_space<hbm>> -> memref<640x128xf32, #tpu.memory_space<hbm>>
      %dma_wait3A_53 = arith.constant 0 : i32
      %dma_wait3A_54 = tpu.memref_slice %arg14[%mul3A_44, %dma_wait3A_53] : memref<10240x128xf32, #tpu.memory_space<vmem_shared>> -> memref<640x128xf32, #tpu.memory_space<vmem_shared>>
      tpu.wait_dma2 semaphore(%run_scoped3A : memref<!tpu.dma_semaphore, #tpu.memory_space<semaphore_mem>>) src(%dma_wait3A_54 : memref<640x128xf32, #tpu.memory_space<vmem_shared>>) dst(%dma_wait3A_52 : memref<640x128xf32, #tpu.memory_space<hbm>>)
      tpu.yield
    }) : () -> ()
    return
  }
}

#map = affine_map<(d0, d1) -> (0, 0)>
#map1 = affine_map<(d0, d1) -> (0, 0, 0)>
module attributes {stable_mosaic.version = 14 : i64} {
  func.func @hop_kernel(%arg0: i32, %arg1: i32, %arg2: memref<10240x128xf32, #tpu.memory_space<hbm>>, %arg3: memref<16x80x128xi32, #tpu.memory_space<hbm>>, %arg4: memref<16x80x128xi32, #tpu.memory_space<hbm>>, %arg5: memref<16x80x128xi32, #tpu.memory_space<hbm>>, %arg6: memref<16x80x128xi32, #tpu.memory_space<hbm>>, %arg7: memref<2x10240x128xf32, #tpu.memory_space<hbm>>, %arg8: memref<40x128xi32, #tpu.memory_space<vmem>>, %arg9: memref<40x128xi32, #tpu.memory_space<vmem>>, %arg10: memref<128x128xf32, #tpu.memory_space<vmem>>, %arg11: memref<128x128xf32, #tpu.memory_space<vmem>>, %arg12: memref<!tpu.dma_semaphore, #tpu.memory_space<semaphore_mem>>, %arg13: memref<!tpu.dma_semaphore, #tpu.memory_space<semaphore_mem>>, %arg14: memref<10240x128xf32, #tpu.memory_space<vmem_shared>>) attributes {dimension_semantics = [#tpu.dimension_semantics<core_parallel>, #tpu.dimension_semantics<subcore_parallel>], iteration_bounds = array<i64: 2, 16>, scalar_prefetch = 0 : i64, scratch_operands = 7 : i64, tpu.core_type = #tpu.core_type<sc_vector_subcore>, window_params = [{transform_indices = #map}, {transform_indices = #map1}, {transform_indices = #map1}, {transform_indices = #map1}, {transform_indices = #map1}, {transform_indices = #map1}]} {
    %eq3A = arith.constant 0 : i32
    %eq3A_0 = arith.cmpi eq, %arg0, %eq3A : i32
    %jit3A = arith.constant 80 : i32
    %jit3A_1 = arith.constant 80 : i32
    %select_n3A = arith.select %eq3A_0, %jit3A, %jit3A_1 : i32
    %scan3A = arith.constant 0 : i32
    %scan3A_2 = arith.constant 0 : i32
    %scan3A_3 = arith.constant 128 : i32
    %scan3A_4 = arith.addi %scan3A_2, %scan3A_3 : i32
    %scan3A_5 = arith.constant 1 : i32
    %scan3A_6 = scf.for %scan3A_47 = %scan3A_2 to %scan3A_4 step %scan3A_5 iter_args(%scan3A_48 = %scan3A) -> (i32)  : i32 {
      %broadcast_in_dim3A = arith.constant 0.000000e+00 : f32
      %broadcast_in_dim3A_49 = vector.broadcast %broadcast_in_dim3A : f32 to vector<16xf32>
      %swap3A = arith.index_cast %scan3A_47 : i32 to index
      %swap3A_50 = arith.constant 0 : index
      %swap3A_51 = tpu.vector_load %arg10[%swap3A, %swap3A_50] {strides = array<i32>} : memref<128x128xf32, #tpu.memory_space<vmem>>, vector<1x16xf32>,
      %swap3A_52 = vector.shape_cast %swap3A_51 : vector<1x16xf32> to vector<16xf32>
      %swap3A_53 = vector.shape_cast %broadcast_in_dim3A_49 : vector<16xf32> to vector<1x16xf32>
      tpu.vector_store %arg10[%swap3A, %swap3A_50], %swap3A_53 {strides = array<i32>} : memref<128x128xf32, #tpu.memory_space<vmem>>, vector<1x16xf32>,
      %broadcast_in_dim3A_54 = arith.constant 0.000000e+00 : f32
      %broadcast_in_dim3A_55 = vector.broadcast %broadcast_in_dim3A_54 : f32 to vector<16xf32>
      %swap3A_56 = arith.index_cast %scan3A_47 : i32 to index
      %swap3A_57 = arith.constant 16 : index
      %swap3A_58 = tpu.vector_load %arg10[%swap3A_56, %swap3A_57] {strides = array<i32>} : memref<128x128xf32, #tpu.memory_space<vmem>>, vector<1x16xf32>,
      %swap3A_59 = vector.shape_cast %swap3A_58 : vector<1x16xf32> to vector<16xf32>
      %swap3A_60 = vector.shape_cast %broadcast_in_dim3A_55 : vector<16xf32> to vector<1x16xf32>
      tpu.vector_store %arg10[%swap3A_56, %swap3A_57], %swap3A_60 {strides = array<i32>} : memref<128x128xf32, #tpu.memory_space<vmem>>, vector<1x16xf32>,
      %broadcast_in_dim3A_61 = arith.constant 0.000000e+00 : f32
      %broadcast_in_dim3A_62 = vector.broadcast %broadcast_in_dim3A_61 : f32 to vector<16xf32>
      %swap3A_63 = arith.index_cast %scan3A_47 : i32 to index
      %swap3A_64 = arith.constant 32 : index
      %swap3A_65 = tpu.vector_load %arg10[%swap3A_63, %swap3A_64] {strides = array<i32>} : memref<128x128xf32, #tpu.memory_space<vmem>>, vector<1x16xf32>,
      %swap3A_66 = vector.shape_cast %swap3A_65 : vector<1x16xf32> to vector<16xf32>
      %swap3A_67 = vector.shape_cast %broadcast_in_dim3A_62 : vector<16xf32> to vector<1x16xf32>
      tpu.vector_store %arg10[%swap3A_63, %swap3A_64], %swap3A_67 {strides = array<i32>} : memref<128x128xf32, #tpu.memory_space<vmem>>, vector<1x16xf32>,
      %broadcast_in_dim3A_68 = arith.constant 0.000000e+00 : f32
      %broadcast_in_dim3A_69 = vector.broadcast %broadcast_in_dim3A_68 : f32 to vector<16xf32>
      %swap3A_70 = arith.index_cast %scan3A_47 : i32 to index
      %swap3A_71 = arith.constant 48 : index
      %swap3A_72 = tpu.vector_load %arg10[%swap3A_70, %swap3A_71] {strides = array<i32>} : memref<128x128xf32, #tpu.memory_space<vmem>>, vector<1x16xf32>,
      %swap3A_73 = vector.shape_cast %swap3A_72 : vector<1x16xf32> to vector<16xf32>
      %swap3A_74 = vector.shape_cast %broadcast_in_dim3A_69 : vector<16xf32> to vector<1x16xf32>
      tpu.vector_store %arg10[%swap3A_70, %swap3A_71], %swap3A_74 {strides = array<i32>} : memref<128x128xf32, #tpu.memory_space<vmem>>, vector<1x16xf32>,
      %broadcast_in_dim3A_75 = arith.constant 0.000000e+00 : f32
      %broadcast_in_dim3A_76 = vector.broadcast %broadcast_in_dim3A_75 : f32 to vector<16xf32>
      %swap3A_77 = arith.index_cast %scan3A_47 : i32 to index
      %swap3A_78 = arith.constant 64 : index
      %swap3A_79 = tpu.vector_load %arg10[%swap3A_77, %swap3A_78] {strides = array<i32>} : memref<128x128xf32, #tpu.memory_space<vmem>>, vector<1x16xf32>,
      %swap3A_80 = vector.shape_cast %swap3A_79 : vector<1x16xf32> to vector<16xf32>
      %swap3A_81 = vector.shape_cast %broadcast_in_dim3A_76 : vector<16xf32> to vector<1x16xf32>
      tpu.vector_store %arg10[%swap3A_77, %swap3A_78], %swap3A_81 {strides = array<i32>} : memref<128x128xf32, #tpu.memory_space<vmem>>, vector<1x16xf32>,
      %broadcast_in_dim3A_82 = arith.constant 0.000000e+00 : f32
      %broadcast_in_dim3A_83 = vector.broadcast %broadcast_in_dim3A_82 : f32 to vector<16xf32>
      %swap3A_84 = arith.index_cast %scan3A_47 : i32 to index
      %swap3A_85 = arith.constant 80 : index
      %swap3A_86 = tpu.vector_load %arg10[%swap3A_84, %swap3A_85] {strides = array<i32>} : memref<128x128xf32, #tpu.memory_space<vmem>>, vector<1x16xf32>,
      %swap3A_87 = vector.shape_cast %swap3A_86 : vector<1x16xf32> to vector<16xf32>
      %swap3A_88 = vector.shape_cast %broadcast_in_dim3A_83 : vector<16xf32> to vector<1x16xf32>
      tpu.vector_store %arg10[%swap3A_84, %swap3A_85], %swap3A_88 {strides = array<i32>} : memref<128x128xf32, #tpu.memory_space<vmem>>, vector<1x16xf32>,
      %broadcast_in_dim3A_89 = arith.constant 0.000000e+00 : f32
      %broadcast_in_dim3A_90 = vector.broadcast %broadcast_in_dim3A_89 : f32 to vector<16xf32>
      %swap3A_91 = arith.index_cast %scan3A_47 : i32 to index
      %swap3A_92 = arith.constant 96 : index
      %swap3A_93 = tpu.vector_load %arg10[%swap3A_91, %swap3A_92] {strides = array<i32>} : memref<128x128xf32, #tpu.memory_space<vmem>>, vector<1x16xf32>,
      %swap3A_94 = vector.shape_cast %swap3A_93 : vector<1x16xf32> to vector<16xf32>
      %swap3A_95 = vector.shape_cast %broadcast_in_dim3A_90 : vector<16xf32> to vector<1x16xf32>
      tpu.vector_store %arg10[%swap3A_91, %swap3A_92], %swap3A_95 {strides = array<i32>} : memref<128x128xf32, #tpu.memory_space<vmem>>, vector<1x16xf32>,
      %broadcast_in_dim3A_96 = arith.constant 0.000000e+00 : f32
      %broadcast_in_dim3A_97 = vector.broadcast %broadcast_in_dim3A_96 : f32 to vector<16xf32>
      %swap3A_98 = arith.index_cast %scan3A_47 : i32 to index
      %swap3A_99 = arith.constant 112 : index
      %swap3A_100 = tpu.vector_load %arg10[%swap3A_98, %swap3A_99] {strides = array<i32>} : memref<128x128xf32, #tpu.memory_space<vmem>>, vector<1x16xf32>,
      %swap3A_101 = vector.shape_cast %swap3A_100 : vector<1x16xf32> to vector<16xf32>
      %swap3A_102 = vector.shape_cast %broadcast_in_dim3A_97 : vector<16xf32> to vector<1x16xf32>
      tpu.vector_store %arg10[%swap3A_98, %swap3A_99], %swap3A_102 {strides = array<i32>} : memref<128x128xf32, #tpu.memory_space<vmem>>, vector<1x16xf32>,
      %scan3A_103 = arith.constant 0 : i32
      scf.yield %scan3A_103 : i32
    }
    %scan3A_7 = arith.constant 128 : i32
    %mul3A = arith.constant 640 : i32
    %mul3A_8 = arith.muli %arg1, %mul3A : i32
    %add3A = arith.constant 0 : i32
    %add3A_9 = arith.addi %mul3A_8, %add3A : i32
    "tpu.region"() ({
      %run_scoped3A = tpu.sem_alloc : memref<!tpu.dma_semaphore, #tpu.memory_space<semaphore_mem>>
      %dma_start3A = arith.constant 0 : i32
      %dma_start3A_47 = tpu.memref_slice %arg14[%add3A_9, %dma_start3A] : memref<10240x128xf32, #tpu.memory_space<vmem_shared>> -> memref<128x128xf32, #tpu.memory_space<vmem_shared>>
      %dma_start3A_48 = arith.constant 0 : i32
      %dma_start3A_49 = tpu.memref_slice %arg14[%add3A_9, %dma_start3A_48] : memref<10240x128xf32, #tpu.memory_space<vmem_shared>> -> memref<128x128xf32, #tpu.memory_space<vmem_shared>>
      tpu.enqueue_dma source(%arg10 : memref<128x128xf32, #tpu.memory_space<vmem>>) target(%dma_start3A_49 : memref<128x128xf32, #tpu.memory_space<vmem_shared>>) target_semaphore(%run_scoped3A : memref<!tpu.dma_semaphore, #tpu.memory_space<semaphore_mem>>)
      %dma_wait3A = arith.constant 0 : i32
      %dma_wait3A_50 = tpu.memref_slice %arg14[%add3A_9, %dma_wait3A] : memref<10240x128xf32, #tpu.memory_space<vmem_shared>> -> memref<128x128xf32, #tpu.memory_space<vmem_shared>>
      %dma_wait3A_51 = arith.constant 0 : i32
      %dma_wait3A_52 = tpu.memref_slice %arg14[%add3A_9, %dma_wait3A_51] : memref<10240x128xf32, #tpu.memory_space<vmem_shared>> -> memref<128x128xf32, #tpu.memory_space<vmem_shared>>
      tpu.wait_dma2 semaphore(%run_scoped3A : memref<!tpu.dma_semaphore, #tpu.memory_space<semaphore_mem>>) src(%arg10 : memref<128x128xf32, #tpu.memory_space<vmem>>) dst(%dma_wait3A_52 : memref<128x128xf32, #tpu.memory_space<vmem_shared>>)
      tpu.yield
    }) : () -> ()
    %mul3A_10 = arith.constant 640 : i32
    %mul3A_11 = arith.muli %arg1, %mul3A_10 : i32
    %add3A_12 = arith.constant 128 : i32
    %add3A_13 = arith.addi %mul3A_11, %add3A_12 : i32
    "tpu.region"() ({
      %run_scoped3A = tpu.sem_alloc : memref<!tpu.dma_semaphore, #tpu.memory_space<semaphore_mem>>
      %dma_start3A = arith.constant 0 : i32
      %dma_start3A_47 = tpu.memref_slice %arg14[%add3A_13, %dma_start3A] : memref<10240x128xf32, #tpu.memory_space<vmem_shared>> -> memref<128x128xf32, #tpu.memory_space<vmem_shared>>
      %dma_start3A_48 = arith.constant 0 : i32
      %dma_start3A_49 = tpu.memref_slice %arg14[%add3A_13, %dma_start3A_48] : memref<10240x128xf32, #tpu.memory_space<vmem_shared>> -> memref<128x128xf32, #tpu.memory_space<vmem_shared>>
      tpu.enqueue_dma source(%arg10 : memref<128x128xf32, #tpu.memory_space<vmem>>) target(%dma_start3A_49 : memref<128x128xf32, #tpu.memory_space<vmem_shared>>) target_semaphore(%run_scoped3A : memref<!tpu.dma_semaphore, #tpu.memory_space<semaphore_mem>>)
      %dma_wait3A = arith.constant 0 : i32
      %dma_wait3A_50 = tpu.memref_slice %arg14[%add3A_13, %dma_wait3A] : memref<10240x128xf32, #tpu.memory_space<vmem_shared>> -> memref<128x128xf32, #tpu.memory_space<vmem_shared>>
      %dma_wait3A_51 = arith.constant 0 : i32
      %dma_wait3A_52 = tpu.memref_slice %arg14[%add3A_13, %dma_wait3A_51] : memref<10240x128xf32, #tpu.memory_space<vmem_shared>> -> memref<128x128xf32, #tpu.memory_space<vmem_shared>>
      tpu.wait_dma2 semaphore(%run_scoped3A : memref<!tpu.dma_semaphore, #tpu.memory_space<semaphore_mem>>) src(%arg10 : memref<128x128xf32, #tpu.memory_space<vmem>>) dst(%dma_wait3A_52 : memref<128x128xf32, #tpu.memory_space<vmem_shared>>)
      tpu.yield
    }) : () -> ()
    %mul3A_14 = arith.constant 640 : i32
    %mul3A_15 = arith.muli %arg1, %mul3A_14 : i32
    %add3A_16 = arith.constant 256 : i32
    %add3A_17 = arith.addi %mul3A_15, %add3A_16 : i32
    "tpu.region"() ({
      %run_scoped3A = tpu.sem_alloc : memref<!tpu.dma_semaphore, #tpu.memory_space<semaphore_mem>>
      %dma_start3A = arith.constant 0 : i32
      %dma_start3A_47 = tpu.memref_slice %arg14[%add3A_17, %dma_start3A] : memref<10240x128xf32, #tpu.memory_space<vmem_shared>> -> memref<128x128xf32, #tpu.memory_space<vmem_shared>>
      %dma_start3A_48 = arith.constant 0 : i32
      %dma_start3A_49 = tpu.memref_slice %arg14[%add3A_17, %dma_start3A_48] : memref<10240x128xf32, #tpu.memory_space<vmem_shared>> -> memref<128x128xf32, #tpu.memory_space<vmem_shared>>
      tpu.enqueue_dma source(%arg10 : memref<128x128xf32, #tpu.memory_space<vmem>>) target(%dma_start3A_49 : memref<128x128xf32, #tpu.memory_space<vmem_shared>>) target_semaphore(%run_scoped3A : memref<!tpu.dma_semaphore, #tpu.memory_space<semaphore_mem>>)
      %dma_wait3A = arith.constant 0 : i32
      %dma_wait3A_50 = tpu.memref_slice %arg14[%add3A_17, %dma_wait3A] : memref<10240x128xf32, #tpu.memory_space<vmem_shared>> -> memref<128x128xf32, #tpu.memory_space<vmem_shared>>
      %dma_wait3A_51 = arith.constant 0 : i32
      %dma_wait3A_52 = tpu.memref_slice %arg14[%add3A_17, %dma_wait3A_51] : memref<10240x128xf32, #tpu.memory_space<vmem_shared>> -> memref<128x128xf32, #tpu.memory_space<vmem_shared>>
      tpu.wait_dma2 semaphore(%run_scoped3A : memref<!tpu.dma_semaphore, #tpu.memory_space<semaphore_mem>>) src(%arg10 : memref<128x128xf32, #tpu.memory_space<vmem>>) dst(%dma_wait3A_52 : memref<128x128xf32, #tpu.memory_space<vmem_shared>>)
      tpu.yield
    }) : () -> ()
    %mul3A_18 = arith.constant 640 : i32
    %mul3A_19 = arith.muli %arg1, %mul3A_18 : i32
    %add3A_20 = arith.constant 384 : i32
    %add3A_21 = arith.addi %mul3A_19, %add3A_20 : i32
    "tpu.region"() ({
      %run_scoped3A = tpu.sem_alloc : memref<!tpu.dma_semaphore, #tpu.memory_space<semaphore_mem>>
      %dma_start3A = arith.constant 0 : i32
      %dma_start3A_47 = tpu.memref_slice %arg14[%add3A_21, %dma_start3A] : memref<10240x128xf32, #tpu.memory_space<vmem_shared>> -> memref<128x128xf32, #tpu.memory_space<vmem_shared>>
      %dma_start3A_48 = arith.constant 0 : i32
      %dma_start3A_49 = tpu.memref_slice %arg14[%add3A_21, %dma_start3A_48] : memref<10240x128xf32, #tpu.memory_space<vmem_shared>> -> memref<128x128xf32, #tpu.memory_space<vmem_shared>>
      tpu.enqueue_dma source(%arg10 : memref<128x128xf32, #tpu.memory_space<vmem>>) target(%dma_start3A_49 : memref<128x128xf32, #tpu.memory_space<vmem_shared>>) target_semaphore(%run_scoped3A : memref<!tpu.dma_semaphore, #tpu.memory_space<semaphore_mem>>)
      %dma_wait3A = arith.constant 0 : i32
      %dma_wait3A_50 = tpu.memref_slice %arg14[%add3A_21, %dma_wait3A] : memref<10240x128xf32, #tpu.memory_space<vmem_shared>> -> memref<128x128xf32, #tpu.memory_space<vmem_shared>>
      %dma_wait3A_51 = arith.constant 0 : i32
      %dma_wait3A_52 = tpu.memref_slice %arg14[%add3A_21, %dma_wait3A_51] : memref<10240x128xf32, #tpu.memory_space<vmem_shared>> -> memref<128x128xf32, #tpu.memory_space<vmem_shared>>
      tpu.wait_dma2 semaphore(%run_scoped3A : memref<!tpu.dma_semaphore, #tpu.memory_space<semaphore_mem>>) src(%arg10 : memref<128x128xf32, #tpu.memory_space<vmem>>) dst(%dma_wait3A_52 : memref<128x128xf32, #tpu.memory_space<vmem_shared>>)
      tpu.yield
    }) : () -> ()
    %mul3A_22 = arith.constant 640 : i32
    %mul3A_23 = arith.muli %arg1, %mul3A_22 : i32
    %add3A_24 = arith.constant 512 : i32
    %add3A_25 = arith.addi %mul3A_23, %add3A_24 : i32
    "tpu.region"() ({
      %run_scoped3A = tpu.sem_alloc : memref<!tpu.dma_semaphore, #tpu.memory_space<semaphore_mem>>
      %dma_start3A = arith.constant 0 : i32
      %dma_start3A_47 = tpu.memref_slice %arg14[%add3A_25, %dma_start3A] : memref<10240x128xf32, #tpu.memory_space<vmem_shared>> -> memref<128x128xf32, #tpu.memory_space<vmem_shared>>
      %dma_start3A_48 = arith.constant 0 : i32
      %dma_start3A_49 = tpu.memref_slice %arg14[%add3A_25, %dma_start3A_48] : memref<10240x128xf32, #tpu.memory_space<vmem_shared>> -> memref<128x128xf32, #tpu.memory_space<vmem_shared>>
      tpu.enqueue_dma source(%arg10 : memref<128x128xf32, #tpu.memory_space<vmem>>) target(%dma_start3A_49 : memref<128x128xf32, #tpu.memory_space<vmem_shared>>) target_semaphore(%run_scoped3A : memref<!tpu.dma_semaphore, #tpu.memory_space<semaphore_mem>>)
      %dma_wait3A = arith.constant 0 : i32
      %dma_wait3A_50 = tpu.memref_slice %arg14[%add3A_25, %dma_wait3A] : memref<10240x128xf32, #tpu.memory_space<vmem_shared>> -> memref<128x128xf32, #tpu.memory_space<vmem_shared>>
      %dma_wait3A_51 = arith.constant 0 : i32
      %dma_wait3A_52 = tpu.memref_slice %arg14[%add3A_25, %dma_wait3A_51] : memref<10240x128xf32, #tpu.memory_space<vmem_shared>> -> memref<128x128xf32, #tpu.memory_space<vmem_shared>>
      tpu.wait_dma2 semaphore(%run_scoped3A : memref<!tpu.dma_semaphore, #tpu.memory_space<semaphore_mem>>) src(%arg10 : memref<128x128xf32, #tpu.memory_space<vmem>>) dst(%dma_wait3A_52 : memref<128x128xf32, #tpu.memory_space<vmem_shared>>)
      tpu.yield
    }) : () -> ()
    %barrier3A = arith.constant 0 : index
    tpu.barrier barrier_id(%barrier3A)
    %sub3A = arith.constant 0 : i32
    %sub3A_26 = arith.subi %select_n3A, %sub3A : i32
    %jit3A_27 = arith.constant 0 : i32
    %jit3A_28 = arith.constant 40 : i32
    %max3A = arith.maxsi %jit3A_27, %sub3A_26 : i32
    %min3A = arith.minsi %jit3A_28, %max3A : i32
    %gt3A = arith.constant 0 : i32
    %gt3A_29 = arith.cmpi sgt, %min3A, %gt3A : i32
    %convert_element_type3A = arith.extui %gt3A_29 : i1 to i32
    %cond3A = arith.constant 0 : i32
    %cond3A_30 = arith.cmpi ne, %convert_element_type3A, %cond3A : i32
    scf.if %cond3A_30 {
      %eq3A_47 = arith.constant 0 : i32
      %eq3A_48 = arith.cmpi eq, %arg0, %eq3A_47 : i32
      %convert_element_type3A_49 = arith.extui %eq3A_48 : i1 to i32
      %cond3A_50 = arith.constant 0 : i32
      %cond3A_51 = arith.cmpi ne, %convert_element_type3A_49, %cond3A_50 : i32
      scf.if %cond3A_51 {
        "tpu.region"() ({
          %run_scoped3A = tpu.sem_alloc : memref<!tpu.dma_semaphore, #tpu.memory_space<semaphore_mem>>
          %dma_start3A_99 = arith.constant 0 : i32
          %dma_start3A_100 = arith.constant 0 : i32
          %dma_start3A_101 = tpu.memref_slice %arg3[%arg1, %dma_start3A_99, %dma_start3A_100] : memref<16x80x128xi32, #tpu.memory_space<hbm>> -> memref<1x40x128xi32, #tpu.memory_space<hbm>>
          %dma_start3A_102 = tpu.memref_squeeze %dma_start3A_101 : memref<1x40x128xi32, #tpu.memory_space<hbm>> -> memref<40x128xi32, #tpu.memory_space<hbm>>
          %dma_start3A_103 = arith.constant 0 : i32
          %dma_start3A_104 = arith.constant 0 : i32
          %dma_start3A_105 = tpu.memref_slice %arg3[%arg1, %dma_start3A_103, %dma_start3A_104] : memref<16x80x128xi32, #tpu.memory_space<hbm>> -> memref<1x40x128xi32, #tpu.memory_space<hbm>>
          %dma_start3A_106 = tpu.memref_squeeze %dma_start3A_105 : memref<1x40x128xi32, #tpu.memory_space<hbm>> -> memref<40x128xi32, #tpu.memory_space<hbm>>
          tpu.enqueue_dma source(%dma_start3A_106 : memref<40x128xi32, #tpu.memory_space<hbm>>) target(%arg8 : memref<40x128xi32, #tpu.memory_space<vmem>>) target_semaphore(%run_scoped3A : memref<!tpu.dma_semaphore, #tpu.memory_space<semaphore_mem>>)
          %dma_wait3A_107 = arith.constant 0 : i32
          %dma_wait3A_108 = arith.constant 0 : i32
          %dma_wait3A_109 = tpu.memref_slice %arg3[%arg1, %dma_wait3A_107, %dma_wait3A_108] : memref<16x80x128xi32, #tpu.memory_space<hbm>> -> memref<1x40x128xi32, #tpu.memory_space<hbm>>
          %dma_wait3A_110 = tpu.memref_squeeze %dma_wait3A_109 : memref<1x40x128xi32, #tpu.memory_space<hbm>> -> memref<40x128xi32, #tpu.memory_space<hbm>>
          %dma_wait3A_111 = arith.constant 0 : i32
          %dma_wait3A_112 = arith.constant 0 : i32
          %dma_wait3A_113 = tpu.memref_slice %arg3[%arg1, %dma_wait3A_111, %dma_wait3A_112] : memref<16x80x128xi32, #tpu.memory_space<hbm>> -> memref<1x40x128xi32, #tpu.memory_space<hbm>>
          %dma_wait3A_114 = tpu.memref_squeeze %dma_wait3A_113 : memref<1x40x128xi32, #tpu.memory_space<hbm>> -> memref<40x128xi32, #tpu.memory_space<hbm>>
          tpu.wait_dma2 semaphore(%run_scoped3A : memref<!tpu.dma_semaphore, #tpu.memory_space<semaphore_mem>>) src(%dma_wait3A_114 : memref<40x128xi32, #tpu.memory_space<hbm>>) dst(%arg8 : memref<40x128xi32, #tpu.memory_space<vmem>>)
          tpu.yield
        }) : () -> ()
        "tpu.region"() ({
          %run_scoped3A = tpu.sem_alloc : memref<!tpu.dma_semaphore, #tpu.memory_space<semaphore_mem>>
          %dma_start3A_99 = arith.constant 0 : i32
          %dma_start3A_100 = arith.constant 0 : i32
          %dma_start3A_101 = tpu.memref_slice %arg4[%arg1, %dma_start3A_99, %dma_start3A_100] : memref<16x80x128xi32, #tpu.memory_space<hbm>> -> memref<1x40x128xi32, #tpu.memory_space<hbm>>
          %dma_start3A_102 = tpu.memref_squeeze %dma_start3A_101 : memref<1x40x128xi32, #tpu.memory_space<hbm>> -> memref<40x128xi32, #tpu.memory_space<hbm>>
          %dma_start3A_103 = arith.constant 0 : i32
          %dma_start3A_104 = arith.constant 0 : i32
          %dma_start3A_105 = tpu.memref_slice %arg4[%arg1, %dma_start3A_103, %dma_start3A_104] : memref<16x80x128xi32, #tpu.memory_space<hbm>> -> memref<1x40x128xi32, #tpu.memory_space<hbm>>
          %dma_start3A_106 = tpu.memref_squeeze %dma_start3A_105 : memref<1x40x128xi32, #tpu.memory_space<hbm>> -> memref<40x128xi32, #tpu.memory_space<hbm>>
          tpu.enqueue_dma source(%dma_start3A_106 : memref<40x128xi32, #tpu.memory_space<hbm>>) target(%arg9 : memref<40x128xi32, #tpu.memory_space<vmem>>) target_semaphore(%run_scoped3A : memref<!tpu.dma_semaphore, #tpu.memory_space<semaphore_mem>>)
          %dma_wait3A_107 = arith.constant 0 : i32
          %dma_wait3A_108 = arith.constant 0 : i32
          %dma_wait3A_109 = tpu.memref_slice %arg4[%arg1, %dma_wait3A_107, %dma_wait3A_108] : memref<16x80x128xi32, #tpu.memory_space<hbm>> -> memref<1x40x128xi32, #tpu.memory_space<hbm>>
          %dma_wait3A_110 = tpu.memref_squeeze %dma_wait3A_109 : memref<1x40x128xi32, #tpu.memory_space<hbm>> -> memref<40x128xi32, #tpu.memory_space<hbm>>
          %dma_wait3A_111 = arith.constant 0 : i32
          %dma_wait3A_112 = arith.constant 0 : i32
          %dma_wait3A_113 = tpu.memref_slice %arg4[%arg1, %dma_wait3A_111, %dma_wait3A_112] : memref<16x80x128xi32, #tpu.memory_space<hbm>> -> memref<1x40x128xi32, #tpu.memory_space<hbm>>
          %dma_wait3A_114 = tpu.memref_squeeze %dma_wait3A_113 : memref<1x40x128xi32, #tpu.memory_space<hbm>> -> memref<40x128xi32, #tpu.memory_space<hbm>>
          tpu.wait_dma2 semaphore(%run_scoped3A : memref<!tpu.dma_semaphore, #tpu.memory_space<semaphore_mem>>) src(%dma_wait3A_114 : memref<40x128xi32, #tpu.memory_space<hbm>>) dst(%arg9 : memref<40x128xi32, #tpu.memory_space<vmem>>)
          tpu.yield
        }) : () -> ()
      } else {
      }
      %eq3A_52 = arith.constant 1 : i32
      %eq3A_53 = arith.cmpi eq, %arg0, %eq3A_52 : i32
      %convert_element_type3A_54 = arith.extui %eq3A_53 : i1 to i32
      %cond3A_55 = arith.constant 0 : i32
      %cond3A_56 = arith.cmpi ne, %convert_element_type3A_54, %cond3A_55 : i32
      scf.if %cond3A_56 {
        "tpu.region"() ({
          %run_scoped3A = tpu.sem_alloc : memref<!tpu.dma_semaphore, #tpu.memory_space<semaphore_mem>>
          %dma_start3A_99 = arith.constant 0 : i32
          %dma_start3A_100 = arith.constant 0 : i32
          %dma_start3A_101 = tpu.memref_slice %arg5[%arg1, %dma_start3A_99, %dma_start3A_100] : memref<16x80x128xi32, #tpu.memory_space<hbm>> -> memref<1x40x128xi32, #tpu.memory_space<hbm>>
          %dma_start3A_102 = tpu.memref_squeeze %dma_start3A_101 : memref<1x40x128xi32, #tpu.memory_space<hbm>> -> memref<40x128xi32, #tpu.memory_space<hbm>>
          %dma_start3A_103 = arith.constant 0 : i32
          %dma_start3A_104 = arith.constant 0 : i32
          %dma_start3A_105 = tpu.memref_slice %arg5[%arg1, %dma_start3A_103, %dma_start3A_104] : memref<16x80x128xi32, #tpu.memory_space<hbm>> -> memref<1x40x128xi32, #tpu.memory_space<hbm>>
          %dma_start3A_106 = tpu.memref_squeeze %dma_start3A_105 : memref<1x40x128xi32, #tpu.memory_space<hbm>> -> memref<40x128xi32, #tpu.memory_space<hbm>>
          tpu.enqueue_dma source(%dma_start3A_106 : memref<40x128xi32, #tpu.memory_space<hbm>>) target(%arg8 : memref<40x128xi32, #tpu.memory_space<vmem>>) target_semaphore(%run_scoped3A : memref<!tpu.dma_semaphore, #tpu.memory_space<semaphore_mem>>)
          %dma_wait3A_107 = arith.constant 0 : i32
          %dma_wait3A_108 = arith.constant 0 : i32
          %dma_wait3A_109 = tpu.memref_slice %arg5[%arg1, %dma_wait3A_107, %dma_wait3A_108] : memref<16x80x128xi32, #tpu.memory_space<hbm>> -> memref<1x40x128xi32, #tpu.memory_space<hbm>>
          %dma_wait3A_110 = tpu.memref_squeeze %dma_wait3A_109 : memref<1x40x128xi32, #tpu.memory_space<hbm>> -> memref<40x128xi32, #tpu.memory_space<hbm>>
          %dma_wait3A_111 = arith.constant 0 : i32
          %dma_wait3A_112 = arith.constant 0 : i32
          %dma_wait3A_113 = tpu.memref_slice %arg5[%arg1, %dma_wait3A_111, %dma_wait3A_112] : memref<16x80x128xi32, #tpu.memory_space<hbm>> -> memref<1x40x128xi32, #tpu.memory_space<hbm>>
          %dma_wait3A_114 = tpu.memref_squeeze %dma_wait3A_113 : memref<1x40x128xi32, #tpu.memory_space<hbm>> -> memref<40x128xi32, #tpu.memory_space<hbm>>
          tpu.wait_dma2 semaphore(%run_scoped3A : memref<!tpu.dma_semaphore, #tpu.memory_space<semaphore_mem>>) src(%dma_wait3A_114 : memref<40x128xi32, #tpu.memory_space<hbm>>) dst(%arg8 : memref<40x128xi32, #tpu.memory_space<vmem>>)
          tpu.yield
        }) : () -> ()
        "tpu.region"() ({
          %run_scoped3A = tpu.sem_alloc : memref<!tpu.dma_semaphore, #tpu.memory_space<semaphore_mem>>
          %dma_start3A_99 = arith.constant 0 : i32
          %dma_start3A_100 = arith.constant 0 : i32
          %dma_start3A_101 = tpu.memref_slice %arg6[%arg1, %dma_start3A_99, %dma_start3A_100] : memref<16x80x128xi32, #tpu.memory_space<hbm>> -> memref<1x40x128xi32, #tpu.memory_space<hbm>>
          %dma_start3A_102 = tpu.memref_squeeze %dma_start3A_101 : memref<1x40x128xi32, #tpu.memory_space<hbm>> -> memref<40x128xi32, #tpu.memory_space<hbm>>
          %dma_start3A_103 = arith.constant 0 : i32
          %dma_start3A_104 = arith.constant 0 : i32
          %dma_start3A_105 = tpu.memref_slice %arg6[%arg1, %dma_start3A_103, %dma_start3A_104] : memref<16x80x128xi32, #tpu.memory_space<hbm>> -> memref<1x40x128xi32, #tpu.memory_space<hbm>>
          %dma_start3A_106 = tpu.memref_squeeze %dma_start3A_105 : memref<1x40x128xi32, #tpu.memory_space<hbm>> -> memref<40x128xi32, #tpu.memory_space<hbm>>
          tpu.enqueue_dma source(%dma_start3A_106 : memref<40x128xi32, #tpu.memory_space<hbm>>) target(%arg9 : memref<40x128xi32, #tpu.memory_space<vmem>>) target_semaphore(%run_scoped3A : memref<!tpu.dma_semaphore, #tpu.memory_space<semaphore_mem>>)
          %dma_wait3A_107 = arith.constant 0 : i32
          %dma_wait3A_108 = arith.constant 0 : i32
          %dma_wait3A_109 = tpu.memref_slice %arg6[%arg1, %dma_wait3A_107, %dma_wait3A_108] : memref<16x80x128xi32, #tpu.memory_space<hbm>> -> memref<1x40x128xi32, #tpu.memory_space<hbm>>
          %dma_wait3A_110 = tpu.memref_squeeze %dma_wait3A_109 : memref<1x40x128xi32, #tpu.memory_space<hbm>> -> memref<40x128xi32, #tpu.memory_space<hbm>>
          %dma_wait3A_111 = arith.constant 0 : i32
          %dma_wait3A_112 = arith.constant 0 : i32
          %dma_wait3A_113 = tpu.memref_slice %arg6[%arg1, %dma_wait3A_111, %dma_wait3A_112] : memref<16x80x128xi32, #tpu.memory_space<hbm>> -> memref<1x40x128xi32, #tpu.memory_space<hbm>>
          %dma_wait3A_114 = tpu.memref_squeeze %dma_wait3A_113 : memref<1x40x128xi32, #tpu.memory_space<hbm>> -> memref<40x128xi32, #tpu.memory_space<hbm>>
          tpu.wait_dma2 semaphore(%run_scoped3A : memref<!tpu.dma_semaphore, #tpu.memory_space<semaphore_mem>>) src(%dma_wait3A_114 : memref<40x128xi32, #tpu.memory_space<hbm>>) dst(%arg9 : memref<40x128xi32, #tpu.memory_space<vmem>>)
          tpu.yield
        }) : () -> ()
      } else {
      }
      %dma_start3A = arith.constant 0 : i32
      %dma_start3A_57 = arith.constant 0 : i32
      %dma_start3A_58 = tpu.memref_slice %arg8[%dma_start3A, %dma_start3A_57] : memref<40x128xi32, #tpu.memory_space<vmem>> -> memref<1x128xi32, #tpu.memory_space<vmem>>
      %dma_start3A_59 = tpu.memref_squeeze %dma_start3A_58 : memref<1x128xi32, #tpu.memory_space<vmem>> -> memref<128xi32, #tpu.memory_space<vmem>>
      %dma_start3A_60 = arith.constant 0 : i32
      %dma_start3A_61 = arith.constant 0 : i32
      %dma_start3A_62 = tpu.memref_slice %arg2[%dma_start3A_60, %dma_start3A_61] : memref<10240x128xf32, #tpu.memory_space<hbm>> -> memref<10240x128xf32, #tpu.memory_space<hbm>>
      tpu.enqueue_indirect_dma source(%dma_start3A_62 : memref<10240x128xf32, #tpu.memory_space<hbm>>) target(%arg10 : memref<128x128xf32, #tpu.memory_space<vmem>>) offsets(%dma_start3A_59 : memref<128xi32, #tpu.memory_space<vmem>>) semaphore(%arg12 : memref<!tpu.dma_semaphore, #tpu.memory_space<semaphore_mem>>)
      %jit3A_63 = arith.constant 2 : i32
      %div3A = arith.divsi %min3A, %jit3A_63 : i32
      %sign3A = arith.constant 0 : i32
      %sign3A_64 = arith.cmpi sgt, %min3A, %sign3A : i32
      %sign3A_65 = arith.extui %sign3A_64 : i1 to i32
      %sign3A_66 = arith.constant 0 : i32
      %sign3A_67 = arith.cmpi slt, %min3A, %sign3A_66 : i32
      %sign3A_68 = arith.extui %sign3A_67 : i1 to i32
      %sign3A_69 = arith.subi %sign3A_65, %sign3A_68 : i32
      %sign3A_70 = arith.constant 0 : i32
      %sign3A_71 = arith.cmpi sgt, %jit3A_63, %sign3A_70 : i32
      %sign3A_72 = arith.extui %sign3A_71 : i1 to i32
      %sign3A_73 = arith.constant 0 : i32
      %sign3A_74 = arith.cmpi slt, %jit3A_63, %sign3A_73 : i32
      %sign3A_75 = arith.extui %sign3A_74 : i1 to i32
      %sign3A_76 = arith.subi %sign3A_72, %sign3A_75 : i32
      %ne3A = arith.cmpi ne, %sign3A_69, %sign3A_76 : i32
      %rem3A = arith.remsi %min3A, %jit3A_63 : i32
      %ne3A_77 = arith.constant 0 : i32
      %ne3A_78 = arith.cmpi ne, %rem3A, %ne3A_77 : i32
      %and3A = arith.andi %ne3A, %ne3A_78 : i1
      %sub3A_79 = arith.constant 1 : i32
      %sub3A_80 = arith.subi %div3A, %sub3A_79 : i32
      %select_n3A_81 = arith.select %and3A, %sub3A_80, %div3A : i32
      %while3A = arith.constant 0 : i32
      %while3A_82 = arith.constant 0 : i32
      %while3A_83 = arith.subi %select_n3A_81, %while3A : i32
      %while3A_84 = arith.addi %while3A, %while3A_83 : i32
      %while3A_85 = arith.constant 1 : i32
      %while3A_86 = arith.divsi %while3A_83, %while3A_85 : i32
      %while3A_87 = arith.muli %while3A_86, %while3A_85 : i32
      %while3A_88 = arith.addi %while3A, %while3A_87 : i32
      %while3A_89 = arith.constant 1 : i32
      %while3A_90 = scf.for %while3A_99 = %while3A to %while3A_88 step %while3A_89 iter_args(%while3A_100 = %while3A_82) -> (i32)  : i32 {
        %mul3A_101 = arith.constant 2 : i32
        %mul3A_102 = arith.muli %mul3A_101, %while3A_99 : i32
        %add3A_103 = arith.constant 1 : i32
        %add3A_104 = arith.addi %mul3A_102, %add3A_103 : i32
        %dma_start3A_105 = arith.constant 0 : i32
        %dma_start3A_106 = tpu.memref_slice %arg8[%add3A_104, %dma_start3A_105] : memref<40x128xi32, #tpu.memory_space<vmem>> -> memref<1x128xi32, #tpu.memory_space<vmem>>
        %dma_start3A_107 = tpu.memref_squeeze %dma_start3A_106 : memref<1x128xi32, #tpu.memory_space<vmem>> -> memref<128xi32, #tpu.memory_space<vmem>>
        %dma_start3A_108 = arith.constant 0 : i32
        %dma_start3A_109 = arith.constant 0 : i32
        %dma_start3A_110 = tpu.memref_slice %arg2[%dma_start3A_108, %dma_start3A_109] : memref<10240x128xf32, #tpu.memory_space<hbm>> -> memref<10240x128xf32, #tpu.memory_space<hbm>>
        tpu.enqueue_indirect_dma source(%dma_start3A_110 : memref<10240x128xf32, #tpu.memory_space<hbm>>) target(%arg11 : memref<128x128xf32, #tpu.memory_space<vmem>>) offsets(%dma_start3A_107 : memref<128xi32, #tpu.memory_space<vmem>>) semaphore(%arg13 : memref<!tpu.dma_semaphore, #tpu.memory_space<semaphore_mem>>)
        %dma_wait3A_111 = arith.constant 0 : i32
        %dma_wait3A_112 = arith.constant 0 : i32
        %dma_wait3A_113 = tpu.memref_slice %arg8[%dma_wait3A_111, %dma_wait3A_112] : memref<40x128xi32, #tpu.memory_space<vmem>> -> memref<1x128xi32, #tpu.memory_space<vmem>>
        %dma_wait3A_114 = tpu.memref_squeeze %dma_wait3A_113 : memref<1x128xi32, #tpu.memory_space<vmem>> -> memref<128xi32, #tpu.memory_space<vmem>>
        %dma_wait3A_115 = arith.constant 0 : i32
        %dma_wait3A_116 = arith.constant 0 : i32
        %dma_wait3A_117 = tpu.memref_slice %arg2[%dma_wait3A_115, %dma_wait3A_116] : memref<10240x128xf32, #tpu.memory_space<hbm>> -> memref<10240x128xf32, #tpu.memory_space<hbm>>
        tpu.wait_indirect_dma semaphore(%arg12 : memref<!tpu.dma_semaphore, #tpu.memory_space<semaphore_mem>>) src(%dma_wait3A_117 : memref<10240x128xf32, #tpu.memory_space<hbm>>) dst(%arg10 : memref<128x128xf32, #tpu.memory_space<vmem>>)
        "tpu.region"() ({
          %run_scoped3A = tpu.sem_alloc : memref<!tpu.dma_semaphore, #tpu.memory_space<semaphore_mem>>
          %dma_start3A_136 = arith.constant 0 : i32
          %dma_start3A_137 = tpu.memref_slice %arg9[%mul3A_102, %dma_start3A_136] : memref<40x128xi32, #tpu.memory_space<vmem>> -> memref<1x128xi32, #tpu.memory_space<vmem>>
          %dma_start3A_138 = tpu.memref_squeeze %dma_start3A_137 : memref<1x128xi32, #tpu.memory_space<vmem>> -> memref<128xi32, #tpu.memory_space<vmem>>
          %dma_start3A_139 = arith.constant 0 : i32
          %dma_start3A_140 = arith.constant 0 : i32
          %dma_start3A_141 = tpu.memref_slice %arg14[%dma_start3A_139, %dma_start3A_140] : memref<10240x128xf32, #tpu.memory_space<vmem_shared>> -> memref<10240x128xf32, #tpu.memory_space<vmem_shared>>
          tpu.enqueue_indirect_dma source(%arg10 : memref<128x128xf32, #tpu.memory_space<vmem>>) target(%dma_start3A_141 : memref<10240x128xf32, #tpu.memory_space<vmem_shared>>) offsets(%dma_start3A_138 : memref<128xi32, #tpu.memory_space<vmem>>) semaphore(%run_scoped3A : memref<!tpu.dma_semaphore, #tpu.memory_space<semaphore_mem>>) {add = true}
          %dma_wait3A_142 = arith.constant 0 : i32
          %dma_wait3A_143 = tpu.memref_slice %arg9[%mul3A_102, %dma_wait3A_142] : memref<40x128xi32, #tpu.memory_space<vmem>> -> memref<1x128xi32, #tpu.memory_space<vmem>>
          %dma_wait3A_144 = tpu.memref_squeeze %dma_wait3A_143 : memref<1x128xi32, #tpu.memory_space<vmem>> -> memref<128xi32, #tpu.memory_space<vmem>>
          %dma_wait3A_145 = arith.constant 0 : i32
          %dma_wait3A_146 = arith.constant 0 : i32
          %dma_wait3A_147 = tpu.memref_slice %arg14[%dma_wait3A_145, %dma_wait3A_146] : memref<10240x128xf32, #tpu.memory_space<vmem_shared>> -> memref<10240x128xf32, #tpu.memory_space<vmem_shared>>
          tpu.wait_indirect_dma semaphore(%run_scoped3A : memref<!tpu.dma_semaphore, #tpu.memory_space<semaphore_mem>>) src(%arg10 : memref<128x128xf32, #tpu.memory_space<vmem>>) dst(%dma_wait3A_147 : memref<10240x128xf32, #tpu.memory_space<vmem_shared>>)
          tpu.yield
        }) : () -> ()
        %add3A_118 = arith.constant 2 : i32
        %add3A_119 = arith.addi %mul3A_102, %add3A_118 : i32
        %sub3A_120 = arith.constant 1 : i32
        %sub3A_121 = arith.subi %min3A, %sub3A_120 : i32
        %min3A_122 = arith.minsi %add3A_119, %sub3A_121 : i32
        %dma_start3A_123 = arith.constant 0 : i32
        %dma_start3A_124 = tpu.memref_slice %arg8[%min3A_122, %dma_start3A_123] : memref<40x128xi32, #tpu.memory_space<vmem>> -> memref<1x128xi32, #tpu.memory_space<vmem>>
        %dma_start3A_125 = tpu.memref_squeeze %dma_start3A_124 : memref<1x128xi32, #tpu.memory_space<vmem>> -> memref<128xi32, #tpu.memory_space<vmem>>
        %dma_start3A_126 = arith.constant 0 : i32
        %dma_start3A_127 = arith.constant 0 : i32
        %dma_start3A_128 = tpu.memref_slice %arg2[%dma_start3A_126, %dma_start3A_127] : memref<10240x128xf32, #tpu.memory_space<hbm>> -> memref<10240x128xf32, #tpu.memory_space<hbm>>
        tpu.enqueue_indirect_dma source(%dma_start3A_128 : memref<10240x128xf32, #tpu.memory_space<hbm>>) target(%arg10 : memref<128x128xf32, #tpu.memory_space<vmem>>) offsets(%dma_start3A_125 : memref<128xi32, #tpu.memory_space<vmem>>) semaphore(%arg12 : memref<!tpu.dma_semaphore, #tpu.memory_space<semaphore_mem>>)
        %dma_wait3A_129 = arith.constant 0 : i32
        %dma_wait3A_130 = tpu.memref_slice %arg8[%add3A_104, %dma_wait3A_129] : memref<40x128xi32, #tpu.memory_space<vmem>> -> memref<1x128xi32, #tpu.memory_space<vmem>>
        %dma_wait3A_131 = tpu.memref_squeeze %dma_wait3A_130 : memref<1x128xi32, #tpu.memory_space<vmem>> -> memref<128xi32, #tpu.memory_space<vmem>>
        %dma_wait3A_132 = arith.constant 0 : i32
        %dma_wait3A_133 = arith.constant 0 : i32
        %dma_wait3A_134 = tpu.memref_slice %arg2[%dma_wait3A_132, %dma_wait3A_133] : memref<10240x128xf32, #tpu.memory_space<hbm>> -> memref<10240x128xf32, #tpu.memory_space<hbm>>
        tpu.wait_indirect_dma semaphore(%arg13 : memref<!tpu.dma_semaphore, #tpu.memory_space<semaphore_mem>>) src(%dma_wait3A_134 : memref<10240x128xf32, #tpu.memory_space<hbm>>) dst(%arg11 : memref<128x128xf32, #tpu.memory_space<vmem>>)
        "tpu.region"() ({
          %run_scoped3A = tpu.sem_alloc : memref<!tpu.dma_semaphore, #tpu.memory_space<semaphore_mem>>
          %dma_start3A_136 = arith.constant 0 : i32
          %dma_start3A_137 = tpu.memref_slice %arg9[%add3A_104, %dma_start3A_136] : memref<40x128xi32, #tpu.memory_space<vmem>> -> memref<1x128xi32, #tpu.memory_space<vmem>>
          %dma_start3A_138 = tpu.memref_squeeze %dma_start3A_137 : memref<1x128xi32, #tpu.memory_space<vmem>> -> memref<128xi32, #tpu.memory_space<vmem>>
          %dma_start3A_139 = arith.constant 0 : i32
          %dma_start3A_140 = arith.constant 0 : i32
          %dma_start3A_141 = tpu.memref_slice %arg14[%dma_start3A_139, %dma_start3A_140] : memref<10240x128xf32, #tpu.memory_space<vmem_shared>> -> memref<10240x128xf32, #tpu.memory_space<vmem_shared>>
          tpu.enqueue_indirect_dma source(%arg11 : memref<128x128xf32, #tpu.memory_space<vmem>>) target(%dma_start3A_141 : memref<10240x128xf32, #tpu.memory_space<vmem_shared>>) offsets(%dma_start3A_138 : memref<128xi32, #tpu.memory_space<vmem>>) semaphore(%run_scoped3A : memref<!tpu.dma_semaphore, #tpu.memory_space<semaphore_mem>>) {add = true}
          %dma_wait3A_142 = arith.constant 0 : i32
          %dma_wait3A_143 = tpu.memref_slice %arg9[%add3A_104, %dma_wait3A_142] : memref<40x128xi32, #tpu.memory_space<vmem>> -> memref<1x128xi32, #tpu.memory_space<vmem>>
          %dma_wait3A_144 = tpu.memref_squeeze %dma_wait3A_143 : memref<1x128xi32, #tpu.memory_space<vmem>> -> memref<128xi32, #tpu.memory_space<vmem>>
          %dma_wait3A_145 = arith.constant 0 : i32
          %dma_wait3A_146 = arith.constant 0 : i32
          %dma_wait3A_147 = tpu.memref_slice %arg14[%dma_wait3A_145, %dma_wait3A_146] : memref<10240x128xf32, #tpu.memory_space<vmem_shared>> -> memref<10240x128xf32, #tpu.memory_space<vmem_shared>>
          tpu.wait_indirect_dma semaphore(%run_scoped3A : memref<!tpu.dma_semaphore, #tpu.memory_space<semaphore_mem>>) src(%arg11 : memref<128x128xf32, #tpu.memory_space<vmem>>) dst(%dma_wait3A_147 : memref<10240x128xf32, #tpu.memory_space<vmem_shared>>)
          tpu.yield
        }) : () -> ()
        %while3A_135 = arith.constant 0 : i32
        scf.yield %while3A_135 : i32
      }
      %while3A_91 = arith.constant 1 : i32
      %while3A_92 = scf.for %while3A_99 = %while3A_88 to %while3A_84 step %while3A_91 iter_args(%while3A_100 = %while3A_90) -> (i32)  : i32 {
        %mul3A_101 = arith.constant 2 : i32
        %mul3A_102 = arith.muli %mul3A_101, %while3A_99 : i32
        %add3A_103 = arith.constant 1 : i32
        %add3A_104 = arith.addi %mul3A_102, %add3A_103 : i32
        %dma_start3A_105 = arith.constant 0 : i32
        %dma_start3A_106 = tpu.memref_slice %arg8[%add3A_104, %dma_start3A_105] : memref<40x128xi32, #tpu.memory_space<vmem>> -> memref<1x128xi32, #tpu.memory_space<vmem>>
        %dma_start3A_107 = tpu.memref_squeeze %dma_start3A_106 : memref<1x128xi32, #tpu.memory_space<vmem>> -> memref<128xi32, #tpu.memory_space<vmem>>
        %dma_start3A_108 = arith.constant 0 : i32
        %dma_start3A_109 = arith.constant 0 : i32
        %dma_start3A_110 = tpu.memref_slice %arg2[%dma_start3A_108, %dma_start3A_109] : memref<10240x128xf32, #tpu.memory_space<hbm>> -> memref<10240x128xf32, #tpu.memory_space<hbm>>
        tpu.enqueue_indirect_dma source(%dma_start3A_110 : memref<10240x128xf32, #tpu.memory_space<hbm>>) target(%arg11 : memref<128x128xf32, #tpu.memory_space<vmem>>) offsets(%dma_start3A_107 : memref<128xi32, #tpu.memory_space<vmem>>) semaphore(%arg13 : memref<!tpu.dma_semaphore, #tpu.memory_space<semaphore_mem>>)
        %dma_wait3A_111 = arith.constant 0 : i32
        %dma_wait3A_112 = arith.constant 0 : i32
        %dma_wait3A_113 = tpu.memref_slice %arg8[%dma_wait3A_111, %dma_wait3A_112] : memref<40x128xi32, #tpu.memory_space<vmem>> -> memref<1x128xi32, #tpu.memory_space<vmem>>
        %dma_wait3A_114 = tpu.memref_squeeze %dma_wait3A_113 : memref<1x128xi32, #tpu.memory_space<vmem>> -> memref<128xi32, #tpu.memory_space<vmem>>
        %dma_wait3A_115 = arith.constant 0 : i32
        %dma_wait3A_116 = arith.constant 0 : i32
        %dma_wait3A_117 = tpu.memref_slice %arg2[%dma_wait3A_115, %dma_wait3A_116] : memref<10240x128xf32, #tpu.memory_space<hbm>> -> memref<10240x128xf32, #tpu.memory_space<hbm>>
        tpu.wait_indirect_dma semaphore(%arg12 : memref<!tpu.dma_semaphore, #tpu.memory_space<semaphore_mem>>) src(%dma_wait3A_117 : memref<10240x128xf32, #tpu.memory_space<hbm>>) dst(%arg10 : memref<128x128xf32, #tpu.memory_space<vmem>>)
        "tpu.region"() ({
          %run_scoped3A = tpu.sem_alloc : memref<!tpu.dma_semaphore, #tpu.memory_space<semaphore_mem>>
          %dma_start3A_136 = arith.constant 0 : i32
          %dma_start3A_137 = tpu.memref_slice %arg9[%mul3A_102, %dma_start3A_136] : memref<40x128xi32, #tpu.memory_space<vmem>> -> memref<1x128xi32, #tpu.memory_space<vmem>>
          %dma_start3A_138 = tpu.memref_squeeze %dma_start3A_137 : memref<1x128xi32, #tpu.memory_space<vmem>> -> memref<128xi32, #tpu.memory_space<vmem>>
          %dma_start3A_139 = arith.constant 0 : i32
          %dma_start3A_140 = arith.constant 0 : i32
          %dma_start3A_141 = tpu.memref_slice %arg14[%dma_start3A_139, %dma_start3A_140] : memref<10240x128xf32, #tpu.memory_space<vmem_shared>> -> memref<10240x128xf32, #tpu.memory_space<vmem_shared>>
          tpu.enqueue_indirect_dma source(%arg10 : memref<128x128xf32, #tpu.memory_space<vmem>>) target(%dma_start3A_141 : memref<10240x128xf32, #tpu.memory_space<vmem_shared>>) offsets(%dma_start3A_138 : memref<128xi32, #tpu.memory_space<vmem>>) semaphore(%run_scoped3A : memref<!tpu.dma_semaphore, #tpu.memory_space<semaphore_mem>>) {add = true}
          %dma_wait3A_142 = arith.constant 0 : i32
          %dma_wait3A_143 = tpu.memref_slice %arg9[%mul3A_102, %dma_wait3A_142] : memref<40x128xi32, #tpu.memory_space<vmem>> -> memref<1x128xi32, #tpu.memory_space<vmem>>
          %dma_wait3A_144 = tpu.memref_squeeze %dma_wait3A_143 : memref<1x128xi32, #tpu.memory_space<vmem>> -> memref<128xi32, #tpu.memory_space<vmem>>
          %dma_wait3A_145 = arith.constant 0 : i32
          %dma_wait3A_146 = arith.constant 0 : i32
          %dma_wait3A_147 = tpu.memref_slice %arg14[%dma_wait3A_145, %dma_wait3A_146] : memref<10240x128xf32, #tpu.memory_space<vmem_shared>> -> memref<10240x128xf32, #tpu.memory_space<vmem_shared>>
          tpu.wait_indirect_dma semaphore(%run_scoped3A : memref<!tpu.dma_semaphore, #tpu.memory_space<semaphore_mem>>) src(%arg10 : memref<128x128xf32, #tpu.memory_space<vmem>>) dst(%dma_wait3A_147 : memref<10240x128xf32, #tpu.memory_space<vmem_shared>>)
          tpu.yield
        }) : () -> ()
        %add3A_118 = arith.constant 2 : i32
        %add3A_119 = arith.addi %mul3A_102, %add3A_118 : i32
        %sub3A_120 = arith.constant 1 : i32
        %sub3A_121 = arith.subi %min3A, %sub3A_120 : i32
        %min3A_122 = arith.minsi %add3A_119, %sub3A_121 : i32
        %dma_start3A_123 = arith.constant 0 : i32
        %dma_start3A_124 = tpu.memref_slice %arg8[%min3A_122, %dma_start3A_123] : memref<40x128xi32, #tpu.memory_space<vmem>> -> memref<1x128xi32, #tpu.memory_space<vmem>>
        %dma_start3A_125 = tpu.memref_squeeze %dma_start3A_124 : memref<1x128xi32, #tpu.memory_space<vmem>> -> memref<128xi32, #tpu.memory_space<vmem>>
        %dma_start3A_126 = arith.constant 0 : i32
        %dma_start3A_127 = arith.constant 0 : i32
        %dma_start3A_128 = tpu.memref_slice %arg2[%dma_start3A_126, %dma_start3A_127] : memref<10240x128xf32, #tpu.memory_space<hbm>> -> memref<10240x128xf32, #tpu.memory_space<hbm>>
        tpu.enqueue_indirect_dma source(%dma_start3A_128 : memref<10240x128xf32, #tpu.memory_space<hbm>>) target(%arg10 : memref<128x128xf32, #tpu.memory_space<vmem>>) offsets(%dma_start3A_125 : memref<128xi32, #tpu.memory_space<vmem>>) semaphore(%arg12 : memref<!tpu.dma_semaphore, #tpu.memory_space<semaphore_mem>>)
        %dma_wait3A_129 = arith.constant 0 : i32
        %dma_wait3A_130 = tpu.memref_slice %arg8[%add3A_104, %dma_wait3A_129] : memref<40x128xi32, #tpu.memory_space<vmem>> -> memref<1x128xi32, #tpu.memory_space<vmem>>
        %dma_wait3A_131 = tpu.memref_squeeze %dma_wait3A_130 : memref<1x128xi32, #tpu.memory_space<vmem>> -> memref<128xi32, #tpu.memory_space<vmem>>
        %dma_wait3A_132 = arith.constant 0 : i32
        %dma_wait3A_133 = arith.constant 0 : i32
        %dma_wait3A_134 = tpu.memref_slice %arg2[%dma_wait3A_132, %dma_wait3A_133] : memref<10240x128xf32, #tpu.memory_space<hbm>> -> memref<10240x128xf32, #tpu.memory_space<hbm>>
        tpu.wait_indirect_dma semaphore(%arg13 : memref<!tpu.dma_semaphore, #tpu.memory_space<semaphore_mem>>) src(%dma_wait3A_134 : memref<10240x128xf32, #tpu.memory_space<hbm>>) dst(%arg11 : memref<128x128xf32, #tpu.memory_space<vmem>>)
        "tpu.region"() ({
          %run_scoped3A = tpu.sem_alloc : memref<!tpu.dma_semaphore, #tpu.memory_space<semaphore_mem>>
          %dma_start3A_136 = arith.constant 0 : i32
          %dma_start3A_137 = tpu.memref_slice %arg9[%add3A_104, %dma_start3A_136] : memref<40x128xi32, #tpu.memory_space<vmem>> -> memref<1x128xi32, #tpu.memory_space<vmem>>
          %dma_start3A_138 = tpu.memref_squeeze %dma_start3A_137 : memref<1x128xi32, #tpu.memory_space<vmem>> -> memref<128xi32, #tpu.memory_space<vmem>>
          %dma_start3A_139 = arith.constant 0 : i32
          %dma_start3A_140 = arith.constant 0 : i32
          %dma_start3A_141 = tpu.memref_slice %arg14[%dma_start3A_139, %dma_start3A_140] : memref<10240x128xf32, #tpu.memory_space<vmem_shared>> -> memref<10240x128xf32, #tpu.memory_space<vmem_shared>>
          tpu.enqueue_indirect_dma source(%arg11 : memref<128x128xf32, #tpu.memory_space<vmem>>) target(%dma_start3A_141 : memref<10240x128xf32, #tpu.memory_space<vmem_shared>>) offsets(%dma_start3A_138 : memref<128xi32, #tpu.memory_space<vmem>>) semaphore(%run_scoped3A : memref<!tpu.dma_semaphore, #tpu.memory_space<semaphore_mem>>) {add = true}
          %dma_wait3A_142 = arith.constant 0 : i32
          %dma_wait3A_143 = tpu.memref_slice %arg9[%add3A_104, %dma_wait3A_142] : memref<40x128xi32, #tpu.memory_space<vmem>> -> memref<1x128xi32, #tpu.memory_space<vmem>>
          %dma_wait3A_144 = tpu.memref_squeeze %dma_wait3A_143 : memref<1x128xi32, #tpu.memory_space<vmem>> -> memref<128xi32, #tpu.memory_space<vmem>>
          %dma_wait3A_145 = arith.constant 0 : i32
          %dma_wait3A_146 = arith.constant 0 : i32
          %dma_wait3A_147 = tpu.memref_slice %arg14[%dma_wait3A_145, %dma_wait3A_146] : memref<10240x128xf32, #tpu.memory_space<vmem_shared>> -> memref<10240x128xf32, #tpu.memory_space<vmem_shared>>
          tpu.wait_indirect_dma semaphore(%run_scoped3A : memref<!tpu.dma_semaphore, #tpu.memory_space<semaphore_mem>>) src(%arg11 : memref<128x128xf32, #tpu.memory_space<vmem>>) dst(%dma_wait3A_147 : memref<10240x128xf32, #tpu.memory_space<vmem_shared>>)
          tpu.yield
        }) : () -> ()
        %while3A_135 = arith.constant 0 : i32
        scf.yield %while3A_135 : i32
      }
      %dma_wait3A = arith.constant 0 : i32
      %dma_wait3A_93 = arith.constant 0 : i32
      %dma_wait3A_94 = tpu.memref_slice %arg8[%dma_wait3A, %dma_wait3A_93] : memref<40x128xi32, #tpu.memory_space<vmem>> -> memref<1x128xi32, #tpu.memory_space<vmem>>
      %dma_wait3A_95 = tpu.memref_squeeze %dma_wait3A_94 : memref<1x128xi32, #tpu.memory_space<vmem>> -> memref<128xi32, #tpu.memory_space<vmem>>
      %dma_wait3A_96 = arith.constant 0 : i32
      %dma_wait3A_97 = arith.constant 0 : i32
      %dma_wait3A_98 = tpu.memref_slice %arg2[%dma_wait3A_96, %dma_wait3A_97] : memref<10240x128xf32, #tpu.memory_space<hbm>> -> memref<10240x128xf32, #tpu.memory_space<hbm>>
      tpu.wait_indirect_dma semaphore(%arg12 : memref<!tpu.dma_semaphore, #tpu.memory_space<semaphore_mem>>) src(%dma_wait3A_98 : memref<10240x128xf32, #tpu.memory_space<hbm>>) dst(%arg10 : memref<128x128xf32, #tpu.memory_space<vmem>>)
    } else {
    }
    %sub3A_31 = arith.constant 40 : i32
    %sub3A_32 = arith.subi %select_n3A, %sub3A_31 : i32
    %jit3A_33 = arith.constant 0 : i32
    %jit3A_34 = arith.constant 40 : i32
    %max3A_35 = arith.maxsi %jit3A_33, %sub3A_32 : i32
    %min3A_36 = arith.minsi %jit3A_34, %max3A_35 : i32
    %gt3A_37 = arith.constant 0 : i32
    %gt3A_38 = arith.cmpi sgt, %min3A_36, %gt3A_37 : i32
    %convert_element_type3A_39 = arith.extui %gt3A_38 : i1 to i32
    %cond3A_40 = arith.constant 0 : i32
    %cond3A_41 = arith.cmpi ne, %convert_element_type3A_39, %cond3A_40 : i32
    scf.if %cond3A_41 {
      %eq3A_47 = arith.constant 0 : i32
      %eq3A_48 = arith.cmpi eq, %arg0, %eq3A_47 : i32
      %convert_element_type3A_49 = arith.extui %eq3A_48 : i1 to i32
      %cond3A_50 = arith.constant 0 : i32
      %cond3A_51 = arith.cmpi ne, %convert_element_type3A_49, %cond3A_50 : i32
      scf.if %cond3A_51 {
        "tpu.region"() ({
          %run_scoped3A = tpu.sem_alloc : memref<!tpu.dma_semaphore, #tpu.memory_space<semaphore_mem>>
          %dma_start3A_99 = arith.constant 40 : i32
          %dma_start3A_100 = arith.constant 0 : i32
          %dma_start3A_101 = tpu.memref_slice %arg3[%arg1, %dma_start3A_99, %dma_start3A_100] : memref<16x80x128xi32, #tpu.memory_space<hbm>> -> memref<1x40x128xi32, #tpu.memory_space<hbm>>
          %dma_start3A_102 = tpu.memref_squeeze %dma_start3A_101 : memref<1x40x128xi32, #tpu.memory_space<hbm>> -> memref<40x128xi32, #tpu.memory_space<hbm>>
          %dma_start3A_103 = arith.constant 40 : i32
          %dma_start3A_104 = arith.constant 0 : i32
          %dma_start3A_105 = tpu.memref_slice %arg3[%arg1, %dma_start3A_103, %dma_start3A_104] : memref<16x80x128xi32, #tpu.memory_space<hbm>> -> memref<1x40x128xi32, #tpu.memory_space<hbm>>
          %dma_start3A_106 = tpu.memref_squeeze %dma_start3A_105 : memref<1x40x128xi32, #tpu.memory_space<hbm>> -> memref<40x128xi32, #tpu.memory_space<hbm>>
          tpu.enqueue_dma source(%dma_start3A_106 : memref<40x128xi32, #tpu.memory_space<hbm>>) target(%arg8 : memref<40x128xi32, #tpu.memory_space<vmem>>) target_semaphore(%run_scoped3A : memref<!tpu.dma_semaphore, #tpu.memory_space<semaphore_mem>>)
          %dma_wait3A_107 = arith.constant 40 : i32
          %dma_wait3A_108 = arith.constant 0 : i32
          %dma_wait3A_109 = tpu.memref_slice %arg3[%arg1, %dma_wait3A_107, %dma_wait3A_108] : memref<16x80x128xi32, #tpu.memory_space<hbm>> -> memref<1x40x128xi32, #tpu.memory_space<hbm>>
          %dma_wait3A_110 = tpu.memref_squeeze %dma_wait3A_109 : memref<1x40x128xi32, #tpu.memory_space<hbm>> -> memref<40x128xi32, #tpu.memory_space<hbm>>
          %dma_wait3A_111 = arith.constant 40 : i32
          %dma_wait3A_112 = arith.constant 0 : i32
          %dma_wait3A_113 = tpu.memref_slice %arg3[%arg1, %dma_wait3A_111, %dma_wait3A_112] : memref<16x80x128xi32, #tpu.memory_space<hbm>> -> memref<1x40x128xi32, #tpu.memory_space<hbm>>
          %dma_wait3A_114 = tpu.memref_squeeze %dma_wait3A_113 : memref<1x40x128xi32, #tpu.memory_space<hbm>> -> memref<40x128xi32, #tpu.memory_space<hbm>>
          tpu.wait_dma2 semaphore(%run_scoped3A : memref<!tpu.dma_semaphore, #tpu.memory_space<semaphore_mem>>) src(%dma_wait3A_114 : memref<40x128xi32, #tpu.memory_space<hbm>>) dst(%arg8 : memref<40x128xi32, #tpu.memory_space<vmem>>)
          tpu.yield
        }) : () -> ()
        "tpu.region"() ({
          %run_scoped3A = tpu.sem_alloc : memref<!tpu.dma_semaphore, #tpu.memory_space<semaphore_mem>>
          %dma_start3A_99 = arith.constant 40 : i32
          %dma_start3A_100 = arith.constant 0 : i32
          %dma_start3A_101 = tpu.memref_slice %arg4[%arg1, %dma_start3A_99, %dma_start3A_100] : memref<16x80x128xi32, #tpu.memory_space<hbm>> -> memref<1x40x128xi32, #tpu.memory_space<hbm>>
          %dma_start3A_102 = tpu.memref_squeeze %dma_start3A_101 : memref<1x40x128xi32, #tpu.memory_space<hbm>> -> memref<40x128xi32, #tpu.memory_space<hbm>>
          %dma_start3A_103 = arith.constant 40 : i32
          %dma_start3A_104 = arith.constant 0 : i32
          %dma_start3A_105 = tpu.memref_slice %arg4[%arg1, %dma_start3A_103, %dma_start3A_104] : memref<16x80x128xi32, #tpu.memory_space<hbm>> -> memref<1x40x128xi32, #tpu.memory_space<hbm>>
          %dma_start3A_106 = tpu.memref_squeeze %dma_start3A_105 : memref<1x40x128xi32, #tpu.memory_space<hbm>> -> memref<40x128xi32, #tpu.memory_space<hbm>>
          tpu.enqueue_dma source(%dma_start3A_106 : memref<40x128xi32, #tpu.memory_space<hbm>>) target(%arg9 : memref<40x128xi32, #tpu.memory_space<vmem>>) target_semaphore(%run_scoped3A : memref<!tpu.dma_semaphore, #tpu.memory_space<semaphore_mem>>)
          %dma_wait3A_107 = arith.constant 40 : i32
          %dma_wait3A_108 = arith.constant 0 : i32
          %dma_wait3A_109 = tpu.memref_slice %arg4[%arg1, %dma_wait3A_107, %dma_wait3A_108] : memref<16x80x128xi32, #tpu.memory_space<hbm>> -> memref<1x40x128xi32, #tpu.memory_space<hbm>>
          %dma_wait3A_110 = tpu.memref_squeeze %dma_wait3A_109 : memref<1x40x128xi32, #tpu.memory_space<hbm>> -> memref<40x128xi32, #tpu.memory_space<hbm>>
          %dma_wait3A_111 = arith.constant 40 : i32
          %dma_wait3A_112 = arith.constant 0 : i32
          %dma_wait3A_113 = tpu.memref_slice %arg4[%arg1, %dma_wait3A_111, %dma_wait3A_112] : memref<16x80x128xi32, #tpu.memory_space<hbm>> -> memref<1x40x128xi32, #tpu.memory_space<hbm>>
          %dma_wait3A_114 = tpu.memref_squeeze %dma_wait3A_113 : memref<1x40x128xi32, #tpu.memory_space<hbm>> -> memref<40x128xi32, #tpu.memory_space<hbm>>
          tpu.wait_dma2 semaphore(%run_scoped3A : memref<!tpu.dma_semaphore, #tpu.memory_space<semaphore_mem>>) src(%dma_wait3A_114 : memref<40x128xi32, #tpu.memory_space<hbm>>) dst(%arg9 : memref<40x128xi32, #tpu.memory_space<vmem>>)
          tpu.yield
        }) : () -> ()
      } else {
      }
      %eq3A_52 = arith.constant 1 : i32
      %eq3A_53 = arith.cmpi eq, %arg0, %eq3A_52 : i32
      %convert_element_type3A_54 = arith.extui %eq3A_53 : i1 to i32
      %cond3A_55 = arith.constant 0 : i32
      %cond3A_56 = arith.cmpi ne, %convert_element_type3A_54, %cond3A_55 : i32
      scf.if %cond3A_56 {
        "tpu.region"() ({
          %run_scoped3A = tpu.sem_alloc : memref<!tpu.dma_semaphore, #tpu.memory_space<semaphore_mem>>
          %dma_start3A_99 = arith.constant 40 : i32
          %dma_start3A_100 = arith.constant 0 : i32
          %dma_start3A_101 = tpu.memref_slice %arg5[%arg1, %dma_start3A_99, %dma_start3A_100] : memref<16x80x128xi32, #tpu.memory_space<hbm>> -> memref<1x40x128xi32, #tpu.memory_space<hbm>>
          %dma_start3A_102 = tpu.memref_squeeze %dma_start3A_101 : memref<1x40x128xi32, #tpu.memory_space<hbm>> -> memref<40x128xi32, #tpu.memory_space<hbm>>
          %dma_start3A_103 = arith.constant 40 : i32
          %dma_start3A_104 = arith.constant 0 : i32
          %dma_start3A_105 = tpu.memref_slice %arg5[%arg1, %dma_start3A_103, %dma_start3A_104] : memref<16x80x128xi32, #tpu.memory_space<hbm>> -> memref<1x40x128xi32, #tpu.memory_space<hbm>>
          %dma_start3A_106 = tpu.memref_squeeze %dma_start3A_105 : memref<1x40x128xi32, #tpu.memory_space<hbm>> -> memref<40x128xi32, #tpu.memory_space<hbm>>
          tpu.enqueue_dma source(%dma_start3A_106 : memref<40x128xi32, #tpu.memory_space<hbm>>) target(%arg8 : memref<40x128xi32, #tpu.memory_space<vmem>>) target_semaphore(%run_scoped3A : memref<!tpu.dma_semaphore, #tpu.memory_space<semaphore_mem>>)
          %dma_wait3A_107 = arith.constant 40 : i32
          %dma_wait3A_108 = arith.constant 0 : i32
          %dma_wait3A_109 = tpu.memref_slice %arg5[%arg1, %dma_wait3A_107, %dma_wait3A_108] : memref<16x80x128xi32, #tpu.memory_space<hbm>> -> memref<1x40x128xi32, #tpu.memory_space<hbm>>
          %dma_wait3A_110 = tpu.memref_squeeze %dma_wait3A_109 : memref<1x40x128xi32, #tpu.memory_space<hbm>> -> memref<40x128xi32, #tpu.memory_space<hbm>>
          %dma_wait3A_111 = arith.constant 40 : i32
          %dma_wait3A_112 = arith.constant 0 : i32
          %dma_wait3A_113 = tpu.memref_slice %arg5[%arg1, %dma_wait3A_111, %dma_wait3A_112] : memref<16x80x128xi32, #tpu.memory_space<hbm>> -> memref<1x40x128xi32, #tpu.memory_space<hbm>>
          %dma_wait3A_114 = tpu.memref_squeeze %dma_wait3A_113 : memref<1x40x128xi32, #tpu.memory_space<hbm>> -> memref<40x128xi32, #tpu.memory_space<hbm>>
          tpu.wait_dma2 semaphore(%run_scoped3A : memref<!tpu.dma_semaphore, #tpu.memory_space<semaphore_mem>>) src(%dma_wait3A_114 : memref<40x128xi32, #tpu.memory_space<hbm>>) dst(%arg8 : memref<40x128xi32, #tpu.memory_space<vmem>>)
          tpu.yield
        }) : () -> ()
        "tpu.region"() ({
          %run_scoped3A = tpu.sem_alloc : memref<!tpu.dma_semaphore, #tpu.memory_space<semaphore_mem>>
          %dma_start3A_99 = arith.constant 40 : i32
          %dma_start3A_100 = arith.constant 0 : i32
          %dma_start3A_101 = tpu.memref_slice %arg6[%arg1, %dma_start3A_99, %dma_start3A_100] : memref<16x80x128xi32, #tpu.memory_space<hbm>> -> memref<1x40x128xi32, #tpu.memory_space<hbm>>
          %dma_start3A_102 = tpu.memref_squeeze %dma_start3A_101 : memref<1x40x128xi32, #tpu.memory_space<hbm>> -> memref<40x128xi32, #tpu.memory_space<hbm>>
          %dma_start3A_103 = arith.constant 40 : i32
          %dma_start3A_104 = arith.constant 0 : i32
          %dma_start3A_105 = tpu.memref_slice %arg6[%arg1, %dma_start3A_103, %dma_start3A_104] : memref<16x80x128xi32, #tpu.memory_space<hbm>> -> memref<1x40x128xi32, #tpu.memory_space<hbm>>
          %dma_start3A_106 = tpu.memref_squeeze %dma_start3A_105 : memref<1x40x128xi32, #tpu.memory_space<hbm>> -> memref<40x128xi32, #tpu.memory_space<hbm>>
          tpu.enqueue_dma source(%dma_start3A_106 : memref<40x128xi32, #tpu.memory_space<hbm>>) target(%arg9 : memref<40x128xi32, #tpu.memory_space<vmem>>) target_semaphore(%run_scoped3A : memref<!tpu.dma_semaphore, #tpu.memory_space<semaphore_mem>>)
          %dma_wait3A_107 = arith.constant 40 : i32
          %dma_wait3A_108 = arith.constant 0 : i32
          %dma_wait3A_109 = tpu.memref_slice %arg6[%arg1, %dma_wait3A_107, %dma_wait3A_108] : memref<16x80x128xi32, #tpu.memory_space<hbm>> -> memref<1x40x128xi32, #tpu.memory_space<hbm>>
          %dma_wait3A_110 = tpu.memref_squeeze %dma_wait3A_109 : memref<1x40x128xi32, #tpu.memory_space<hbm>> -> memref<40x128xi32, #tpu.memory_space<hbm>>
          %dma_wait3A_111 = arith.constant 40 : i32
          %dma_wait3A_112 = arith.constant 0 : i32
          %dma_wait3A_113 = tpu.memref_slice %arg6[%arg1, %dma_wait3A_111, %dma_wait3A_112] : memref<16x80x128xi32, #tpu.memory_space<hbm>> -> memref<1x40x128xi32, #tpu.memory_space<hbm>>
          %dma_wait3A_114 = tpu.memref_squeeze %dma_wait3A_113 : memref<1x40x128xi32, #tpu.memory_space<hbm>> -> memref<40x128xi32, #tpu.memory_space<hbm>>
          tpu.wait_dma2 semaphore(%run_scoped3A : memref<!tpu.dma_semaphore, #tpu.memory_space<semaphore_mem>>) src(%dma_wait3A_114 : memref<40x128xi32, #tpu.memory_space<hbm>>) dst(%arg9 : memref<40x128xi32, #tpu.memory_space<vmem>>)
          tpu.yield
        }) : () -> ()
      } else {
      }
      %dma_start3A = arith.constant 0 : i32
      %dma_start3A_57 = arith.constant 0 : i32
      %dma_start3A_58 = tpu.memref_slice %arg8[%dma_start3A, %dma_start3A_57] : memref<40x128xi32, #tpu.memory_space<vmem>> -> memref<1x128xi32, #tpu.memory_space<vmem>>
      %dma_start3A_59 = tpu.memref_squeeze %dma_start3A_58 : memref<1x128xi32, #tpu.memory_space<vmem>> -> memref<128xi32, #tpu.memory_space<vmem>>
      %dma_start3A_60 = arith.constant 0 : i32
      %dma_start3A_61 = arith.constant 0 : i32
      %dma_start3A_62 = tpu.memref_slice %arg2[%dma_start3A_60, %dma_start3A_61] : memref<10240x128xf32, #tpu.memory_space<hbm>> -> memref<10240x128xf32, #tpu.memory_space<hbm>>
      tpu.enqueue_indirect_dma source(%dma_start3A_62 : memref<10240x128xf32, #tpu.memory_space<hbm>>) target(%arg10 : memref<128x128xf32, #tpu.memory_space<vmem>>) offsets(%dma_start3A_59 : memref<128xi32, #tpu.memory_space<vmem>>) semaphore(%arg12 : memref<!tpu.dma_semaphore, #tpu.memory_space<semaphore_mem>>)
      %jit3A_63 = arith.constant 2 : i32
      %div3A = arith.divsi %min3A_36, %jit3A_63 : i32
      %sign3A = arith.constant 0 : i32
      %sign3A_64 = arith.cmpi sgt, %min3A_36, %sign3A : i32
      %sign3A_65 = arith.extui %sign3A_64 : i1 to i32
      %sign3A_66 = arith.constant 0 : i32
      %sign3A_67 = arith.cmpi slt, %min3A_36, %sign3A_66 : i32
      %sign3A_68 = arith.extui %sign3A_67 : i1 to i32
      %sign3A_69 = arith.subi %sign3A_65, %sign3A_68 : i32
      %sign3A_70 = arith.constant 0 : i32
      %sign3A_71 = arith.cmpi sgt, %jit3A_63, %sign3A_70 : i32
      %sign3A_72 = arith.extui %sign3A_71 : i1 to i32
      %sign3A_73 = arith.constant 0 : i32
      %sign3A_74 = arith.cmpi slt, %jit3A_63, %sign3A_73 : i32
      %sign3A_75 = arith.extui %sign3A_74 : i1 to i32
      %sign3A_76 = arith.subi %sign3A_72, %sign3A_75 : i32
      %ne3A = arith.cmpi ne, %sign3A_69, %sign3A_76 : i32
      %rem3A = arith.remsi %min3A_36, %jit3A_63 : i32
      %ne3A_77 = arith.constant 0 : i32
      %ne3A_78 = arith.cmpi ne, %rem3A, %ne3A_77 : i32
      %and3A = arith.andi %ne3A, %ne3A_78 : i1
      %sub3A_79 = arith.constant 1 : i32
      %sub3A_80 = arith.subi %div3A, %sub3A_79 : i32
      %select_n3A_81 = arith.select %and3A, %sub3A_80, %div3A : i32
      %while3A = arith.constant 0 : i32
      %while3A_82 = arith.constant 0 : i32
      %while3A_83 = arith.subi %select_n3A_81, %while3A : i32
      %while3A_84 = arith.addi %while3A, %while3A_83 : i32
      %while3A_85 = arith.constant 1 : i32
      %while3A_86 = arith.divsi %while3A_83, %while3A_85 : i32
      %while3A_87 = arith.muli %while3A_86, %while3A_85 : i32
      %while3A_88 = arith.addi %while3A, %while3A_87 : i32
      %while3A_89 = arith.constant 1 : i32
      %while3A_90 = scf.for %while3A_99 = %while3A to %while3A_88 step %while3A_89 iter_args(%while3A_100 = %while3A_82) -> (i32)  : i32 {
        %mul3A_101 = arith.constant 2 : i32
        %mul3A_102 = arith.muli %mul3A_101, %while3A_99 : i32
        %add3A_103 = arith.constant 1 : i32
        %add3A_104 = arith.addi %mul3A_102, %add3A_103 : i32
        %dma_start3A_105 = arith.constant 0 : i32
        %dma_start3A_106 = tpu.memref_slice %arg8[%add3A_104, %dma_start3A_105] : memref<40x128xi32, #tpu.memory_space<vmem>> -> memref<1x128xi32, #tpu.memory_space<vmem>>
        %dma_start3A_107 = tpu.memref_squeeze %dma_start3A_106 : memref<1x128xi32, #tpu.memory_space<vmem>> -> memref<128xi32, #tpu.memory_space<vmem>>
        %dma_start3A_108 = arith.constant 0 : i32
        %dma_start3A_109 = arith.constant 0 : i32
        %dma_start3A_110 = tpu.memref_slice %arg2[%dma_start3A_108, %dma_start3A_109] : memref<10240x128xf32, #tpu.memory_space<hbm>> -> memref<10240x128xf32, #tpu.memory_space<hbm>>
        tpu.enqueue_indirect_dma source(%dma_start3A_110 : memref<10240x128xf32, #tpu.memory_space<hbm>>) target(%arg11 : memref<128x128xf32, #tpu.memory_space<vmem>>) offsets(%dma_start3A_107 : memref<128xi32, #tpu.memory_space<vmem>>) semaphore(%arg13 : memref<!tpu.dma_semaphore, #tpu.memory_space<semaphore_mem>>)
        %dma_wait3A_111 = arith.constant 0 : i32
        %dma_wait3A_112 = arith.constant 0 : i32
        %dma_wait3A_113 = tpu.memref_slice %arg8[%dma_wait3A_111, %dma_wait3A_112] : memref<40x128xi32, #tpu.memory_space<vmem>> -> memref<1x128xi32, #tpu.memory_space<vmem>>
        %dma_wait3A_114 = tpu.memref_squeeze %dma_wait3A_113 : memref<1x128xi32, #tpu.memory_space<vmem>> -> memref<128xi32, #tpu.memory_space<vmem>>
        %dma_wait3A_115 = arith.constant 0 : i32
        %dma_wait3A_116 = arith.constant 0 : i32
        %dma_wait3A_117 = tpu.memref_slice %arg2[%dma_wait3A_115, %dma_wait3A_116] : memref<10240x128xf32, #tpu.memory_space<hbm>> -> memref<10240x128xf32, #tpu.memory_space<hbm>>
        tpu.wait_indirect_dma semaphore(%arg12 : memref<!tpu.dma_semaphore, #tpu.memory_space<semaphore_mem>>) src(%dma_wait3A_117 : memref<10240x128xf32, #tpu.memory_space<hbm>>) dst(%arg10 : memref<128x128xf32, #tpu.memory_space<vmem>>)
        "tpu.region"() ({
          %run_scoped3A = tpu.sem_alloc : memref<!tpu.dma_semaphore, #tpu.memory_space<semaphore_mem>>
          %dma_start3A_136 = arith.constant 0 : i32
          %dma_start3A_137 = tpu.memref_slice %arg9[%mul3A_102, %dma_start3A_136] : memref<40x128xi32, #tpu.memory_space<vmem>> -> memref<1x128xi32, #tpu.memory_space<vmem>>
          %dma_start3A_138 = tpu.memref_squeeze %dma_start3A_137 : memref<1x128xi32, #tpu.memory_space<vmem>> -> memref<128xi32, #tpu.memory_space<vmem>>
          %dma_start3A_139 = arith.constant 0 : i32
          %dma_start3A_140 = arith.constant 0 : i32
          %dma_start3A_141 = tpu.memref_slice %arg14[%dma_start3A_139, %dma_start3A_140] : memref<10240x128xf32, #tpu.memory_space<vmem_shared>> -> memref<10240x128xf32, #tpu.memory_space<vmem_shared>>
          tpu.enqueue_indirect_dma source(%arg10 : memref<128x128xf32, #tpu.memory_space<vmem>>) target(%dma_start3A_141 : memref<10240x128xf32, #tpu.memory_space<vmem_shared>>) offsets(%dma_start3A_138 : memref<128xi32, #tpu.memory_space<vmem>>) semaphore(%run_scoped3A : memref<!tpu.dma_semaphore, #tpu.memory_space<semaphore_mem>>) {add = true}
          %dma_wait3A_142 = arith.constant 0 : i32
          %dma_wait3A_143 = tpu.memref_slice %arg9[%mul3A_102, %dma_wait3A_142] : memref<40x128xi32, #tpu.memory_space<vmem>> -> memref<1x128xi32, #tpu.memory_space<vmem>>
          %dma_wait3A_144 = tpu.memref_squeeze %dma_wait3A_143 : memref<1x128xi32, #tpu.memory_space<vmem>> -> memref<128xi32, #tpu.memory_space<vmem>>
          %dma_wait3A_145 = arith.constant 0 : i32
          %dma_wait3A_146 = arith.constant 0 : i32
          %dma_wait3A_147 = tpu.memref_slice %arg14[%dma_wait3A_145, %dma_wait3A_146] : memref<10240x128xf32, #tpu.memory_space<vmem_shared>> -> memref<10240x128xf32, #tpu.memory_space<vmem_shared>>
          tpu.wait_indirect_dma semaphore(%run_scoped3A : memref<!tpu.dma_semaphore, #tpu.memory_space<semaphore_mem>>) src(%arg10 : memref<128x128xf32, #tpu.memory_space<vmem>>) dst(%dma_wait3A_147 : memref<10240x128xf32, #tpu.memory_space<vmem_shared>>)
          tpu.yield
        }) : () -> ()
        %add3A_118 = arith.constant 2 : i32
        %add3A_119 = arith.addi %mul3A_102, %add3A_118 : i32
        %sub3A_120 = arith.constant 1 : i32
        %sub3A_121 = arith.subi %min3A_36, %sub3A_120 : i32
        %min3A_122 = arith.minsi %add3A_119, %sub3A_121 : i32
        %dma_start3A_123 = arith.constant 0 : i32
        %dma_start3A_124 = tpu.memref_slice %arg8[%min3A_122, %dma_start3A_123] : memref<40x128xi32, #tpu.memory_space<vmem>> -> memref<1x128xi32, #tpu.memory_space<vmem>>
        %dma_start3A_125 = tpu.memref_squeeze %dma_start3A_124 : memref<1x128xi32, #tpu.memory_space<vmem>> -> memref<128xi32, #tpu.memory_space<vmem>>
        %dma_start3A_126 = arith.constant 0 : i32
        %dma_start3A_127 = arith.constant 0 : i32
        %dma_start3A_128 = tpu.memref_slice %arg2[%dma_start3A_126, %dma_start3A_127] : memref<10240x128xf32, #tpu.memory_space<hbm>> -> memref<10240x128xf32, #tpu.memory_space<hbm>>
        tpu.enqueue_indirect_dma source(%dma_start3A_128 : memref<10240x128xf32, #tpu.memory_space<hbm>>) target(%arg10 : memref<128x128xf32, #tpu.memory_space<vmem>>) offsets(%dma_start3A_125 : memref<128xi32, #tpu.memory_space<vmem>>) semaphore(%arg12 : memref<!tpu.dma_semaphore, #tpu.memory_space<semaphore_mem>>)
        %dma_wait3A_129 = arith.constant 0 : i32
        %dma_wait3A_130 = tpu.memref_slice %arg8[%add3A_104, %dma_wait3A_129] : memref<40x128xi32, #tpu.memory_space<vmem>> -> memref<1x128xi32, #tpu.memory_space<vmem>>
        %dma_wait3A_131 = tpu.memref_squeeze %dma_wait3A_130 : memref<1x128xi32, #tpu.memory_space<vmem>> -> memref<128xi32, #tpu.memory_space<vmem>>
        %dma_wait3A_132 = arith.constant 0 : i32
        %dma_wait3A_133 = arith.constant 0 : i32
        %dma_wait3A_134 = tpu.memref_slice %arg2[%dma_wait3A_132, %dma_wait3A_133] : memref<10240x128xf32, #tpu.memory_space<hbm>> -> memref<10240x128xf32, #tpu.memory_space<hbm>>
        tpu.wait_indirect_dma semaphore(%arg13 : memref<!tpu.dma_semaphore, #tpu.memory_space<semaphore_mem>>) src(%dma_wait3A_134 : memref<10240x128xf32, #tpu.memory_space<hbm>>) dst(%arg11 : memref<128x128xf32, #tpu.memory_space<vmem>>)
        "tpu.region"() ({
          %run_scoped3A = tpu.sem_alloc : memref<!tpu.dma_semaphore, #tpu.memory_space<semaphore_mem>>
          %dma_start3A_136 = arith.constant 0 : i32
          %dma_start3A_137 = tpu.memref_slice %arg9[%add3A_104, %dma_start3A_136] : memref<40x128xi32, #tpu.memory_space<vmem>> -> memref<1x128xi32, #tpu.memory_space<vmem>>
          %dma_start3A_138 = tpu.memref_squeeze %dma_start3A_137 : memref<1x128xi32, #tpu.memory_space<vmem>> -> memref<128xi32, #tpu.memory_space<vmem>>
          %dma_start3A_139 = arith.constant 0 : i32
          %dma_start3A_140 = arith.constant 0 : i32
          %dma_start3A_141 = tpu.memref_slice %arg14[%dma_start3A_139, %dma_start3A_140] : memref<10240x128xf32, #tpu.memory_space<vmem_shared>> -> memref<10240x128xf32, #tpu.memory_space<vmem_shared>>
          tpu.enqueue_indirect_dma source(%arg11 : memref<128x128xf32, #tpu.memory_space<vmem>>) target(%dma_start3A_141 : memref<10240x128xf32, #tpu.memory_space<vmem_shared>>) offsets(%dma_start3A_138 : memref<128xi32, #tpu.memory_space<vmem>>) semaphore(%run_scoped3A : memref<!tpu.dma_semaphore, #tpu.memory_space<semaphore_mem>>) {add = true}
          %dma_wait3A_142 = arith.constant 0 : i32
          %dma_wait3A_143 = tpu.memref_slice %arg9[%add3A_104, %dma_wait3A_142] : memref<40x128xi32, #tpu.memory_space<vmem>> -> memref<1x128xi32, #tpu.memory_space<vmem>>
          %dma_wait3A_144 = tpu.memref_squeeze %dma_wait3A_143 : memref<1x128xi32, #tpu.memory_space<vmem>> -> memref<128xi32, #tpu.memory_space<vmem>>
          %dma_wait3A_145 = arith.constant 0 : i32
          %dma_wait3A_146 = arith.constant 0 : i32
          %dma_wait3A_147 = tpu.memref_slice %arg14[%dma_wait3A_145, %dma_wait3A_146] : memref<10240x128xf32, #tpu.memory_space<vmem_shared>> -> memref<10240x128xf32, #tpu.memory_space<vmem_shared>>
          tpu.wait_indirect_dma semaphore(%run_scoped3A : memref<!tpu.dma_semaphore, #tpu.memory_space<semaphore_mem>>) src(%arg11 : memref<128x128xf32, #tpu.memory_space<vmem>>) dst(%dma_wait3A_147 : memref<10240x128xf32, #tpu.memory_space<vmem_shared>>)
          tpu.yield
        }) : () -> ()
        %while3A_135 = arith.constant 0 : i32
        scf.yield %while3A_135 : i32
      }
      %while3A_91 = arith.constant 1 : i32
      %while3A_92 = scf.for %while3A_99 = %while3A_88 to %while3A_84 step %while3A_91 iter_args(%while3A_100 = %while3A_90) -> (i32)  : i32 {
        %mul3A_101 = arith.constant 2 : i32
        %mul3A_102 = arith.muli %mul3A_101, %while3A_99 : i32
        %add3A_103 = arith.constant 1 : i32
        %add3A_104 = arith.addi %mul3A_102, %add3A_103 : i32
        %dma_start3A_105 = arith.constant 0 : i32
        %dma_start3A_106 = tpu.memref_slice %arg8[%add3A_104, %dma_start3A_105] : memref<40x128xi32, #tpu.memory_space<vmem>> -> memref<1x128xi32, #tpu.memory_space<vmem>>
        %dma_start3A_107 = tpu.memref_squeeze %dma_start3A_106 : memref<1x128xi32, #tpu.memory_space<vmem>> -> memref<128xi32, #tpu.memory_space<vmem>>
        %dma_start3A_108 = arith.constant 0 : i32
        %dma_start3A_109 = arith.constant 0 : i32
        %dma_start3A_110 = tpu.memref_slice %arg2[%dma_start3A_108, %dma_start3A_109] : memref<10240x128xf32, #tpu.memory_space<hbm>> -> memref<10240x128xf32, #tpu.memory_space<hbm>>
        tpu.enqueue_indirect_dma source(%dma_start3A_110 : memref<10240x128xf32, #tpu.memory_space<hbm>>) target(%arg11 : memref<128x128xf32, #tpu.memory_space<vmem>>) offsets(%dma_start3A_107 : memref<128xi32, #tpu.memory_space<vmem>>) semaphore(%arg13 : memref<!tpu.dma_semaphore, #tpu.memory_space<semaphore_mem>>)
        %dma_wait3A_111 = arith.constant 0 : i32
        %dma_wait3A_112 = arith.constant 0 : i32
        %dma_wait3A_113 = tpu.memref_slice %arg8[%dma_wait3A_111, %dma_wait3A_112] : memref<40x128xi32, #tpu.memory_space<vmem>> -> memref<1x128xi32, #tpu.memory_space<vmem>>
        %dma_wait3A_114 = tpu.memref_squeeze %dma_wait3A_113 : memref<1x128xi32, #tpu.memory_space<vmem>> -> memref<128xi32, #tpu.memory_space<vmem>>
        %dma_wait3A_115 = arith.constant 0 : i32
        %dma_wait3A_116 = arith.constant 0 : i32
        %dma_wait3A_117 = tpu.memref_slice %arg2[%dma_wait3A_115, %dma_wait3A_116] : memref<10240x128xf32, #tpu.memory_space<hbm>> -> memref<10240x128xf32, #tpu.memory_space<hbm>>
        tpu.wait_indirect_dma semaphore(%arg12 : memref<!tpu.dma_semaphore, #tpu.memory_space<semaphore_mem>>) src(%dma_wait3A_117 : memref<10240x128xf32, #tpu.memory_space<hbm>>) dst(%arg10 : memref<128x128xf32, #tpu.memory_space<vmem>>)
        "tpu.region"() ({
          %run_scoped3A = tpu.sem_alloc : memref<!tpu.dma_semaphore, #tpu.memory_space<semaphore_mem>>
          %dma_start3A_136 = arith.constant 0 : i32
          %dma_start3A_137 = tpu.memref_slice %arg9[%mul3A_102, %dma_start3A_136] : memref<40x128xi32, #tpu.memory_space<vmem>> -> memref<1x128xi32, #tpu.memory_space<vmem>>
          %dma_start3A_138 = tpu.memref_squeeze %dma_start3A_137 : memref<1x128xi32, #tpu.memory_space<vmem>> -> memref<128xi32, #tpu.memory_space<vmem>>
          %dma_start3A_139 = arith.constant 0 : i32
          %dma_start3A_140 = arith.constant 0 : i32
          %dma_start3A_141 = tpu.memref_slice %arg14[%dma_start3A_139, %dma_start3A_140] : memref<10240x128xf32, #tpu.memory_space<vmem_shared>> -> memref<10240x128xf32, #tpu.memory_space<vmem_shared>>
          tpu.enqueue_indirect_dma source(%arg10 : memref<128x128xf32, #tpu.memory_space<vmem>>) target(%dma_start3A_141 : memref<10240x128xf32, #tpu.memory_space<vmem_shared>>) offsets(%dma_start3A_138 : memref<128xi32, #tpu.memory_space<vmem>>) semaphore(%run_scoped3A : memref<!tpu.dma_semaphore, #tpu.memory_space<semaphore_mem>>) {add = true}
          %dma_wait3A_142 = arith.constant 0 : i32
          %dma_wait3A_143 = tpu.memref_slice %arg9[%mul3A_102, %dma_wait3A_142] : memref<40x128xi32, #tpu.memory_space<vmem>> -> memref<1x128xi32, #tpu.memory_space<vmem>>
          %dma_wait3A_144 = tpu.memref_squeeze %dma_wait3A_143 : memref<1x128xi32, #tpu.memory_space<vmem>> -> memref<128xi32, #tpu.memory_space<vmem>>
          %dma_wait3A_145 = arith.constant 0 : i32
          %dma_wait3A_146 = arith.constant 0 : i32
          %dma_wait3A_147 = tpu.memref_slice %arg14[%dma_wait3A_145, %dma_wait3A_146] : memref<10240x128xf32, #tpu.memory_space<vmem_shared>> -> memref<10240x128xf32, #tpu.memory_space<vmem_shared>>
          tpu.wait_indirect_dma semaphore(%run_scoped3A : memref<!tpu.dma_semaphore, #tpu.memory_space<semaphore_mem>>) src(%arg10 : memref<128x128xf32, #tpu.memory_space<vmem>>) dst(%dma_wait3A_147 : memref<10240x128xf32, #tpu.memory_space<vmem_shared>>)
          tpu.yield
        }) : () -> ()
        %add3A_118 = arith.constant 2 : i32
        %add3A_119 = arith.addi %mul3A_102, %add3A_118 : i32
        %sub3A_120 = arith.constant 1 : i32
        %sub3A_121 = arith.subi %min3A_36, %sub3A_120 : i32
        %min3A_122 = arith.minsi %add3A_119, %sub3A_121 : i32
        %dma_start3A_123 = arith.constant 0 : i32
        %dma_start3A_124 = tpu.memref_slice %arg8[%min3A_122, %dma_start3A_123] : memref<40x128xi32, #tpu.memory_space<vmem>> -> memref<1x128xi32, #tpu.memory_space<vmem>>
        %dma_start3A_125 = tpu.memref_squeeze %dma_start3A_124 : memref<1x128xi32, #tpu.memory_space<vmem>> -> memref<128xi32, #tpu.memory_space<vmem>>
        %dma_start3A_126 = arith.constant 0 : i32
        %dma_start3A_127 = arith.constant 0 : i32
        %dma_start3A_128 = tpu.memref_slice %arg2[%dma_start3A_126, %dma_start3A_127] : memref<10240x128xf32, #tpu.memory_space<hbm>> -> memref<10240x128xf32, #tpu.memory_space<hbm>>
        tpu.enqueue_indirect_dma source(%dma_start3A_128 : memref<10240x128xf32, #tpu.memory_space<hbm>>) target(%arg10 : memref<128x128xf32, #tpu.memory_space<vmem>>) offsets(%dma_start3A_125 : memref<128xi32, #tpu.memory_space<vmem>>) semaphore(%arg12 : memref<!tpu.dma_semaphore, #tpu.memory_space<semaphore_mem>>)
        %dma_wait3A_129 = arith.constant 0 : i32
        %dma_wait3A_130 = tpu.memref_slice %arg8[%add3A_104, %dma_wait3A_129] : memref<40x128xi32, #tpu.memory_space<vmem>> -> memref<1x128xi32, #tpu.memory_space<vmem>>
        %dma_wait3A_131 = tpu.memref_squeeze %dma_wait3A_130 : memref<1x128xi32, #tpu.memory_space<vmem>> -> memref<128xi32, #tpu.memory_space<vmem>>
        %dma_wait3A_132 = arith.constant 0 : i32
        %dma_wait3A_133 = arith.constant 0 : i32
        %dma_wait3A_134 = tpu.memref_slice %arg2[%dma_wait3A_132, %dma_wait3A_133] : memref<10240x128xf32, #tpu.memory_space<hbm>> -> memref<10240x128xf32, #tpu.memory_space<hbm>>
        tpu.wait_indirect_dma semaphore(%arg13 : memref<!tpu.dma_semaphore, #tpu.memory_space<semaphore_mem>>) src(%dma_wait3A_134 : memref<10240x128xf32, #tpu.memory_space<hbm>>) dst(%arg11 : memref<128x128xf32, #tpu.memory_space<vmem>>)
        "tpu.region"() ({
          %run_scoped3A = tpu.sem_alloc : memref<!tpu.dma_semaphore, #tpu.memory_space<semaphore_mem>>
          %dma_start3A_136 = arith.constant 0 : i32
          %dma_start3A_137 = tpu.memref_slice %arg9[%add3A_104, %dma_start3A_136] : memref<40x128xi32, #tpu.memory_space<vmem>> -> memref<1x128xi32, #tpu.memory_space<vmem>>
          %dma_start3A_138 = tpu.memref_squeeze %dma_start3A_137 : memref<1x128xi32, #tpu.memory_space<vmem>> -> memref<128xi32, #tpu.memory_space<vmem>>
          %dma_start3A_139 = arith.constant 0 : i32
          %dma_start3A_140 = arith.constant 0 : i32
          %dma_start3A_141 = tpu.memref_slice %arg14[%dma_start3A_139, %dma_start3A_140] : memref<10240x128xf32, #tpu.memory_space<vmem_shared>> -> memref<10240x128xf32, #tpu.memory_space<vmem_shared>>
          tpu.enqueue_indirect_dma source(%arg11 : memref<128x128xf32, #tpu.memory_space<vmem>>) target(%dma_start3A_141 : memref<10240x128xf32, #tpu.memory_space<vmem_shared>>) offsets(%dma_start3A_138 : memref<128xi32, #tpu.memory_space<vmem>>) semaphore(%run_scoped3A : memref<!tpu.dma_semaphore, #tpu.memory_space<semaphore_mem>>) {add = true}
          %dma_wait3A_142 = arith.constant 0 : i32
          %dma_wait3A_143 = tpu.memref_slice %arg9[%add3A_104, %dma_wait3A_142] : memref<40x128xi32, #tpu.memory_space<vmem>> -> memref<1x128xi32, #tpu.memory_space<vmem>>
          %dma_wait3A_144 = tpu.memref_squeeze %dma_wait3A_143 : memref<1x128xi32, #tpu.memory_space<vmem>> -> memref<128xi32, #tpu.memory_space<vmem>>
          %dma_wait3A_145 = arith.constant 0 : i32
          %dma_wait3A_146 = arith.constant 0 : i32
          %dma_wait3A_147 = tpu.memref_slice %arg14[%dma_wait3A_145, %dma_wait3A_146] : memref<10240x128xf32, #tpu.memory_space<vmem_shared>> -> memref<10240x128xf32, #tpu.memory_space<vmem_shared>>
          tpu.wait_indirect_dma semaphore(%run_scoped3A : memref<!tpu.dma_semaphore, #tpu.memory_space<semaphore_mem>>) src(%arg11 : memref<128x128xf32, #tpu.memory_space<vmem>>) dst(%dma_wait3A_147 : memref<10240x128xf32, #tpu.memory_space<vmem_shared>>)
          tpu.yield
        }) : () -> ()
        %while3A_135 = arith.constant 0 : i32
        scf.yield %while3A_135 : i32
      }
      %dma_wait3A = arith.constant 0 : i32
      %dma_wait3A_93 = arith.constant 0 : i32
      %dma_wait3A_94 = tpu.memref_slice %arg8[%dma_wait3A, %dma_wait3A_93] : memref<40x128xi32, #tpu.memory_space<vmem>> -> memref<1x128xi32, #tpu.memory_space<vmem>>
      %dma_wait3A_95 = tpu.memref_squeeze %dma_wait3A_94 : memref<1x128xi32, #tpu.memory_space<vmem>> -> memref<128xi32, #tpu.memory_space<vmem>>
      %dma_wait3A_96 = arith.constant 0 : i32
      %dma_wait3A_97 = arith.constant 0 : i32
      %dma_wait3A_98 = tpu.memref_slice %arg2[%dma_wait3A_96, %dma_wait3A_97] : memref<10240x128xf32, #tpu.memory_space<hbm>> -> memref<10240x128xf32, #tpu.memory_space<hbm>>
      tpu.wait_indirect_dma semaphore(%arg12 : memref<!tpu.dma_semaphore, #tpu.memory_space<semaphore_mem>>) src(%dma_wait3A_98 : memref<10240x128xf32, #tpu.memory_space<hbm>>) dst(%arg10 : memref<128x128xf32, #tpu.memory_space<vmem>>)
    } else {
    }
    %barrier3A_42 = arith.constant 0 : index
    tpu.barrier barrier_id(%barrier3A_42)
    %mul3A_43 = arith.constant 640 : i32
    %mul3A_44 = arith.muli %arg1, %mul3A_43 : i32
    %mul3A_45 = arith.constant 640 : i32
    %mul3A_46 = arith.muli %arg1, %mul3A_45 : i32
    "tpu.region"() ({
      %run_scoped3A = tpu.sem_alloc : memref<!tpu.dma_semaphore, #tpu.memory_space<semaphore_mem>>
      %dma_start3A = arith.constant 0 : i32
      %dma_start3A_47 = tpu.memref_slice %arg7[%arg0, %mul3A_46, %dma_start3A] : memref<2x10240x128xf32, #tpu.memory_space<hbm>> -> memref<1x640x128xf32, #tpu.memory_space<hbm>>
      %dma_start3A_48 = tpu.memref_squeeze %dma_start3A_47 : memref<1x640x128xf32, #tpu.memory_space<hbm>> -> memref<640x128xf32, #tpu.memory_space<hbm>>
      %dma_start3A_49 = arith.constant 0 : i32
      %dma_start3A_50 = tpu.memref_slice %arg14[%mul3A_44, %dma_start3A_49] : memref<10240x128xf32, #tpu.memory_space<vmem_shared>> -> memref<640x128xf32, #tpu.memory_space<vmem_shared>>
      tpu.enqueue_dma source(%dma_start3A_50 : memref<640x128xf32, #tpu.memory_space<vmem_shared>>) target(%dma_start3A_48 : memref<640x128xf32, #tpu.memory_space<hbm>>) target_semaphore(%run_scoped3A : memref<!tpu.dma_semaphore, #tpu.memory_space<semaphore_mem>>)
      %dma_wait3A = arith.constant 0 : i32
      %dma_wait3A_51 = tpu.memref_slice %arg7[%arg0, %mul3A_46, %dma_wait3A] : memref<2x10240x128xf32, #tpu.memory_space<hbm>> -> memref<1x640x128xf32, #tpu.memory_space<hbm>>
      %dma_wait3A_52 = tpu.memref_squeeze %dma_wait3A_51 : memref<1x640x128xf32, #tpu.memory_space<hbm>> -> memref<640x128xf32, #tpu.memory_space<hbm>>
      %dma_wait3A_53 = arith.constant 0 : i32
      %dma_wait3A_54 = tpu.memref_slice %arg14[%mul3A_44, %dma_wait3A_53] : memref<10240x128xf32, #tpu.memory_space<vmem_shared>> -> memref<640x128xf32, #tpu.memory_space<vmem_shared>>
      tpu.wait_dma2 semaphore(%run_scoped3A : memref<!tpu.dma_semaphore, #tpu.memory_space<semaphore_mem>>) src(%dma_wait3A_54 : memref<640x128xf32, #tpu.memory_space<vmem_shared>>) dst(%dma_wait3A_52 : memref<640x128xf32, #tpu.memory_space<hbm>>)
      tpu.yield
    }) : () -> ()
    return
  }
}

module attributes {stable_mosaic.version = 14 : i64} {
  func.func @_prompt_body(%arg0: i32, %arg1: memref<2048x128xf32, #tpu.memory_space<vmem>>, %arg2: memref<128x128xf32, #tpu.memory_space<vmem>>, %arg3: memref<1x128xf32, #tpu.memory_space<vmem>>, %arg4: memref<128x128xf32, #tpu.memory_space<vmem>>, %arg5: memref<2048x1xf32, #tpu.memory_space<vmem>>, %arg6: memref<2048x1xf32, #tpu.memory_space<vmem>>, %arg7: memref<2048x128xf32, #tpu.memory_space<vmem>>, %arg8: memref<2048x1xf32, #tpu.memory_space<vmem>>, %arg9: memref<2048x1xf32, #tpu.memory_space<vmem>>) attributes {dimension_semantics = [#tpu.dimension_semantics<arbitrary>], iteration_bounds = array<i64: 5>, scalar_prefetch = 0 : i64, scratch_operands = 0 : i64, tpu.core_type = #tpu.core_type<tc>, window_params = [{transform_indices = @transform_0, window_bounds = array<i64: 2048, 128>}, {pipeline_mode = #tpu.pipeline_mode<synchronous>, transform_indices = @transform_1, window_bounds = array<i64: 128, 128>}, {pipeline_mode = #tpu.pipeline_mode<synchronous>, transform_indices = @transform_2, window_bounds = array<i64: 1, 128>}, {pipeline_mode = #tpu.pipeline_mode<synchronous>, transform_indices = @transform_3, window_bounds = array<i64: 128, 128>}, {transform_indices = @transform_4, window_bounds = array<i64: 2048, 1>}, {transform_indices = @transform_5, window_bounds = array<i64: 2048, 1>}, {transform_indices = @transform_6, window_bounds = array<i64: 2048, 128>}, {transform_indices = @transform_7, window_bounds = array<i64: 2048, 1>}, {transform_indices = @transform_8, window_bounds = array<i64: 2048, 1>}]} {
    %get3A = arith.constant 0 : index
    %get3A_0 = arith.constant 0 : index
    %get3A_1 = vector.load %arg1[%get3A, %get3A_0] : memref<2048x128xf32, #tpu.memory_space<vmem>>, vector<2048x128xf32>
    %get3A_2 = arith.constant 0 : index
    %get3A_3 = arith.constant 0 : index
    %get3A_4 = vector.load %arg2[%get3A_2, %get3A_3] : memref<128x128xf32, #tpu.memory_space<vmem>>, vector<128x128xf32>
    %dot_general3A = arith.constant dense<0.000000e+00> : vector<2048x128xf32>
    %dot_general3A_5 = tpu.matmul %get3A_1, %get3A_4, %dot_general3A {dimension_numbers = #tpu.dot_dimension_numbers<[1], [0], [0], [1], [0, 0, 1, 1], [], []>, transpose_lhs_hint = false} : vector<2048x128xf32>, vector<128x128xf32>, vector<2048x128xf32> -> vector<2048x128xf32>
    %get3A_6 = arith.constant 0 : index
    %get3A_7 = arith.constant 0 : index
    %get3A_8 = vector.load %arg3[%get3A_6, %get3A_7] : memref<1x128xf32, #tpu.memory_space<vmem>>, vector<1x128xf32>
    %add3A = vector.broadcast %get3A_8 : vector<1x128xf32> to vector<2048x128xf32>
    %add3A_9 = arith.addf %dot_general3A_5, %add3A : vector<2048x128xf32>
    %iota3A = tpu.iota {dimensions = array<i32: 1>} : vector<1x128xi32>
    %lt3A = arith.constant 8 : i32
    %lt3A_10 = vector.broadcast %lt3A : i32 to vector<1x128xi32>
    %lt3A_11 = arith.cmpi slt, %iota3A, %lt3A_10 : vector<1x128xi32>
    %jit3A = arith.constant -1.000000e+30 : f32
    %broadcast_in_dim3A = vector.shape_cast %lt3A_11 : vector<1x128xi1> to vector<1x128xi1>
    %broadcast_in_dim3A_12 = vector.broadcast %broadcast_in_dim3A : vector<1x128xi1> to vector<2048x128xi1>
    %broadcast_in_dim3A_13 = vector.broadcast %jit3A : f32 to vector<2048x128xf32>
    %select_n3A = arith.select %broadcast_in_dim3A_12, %add3A_9, %broadcast_in_dim3A_13 : vector<2048x128xi1>, vector<2048x128xf32>
    %reduce_max3A = arith.constant dense<0xFF800000> : vector<2048xf32>
    %reduce_max3A_14 = vector.multi_reduction <maximumf>, %select_n3A, %reduce_max3A [1] : vector<2048x128xf32> to vector<2048xf32>
    %broadcast_in_dim3A_15 = vector.shape_cast %reduce_max3A_14 : vector<2048xf32> to vector<2048x1xf32>
    %sub3A = vector.broadcast %broadcast_in_dim3A_15 : vector<2048x1xf32> to vector<2048x128xf32>
    %sub3A_16 = arith.subf %select_n3A, %sub3A : vector<2048x128xf32>
    %exp3A = math.exp %sub3A_16 : vector<2048x128xf32>
    %jit3A_17 = arith.constant 0.000000e+00 : f32
    %broadcast_in_dim3A_18 = vector.shape_cast %lt3A_11 : vector<1x128xi1> to vector<1x128xi1>
    %broadcast_in_dim3A_19 = vector.broadcast %broadcast_in_dim3A_18 : vector<1x128xi1> to vector<2048x128xi1>
    %broadcast_in_dim3A_20 = vector.broadcast %jit3A_17 : f32 to vector<2048x128xf32>
    %select_n3A_21 = arith.select %broadcast_in_dim3A_19, %exp3A, %broadcast_in_dim3A_20 : vector<2048x128xi1>, vector<2048x128xf32>
    %reduce_sum3A = arith.constant dense<0.000000e+00> : vector<2048xf32>
    %reduce_sum3A_22 = vector.multi_reduction <add>, %select_n3A_21, %reduce_sum3A [1] : vector<2048x128xf32> to vector<2048xf32>
    %broadcast_in_dim3A_23 = vector.shape_cast %reduce_sum3A_22 : vector<2048xf32> to vector<2048x1xf32>
    %div3A = vector.broadcast %broadcast_in_dim3A_23 : vector<2048x1xf32> to vector<2048x128xf32>
    %div3A_24 = arith.divf %select_n3A_21, %div3A : vector<2048x128xf32>
    %get3A_25 = arith.constant 0 : index
    %get3A_26 = arith.constant 0 : index
    %get3A_27 = vector.load %arg4[%get3A_25, %get3A_26] : memref<128x128xf32, #tpu.memory_space<vmem>>, vector<128x128xf32>
    %dot_general3A_28 = arith.constant dense<0.000000e+00> : vector<2048x128xf32>
    %dot_general3A_29 = tpu.matmul %div3A_24, %get3A_27, %dot_general3A_28 {dimension_numbers = #tpu.dot_dimension_numbers<[1], [0], [0], [1], [0, 0, 1, 1], [], []>, transpose_lhs_hint = false} : vector<2048x128xf32>, vector<128x128xf32>, vector<2048x128xf32> -> vector<2048x128xf32>
    %get3A_30 = arith.constant 0 : index
    %get3A_31 = arith.constant 0 : index
    %get3A_32 = vector.load %arg5[%get3A_30, %get3A_31] : memref<2048x1xf32, #tpu.memory_space<vmem>>, vector<2048x1xf32>
    %get3A_33 = arith.constant 0 : index
    %get3A_34 = arith.constant 0 : index
    %get3A_35 = vector.load %arg6[%get3A_33, %get3A_34] : memref<2048x1xf32, #tpu.memory_space<vmem>>, vector<2048x1xf32>
    %add3A_36 = arith.addf %get3A_32, %get3A_35 : vector<2048x1xf32>
    %max3A = arith.constant 1.000000e+00 : f32
    %max3A_37 = vector.broadcast %max3A : f32 to vector<2048x1xf32>
    %max3A_38 = arith.maximumf %add3A_36, %max3A_37 : vector<2048x1xf32>
    %rsqrt3A = math.rsqrt %max3A_38 : vector<2048x1xf32>
    %add3A_39 = arith.addf %get3A_1, %dot_general3A_29 : vector<2048x128xf32>
    %mul3A = vector.broadcast %rsqrt3A : vector<2048x1xf32> to vector<2048x128xf32>
    %mul3A_40 = arith.mulf %add3A_39, %mul3A : vector<2048x128xf32>
    %swap3A = arith.constant 0 : index
    %swap3A_41 = arith.constant 0 : index
    %swap3A_42 = vector.load %arg7[%swap3A, %swap3A_41] : memref<2048x128xf32, #tpu.memory_space<vmem>>, vector<2048x128xf32>
    tpu.vector_store %arg7[%swap3A, %swap3A_41], %mul3A_40 {strides = array<i32>} : memref<2048x128xf32, #tpu.memory_space<vmem>>, vector<2048x128xf32>,
    %swap3A_43 = arith.constant 0 : index
    %swap3A_44 = arith.constant 0 : index
    %swap3A_45 = vector.load %arg8[%swap3A_43, %swap3A_44] : memref<2048x1xf32, #tpu.memory_space<vmem>>, vector<2048x1xf32>
    tpu.vector_store %arg8[%swap3A_43, %swap3A_44], %rsqrt3A {strides = array<i32>} : memref<2048x1xf32, #tpu.memory_space<vmem>>, vector<2048x1xf32>,
    %mul3A_46 = arith.mulf %rsqrt3A, %rsqrt3A : vector<2048x1xf32>
    %swap3A_47 = arith.constant 0 : index
    %swap3A_48 = arith.constant 0 : index
    %swap3A_49 = vector.load %arg9[%swap3A_47, %swap3A_48] : memref<2048x1xf32, #tpu.memory_space<vmem>>, vector<2048x1xf32>
    tpu.vector_store %arg9[%swap3A_47, %swap3A_48], %mul3A_46 {strides = array<i32>} : memref<2048x1xf32, #tpu.memory_space<vmem>>, vector<2048x1xf32>,
    return
  }
  func.func @transform_0(%arg0: i32) -> (i32, i32) {
    %c0_i32 = arith.constant 0 : i32
    %c0_i32_0 = arith.constant 0 : i32
    return %arg0, %c0_i32 : i32, i32
  }
  func.func @transform_1(%arg0: i32) -> (i32, i32) {
    %c0_i32 = arith.constant 0 : i32
    %c0_i32_0 = arith.constant 0 : i32
    %c0_i32_1 = arith.constant 0 : i32
    return %c0_i32, %c0_i32_0 : i32, i32
  }
  func.func @transform_2(%arg0: i32) -> (i32, i32) {
    %c0_i32 = arith.constant 0 : i32
    %c0_i32_0 = arith.constant 0 : i32
    %c0_i32_1 = arith.constant 0 : i32
    return %c0_i32, %c0_i32_0 : i32, i32
  }
  func.func @transform_3(%arg0: i32) -> (i32, i32) {
    %c0_i32 = arith.constant 0 : i32
    %c0_i32_0 = arith.constant 0 : i32
    %c0_i32_1 = arith.constant 0 : i32
    return %c0_i32, %c0_i32_0 : i32, i32
  }
  func.func @transform_4(%arg0: i32) -> (i32, i32) {
    %c0_i32 = arith.constant 0 : i32
    %c0_i32_0 = arith.constant 0 : i32
    return %arg0, %c0_i32 : i32, i32
  }
  func.func @transform_5(%arg0: i32) -> (i32, i32) {
    %c0_i32 = arith.constant 0 : i32
    %c0_i32_0 = arith.constant 0 : i32
    return %arg0, %c0_i32 : i32, i32
  }
  func.func @transform_6(%arg0: i32) -> (i32, i32) {
    %c0_i32 = arith.constant 0 : i32
    %c0_i32_0 = arith.constant 0 : i32
    return %arg0, %c0_i32 : i32, i32
  }
  func.func @transform_7(%arg0: i32) -> (i32, i32) {
    %c0_i32 = arith.constant 0 : i32
    %c0_i32_0 = arith.constant 0 : i32
    return %arg0, %c0_i32 : i32, i32
  }
  func.func @transform_8(%arg0: i32) -> (i32, i32) {
    %c0_i32 = arith.constant 0 : i32
    %c0_i32_0 = arith.constant 0 : i32
    return %arg0, %c0_i32 : i32, i32
  }
}

module attributes {stable_mosaic.version = 14 : i64} {
  func.func @_combine_body(%arg0: i32, %arg1: memref<2x2048x128xf32, #tpu.memory_space<vmem>>, %arg2: memref<2048x1xf32, #tpu.memory_space<vmem>>, %arg3: memref<2048x128xf32, #tpu.memory_space<vmem>>) attributes {dimension_semantics = [#tpu.dimension_semantics<arbitrary>], iteration_bounds = array<i64: 5>, scalar_prefetch = 0 : i64, scratch_operands = 0 : i64, tpu.core_type = #tpu.core_type<tc>, window_params = [{transform_indices = @transform_0, window_bounds = array<i64: 2, 2048, 128>}, {transform_indices = @transform_1, window_bounds = array<i64: 2048, 1>}, {transform_indices = @transform_2, window_bounds = array<i64: 2048, 128>}]} {
    %get3A = arith.constant 0 : index
    %get3A_0 = arith.constant 0 : index
    %get3A_1 = arith.constant 0 : index
    %get3A_2 = vector.load %arg1[%get3A, %get3A_0, %get3A_1] : memref<2x2048x128xf32, #tpu.memory_space<vmem>>, vector<2x2048x128xf32>
    %slice3A = vector.extract_strided_slice %get3A_2 {offsets = [0, 0, 0], sizes = [1, 2048, 128], strides = [1, 1, 1]} : vector<2x2048x128xf32> to vector<1x2048x128xf32>
    %squeeze3A = vector.shape_cast %slice3A : vector<1x2048x128xf32> to vector<2048x128xf32>
    %slice3A_3 = vector.extract_strided_slice %get3A_2 {offsets = [1, 0, 0], sizes = [1, 2048, 128], strides = [1, 1, 1]} : vector<2x2048x128xf32> to vector<1x2048x128xf32>
    %squeeze3A_4 = vector.shape_cast %slice3A_3 : vector<1x2048x128xf32> to vector<2048x128xf32>
    %add3A = arith.addf %squeeze3A, %squeeze3A_4 : vector<2048x128xf32>
    %get3A_5 = arith.constant 0 : index
    %get3A_6 = arith.constant 0 : index
    %get3A_7 = vector.load %arg2[%get3A_5, %get3A_6] : memref<2048x1xf32, #tpu.memory_space<vmem>>, vector<2048x1xf32>
    %mul3A = vector.broadcast %get3A_7 : vector<2048x1xf32> to vector<2048x128xf32>
    %mul3A_8 = arith.mulf %add3A, %mul3A : vector<2048x128xf32>
    %swap3A = arith.constant 0 : index
    %swap3A_9 = arith.constant 0 : index
    %swap3A_10 = vector.load %arg3[%swap3A, %swap3A_9] : memref<2048x128xf32, #tpu.memory_space<vmem>>, vector<2048x128xf32>
    tpu.vector_store %arg3[%swap3A, %swap3A_9], %mul3A_8 {strides = array<i32>} : memref<2048x128xf32, #tpu.memory_space<vmem>>, vector<2048x128xf32>,
    return
  }
  func.func @transform_0(%arg0: i32) -> (i32, i32, i32) {
    %c0_i32 = arith.constant 0 : i32
    %c0_i32_0 = arith.constant 0 : i32
    %c0_i32_1 = arith.constant 0 : i32
    return %c0_i32, %arg0, %c0_i32_0 : i32, i32, i32
  }
  func.func @transform_1(%arg0: i32) -> (i32, i32) {
    %c0_i32 = arith.constant 0 : i32
    %c0_i32_0 = arith.constant 0 : i32
    return %arg0, %c0_i32 : i32, i32
  }
  func.func @transform_2(%arg0: i32) -> (i32, i32) {
    %c0_i32 = arith.constant 0 : i32
    %c0_i32_0 = arith.constant 0 : i32
    return %arg0, %c0_i32 : i32, i32
  }
}

module attributes {stable_mosaic.version = 14 : i64} {
  func.func @_cls_body(%arg0: i32, %arg1: memref<2x2048x128xf32, #tpu.memory_space<vmem>>, %arg2: memref<2048x1xf32, #tpu.memory_space<vmem>>, %arg3: memref<128x128xf32, #tpu.memory_space<vmem>>, %arg4: memref<1x128xf32, #tpu.memory_space<vmem>>, %arg5: memref<2048x128xf32, #tpu.memory_space<vmem>>) attributes {dimension_semantics = [#tpu.dimension_semantics<arbitrary>], iteration_bounds = array<i64: 5>, scalar_prefetch = 0 : i64, scratch_operands = 0 : i64, tpu.core_type = #tpu.core_type<tc>, window_params = [{transform_indices = @transform_0, window_bounds = array<i64: 2, 2048, 128>}, {transform_indices = @transform_1, window_bounds = array<i64: 2048, 1>}, {pipeline_mode = #tpu.pipeline_mode<synchronous>, transform_indices = @transform_2, window_bounds = array<i64: 128, 128>}, {pipeline_mode = #tpu.pipeline_mode<synchronous>, transform_indices = @transform_3, window_bounds = array<i64: 1, 128>}, {transform_indices = @transform_4, window_bounds = array<i64: 2048, 128>}]} {
    %get3A = arith.constant 0 : index
    %get3A_0 = arith.constant 0 : index
    %get3A_1 = arith.constant 0 : index
    %get3A_2 = vector.load %arg1[%get3A, %get3A_0, %get3A_1] : memref<2x2048x128xf32, #tpu.memory_space<vmem>>, vector<2x2048x128xf32>
    %slice3A = vector.extract_strided_slice %get3A_2 {offsets = [0, 0, 0], sizes = [1, 2048, 128], strides = [1, 1, 1]} : vector<2x2048x128xf32> to vector<1x2048x128xf32>
    %squeeze3A = vector.shape_cast %slice3A : vector<1x2048x128xf32> to vector<2048x128xf32>
    %slice3A_3 = vector.extract_strided_slice %get3A_2 {offsets = [1, 0, 0], sizes = [1, 2048, 128], strides = [1, 1, 1]} : vector<2x2048x128xf32> to vector<1x2048x128xf32>
    %squeeze3A_4 = vector.shape_cast %slice3A_3 : vector<1x2048x128xf32> to vector<2048x128xf32>
    %add3A = arith.addf %squeeze3A, %squeeze3A_4 : vector<2048x128xf32>
    %get3A_5 = arith.constant 0 : index
    %get3A_6 = arith.constant 0 : index
    %get3A_7 = vector.load %arg2[%get3A_5, %get3A_6] : memref<2048x1xf32, #tpu.memory_space<vmem>>, vector<2048x1xf32>
    %mul3A = vector.broadcast %get3A_7 : vector<2048x1xf32> to vector<2048x128xf32>
    %mul3A_8 = arith.mulf %add3A, %mul3A : vector<2048x128xf32>
    %get3A_9 = arith.constant 0 : index
    %get3A_10 = arith.constant 0 : index
    %get3A_11 = vector.load %arg3[%get3A_9, %get3A_10] : memref<128x128xf32, #tpu.memory_space<vmem>>, vector<128x128xf32>
    %dot_general3A = arith.constant dense<0.000000e+00> : vector<2048x128xf32>
    %dot_general3A_12 = tpu.matmul %mul3A_8, %get3A_11, %dot_general3A {dimension_numbers = #tpu.dot_dimension_numbers<[1], [0], [0], [1], [0, 0, 1, 1], [], []>, transpose_lhs_hint = false} : vector<2048x128xf32>, vector<128x128xf32>, vector<2048x128xf32> -> vector<2048x128xf32>
    %get3A_13 = arith.constant 0 : index
    %get3A_14 = arith.constant 0 : index
    %get3A_15 = vector.load %arg4[%get3A_13, %get3A_14] : memref<1x128xf32, #tpu.memory_space<vmem>>, vector<1x128xf32>
    %add3A_16 = vector.broadcast %get3A_15 : vector<1x128xf32> to vector<2048x128xf32>
    %add3A_17 = arith.addf %dot_general3A_12, %add3A_16 : vector<2048x128xf32>
    %swap3A = arith.constant 0 : index
    %swap3A_18 = arith.constant 0 : index
    %swap3A_19 = vector.load %arg5[%swap3A, %swap3A_18] : memref<2048x128xf32, #tpu.memory_space<vmem>>, vector<2048x128xf32>
    tpu.vector_store %arg5[%swap3A, %swap3A_18], %add3A_17 {strides = array<i32>} : memref<2048x128xf32, #tpu.memory_space<vmem>>, vector<2048x128xf32>,
    return
  }
  func.func @transform_0(%arg0: i32) -> (i32, i32, i32) {
    %c0_i32 = arith.constant 0 : i32
    %c0_i32_0 = arith.constant 0 : i32
    %c0_i32_1 = arith.constant 0 : i32
    return %c0_i32, %arg0, %c0_i32_0 : i32, i32, i32
  }
  func.func @transform_1(%arg0: i32) -> (i32, i32) {
    %c0_i32 = arith.constant 0 : i32
    %c0_i32_0 = arith.constant 0 : i32
    return %arg0, %c0_i32 : i32, i32
  }
  func.func @transform_2(%arg0: i32) -> (i32, i32) {
    %c0_i32 = arith.constant 0 : i32
    %c0_i32_0 = arith.constant 0 : i32
    %c0_i32_1 = arith.constant 0 : i32
    return %c0_i32, %c0_i32_0 : i32, i32
  }
  func.func @transform_3(%arg0: i32) -> (i32, i32) {
    %c0_i32 = arith.constant 0 : i32
    %c0_i32_0 = arith.constant 0 : i32
    %c0_i32_1 = arith.constant 0 : i32
    return %c0_i32, %c0_i32_0 : i32, i32
  }
  func.func @transform_4(%arg0: i32) -> (i32, i32) {
    %c0_i32 = arith.constant 0 : i32
    %c0_i32_0 = arith.constant 0 : i32
    return %arg0, %c0_i32 : i32, i32
  }
}

</mosaic_0001>

<sc_bundles>
// kernel: kernel.10.cloned.1.call-start
scs
__scs_entry_jumppad:
0x0: {  	(pc) =	sbr.rel $0x88, $3  }
0x1: {  	(tag) =	ssettag $0x0;
	lr =	simm.s32 $0x1  }
0x2: {  	[smem:$0x3F9A] =	sst lr;
	_ =	strace $0xD0000000  }
0x3: {  	_ = 	snop  }
0x4: {  	_ = 	snop  }
0x5: {  	_ = 	snop  }
0x6: {  	_ = 	snop  }
0x7: {  	_ = 	snop  }
__scs_overlays_trampoline_lowered:
0x8: {  	[smem:$0x3FA9] =	sst s0  }
0x9: {  	[smem:$0x3FAA] =	sst s1  }
0xa: {  	[smem:$0x3FAB] =	sst s2  }
0xb: {  	[smem:$0x3FAC] =	sst s3  }
0xc: {  	[smem:$0x3FAD] =	sst s4  }
0xd: {  	[smem:$0x3FAE] =	sst s5  }
0xe: {  	[smem:$0x3FAF] =	sst s6  }
0xf: {  	[smem:$0x3FB0] =	sst s7  }
0x10: {  	[smem:$0x3FB1] =	sst s8  }
0x11: {  	[smem:$0x3FB2] =	sst s9;
	s0 =	simm.s32 @!p0 $0x0  }
0x12: {  	s1 =	sld [smem:$0x3F98];
	s0 =	simm.s32 @p0 $0x1  }
0x13: {  	[smem:$0x3FB3] =	sst s0;
	s0 =	simm.s32 @!p1 $0x0  }
0x14: {  	s2 =	sld [smem:$0x3F97];
	s0 =	simm.s32 @p1 $0x1  }
0x15: {  	[smem:$0x3FB4] =	sst s0;
	s0 =	simm.s32 @!p2 $0x0  }
0x16: {  	s3 =	sld [smem:$0x3FDB];
	s0 =	simm.s32 @p2 $0x1  }
0x17: {  	s4 =	simm.s32 $0x1BF5;
	[smem:$0x3FB6] =	sst s0  }
0x18: {  	s0 =	sld [smem:$0x3F99];
	_ =	swait.ge [sflag:s4], $0x0  }
0x19: {  	s7 =	sld [smem:$0x3F9A]  }
0x1a: {  	s8 =	sadd.s32 $0xFFFFE003, lr  }
0x1b: {  	s9 =	sadd.s32 $0xFFFFFEF7, lr;
	s5 =	simm.s32 $0xFFFFFFFF;
	p2 =	slt.u32 s8, $0xFFFFF086  }
0x1c: {  	p1 =	slt.u32 s9, $0xF7A;
	s5 =	simm.s32 @!p2 $0x0  }
0x1d: {  	s5 =	simm.s32 @p1 $0x1;
	p0 =	seq.s32 s7, s2  }
0x1e: {  	s7 =	smul.u32 @!p0 $0xF7A, s2;
	p2 =	seq.s32 @!p0 s5, $0x0  }
0x1f: {  	s9 =	smul.u32 $0xF7A, s1;
	s8 =	simm.s32 @!p0 $0x1BF5;
	p2 =	por !p2, p0  }
0x20: {  	[sflag:s8] =	ssyncset.s32 @!p0 $0xFFFFF086;
	s6 =	sadd.s32 @!p0 s3, s7;
	s7 =	simm.s32 @!p0 $0x108  }
0x21: {  	s3 =	sadd.s32 s3, s9;
	s6 =	sadd.s32 @!p0 $0x88, s6;
	s7 =	simm.s32 @p2 $0x1082  }
0x22: {  	[simem:s7], [sflag:s8] =	dma.local @!p0 [hbm:s6], $0xF7A  }
0x23: {  	s9 =	sor.u32 $0xD0000000, s2;
	s6 =	simm.s32 $0x108;
	_ =	swait.ge @!p0 [sflag:s8], $0x0  }
0x24: {  	s3 =	sadd.s32 $0x88, s3;
	s6 =	simm.s32 @!p1 $0x1082;
	[sflag:s4] =	ssyncset.s32 $0xFFFFF086  }
0x25: {  	[simem:s6], [sflag:s4] =	dma.local [hbm:s3], $0xF7A  }
0x26: {  	[smem:$0x3F9A] =	sst s1;
	(tag) =	ssettag s2;
	_ =	strace s9  }
0x27: {  	s1 =	sld [smem:$0x3FAA]  }
0x28: {  	s2 =	sld [smem:$0x3FAB]  }
0x29: {  	s4 =	sld [smem:$0x3FAD]  }
0x2a: {  	p0 =	seq.s32 s5, $0x0;
	s5 =	sld [smem:$0x3FAE]  }
0x2b: {  	s6 =	sld [smem:$0x3FAF]  }
0x2c: {  	s7 =	sld [smem:$0x3FB0]  }
0x2d: {  	s3 =	simm.s32 $0x108;
	s8 =	sld [smem:$0x3FB1]  }
0x2e: {  	s3 =	simm.s32 @!p0 $0x1082;
	s9 =	sld [smem:$0x3FB2]  }
0x2f: {  	lr =	sadd.s32 s0, s3;
	s0 =	sld [smem:$0x3FA9]  }
0x30: {  	s3 =	sld [smem:$0x3FAC]  }
0x31: {  	[smem:$0x3FB5] =	sst s10  }
0x32: {  	s10 =	sld [smem:$0x3FB3];
	_ =	sdelay $0x3  }
0x33: {  	p0 =	seq.s32 s10, $0x1;
	s10 =	sld [smem:$0x3FB5];
	_ =	sdelay $0x3  }
0x34: {  	[smem:$0x3FB5] =	sst s10  }
0x35: {  	s10 =	sld [smem:$0x3FB4];
	_ =	sdelay $0x3  }
0x36: {  	p1 =	seq.s32 s10, $0x1;
	s10 =	sld [smem:$0x3FB5];
	_ =	sdelay $0x3  }
0x37: {  	[smem:$0x3FB5] =	sst s10  }
0x38: {  	s10 =	sld [smem:$0x3FB6]  }
0x39: {  	_ = 	snop;
	(pc) =	sbr.ind lr, $3  }
0x3a: {  	_ = 	snop  }
0x3b: {  	_ = 	snop  }
0x3c: {  	p2 =	seq.s32 s10, $0x1;
	s10 =	sld [smem:$0x3FB5]  }
0x3d: {  	_ =	shalt  }
0x3e: {  	_ =	shalt  }
0x3f: {  	_ =	shalt  }
0x40: {  	_ =	shalt  }
0x41: {  	_ =	shalt  }
0x42: {  	_ =	shalt  }
0x43: {  	_ =	shalt  }
0x44: {  	_ =	shalt  }
0x45: {  	_ =	shalt  }
0x46: {  	_ =	shalt  }
0x47: {  	_ =	shalt  }
0x48: {  	_ =	shalt  }
0x49: {  	_ =	shalt  }
0x4a: {  	_ =	shalt  }
0x4b: {  	_ =	shalt  }
0x4c: {  	_ =	shalt  }
0x4d: {  	_ =	shalt  }
0x4e: {  	_ =	shalt  }
0x4f: {  	_ =	shalt  }
0x50: {  	_ =	shalt  }
0x51: {  	_ =	shalt  }
0x52: {  	_ =	shalt  }
0x53: {  	_ =	shalt  }
0x54: {  	_ =	shalt  }
0x55: {  	_ =	shalt  }
0x56: {  	_ =	shalt  }
0x57: {  	_ =	shalt  }
0x58: {  	_ =	shalt  }
0x59: {  	_ =	shalt  }
0x5a: {  	_ =	shalt  }
0x5b: {  	_ =	shalt  }
0x5c: {  	_ =	shalt  }
0x5d: {  	_ =	shalt  }
0x5e: {  	_ =	shalt  }
0x5f: {  	_ =	shalt  }
0x60: {  	_ =	shalt  }
0x61: {  	_ =	shalt  }
0x62: {  	_ =	shalt  }
0x63: {  	_ =	shalt  }
0x64: {  	_ =	shalt  }
0x65: {  	_ =	shalt  }
0x66: {  	_ =	shalt  }
0x67: {  	_ =	shalt  }
0x68: {  	_ =	shalt  }
0x69: {  	_ =	shalt  }
0x6a: {  	_ =	shalt  }
0x6b: {  	_ =	shalt  }
0x6c: {  	_ =	shalt  }
0x6d: {  	_ =	shalt  }
0x6e: {  	_ =	shalt  }
0x6f: {  	_ =	shalt  }
0x70: {  	_ =	shalt  }
0x71: {  	_ =	shalt  }
0x72: {  	_ =	shalt  }
0x73: {  	_ =	shalt  }
0x74: {  	_ =	shalt  }
0x75: {  	_ =	shalt  }
0x76: {  	_ =	shalt  }
0x77: {  	_ =	shalt  }
0x78: {  	_ =	shalt  }
0x79: {  	_ =	shalt  }
0x7a: {  	_ =	shalt  }
0x7b: {  	_ =	shalt  }
0x7c: {  	_ =	shalt  }
0x7d: {  	_ =	shalt  }
0x7e: {  	_ =	shalt  }
0x7f: {  	_ =	shalt  }
0x80: {  	_ =	shalt  }
0x81: {  	_ =	shalt  }
0x82: {  	_ =	shalt  }
0x83: {  	_ =	shalt  }
0x84: {  	_ =	shalt  }
0x85: {  	_ =	shalt  }
0x86: {  	_ =	shalt  }
0x87: {  	_ =	shalt  }
.Lfunc_end0:
.L_simem_size_0:
called_computation_lowered:
.L_overlay_start_0:
0x88: {  	s2 =	sld [smem:$0x3FD9]  }
0x89: {  	s3 =	sld [smem:$0x3FFE];
	_ =	sdelay $0x1  }
0x8a: {  	s1 =	srdreg.scid  }
0x8b: {  	s0 =	sand.u32 $0x1, s1  }
0x8c: {  	s17 =	sshll.u32 s0, $0xA;
	s2 =	sadd.s32 s3, s2  }
0x8d: {  	s2 =	sadd.s32 s2, s17  }
0x8e: {  	[smem:$0x3FC1] =	sst s2  }
0x8f: {  	_ = 	snop  }
0x90: {  	s2 =	sld [smem:$0x3FD0];
	(tm) =	ssettm $0x1  }
0x91: {  	s18 =	sld [smem:$0x3FFB];
	_ =	sdelay $0x3  }
0x92: {  	_ =	strace s18  }
0x93: {  	s3 =	sld [smem:$0x3FFC];
	_ =	sdelay $0x3  }
0x94: {  	_ =	strace s3  }
0x95: {  	s3 =	sld [smem:$0x3FFD];
	_ =	sdelay $0x3  }
0x96: {  	_ =	strace s3  }
0x97: {  	_ =	strace $0x8FFFFFFF  }
0x98: {  	s19 =	sld [smem:$0x3FDB];
	_ =	sdelay $0x1  }
0x99: {  	s4 =	simm.s32 $_scs_section_size  }
0x9a: {  	s5 =	simm.s32 $_size__tile_overlayer_lowered;
	s6 =	simm.s32 $_tile_overlayer_lowered  }
0x9b: {  	s22 =	simm.s32 $0x1BFF;
	s21 =	sshll.u32 s6, $0x1;
	s3 =	sadd.s32 s4, s19  }
0x9c: {  	s7 =	simm.s32 $0x0;
	s20 =	sshll.u32 s5, $0x1;
	s5 =	sadd.s32 s21, s3  }
0x9d: {  	[timem:s7], [sflag:s22] =	dma.local [hbm:s5], s20  }
0x9e: {  	_ =	swait.ge [sflag:s22], s20  }
0x9f: {  	s4 =	ssub.s32 $0x0, s20;
	[sflag:s22] =	ssyncset.done $0x0  }
0xa0: {  	[sflag:s22] =	ssyncadd.s32 s4;
	_ =	sdelay $0x1  }
0xa1: {  	s23 =	simm.s32 $0x1B8B  }
0xa2: {  	_ =	swait.ge [sflag:s23], $0x1  }
0xa3: {  	[sflag:s23] =	ssyncset.done $0x0  }
0xa4: {  	s25 =	simm.s32 $0x1B8E;
	s24 =	sld [smem:$0x3FFE];
	[sflag:s23] =	ssyncadd.s32 $0xFFFFFFFF  }
0xa5: {  	s26 =	simm.s32 $execute0_lowered;
	[smem:$0x3FD2] =	sst s25  }
0xa6: {  	s5 =	sshll.u32 s26, $0x1;
	_ =	strace $0x80000046;
	[dreg:$0x1] =	wrdreg $0xFFFFFFFF  }
0xa7: {  	s28 =	simm.s32 $_size_execute0_lowered;
	s3 =	sadd.s32 s3, s5;
	[dreg:$0x0] =	wrdreg $0x0  }
0xa8: {  	s5 =	sshll.u32 s28, $0x1;
	[dreg:$0x2] =	wrdreg s3  }
0xa9: {  	[dreg:$0x3] =	wrdreg s5  }
0xaa: {  	[dreg:$0x4] =	wrdreg $0xC0  }
0xab: {  	_ =	task [dreg:s7], $0x5FFFF  }
0xac: {  	[dreg:$0x1] =	wrdreg $0xFFFFFFFF  }
0xad: {  	[dreg:$0x0] =	wrdreg $0x60  }
0xae: {  	[dreg:$0x2] =	wrdreg s24  }
0xaf: {  	[dreg:$0x3] =	wrdreg s2  }
0xb0: {  	[dreg:$0x4] =	wrdreg $0x2B000  }
0xb1: {  	[dreg:$0x5] =	wrdreg $0x9  }
0xb2: {  	_ =	task.clear_ibuf [dreg:s7], $0x6FFFF;
	_ =	strace $0x90000046  }
0xb3: {  	s29 =	simm.s32 $0x9;
	_ =	strace $0x80000048  }
0xb4: {  	_ =	swait.ge [sflag:s29], $0x1  }
0xb5: {  	[sflag:s29] =	ssyncadd.s32 $0xFFFFFFFF  }
0xb6: {  	_ =	strace $0x90000048  }
0xb7: {  	_ =	sfence  }
0xb8: {  	s30 =	sld [smem:$0x0];
	_ =	sdelay $0x2  }
0xb9: {  	s31 =	sshll.u32 s1, $0xD;
	s1 =	sshrl.u32 s1, $0x2  }
0xba: {  	s3 =	sand.u32 $0x4000, s31;
	s1 =	sadd.s32 s1, s30  }
0xbb: {  	s0 =	sor.u32 s3, s0;
	s1 =	sshll.u32 s1, $0x11  }
0xbc: {  	s0 =	sor.u32 s1, s0  }
0xbd: {  	s0 =	sadd.s32 $0x8F2B, s0  }
0xbe: {  	[sflag:s0] =	ssyncadd.remote.s32 $0x1  }
0xbf: {  	_ =	sfence.sel $0xFFFF  }
0xc0: {  	[dreg:$0x0] =	wrdreg $0xFFFFFFFF;
	(pc) =	sbr.abs _section_cstart, $3  }
0xc1: {  	[dreg:$0x1] =	wrdreg $0xFFFFFFFF  }
0xc2: {  	_ =	task.clear_ibuf [dreg:s7], $0x2FFFF;
	_ =	strace $0x9FFFFFFF  }
0xc3: {  	(tm) =	ssettm $0x7FFFFFFF  }
tec
execute0_lowered:
.L_overlay_start_1:
0x0: {  	(tag) =	ssettag $0x1  }
0x1: {  	s4 =	rddreg [dreg:$0x0]  }
0x2: {  	s6 =	rddreg [dreg:$0x1]  }
0x3: {  	s0 =	srdreg.scid;
	s2 =	rddreg [dreg:$0x2]  }
0x4: {  	s3 =	simm.s32 $0x0;
	s11 =	simm.s32 $0x2800;
	s14 =	simm.s32 $0x20  }
0x5: {  	s15 =	simm.s32 $0x10;
	s5 =	sand.u32 $0x1, s0;
	s0 =	stileid.u32  }
0x6: {  	s16 =	simm.s32 $0x0;
	[smem:$0x7FF] =	sst s3;
	s8 =	smul.u32 $0xA00, s0  }
0x7: {  	s1 =	sshll.u32 s5, $0x4;
	s9 =	ssub.s32 $0x2, s5;
	s10 =	smul.u32 $0x500, s0  }
0x8: {  	s5 =	sshll.u32 s5, $0x7;
	s12 =	sshll.u32 s0, $0x6;
	s7 =	sor.u32 s0, s1  }
0x9: {  	s1 =	rddreg [dreg:$0x3];
	_ =	strace $0x80000047;
	s28 =	sshrl.u32 s9, $0x1  }
0xa: {  	s12 =	sor.u32 $0x1C01, s12;
	s7 =	smul.u32 $0x500, s7;
	s9 =	ssub.s32 s9, s28  }
0xb: {  	s29 =	sshrl.u32 s8, $0x2;
	s30 =	sor.u32 s5, s10;
	s8 =	simm.s32 $0x2880  }
0xc: {  	s10 =	simm.s32 $0x80;
	s31 =	sshrl.u32 s30, $0x3;
	s7 =	sadd.s32 s7, s4  }
0xd: {  	s4 =	sadd.s32 s29, s2;
	s6 =	sadd.s32 s6, s31;
	s5 =	sadd.s32 $0x3000, s7  }
0xe: {  	v0 =	vimm.f32 $1.000000000e+00;
	v1 =	vimm.f32 $0.0e+00;
	s7 =	smax.u32 s9, $0x1;
	s9 =	simm.s32 $0x1;
	s13 =	sshrl.u32 s4, $0x3  }
.LBB2_1:
0xf: {  	[tilespmem:$0x2800] =	vst v0  }
0x10: {  	[tilespmem:$0x2810] =	vst v0  }
0x11: {  	[tilespmem:$0x2820] =	vst v0  }
0x12: {  	[tilespmem:$0x2830] =	vst v0  }
0x13: {  	[tilespmem:$0x2840] =	vst v0  }
0x14: {  	[tilespmem:$0x2850] =	vst v0  }
0x15: {  	[tilespmem:$0x2860] =	vst v0  }
0x16: {  	[tilespmem:$0x2870] =	vst v0  }
0x17: {  	[tilespmem:$0x2880] =	vst v1  }
0x18: {  	[tilespmem:$0x2890] =	vst v1  }
0x19: {  	[tilespmem:$0x28A0] =	vst v1  }
0x1a: {  	[tilespmem:$0x28B0] =	vst v1  }
0x1b: {  	[tilespmem:$0x28C0] =	vst v1  }
0x1c: {  	[tilespmem:$0x28D0] =	vst v1  }
0x1d: {  	[tilespmem:$0x28E0] =	vst v1  }
0x1e: {  	[tilespmem:$0x28F0] =	vst v1  }
0x1f: {  	[tilespmem:$0x2900] =	vst v1  }
0x20: {  	[tilespmem:$0x2910] =	vst v1  }
0x21: {  	[tilespmem:$0x2920] =	vst v1  }
0x22: {  	[tilespmem:$0x2930] =	vst v1  }
0x23: {  	[tilespmem:$0x2940] =	vst v1  }
0x24: {  	[tilespmem:$0x2950] =	vst v1  }
0x25: {  	[tilespmem:$0x2960] =	vst v1  }
0x26: {  	[tilespmem:$0x2970] =	vst v1  }
0x27: {  	[tilespmem:$0x2980] =	vst v1  }
0x28: {  	[tilespmem:$0x2990] =	vst v1  }
0x29: {  	[tilespmem:$0x29A0] =	vst v1  }
0x2a: {  	[tilespmem:$0x29B0] =	vst v1  }
0x2b: {  	[tilespmem:$0x29C0] =	vst v1  }
0x2c: {  	[tilespmem:$0x29D0] =	vst v1  }
0x2d: {  	[tilespmem:$0x29E0] =	vst v1  }
0x2e: {  	[tilespmem:$0x29F0] =	vst v1  }
0x2f: {  	[tilespmem:$0x2A00] =	vst v1  }
0x30: {  	[tilespmem:$0x2A10] =	vst v1  }
0x31: {  	[tilespmem:$0x2A20] =	vst v1  }
0x32: {  	[tilespmem:$0x2A30] =	vst v1  }
0x33: {  	[tilespmem:$0x2A40] =	vst v1  }
0x34: {  	[tilespmem:$0x2A50] =	vst v1  }
0x35: {  	[tilespmem:$0x2A60] =	vst v1  }
0x36: {  	[tilespmem:$0x2A70] =	vst v1  }
0x37: {  	[tilespmem:$0x2A80] =	vst v1  }
0x38: {  	[tilespmem:$0x2A90] =	vst v1  }
0x39: {  	[tilespmem:$0x2AA0] =	vst v1  }
0x3a: {  	[tilespmem:$0x2AB0] =	vst v1  }
0x3b: {  	[tilespmem:$0x2AC0] =	vst v1  }
0x3c: {  	[tilespmem:$0x2AD0] =	vst v1  }
0x3d: {  	[tilespmem:$0x2AE0] =	vst v1  }
0x3e: {  	[tilespmem:$0x2AF0] =	vst v1  }
0x3f: {  	[spmem:s4] =	stream.linear.scatter [tilespmem:s8], [sflag:$0x1], $0x280, $0x38;
	[tilespmem:$0x2D80] =	vst v63  }
0x40: {  	_ =	swait.ge [sflag:s9], $0x280  }
0x41: {  	[sflag:s9] =	ssyncset.done $0x0  }
0x42: {  	[sflag:s9] =	ssyncadd.s32 $0xFFFFFD80  }
0x43: {  	[tilespmem:s3], [sflag:$0x1] =	stream.linear.gather [hbm4b:s5+s3], $0x2780, $0x38;
	[tilespmem:$0x2D80] =	vst v63  }
0x44: {  	_ =	swait.ge [sflag:s9], $0x2780  }
0x45: {  	[sflag:s9] =	ssyncset.done $0x0  }
0x46: {  	[sflag:s9] =	ssyncadd.s32 $0xFFFFD880  }
0x47: {  	s17 =	simm.s32 $0x0;
	[bflag:$0x0] =	sbarrier.arrive $0xFFFF  }
0x48: {  	[spmem:s2] =	stream.indirect.scatter.add.f32 [tilespmem:s11], [sflag:$0x1], $0x1, s17, s10, $0xb8;
	[tilespmem:$0x2D80] =	vst v63  }
0x49: {  	_ =	swait.ge [sflag:s9], $0x80  }
0x4a: {  	s17 =	simm.s32 $0x200;
	[sflag:s9] =	ssyncset.done $0x0  }
.LBB2_2:
0x4b: {  	s18 =	sshra.s32 s17, $0x2;
	[sflag:s9] =	ssyncadd.s32 $0xFFFFFF80;
	p0 =	sne.s32 s17, $0x9C00  }
0x4c: {  	[spmem:s2] =	stream.indirect.scatter.add.f32 [tilespmem:s11], [sflag:$0x1], $0x1, s18, s10, $0xb8;
	[tilespmem:$0x2D80] =	vst v63  }
.Ltmp0:
0x4d: {  	_ = 	snop;
	(pc) =	sbr.rel @p0 .LBB2_2-.Ltmp0, $4  }
0x4e: {  	_ = 	snop  }
0x4f: {  	s17 =	sadd.s32 $0x200, s17  }
0x50: {  	_ =	swait.ge [sflag:s9], $0x80  }
0x51: {  	[sflag:s9] =	ssyncset.done $0x0  }
0x52: {  	s16 =	sadd.s32 $0x1, s16  }
0x53: {  	[sflag:s9] =	ssyncadd.s32 $0xFFFFFF80;
	p0 =	sne.s32 s16, s7  }
.Ltmp1:
0x54: {  	[bflag:$0x0] =	sbarrier.arrive $0xFFFF;
	(pc) =	sbr.rel @p0 .LBB2_1-.Ltmp1, $4  }
0x55: {  	[hbm:s6@s14], [sflag:s12] =	dma.strided [spmem:s13@s15], $0x50, s9, $0x10   }
0x56: {  	_ =	swait.ge [sflag:s9], $0x50  }
0x57: {  	[sflag:s9] =	ssyncset.done $0x0  }
0x58: {  	[sflag:s9] =	ssyncadd.s32 $0xFFFFFFB0  }
0x59: {  	_ =	sfence.sel $0x180000  }
0x5a: {  	[bflag:$0x0] =	sbarrier.arrive $0xFFFF  }
0x5b: {  	p0 =	sne.s32 s0, $0x0;
	_ =	strace $0x90000047  }
0x5c: {  	s0 =	sadd.s32 @!p0 $0x100000, s1;
	[bflag:$0x2] =	sbarrier.arrive $0xFFFF  }
0x5d: {  	[sflag:s0] =	ssyncadd.tile.s32 @!p0 $0x1;
	_ =	shalt  }
.Lfunc_end2:
_tile_overlayer_lowered:
.L_overlay_start_2:
0x5e: {  	(tag) =	ssettag $0x2  }
0x5f: {  	s0 =	rddreg [dreg:$0x0];
	s2 =	stileid.u32  }
0x60: {  	s1 =	rddreg [dreg:$0x1];
	p0 =	sne.s32 s2, $0x0  }
0x61: {  	s3 =	rddreg [dreg:$0x2];
	[bflag:$0x3] =	sbarrier.arrive $0xFFFF;
	s2 =	simm.s32 @!p0 $0x1C01  }
0x62: {  	[timem:s3], [sflag:s2] =	dma.local @!p0 [hbm:s0], s1  }
0x63: {  	s0 =	simm.s32 @!p0 $0x1  }
0x64: {  	_ =	swait.ge @!p0 [sflag:s0], s1  }
0x65: {  	s1 =	ssub.s32 @!p0 $0x0, s1;
	[sflag:s0] =	ssyncset.done @!p0 $0x0  }
0x66: {  	[sflag:s0] =	ssyncadd.s32 @!p0 s1  }
0x67: {  	[bflag:$0x3] =	sbarrier.arrive $0xFFFF  }
0x68: {  	_ =	shalt  }

// kernel: kernel.13.cloned.1.call-start
scs
__scs_entry_jumppad:
0x0: {  	(pc) =	sbr.rel $0x88, $3  }
0x1: {  	(tag) =	ssettag $0x0;
	lr =	simm.s32 $0x1  }
0x2: {  	[smem:$0x3F9A] =	sst lr;
	_ =	strace $0xD0000000  }
0x3: {  	_ = 	snop  }
0x4: {  	_ = 	snop  }
0x5: {  	_ = 	snop  }
0x6: {  	_ = 	snop  }
0x7: {  	_ = 	snop  }
__scs_overlays_trampoline_lowered:
0x8: {  	[smem:$0x3FA9] =	sst s0  }
0x9: {  	[smem:$0x3FAA] =	sst s1  }
0xa: {  	[smem:$0x3FAB] =	sst s2  }
0xb: {  	[smem:$0x3FAC] =	sst s3  }
0xc: {  	[smem:$0x3FAD] =	sst s4  }
0xd: {  	[smem:$0x3FAE] =	sst s5  }
0xe: {  	[smem:$0x3FAF] =	sst s6  }
0xf: {  	[smem:$0x3FB0] =	sst s7  }
0x10: {  	[smem:$0x3FB1] =	sst s8  }
0x11: {  	[smem:$0x3FB2] =	sst s9;
	s0 =	simm.s32 @!p0 $0x0  }
0x12: {  	s1 =	sld [smem:$0x3F98];
	s0 =	simm.s32 @p0 $0x1  }
0x13: {  	[smem:$0x3FB3] =	sst s0;
	s0 =	simm.s32 @!p1 $0x0  }
0x14: {  	s2 =	sld [smem:$0x3F97];
	s0 =	simm.s32 @p1 $0x1  }
0x15: {  	[smem:$0x3FB4] =	sst s0;
	s0 =	simm.s32 @!p2 $0x0  }
0x16: {  	s3 =	sld [smem:$0x3FDB];
	s0 =	simm.s32 @p2 $0x1  }
0x17: {  	s4 =	simm.s32 $0x1BF5;
	[smem:$0x3FB6] =	sst s0  }
0x18: {  	s0 =	sld [smem:$0x3F99];
	_ =	swait.ge [sflag:s4], $0x0  }
0x19: {  	s7 =	sld [smem:$0x3F9A]  }
0x1a: {  	s8 =	sadd.s32 $0xFFFFE003, lr  }
0x1b: {  	s9 =	sadd.s32 $0xFFFFFEF7, lr;
	s5 =	simm.s32 $0xFFFFFFFF;
	p2 =	slt.u32 s8, $0xFFFFF086  }
0x1c: {  	p1 =	slt.u32 s9, $0xF7A;
	s5 =	simm.s32 @!p2 $0x0  }
0x1d: {  	s5 =	simm.s32 @p1 $0x1;
	p0 =	seq.s32 s7, s2  }
0x1e: {  	s7 =	smul.u32 @!p0 $0xF7A, s2;
	p2 =	seq.s32 @!p0 s5, $0x0  }
0x1f: {  	s9 =	smul.u32 $0xF7A, s1;
	s8 =	simm.s32 @!p0 $0x1BF5;
	p2 =	por !p2, p0  }
0x20: {  	[sflag:s8] =	ssyncset.s32 @!p0 $0xFFFFF086;
	s6 =	sadd.s32 @!p0 s3, s7;
	s7 =	simm.s32 @!p0 $0x108  }
0x21: {  	s3 =	sadd.s32 s3, s9;
	s6 =	sadd.s32 @!p0 $0x88, s6;
	s7 =	simm.s32 @p2 $0x1082  }
0x22: {  	[simem:s7], [sflag:s8] =	dma.local @!p0 [hbm:s6], $0xF7A  }
0x23: {  	s9 =	sor.u32 $0xD0000000, s2;
	s6 =	simm.s32 $0x108;
	_ =	swait.ge @!p0 [sflag:s8], $0x0  }
0x24: {  	s3 =	sadd.s32 $0x88, s3;
	s6 =	simm.s32 @!p1 $0x1082;
	[sflag:s4] =	ssyncset.s32 $0xFFFFF086  }
0x25: {  	[simem:s6], [sflag:s4] =	dma.local [hbm:s3], $0xF7A  }
0x26: {  	[smem:$0x3F9A] =	sst s1;
	(tag) =	ssettag s2;
	_ =	strace s9  }
0x27: {  	s1 =	sld [smem:$0x3FAA]  }
0x28: {  	s2 =	sld [smem:$0x3FAB]  }
0x29: {  	s4 =	sld [smem:$0x3FAD]  }
0x2a: {  	p0 =	seq.s32 s5, $0x0;
	s5 =	sld [smem:$0x3FAE]  }
0x2b: {  	s6 =	sld [smem:$0x3FAF]  }
0x2c: {  	s7 =	sld [smem:$0x3FB0]  }
0x2d: {  	s3 =	simm.s32 $0x108;
	s8 =	sld [smem:$0x3FB1]  }
0x2e: {  	s3 =	simm.s32 @!p0 $0x1082;
	s9 =	sld [smem:$0x3FB2]  }
0x2f: {  	lr =	sadd.s32 s0, s3;
	s0 =	sld [smem:$0x3FA9]  }
0x30: {  	s3 =	sld [smem:$0x3FAC]  }
0x31: {  	[smem:$0x3FB5] =	sst s10  }
0x32: {  	s10 =	sld [smem:$0x3FB3];
	_ =	sdelay $0x3  }
0x33: {  	p0 =	seq.s32 s10, $0x1;
	s10 =	sld [smem:$0x3FB5];
	_ =	sdelay $0x3  }
0x34: {  	[smem:$0x3FB5] =	sst s10  }
0x35: {  	s10 =	sld [smem:$0x3FB4];
	_ =	sdelay $0x3  }
0x36: {  	p1 =	seq.s32 s10, $0x1;
	s10 =	sld [smem:$0x3FB5];
	_ =	sdelay $0x3  }
0x37: {  	[smem:$0x3FB5] =	sst s10  }
0x38: {  	s10 =	sld [smem:$0x3FB6]  }
0x39: {  	_ = 	snop;
	(pc) =	sbr.ind lr, $3  }
0x3a: {  	_ = 	snop  }
0x3b: {  	_ = 	snop  }
0x3c: {  	p2 =	seq.s32 s10, $0x1;
	s10 =	sld [smem:$0x3FB5]  }
0x3d: {  	_ =	shalt  }
0x3e: {  	_ =	shalt  }
0x3f: {  	_ =	shalt  }
0x40: {  	_ =	shalt  }
0x41: {  	_ =	shalt  }
0x42: {  	_ =	shalt  }
0x43: {  	_ =	shalt  }
0x44: {  	_ =	shalt  }
0x45: {  	_ =	shalt  }
0x46: {  	_ =	shalt  }
0x47: {  	_ =	shalt  }
0x48: {  	_ =	shalt  }
0x49: {  	_ =	shalt  }
0x4a: {  	_ =	shalt  }
0x4b: {  	_ =	shalt  }
0x4c: {  	_ =	shalt  }
0x4d: {  	_ =	shalt  }
0x4e: {  	_ =	shalt  }
0x4f: {  	_ =	shalt  }
0x50: {  	_ =	shalt  }
0x51: {  	_ =	shalt  }
0x52: {  	_ =	shalt  }
0x53: {  	_ =	shalt  }
0x54: {  	_ =	shalt  }
0x55: {  	_ =	shalt  }
0x56: {  	_ =	shalt  }
0x57: {  	_ =	shalt  }
0x58: {  	_ =	shalt  }
0x59: {  	_ =	shalt  }
0x5a: {  	_ =	shalt  }
0x5b: {  	_ =	shalt  }
0x5c: {  	_ =	shalt  }
0x5d: {  	_ =	shalt  }
0x5e: {  	_ =	shalt  }
0x5f: {  	_ =	shalt  }
0x60: {  	_ =	shalt  }
0x61: {  	_ =	shalt  }
0x62: {  	_ =	shalt  }
0x63: {  	_ =	shalt  }
0x64: {  	_ =	shalt  }
0x65: {  	_ =	shalt  }
0x66: {  	_ =	shalt  }
0x67: {  	_ =	shalt  }
0x68: {  	_ =	shalt  }
0x69: {  	_ =	shalt  }
0x6a: {  	_ =	shalt  }
0x6b: {  	_ =	shalt  }
0x6c: {  	_ =	shalt  }
0x6d: {  	_ =	shalt  }
0x6e: {  	_ =	shalt  }
0x6f: {  	_ =	shalt  }
0x70: {  	_ =	shalt  }
0x71: {  	_ =	shalt  }
0x72: {  	_ =	shalt  }
0x73: {  	_ =	shalt  }
0x74: {  	_ =	shalt  }
0x75: {  	_ =	shalt  }
0x76: {  	_ =	shalt  }
0x77: {  	_ =	shalt  }
0x78: {  	_ =	shalt  }
0x79: {  	_ =	shalt  }
0x7a: {  	_ =	shalt  }
0x7b: {  	_ =	shalt  }
0x7c: {  	_ =	shalt  }
0x7d: {  	_ =	shalt  }
0x7e: {  	_ =	shalt  }
0x7f: {  	_ =	shalt  }
0x80: {  	_ =	shalt  }
0x81: {  	_ =	shalt  }
0x82: {  	_ =	shalt  }
0x83: {  	_ =	shalt  }
0x84: {  	_ =	shalt  }
0x85: {  	_ =	shalt  }
0x86: {  	_ =	shalt  }
0x87: {  	_ =	shalt  }
.Lfunc_end0:
.L_simem_size_0:
called_computation.1_lowered:
.L_overlay_start_0:
0x88: {  	s2 =	sld [smem:$0x3FD9]  }
0x89: {  	s3 =	sld [smem:$0x3FFE];
	_ =	sdelay $0x1  }
0x8a: {  	s1 =	srdreg.scid  }
0x8b: {  	s0 =	sand.u32 $0x1, s1  }
0x8c: {  	s16 =	sshll.u32 s0, $0xA;
	s2 =	sadd.s32 s3, s2  }
0x8d: {  	s2 =	sadd.s32 s2, s16  }
0x8e: {  	[smem:$0x3FC1] =	sst s2  }
0x8f: {  	_ = 	snop  }
0x90: {  	(tm) =	ssettm $0x1  }
0x91: {  	s17 =	sld [smem:$0x3FFB];
	_ =	sdelay $0x3  }
0x92: {  	_ =	strace s17  }
0x93: {  	s2 =	sld [smem:$0x3FFC];
	_ =	sdelay $0x3  }
0x94: {  	_ =	strace s2  }
0x95: {  	s2 =	sld [smem:$0x3FFD];
	_ =	sdelay $0x3  }
0x96: {  	_ =	strace s2  }
0x97: {  	_ =	strace $0x8FFFFFFF  }
0x98: {  	s18 =	sld [smem:$0x3FDB];
	_ =	sdelay $0x1  }
0x99: {  	s19 =	simm.s32 $_scs_section_size  }
0x9a: {  	s4 =	simm.s32 $_size__tile_overlayer_lowered;
	s5 =	simm.s32 $_tile_overlayer_lowered  }
0x9b: {  	s22 =	simm.s32 $0x1BFF;
	s21 =	sshll.u32 s5, $0x1;
	s2 =	sadd.s32 s19, s18  }
0x9c: {  	s6 =	simm.s32 $0x0;
	s20 =	sshll.u32 s4, $0x1;
	s4 =	sadd.s32 s21, s2  }
0x9d: {  	[timem:s6], [sflag:s22] =	dma.local [hbm:s4], s20  }
0x9e: {  	_ =	swait.ge [sflag:s22], s20  }
0x9f: {  	s3 =	ssub.s32 $0x0, s20;
	[sflag:s22] =	ssyncset.done $0x0  }
0xa0: {  	[sflag:s22] =	ssyncadd.s32 s3;
	_ =	sdelay $0x1  }
0xa1: {  	s23 =	simm.s32 $0x1B8B  }
0xa2: {  	_ =	swait.ge [sflag:s23], $0x1  }
0xa3: {  	[sflag:s23] =	ssyncset.done $0x0  }
0xa4: {  	s25 =	simm.s32 $0x1B8E;
	s24 =	sld [smem:$0x3FFE];
	[sflag:s23] =	ssyncadd.s32 $0xFFFFFFFF  }
0xa5: {  	s26 =	simm.s32 $execute0_lowered;
	[smem:$0x3FD2] =	sst s25  }
0xa6: {  	s4 =	sshll.u32 s26, $0x1;
	_ =	strace $0x80000049;
	[dreg:$0x1] =	wrdreg $0xFFFFFFFF  }
0xa7: {  	s28 =	simm.s32 $_size_execute0_lowered;
	s2 =	sadd.s32 s2, s4;
	[dreg:$0x0] =	wrdreg $0x0  }
0xa8: {  	s4 =	sshll.u32 s28, $0x1;
	[dreg:$0x2] =	wrdreg s2  }
0xa9: {  	[dreg:$0x3] =	wrdreg s4  }
0xaa: {  	[dreg:$0x4] =	wrdreg $0xC0  }
0xab: {  	_ =	task [dreg:s6], $0x5FFFF  }
0xac: {  	[dreg:$0x1] =	wrdreg $0xFFFFFFFF  }
0xad: {  	[dreg:$0x0] =	wrdreg $0x60  }
0xae: {  	[dreg:$0x2] =	wrdreg s24  }
0xaf: {  	[dreg:$0x3] =	wrdreg $0xA8000  }
0xb0: {  	[dreg:$0x4] =	wrdreg $0x9  }
0xb1: {  	_ =	task.clear_ibuf [dreg:s6], $0x5FFFF;
	_ =	strace $0x90000049  }
0xb2: {  	s29 =	simm.s32 $0x9;
	_ =	strace $0x8000004B  }
0xb3: {  	_ =	swait.ge [sflag:s29], $0x1  }
0xb4: {  	[sflag:s29] =	ssyncadd.s32 $0xFFFFFFFF  }
0xb5: {  	_ =	strace $0x9000004B  }
0xb6: {  	_ =	sfence  }
0xb7: {  	s30 =	sld [smem:$0x0];
	_ =	sdelay $0x2  }
0xb8: {  	s31 =	sshll.u32 s1, $0xD;
	s1 =	sshrl.u32 s1, $0x2  }
0xb9: {  	s3 =	sand.u32 $0x4000, s31;
	s1 =	sadd.s32 s1, s30  }
0xba: {  	s0 =	sor.u32 s3, s0;
	s1 =	sshll.u32 s1, $0x11  }
0xbb: {  	s0 =	sor.u32 s1, s0  }
0xbc: {  	s0 =	sadd.s32 $0x8F2B, s0  }
0xbd: {  	[sflag:s0] =	ssyncadd.remote.s32 $0x1  }
0xbe: {  	_ =	sfence.sel $0xFFFF  }
0xbf: {  	[dreg:$0x0] =	wrdreg $0xFFFFFFFF;
	(pc) =	sbr.abs _section_cstart, $3  }
0xc0: {  	[dreg:$0x1] =	wrdreg $0xFFFFFFFF  }
0xc1: {  	_ =	task.clear_ibuf [dreg:s6], $0x2FFFF;
	_ =	strace $0x9FFFFFFF  }
0xc2: {  	(tm) =	ssettm $0x7FFFFFFF  }
0xc3: {  	_ =	shalt  }
tec
execute0_lowered:
.L_overlay_start_1:
0x0: {  	(tag) =	ssettag $0x1  }
0x1: {  	s5 =	rddreg [dreg:$0x0]  }
0x2: {  	s1 =	rddreg [dreg:$0x1]  }
0x3: {  	s2 =	srdreg.scid;
	s0 =	rddreg [dreg:$0x2]  }
0x4: {  	s3 =	simm.s32 $0x0;
	s19 =	simm.s32 $0x80;
	s20 =	simm.s32 $0x6800  }
0x5: {  	s21 =	simm.s32 $0x1;
	s22 =	simm.s32 $0x2;
	s23 =	simm.s32 $0x1380  }
0x6: {  	s24 =	simm.s32 $0x2700;
	s10 =	sand.u32 $0x1, s2;
	s2 =	stileid.u32  }
0x7: {  	s25 =	simm.s32 $0x2780;
	[smem:$0x7FF] =	sst s3;
	s6 =	smul.u32 $0x140000, s10  }
0x8: {  	s4 =	sadd.s32 $0x21000, s5;
	s11 =	sadd.s32 $0x1C000, s5;
	s7 =	smul.u32 $0x14000, s2  }
0x9: {  	s12 =	sadd.s32 $0x17000, s5;
	s14 =	sadd.s32 $0xD000, s5;
	s28 =	smul.u32 $0x50000, s2  }
0xa: {  	s15 =	sadd.s32 $0x12000, s5;
	_ =	strace $0x8000004A;
	s16 =	smul.u32 $0x2800, s2  }
0xb: {  	s29 =	ssub.s32 $0x2, s10;
	p0 =	seq.s32 s10, $0x0;
	s18 =	smul.u32 $0x500, s2  }
0xc: {  	s31 =	sshrl.u32 s29, $0x1;
	s14 =	smov.u32 @p0 s11;
	s15 =	smov.u32 @p0 s12  }
0xd: {  	s6 =	sadd.s32 s7, s6;
	s30 =	sshrl.u32 s28, $0x2;
	s17 =	ssub.s32 s29, s31  }
0xe: {  	s16 =	sshrl.u32 s16, $0x3;
	s12 =	sadd.s32 s14, s18;
	s6 =	sshrl.u32 s6, $0x3  }
0xf: {  	s16 =	sadd.s32 $0x280, s16;
	s11 =	smax.u32 s17, $0x1;
	s17 =	simm.s32 $0x3  }
0x10: {  	s13 =	sadd.s32 s6, s5;
	s5 =	sadd.s32 s30, s1;
	s14 =	sadd.s32 s14, s16  }
0x11: {  	s6 =	sadd.s32 $0x4000, s5;
	s7 =	sadd.s32 $0x8000, s5;
	s8 =	sadd.s32 $0xC000, s5  }
0x12: {  	s9 =	sadd.s32 $0x10000, s5;
	s10 =	sadd.s32 $0x49000, s13;
	s13 =	sadd.s32 s15, s18  }
0x13: {  	v0 =	vimm.f32 $0.0e+00;
	s15 =	sadd.s32 s15, s16;
	s16 =	simm.s32 $0x2800;
	s18 =	simm.s32 $0x1400  }
.LBB2_1:
0x14: {  	s26 =	simm.s32 $0x0;
	s28 =	simm.s32 $0x200  }
.LBB2_2:
0x15: {  	p0 =	sne.s32 s28, $0xFE00;
	[tilespmem:s26+$0x2870] =	vst v0  }
0x16: {  	[tilespmem:s26+$0x2800] =	vst v0  }
0x17: {  	[tilespmem:s26+$0x2810] =	vst v0  }
.Ltmp0:
0x18: {  	[tilespmem:s26+$0x2820] =	vst v0;
	(pc) =	sbr.rel @p0 .LBB2_2-.Ltmp0, $4  }
0x19: {  	[tilespmem:s26+$0x2830] =	vst v0  }
0x1a: {  	[tilespmem:s26+$0x2840] =	vst v0  }
0x1b: {  	[tilespmem:s26+$0x2850] =	vst v0  }
0x1c: {  	[tilespmem:s26+$0x2860] =	vst v0;
	s26 =	sshra.s32 s28, $0x2;
	s28 =	sadd.s32 $0x200, s28  }
0x1d: {  	[tilespmem:s26+$0x2870] =	vst v0  }
0x1e: {  	[tilespmem:s26+$0x2800] =	vst v0  }
0x1f: {  	[tilespmem:s26+$0x2810] =	vst v0  }
0x20: {  	[tilespmem:s26+$0x2820] =	vst v0  }
0x21: {  	[tilespmem:s26+$0x2830] =	vst v0  }
0x22: {  	[tilespmem:s26+$0x2840] =	vst v0  }
0x23: {  	[tilespmem:s26+$0x2850] =	vst v0  }
0x24: {  	[tilespmem:s26+$0x2860] =	vst v0  }
0x25: {  	[spmem:s5] =	stream.linear.scatter [tilespmem:s16], [sflag:$0x3], $0x4000, $0x38;
	[tilespmem:$0x1E800] =	vst v63  }
0x26: {  	_ =	swait.ge [sflag:s17], $0x4000  }
0x27: {  	[sflag:s17] =	ssyncset.done $0x0  }
0x28: {  	[sflag:s17] =	ssyncadd.s32 $0xFFFFC000  }
0x29: {  	[spmem:s6] =	stream.linear.scatter [tilespmem:s16], [sflag:$0x3], $0x4000, $0x38;
	[tilespmem:$0x1E800] =	vst v63  }
0x2a: {  	_ =	swait.ge [sflag:s17], $0x4000  }
0x2b: {  	[sflag:s17] =	ssyncset.done $0x0  }
0x2c: {  	[sflag:s17] =	ssyncadd.s32 $0xFFFFC000  }
0x2d: {  	[spmem:s7] =	stream.linear.scatter [tilespmem:s16], [sflag:$0x3], $0x4000, $0x38;
	[tilespmem:$0x1E800] =	vst v63  }
0x2e: {  	_ =	swait.ge [sflag:s17], $0x4000  }
0x2f: {  	[sflag:s17] =	ssyncset.done $0x0  }
0x30: {  	[sflag:s17] =	ssyncadd.s32 $0xFFFFC000  }
0x31: {  	[spmem:s8] =	stream.linear.scatter [tilespmem:s16], [sflag:$0x3], $0x4000, $0x38;
	[tilespmem:$0x1E800] =	vst v63  }
0x32: {  	_ =	swait.ge [sflag:s17], $0x4000  }
0x33: {  	[sflag:s17] =	ssyncset.done $0x0  }
0x34: {  	[sflag:s17] =	ssyncadd.s32 $0xFFFFC000  }
0x35: {  	[spmem:s9] =	stream.linear.scatter [tilespmem:s16], [sflag:$0x3], $0x4000, $0x38;
	[tilespmem:$0x1E800] =	vst v63  }
0x36: {  	_ =	swait.ge [sflag:s17], $0x4000  }
0x37: {  	[sflag:s17] =	ssyncset.done $0x0  }
0x38: {  	[sflag:s17] =	ssyncadd.s32 $0xFFFFC000  }
0x39: {  	s30 =	simm.s32 $0x0;
	[bflag:$0x0] =	sbarrier.arrive $0xFFFF  }
0x3a: {  	[tilespmem:s30], [sflag:$0x3] =	stream.linear.gather [hbm4b:s12+s30], $0x1400, $0x38;
	[tilespmem:$0x1E800] =	vst v63  }
0x3b: {  	_ =	swait.ge [sflag:s17], $0x1400  }
0x3c: {  	[sflag:s17] =	ssyncset.done $0x0  }
0x3d: {  	[sflag:s17] =	ssyncadd.s32 $0xFFFFEC00  }
0x3e: {  	[tilespmem:s18], [sflag:$0x3] =	stream.linear.gather [hbm4b:s13+s30], $0x1400, $0x38;
	[tilespmem:$0x1E800] =	vst v63  }
0x3f: {  	_ =	swait.ge [sflag:s17], $0x1400  }
0x40: {  	[sflag:s17] =	ssyncset.done $0x0  }
0x41: {  	[sflag:s17] =	ssyncadd.s32 $0xFFFFEC00  }
0x42: {  	[tilespmem:s16], [sflag:$0x1] =	stream.indirect.gather [hbm4b:s4+s19], $0x80, s30, s19, $0xb8;
	[tilespmem:$0x1E800] =	vst v63  }
0x43: {  	s31 =	simm.s32 $0x80  }
0x44: {  	[tilespmem:s20], [sflag:$0x2] =	stream.indirect.gather [hbm4b:s4+s19], $0x80, s31, s19, $0xb8;
	[tilespmem:$0x1E800] =	vst v63  }
0x45: {  	_ =	swait.ge [sflag:s21], $0x4000  }
0x46: {  	[sflag:s21] =	ssyncset.done $0x0  }
0x47: {  	s29 =	simm.s32 $0x1400;
	[sflag:s21] =	ssyncadd.s32 $0xFFFFC000  }
0x48: {  	[spmem:s1] =	stream.indirect.scatter.add.f32 [tilespmem:s16], [sflag:$0x3], $0x80, s29, s19, $0xb8;
	[tilespmem:$0x1E800] =	vst v63  }
0x49: {  	_ =	swait.ge [sflag:s17], $0x4000  }
0x4a: {  	[sflag:s17] =	ssyncset.done $0x0  }
0x4b: {  	s30 =	simm.s32 $0x100;
	[sflag:s17] =	ssyncadd.s32 $0xFFFFC000  }
0x4c: {  	[tilespmem:s16], [sflag:$0x1] =	stream.indirect.gather [hbm4b:s4+s19], $0x80, s30, s19, $0xb8;
	[tilespmem:$0x1E800] =	vst v63  }
0x4d: {  	_ =	swait.ge [sflag:s22], $0x4000  }
0x4e: {  	[sflag:s22] =	ssyncset.done $0x0  }
0x4f: {  	s31 =	simm.s32 $0x1480;
	[sflag:s22] =	ssyncadd.s32 $0xFFFFC000  }
0x50: {  	[spmem:s1] =	stream.indirect.scatter.add.f32 [tilespmem:s20], [sflag:$0x3], $0x80, s31, s19, $0xb8;
	[tilespmem:$0x1E800] =	vst v63  }
0x51: {  	_ =	swait.ge [sflag:s17], $0x4000  }
0x52: {  	s28 =	simm.s32 $0x800;
	s26 =	simm.s32 $0x100;
	[sflag:s17] =	ssyncset.done $0x0  }
.LBB2_4:
0x53: {  	s29 =	sadd.s32 $0x80, s26  }
0x54: {  	[sflag:s17] =	ssyncadd.s32 $0xFFFFC000;
	s30 =	smov.u32 s28;
	s31 =	sadd.s32 $0x400, s28  }
0x55: {  	[tilespmem:s20], [sflag:$0x2] =	stream.indirect.gather [hbm4b:s4+s19], $0x80, s29, s19, $0xb8;
	[tilespmem:$0x1E800] =	vst v63  }
0x56: {  	p0 =	sne.s32 s28, $0x4800;
	_ =	swait.ge [sflag:s21], $0x4000  }
0x57: {  	[sflag:s21] =	ssyncset.done $0x0  }
0x58: {  	s28 =	sadd.s32 $0x1400, s26;
	[sflag:s21] =	ssyncadd.s32 $0xFFFFC000  }
0x59: {  	[spmem:s1] =	stream.indirect.scatter.add.f32 [tilespmem:s16], [sflag:$0x3], $0x80, s28, s19, $0xb8;
	[tilespmem:$0x1E800] =	vst v63  }
0x5a: {  	_ =	swait.ge [sflag:s17], $0x4000  }
0x5b: {  	[sflag:s17] =	ssyncset.done $0x0  }
0x5c: {  	s28 =	sadd.s32 $0x100, s26;
	[sflag:s17] =	ssyncadd.s32 $0xFFFFC000  }
0x5d: {  	[tilespmem:s16], [sflag:$0x1] =	stream.indirect.gather [hbm4b:s4+s19], $0x80, s28, s19, $0xb8;
	[tilespmem:$0x1E800] =	vst v63  }
0x5e: {  	_ =	swait.ge [sflag:s22], $0x4000  }
.Ltmp1:
0x5f: {  	[sflag:s22] =	ssyncset.done $0x0;
	(pc) =	sbr.rel @p0 .LBB2_4-.Ltmp1, $4  }
0x60: {  	s26 =	sadd.s32 $0x1480, s26;
	[sflag:s22] =	ssyncadd.s32 $0xFFFFC000  }
0x61: {  	[spmem:s1] =	stream.indirect.scatter.add.f32 [tilespmem:s20], [sflag:$0x3], $0x80, s26, s19, $0xb8;
	[tilespmem:$0x1E800] =	vst v63  }
0x62: {  	_ =	swait.ge [sflag:s17], $0x4000  }
0x63: {  	s28 =	smov.u32 s31;
	s26 =	sshra.s32 s30, $0x2;
	[sflag:s17] =	ssyncset.done $0x0  }
0x64: {  	s28 =	sadd.s32 $0x80, s26;
	[sflag:s17] =	ssyncadd.s32 $0xFFFFC000  }
0x65: {  	[tilespmem:s20], [sflag:$0x2] =	stream.indirect.gather [hbm4b:s4+s19], $0x80, s28, s19, $0xb8;
	[tilespmem:$0x1E800] =	vst v63  }
0x66: {  	_ =	swait.ge [sflag:s21], $0x4000  }
0x67: {  	[sflag:s21] =	ssyncset.done $0x0  }
0x68: {  	s28 =	sadd.s32 $0x1400, s26;
	[sflag:s21] =	ssyncadd.s32 $0xFFFFC000  }
0x69: {  	[spmem:s1] =	stream.indirect.scatter.add.f32 [tilespmem:s16], [sflag:$0x3], $0x80, s28, s19, $0xb8;
	[tilespmem:$0x1E800] =	vst v63  }
0x6a: {  	_ =	swait.ge [sflag:s17], $0x4000  }
0x6b: {  	[sflag:s17] =	ssyncset.done $0x0  }
0x6c: {  	s28 =	sadd.s32 $0x100, s26;
	[sflag:s17] =	ssyncadd.s32 $0xFFFFC000  }
0x6d: {  	[tilespmem:s16], [sflag:$0x1] =	stream.indirect.gather [hbm4b:s4+s19], $0x80, s28, s19, $0xb8;
	[tilespmem:$0x1E800] =	vst v63  }
0x6e: {  	_ =	swait.ge [sflag:s22], $0x4000  }
0x6f: {  	[sflag:s22] =	ssyncset.done $0x0  }
0x70: {  	s29 =	sadd.s32 $0x1480, s26;
	[sflag:s22] =	ssyncadd.s32 $0xFFFFC000  }
0x71: {  	[spmem:s1] =	stream.indirect.scatter.add.f32 [tilespmem:s20], [sflag:$0x3], $0x80, s29, s19, $0xb8;
	[tilespmem:$0x1E800] =	vst v63  }
0x72: {  	_ =	swait.ge [sflag:s17], $0x4000  }
0x73: {  	[sflag:s17] =	ssyncset.done $0x0  }
0x74: {  	[sflag:s17] =	ssyncadd.s32 $0xFFFFC000  }
0x75: {  	[tilespmem:s20], [sflag:$0x2] =	stream.indirect.gather [hbm4b:s4+s19], $0x80, s23, s19, $0xb8;
	[tilespmem:$0x1E800] =	vst v63  }
0x76: {  	_ =	swait.ge [sflag:s21], $0x4000  }
0x77: {  	[sflag:s21] =	ssyncset.done $0x0  }
0x78: {  	[sflag:s21] =	ssyncadd.s32 $0xFFFFC000  }
0x79: {  	[spmem:s1] =	stream.indirect.scatter.add.f32 [tilespmem:s16], [sflag:$0x3], $0x80, s24, s19, $0xb8;
	[tilespmem:$0x1E800] =	vst v63  }
0x7a: {  	_ =	swait.ge [sflag:s17], $0x4000  }
0x7b: {  	[sflag:s17] =	ssyncset.done $0x0  }
0x7c: {  	[sflag:s17] =	ssyncadd.s32 $0xFFFFC000  }
0x7d: {  	[tilespmem:s16], [sflag:$0x1] =	stream.indirect.gather [hbm4b:s4+s19], $0x80, s23, s19, $0xb8;
	[tilespmem:$0x1E800] =	vst v63  }
0x7e: {  	_ =	swait.ge [sflag:s22], $0x4000  }
0x7f: {  	[sflag:s22] =	ssyncset.done $0x0  }
0x80: {  	[sflag:s22] =	ssyncadd.s32 $0xFFFFC000  }
0x81: {  	[spmem:s1] =	stream.indirect.scatter.add.f32 [tilespmem:s20], [sflag:$0x3], $0x80, s25, s19, $0xb8;
	[tilespmem:$0x1E800] =	vst v63  }
0x82: {  	_ =	swait.ge [sflag:s17], $0x4000  }
0x83: {  	[sflag:s17] =	ssyncset.done $0x0  }
0x84: {  	[sflag:s17] =	ssyncadd.s32 $0xFFFFC000  }
0x85: {  	_ =	swait.ge [sflag:s21], $0x4000  }
0x86: {  	[sflag:s21] =	ssyncset.done $0x0  }
0x87: {  	s30 =	simm.s32 $0x0;
	[sflag:s21] =	ssyncadd.s32 $0xFFFFC000  }
0x88: {  	[tilespmem:s30], [sflag:$0x3] =	stream.linear.gather [hbm4b:s14+s30], $0x1400, $0x38;
	[tilespmem:$0x1E800] =	vst v63  }
0x89: {  	_ =	swait.ge [sflag:s17], $0x1400  }
0x8a: {  	[sflag:s17] =	ssyncset.done $0x0  }
0x8b: {  	[sflag:s17] =	ssyncadd.s32 $0xFFFFEC00  }
0x8c: {  	[tilespmem:s18], [sflag:$0x3] =	stream.linear.gather [hbm4b:s15+s30], $0x1400, $0x38;
	[tilespmem:$0x1E800] =	vst v63  }
0x8d: {  	_ =	swait.ge [sflag:s17], $0x1400  }
0x8e: {  	[sflag:s17] =	ssyncset.done $0x0  }
0x8f: {  	[sflag:s17] =	ssyncadd.s32 $0xFFFFEC00  }
0x90: {  	[tilespmem:s16], [sflag:$0x1] =	stream.indirect.gather [hbm4b:s4+s19], $0x80, s30, s19, $0xb8;
	[tilespmem:$0x1E800] =	vst v63  }
0x91: {  	s31 =	simm.s32 $0x80  }
0x92: {  	[tilespmem:s20], [sflag:$0x2] =	stream.indirect.gather [hbm4b:s4+s19], $0x80, s31, s19, $0xb8;
	[tilespmem:$0x1E800] =	vst v63  }
0x93: {  	_ =	swait.ge [sflag:s21], $0x4000  }
0x94: {  	[sflag:s21] =	ssyncset.done $0x0  }
0x95: {  	s29 =	simm.s32 $0x1400;
	[sflag:s21] =	ssyncadd.s32 $0xFFFFC000  }
0x96: {  	[spmem:s1] =	stream.indirect.scatter.add.f32 [tilespmem:s16], [sflag:$0x3], $0x80, s29, s19, $0xb8;
	[tilespmem:$0x1E800] =	vst v63  }
0x97: {  	_ =	swait.ge [sflag:s17], $0x4000  }
0x98: {  	[sflag:s17] =	ssyncset.done $0x0  }
0x99: {  	s30 =	simm.s32 $0x100;
	[sflag:s17] =	ssyncadd.s32 $0xFFFFC000  }
0x9a: {  	[tilespmem:s16], [sflag:$0x1] =	stream.indirect.gather [hbm4b:s4+s19], $0x80, s30, s19, $0xb8;
	[tilespmem:$0x1E800] =	vst v63  }
0x9b: {  	_ =	swait.ge [sflag:s22], $0x4000  }
0x9c: {  	[sflag:s22] =	ssyncset.done $0x0  }
0x9d: {  	s31 =	simm.s32 $0x1480;
	[sflag:s22] =	ssyncadd.s32 $0xFFFFC000  }
0x9e: {  	[spmem:s1] =	stream.indirect.scatter.add.f32 [tilespmem:s20], [sflag:$0x3], $0x80, s31, s19, $0xb8;
	[tilespmem:$0x1E800] =	vst v63  }
0x9f: {  	_ =	swait.ge [sflag:s17], $0x4000  }
0xa0: {  	s26 =	simm.s32 $0x100;
	s28 =	simm.s32 $0x800;
	[sflag:s17] =	ssyncset.done $0x0  }
.LBB2_6:
0xa1: {  	s29 =	sadd.s32 $0x80, s26  }
0xa2: {  	[sflag:s17] =	ssyncadd.s32 $0xFFFFC000;
	s30 =	smov.u32 s28;
	s31 =	sadd.s32 $0x400, s28  }
0xa3: {  	[tilespmem:s20], [sflag:$0x2] =	stream.indirect.gather [hbm4b:s4+s19], $0x80, s29, s19, $0xb8;
	[tilespmem:$0x1E800] =	vst v63  }
0xa4: {  	p0 =	sne.s32 s28, $0x4800;
	_ =	swait.ge [sflag:s21], $0x4000  }
0xa5: {  	[sflag:s21] =	ssyncset.done $0x0  }
0xa6: {  	s28 =	sadd.s32 $0x1400, s26;
	[sflag:s21] =	ssyncadd.s32 $0xFFFFC000  }
0xa7: {  	[spmem:s1] =	stream.indirect.scatter.add.f32 [tilespmem:s16], [sflag:$0x3], $0x80, s28, s19, $0xb8;
	[tilespmem:$0x1E800] =	vst v63  }
0xa8: {  	_ =	swait.ge [sflag:s17], $0x4000  }
0xa9: {  	[sflag:s17] =	ssyncset.done $0x0  }
0xaa: {  	s28 =	sadd.s32 $0x100, s26;
	[sflag:s17] =	ssyncadd.s32 $0xFFFFC000  }
0xab: {  	[tilespmem:s16], [sflag:$0x1] =	stream.indirect.gather [hbm4b:s4+s19], $0x80, s28, s19, $0xb8;
	[tilespmem:$0x1E800] =	vst v63  }
0xac: {  	_ =	swait.ge [sflag:s22], $0x4000  }
.Ltmp2:
0xad: {  	[sflag:s22] =	ssyncset.done $0x0;
	(pc) =	sbr.rel @p0 .LBB2_6-.Ltmp2, $4  }
0xae: {  	s26 =	sadd.s32 $0x1480, s26;
	[sflag:s22] =	ssyncadd.s32 $0xFFFFC000  }
0xaf: {  	[spmem:s1] =	stream.indirect.scatter.add.f32 [tilespmem:s20], [sflag:$0x3], $0x80, s26, s19, $0xb8;
	[tilespmem:$0x1E800] =	vst v63  }
0xb0: {  	_ =	swait.ge [sflag:s17], $0x4000  }
0xb1: {  	s28 =	smov.u32 s31;
	s26 =	sshra.s32 s30, $0x2;
	[sflag:s17] =	ssyncset.done $0x0  }
0xb2: {  	s28 =	sadd.s32 $0x80, s26;
	[sflag:s17] =	ssyncadd.s32 $0xFFFFC000  }
0xb3: {  	[tilespmem:s20], [sflag:$0x2] =	stream.indirect.gather [hbm4b:s4+s19], $0x80, s28, s19, $0xb8;
	[tilespmem:$0x1E800] =	vst v63  }
0xb4: {  	_ =	swait.ge [sflag:s21], $0x4000  }
0xb5: {  	[sflag:s21] =	ssyncset.done $0x0  }
0xb6: {  	s30 =	sadd.s32 $0x1400, s26;
	[sflag:s21] =	ssyncadd.s32 $0xFFFFC000  }
0xb7: {  	[spmem:s1] =	stream.indirect.scatter.add.f32 [tilespmem:s16], [sflag:$0x3], $0x80, s30, s19, $0xb8;
	[tilespmem:$0x1E800] =	vst v63  }
0xb8: {  	_ =	swait.ge [sflag:s17], $0x4000  }
0xb9: {  	[sflag:s17] =	ssyncset.done $0x0  }
0xba: {  	s31 =	sadd.s32 $0x100, s26;
	[sflag:s17] =	ssyncadd.s32 $0xFFFFC000  }
0xbb: {  	[tilespmem:s16], [sflag:$0x1] =	stream.indirect.gather [hbm4b:s4+s19], $0x80, s31, s19, $0xb8;
	[tilespmem:$0x1E800] =	vst v63  }
0xbc: {  	_ =	swait.ge [sflag:s22], $0x4000  }
0xbd: {  	[sflag:s22] =	ssyncset.done $0x0  }
0xbe: {  	s29 =	sadd.s32 $0x1480, s26;
	[sflag:s22] =	ssyncadd.s32 $0xFFFFC000  }
0xbf: {  	[spmem:s1] =	stream.indirect.scatter.add.f32 [tilespmem:s20], [sflag:$0x3], $0x80, s29, s19, $0xb8;
	[tilespmem:$0x1E800] =	vst v63  }
0xc0: {  	_ =	swait.ge [sflag:s17], $0x4000  }
0xc1: {  	[sflag:s17] =	ssyncset.done $0x0  }
0xc2: {  	[sflag:s17] =	ssyncadd.s32 $0xFFFFC000  }
0xc3: {  	[tilespmem:s20], [sflag:$0x2] =	stream.indirect.gather [hbm4b:s4+s19], $0x80, s23, s19, $0xb8;
	[tilespmem:$0x1E800] =	vst v63  }
0xc4: {  	_ =	swait.ge [sflag:s21], $0x4000  }
0xc5: {  	[sflag:s21] =	ssyncset.done $0x0  }
0xc6: {  	[sflag:s21] =	ssyncadd.s32 $0xFFFFC000  }
0xc7: {  	[spmem:s1] =	stream.indirect.scatter.add.f32 [tilespmem:s16], [sflag:$0x3], $0x80, s24, s19, $0xb8;
	[tilespmem:$0x1E800] =	vst v63  }
0xc8: {  	_ =	swait.ge [sflag:s17], $0x4000  }
0xc9: {  	[sflag:s17] =	ssyncset.done $0x0  }
0xca: {  	[sflag:s17] =	ssyncadd.s32 $0xFFFFC000  }
0xcb: {  	[tilespmem:s16], [sflag:$0x1] =	stream.indirect.gather [hbm4b:s4+s19], $0x80, s23, s19, $0xb8;
	[tilespmem:$0x1E800] =	vst v63  }
0xcc: {  	_ =	swait.ge [sflag:s22], $0x4000  }
0xcd: {  	[sflag:s22] =	ssyncset.done $0x0  }
0xce: {  	[sflag:s22] =	ssyncadd.s32 $0xFFFFC000  }
0xcf: {  	[spmem:s1] =	stream.indirect.scatter.add.f32 [tilespmem:s20], [sflag:$0x3], $0x80, s25, s19, $0xb8;
	[tilespmem:$0x1E800] =	vst v63  }
0xd0: {  	_ =	swait.ge [sflag:s17], $0x4000  }
0xd1: {  	[sflag:s17] =	ssyncset.done $0x0  }
0xd2: {  	[sflag:s17] =	ssyncadd.s32 $0xFFFFC000  }
0xd3: {  	_ =	swait.ge [sflag:s21], $0x4000  }
0xd4: {  	s3 =	sadd.s32 $0x1, s3;
	s30 =	sshll.u32 s2, $0x6;
	[sflag:s21] =	ssyncset.done $0x0  }
0xd5: {  	p0 =	sne.s32 s3, s11;
	s26 =	sor.u32 $0x1C03, s30;
	[sflag:s21] =	ssyncadd.s32 $0xFFFFC000  }
.Ltmp3:
0xd6: {  	s31 =	sshrl.u32 s5, $0x3;
	[bflag:$0x0] =	sbarrier.arrive $0xFFFF;
	(pc) =	sbr.rel @p0 .LBB2_1-.Ltmp3, $4  }
0xd7: {  	[hbm:s10], [sflag:s26] =	dma.local [spmem:s31], $0x2800  }
0xd8: {  	_ =	swait.ge [sflag:s17], $0x2800  }
0xd9: {  	[sflag:s17] =	ssyncset.done $0x0  }
0xda: {  	[sflag:s17] =	ssyncadd.s32 $0xFFFFD800  }
0xdb: {  	_ =	sfence.sel $0x180000  }
0xdc: {  	[bflag:$0x0] =	sbarrier.arrive $0xFFFF  }
0xdd: {  	p0 =	sne.s32 s2, $0x0;
	_ =	strace $0x9000004A  }
0xde: {  	s0 =	sadd.s32 @!p0 $0x100000, s0;
	[bflag:$0x2] =	sbarrier.arrive $0xFFFF  }
0xdf: {  	[sflag:s0] =	ssyncadd.tile.s32 @!p0 $0x1;
	_ =	shalt  }
.Lfunc_end2:
_tile_overlayer_lowered:
.L_overlay_start_2:
0xe0: {  	(tag) =	ssettag $0x2  }
0xe1: {  	s0 =	rddreg [dreg:$0x0];
	s2 =	stileid.u32  }
0xe2: {  	s1 =	rddreg [dreg:$0x1];
	p0 =	sne.s32 s2, $0x0  }
0xe3: {  	s3 =	rddreg [dreg:$0x2];
	[bflag:$0x3] =	sbarrier.arrive $0xFFFF;
	s2 =	simm.s32 @!p0 $0x1C03  }
0xe4: {  	[timem:s3], [sflag:s2] =	dma.local @!p0 [hbm:s0], s1  }
0xe5: {  	s0 =	simm.s32 @!p0 $0x3  }
0xe6: {  	_ =	swait.ge @!p0 [sflag:s0], s1  }
0xe7: {  	s1 =	ssub.s32 @!p0 $0x0, s1;
	[sflag:s0] =	ssyncset.done @!p0 $0x0  }
0xe8: {  	[sflag:s0] =	ssyncadd.s32 @!p0 s1  }
0xe9: {  	[bflag:$0x3] =	sbarrier.arrive $0xFFFF  }
0xea: {  	_ =	shalt  }

// kernel: kernel.16.cloned.1.call-start
scs
__scs_entry_jumppad:
0x0: {  	(pc) =	sbr.rel $0x88, $3  }
0x1: {  	(tag) =	ssettag $0x0;
	lr =	simm.s32 $0x1  }
0x2: {  	[smem:$0x3F9A] =	sst lr;
	_ =	strace $0xD0000000  }
0x3: {  	_ = 	snop  }
0x4: {  	_ = 	snop  }
0x5: {  	_ = 	snop  }
0x6: {  	_ = 	snop  }
0x7: {  	_ = 	snop  }
__scs_overlays_trampoline_lowered:
0x8: {  	[smem:$0x3FA9] =	sst s0  }
0x9: {  	[smem:$0x3FAA] =	sst s1  }
0xa: {  	[smem:$0x3FAB] =	sst s2  }
0xb: {  	[smem:$0x3FAC] =	sst s3  }
0xc: {  	[smem:$0x3FAD] =	sst s4  }
0xd: {  	[smem:$0x3FAE] =	sst s5  }
0xe: {  	[smem:$0x3FAF] =	sst s6  }
0xf: {  	[smem:$0x3FB0] =	sst s7  }
0x10: {  	[smem:$0x3FB1] =	sst s8  }
0x11: {  	[smem:$0x3FB2] =	sst s9;
	s0 =	simm.s32 @!p0 $0x0  }
0x12: {  	s1 =	sld [smem:$0x3F98];
	s0 =	simm.s32 @p0 $0x1  }
0x13: {  	[smem:$0x3FB3] =	sst s0;
	s0 =	simm.s32 @!p1 $0x0  }
0x14: {  	s2 =	sld [smem:$0x3F97];
	s0 =	simm.s32 @p1 $0x1  }
0x15: {  	[smem:$0x3FB4] =	sst s0;
	s0 =	simm.s32 @!p2 $0x0  }
0x16: {  	s3 =	sld [smem:$0x3FDB];
	s0 =	simm.s32 @p2 $0x1  }
0x17: {  	s4 =	simm.s32 $0x1BF5;
	[smem:$0x3FB6] =	sst s0  }
0x18: {  	s0 =	sld [smem:$0x3F99];
	_ =	swait.ge [sflag:s4], $0x0  }
0x19: {  	s7 =	sld [smem:$0x3F9A]  }
0x1a: {  	s8 =	sadd.s32 $0xFFFFE003, lr  }
0x1b: {  	s9 =	sadd.s32 $0xFFFFFEF7, lr;
	s5 =	simm.s32 $0xFFFFFFFF;
	p2 =	slt.u32 s8, $0xFFFFF086  }
0x1c: {  	p1 =	slt.u32 s9, $0xF7A;
	s5 =	simm.s32 @!p2 $0x0  }
0x1d: {  	s5 =	simm.s32 @p1 $0x1;
	p0 =	seq.s32 s7, s2  }
0x1e: {  	s7 =	smul.u32 @!p0 $0xF7A, s2;
	p2 =	seq.s32 @!p0 s5, $0x0  }
0x1f: {  	s9 =	smul.u32 $0xF7A, s1;
	s8 =	simm.s32 @!p0 $0x1BF5;
	p2 =	por !p2, p0  }
0x20: {  	[sflag:s8] =	ssyncset.s32 @!p0 $0xFFFFF086;
	s6 =	sadd.s32 @!p0 s3, s7;
	s7 =	simm.s32 @!p0 $0x108  }
0x21: {  	s3 =	sadd.s32 s3, s9;
	s6 =	sadd.s32 @!p0 $0x88, s6;
	s7 =	simm.s32 @p2 $0x1082  }
0x22: {  	[simem:s7], [sflag:s8] =	dma.local @!p0 [hbm:s6], $0xF7A  }
0x23: {  	s9 =	sor.u32 $0xD0000000, s2;
	s6 =	simm.s32 $0x108;
	_ =	swait.ge @!p0 [sflag:s8], $0x0  }
0x24: {  	s3 =	sadd.s32 $0x88, s3;
	s6 =	simm.s32 @!p1 $0x1082;
	[sflag:s4] =	ssyncset.s32 $0xFFFFF086  }
0x25: {  	[simem:s6], [sflag:s4] =	dma.local [hbm:s3], $0xF7A  }
0x26: {  	[smem:$0x3F9A] =	sst s1;
	(tag) =	ssettag s2;
	_ =	strace s9  }
0x27: {  	s1 =	sld [smem:$0x3FAA]  }
0x28: {  	s2 =	sld [smem:$0x3FAB]  }
0x29: {  	s4 =	sld [smem:$0x3FAD]  }
0x2a: {  	p0 =	seq.s32 s5, $0x0;
	s5 =	sld [smem:$0x3FAE]  }
0x2b: {  	s6 =	sld [smem:$0x3FAF]  }
0x2c: {  	s7 =	sld [smem:$0x3FB0]  }
0x2d: {  	s3 =	simm.s32 $0x108;
	s8 =	sld [smem:$0x3FB1]  }
0x2e: {  	s3 =	simm.s32 @!p0 $0x1082;
	s9 =	sld [smem:$0x3FB2]  }
0x2f: {  	lr =	sadd.s32 s0, s3;
	s0 =	sld [smem:$0x3FA9]  }
0x30: {  	s3 =	sld [smem:$0x3FAC]  }
0x31: {  	[smem:$0x3FB5] =	sst s10  }
0x32: {  	s10 =	sld [smem:$0x3FB3];
	_ =	sdelay $0x3  }
0x33: {  	p0 =	seq.s32 s10, $0x1;
	s10 =	sld [smem:$0x3FB5];
	_ =	sdelay $0x3  }
0x34: {  	[smem:$0x3FB5] =	sst s10  }
0x35: {  	s10 =	sld [smem:$0x3FB4];
	_ =	sdelay $0x3  }
0x36: {  	p1 =	seq.s32 s10, $0x1;
	s10 =	sld [smem:$0x3FB5];
	_ =	sdelay $0x3  }
0x37: {  	[smem:$0x3FB5] =	sst s10  }
0x38: {  	s10 =	sld [smem:$0x3FB6]  }
0x39: {  	_ = 	snop;
	(pc) =	sbr.ind lr, $3  }
0x3a: {  	_ = 	snop  }
0x3b: {  	_ = 	snop  }
0x3c: {  	p2 =	seq.s32 s10, $0x1;
	s10 =	sld [smem:$0x3FB5]  }
0x3d: {  	_ =	shalt  }
0x3e: {  	_ =	shalt  }
0x3f: {  	_ =	shalt  }
0x40: {  	_ =	shalt  }
0x41: {  	_ =	shalt  }
0x42: {  	_ =	shalt  }
0x43: {  	_ =	shalt  }
0x44: {  	_ =	shalt  }
0x45: {  	_ =	shalt  }
0x46: {  	_ =	shalt  }
0x47: {  	_ =	shalt  }
0x48: {  	_ =	shalt  }
0x49: {  	_ =	shalt  }
0x4a: {  	_ =	shalt  }
0x4b: {  	_ =	shalt  }
0x4c: {  	_ =	shalt  }
0x4d: {  	_ =	shalt  }
0x4e: {  	_ =	shalt  }
0x4f: {  	_ =	shalt  }
0x50: {  	_ =	shalt  }
0x51: {  	_ =	shalt  }
0x52: {  	_ =	shalt  }
0x53: {  	_ =	shalt  }
0x54: {  	_ =	shalt  }
0x55: {  	_ =	shalt  }
0x56: {  	_ =	shalt  }
0x57: {  	_ =	shalt  }
0x58: {  	_ =	shalt  }
0x59: {  	_ =	shalt  }
0x5a: {  	_ =	shalt  }
0x5b: {  	_ =	shalt  }
0x5c: {  	_ =	shalt  }
0x5d: {  	_ =	shalt  }
0x5e: {  	_ =	shalt  }
0x5f: {  	_ =	shalt  }
0x60: {  	_ =	shalt  }
0x61: {  	_ =	shalt  }
0x62: {  	_ =	shalt  }
0x63: {  	_ =	shalt  }
0x64: {  	_ =	shalt  }
0x65: {  	_ =	shalt  }
0x66: {  	_ =	shalt  }
0x67: {  	_ =	shalt  }
0x68: {  	_ =	shalt  }
0x69: {  	_ =	shalt  }
0x6a: {  	_ =	shalt  }
0x6b: {  	_ =	shalt  }
0x6c: {  	_ =	shalt  }
0x6d: {  	_ =	shalt  }
0x6e: {  	_ =	shalt  }
0x6f: {  	_ =	shalt  }
0x70: {  	_ =	shalt  }
0x71: {  	_ =	shalt  }
0x72: {  	_ =	shalt  }
0x73: {  	_ =	shalt  }
0x74: {  	_ =	shalt  }
0x75: {  	_ =	shalt  }
0x76: {  	_ =	shalt  }
0x77: {  	_ =	shalt  }
0x78: {  	_ =	shalt  }
0x79: {  	_ =	shalt  }
0x7a: {  	_ =	shalt  }
0x7b: {  	_ =	shalt  }
0x7c: {  	_ =	shalt  }
0x7d: {  	_ =	shalt  }
0x7e: {  	_ =	shalt  }
0x7f: {  	_ =	shalt  }
0x80: {  	_ =	shalt  }
0x81: {  	_ =	shalt  }
0x82: {  	_ =	shalt  }
0x83: {  	_ =	shalt  }
0x84: {  	_ =	shalt  }
0x85: {  	_ =	shalt  }
0x86: {  	_ =	shalt  }
0x87: {  	_ =	shalt  }
.Lfunc_end0:
.L_simem_size_0:
called_computation.2_lowered:
.L_overlay_start_0:
0x88: {  	s2 =	sld [smem:$0x3FD9]  }
0x89: {  	s3 =	sld [smem:$0x3FFE];
	_ =	sdelay $0x1  }
0x8a: {  	s1 =	srdreg.scid  }
0x8b: {  	s0 =	sand.u32 $0x1, s1  }
0x8c: {  	s16 =	sshll.u32 s0, $0xA;
	s2 =	sadd.s32 s3, s2  }
0x8d: {  	s2 =	sadd.s32 s2, s16  }
0x8e: {  	[smem:$0x3FC1] =	sst s2  }
0x8f: {  	_ = 	snop  }
0x90: {  	(tm) =	ssettm $0x1  }
0x91: {  	s17 =	sld [smem:$0x3FFB];
	_ =	sdelay $0x3  }
0x92: {  	_ =	strace s17  }
0x93: {  	s2 =	sld [smem:$0x3FFC];
	_ =	sdelay $0x3  }
0x94: {  	_ =	strace s2  }
0x95: {  	s2 =	sld [smem:$0x3FFD];
	_ =	sdelay $0x3  }
0x96: {  	_ =	strace s2  }
0x97: {  	_ =	strace $0x8FFFFFFF  }
0x98: {  	s18 =	sld [smem:$0x3FDB];
	_ =	sdelay $0x1  }
0x99: {  	s19 =	simm.s32 $_scs_section_size  }
0x9a: {  	s4 =	simm.s32 $_size__tile_overlayer_lowered;
	s5 =	simm.s32 $_tile_overlayer_lowered  }
0x9b: {  	s22 =	simm.s32 $0x1BFF;
	s21 =	sshll.u32 s5, $0x1;
	s2 =	sadd.s32 s19, s18  }
0x9c: {  	s6 =	simm.s32 $0x0;
	s20 =	sshll.u32 s4, $0x1;
	s4 =	sadd.s32 s21, s2  }
0x9d: {  	[timem:s6], [sflag:s22] =	dma.local [hbm:s4], s20  }
0x9e: {  	_ =	swait.ge [sflag:s22], s20  }
0x9f: {  	s3 =	ssub.s32 $0x0, s20;
	[sflag:s22] =	ssyncset.done $0x0  }
0xa0: {  	[sflag:s22] =	ssyncadd.s32 s3;
	_ =	sdelay $0x1  }
0xa1: {  	s23 =	simm.s32 $0x1B8B  }
0xa2: {  	_ =	swait.ge [sflag:s23], $0x1  }
0xa3: {  	[sflag:s23] =	ssyncset.done $0x0  }
0xa4: {  	s25 =	simm.s32 $0x1B8E;
	s24 =	sld [smem:$0x3FFE];
	[sflag:s23] =	ssyncadd.s32 $0xFFFFFFFF  }
0xa5: {  	s26 =	simm.s32 $execute0_lowered;
	[smem:$0x3FD2] =	sst s25  }
0xa6: {  	s4 =	sshll.u32 s26, $0x1;
	_ =	strace $0x8000004C;
	[dreg:$0x1] =	wrdreg $0xFFFFFFFF  }
0xa7: {  	s28 =	simm.s32 $_size_execute0_lowered;
	s2 =	sadd.s32 s2, s4;
	[dreg:$0x0] =	wrdreg $0x0  }
0xa8: {  	s4 =	sshll.u32 s28, $0x1;
	[dreg:$0x2] =	wrdreg s2  }
0xa9: {  	[dreg:$0x3] =	wrdreg s4  }
0xaa: {  	[dreg:$0x4] =	wrdreg $0xC0  }
0xab: {  	_ =	task [dreg:s6], $0x5FFFF  }
0xac: {  	[dreg:$0x1] =	wrdreg $0xFFFFFFFF  }
0xad: {  	[dreg:$0x0] =	wrdreg $0x60  }
0xae: {  	[dreg:$0x2] =	wrdreg s24  }
0xaf: {  	[dreg:$0x3] =	wrdreg $0xA8000  }
0xb0: {  	[dreg:$0x4] =	wrdreg $0x9  }
0xb1: {  	_ =	task.clear_ibuf [dreg:s6], $0x5FFFF;
	_ =	strace $0x9000004C  }
0xb2: {  	s29 =	simm.s32 $0x9;
	_ =	strace $0x8000004E  }
0xb3: {  	_ =	swait.ge [sflag:s29], $0x1  }
0xb4: {  	[sflag:s29] =	ssyncadd.s32 $0xFFFFFFFF  }
0xb5: {  	_ =	strace $0x9000004E  }
0xb6: {  	_ =	sfence  }
0xb7: {  	s30 =	sld [smem:$0x0];
	_ =	sdelay $0x2  }
0xb8: {  	s31 =	sshll.u32 s1, $0xD;
	s1 =	sshrl.u32 s1, $0x2  }
0xb9: {  	s3 =	sand.u32 $0x4000, s31;
	s1 =	sadd.s32 s1, s30  }
0xba: {  	s0 =	sor.u32 s3, s0;
	s1 =	sshll.u32 s1, $0x11  }
0xbb: {  	s0 =	sor.u32 s1, s0  }
0xbc: {  	s0 =	sadd.s32 $0x8F2B, s0  }
0xbd: {  	[sflag:s0] =	ssyncadd.remote.s32 $0x1  }
0xbe: {  	_ =	sfence.sel $0xFFFF  }
0xbf: {  	[dreg:$0x0] =	wrdreg $0xFFFFFFFF;
	(pc) =	sbr.abs _section_cstart, $3  }
0xc0: {  	[dreg:$0x1] =	wrdreg $0xFFFFFFFF  }
0xc1: {  	_ =	task.clear_ibuf [dreg:s6], $0x2FFFF;
	_ =	strace $0x9FFFFFFF  }
0xc2: {  	(tm) =	ssettm $0x7FFFFFFF  }
0xc3: {  	_ =	shalt  }
tec
execute0_lowered:
.L_overlay_start_1:
0x0: {  	(tag) =	ssettag $0x1  }
0x1: {  	s5 =	rddreg [dreg:$0x0]  }
0x2: {  	s1 =	rddreg [dreg:$0x1]  }
0x3: {  	s2 =	srdreg.scid;
	s0 =	rddreg [dreg:$0x2]  }
0x4: {  	s3 =	simm.s32 $0x0;
	s19 =	simm.s32 $0x80;
	s20 =	simm.s32 $0x6800  }
0x5: {  	s21 =	simm.s32 $0x1;
	s22 =	simm.s32 $0x2;
	s23 =	simm.s32 $0x1380  }
0x6: {  	s24 =	simm.s32 $0x2700;
	s10 =	sand.u32 $0x1, s2;
	s2 =	stileid.u32  }
0x7: {  	s25 =	simm.s32 $0x2780;
	[smem:$0x7FF] =	sst s3;
	s6 =	smul.u32 $0x140000, s10  }
0x8: {  	s4 =	sadd.s32 $0x21000, s5;
	s11 =	sadd.s32 $0x1C000, s5;
	s7 =	smul.u32 $0x14000, s2  }
0x9: {  	s12 =	sadd.s32 $0x17000, s5;
	s14 =	sadd.s32 $0xD000, s5;
	s28 =	smul.u32 $0x50000, s2  }
0xa: {  	s15 =	sadd.s32 $0x12000, s5;
	_ =	strace $0x8000004D;
	s16 =	smul.u32 $0x2800, s2  }
0xb: {  	s29 =	ssub.s32 $0x2, s10;
	p0 =	seq.s32 s10, $0x0;
	s18 =	smul.u32 $0x500, s2  }
0xc: {  	s31 =	sshrl.u32 s29, $0x1;
	s14 =	smov.u32 @p0 s11;
	s15 =	smov.u32 @p0 s12  }
0xd: {  	s6 =	sadd.s32 s7, s6;
	s30 =	sshrl.u32 s28, $0x2;
	s17 =	ssub.s32 s29, s31  }
0xe: {  	s16 =	sshrl.u32 s16, $0x3;
	s12 =	sadd.s32 s14, s18;
	s6 =	sshrl.u32 s6, $0x3  }
0xf: {  	s16 =	sadd.s32 $0x280, s16;
	s11 =	smax.u32 s17, $0x1;
	s17 =	simm.s32 $0x3  }
0x10: {  	s13 =	sadd.s32 s6, s5;
	s5 =	sadd.s32 s30, s1;
	s14 =	sadd.s32 s14, s16  }
0x11: {  	s6 =	sadd.s32 $0x4000, s5;
	s7 =	sadd.s32 $0x8000, s5;
	s8 =	sadd.s32 $0xC000, s5  }
0x12: {  	s9 =	sadd.s32 $0x10000, s5;
	s10 =	sadd.s32 $0x49000, s13;
	s13 =	sadd.s32 s15, s18  }
0x13: {  	v0 =	vimm.f32 $0.0e+00;
	s15 =	sadd.s32 s15, s16;
	s16 =	simm.s32 $0x2800;
	s18 =	simm.s32 $0x1400  }
.LBB2_1:
0x14: {  	s26 =	simm.s32 $0x0;
	s28 =	simm.s32 $0x200  }
.LBB2_2:
0x15: {  	p0 =	sne.s32 s28, $0xFE00;
	[tilespmem:s26+$0x2870] =	vst v0  }
0x16: {  	[tilespmem:s26+$0x2800] =	vst v0  }
0x17: {  	[tilespmem:s26+$0x2810] =	vst v0  }
.Ltmp0:
0x18: {  	[tilespmem:s26+$0x2820] =	vst v0;
	(pc) =	sbr.rel @p0 .LBB2_2-.Ltmp0, $4  }
0x19: {  	[tilespmem:s26+$0x2830] =	vst v0  }
0x1a: {  	[tilespmem:s26+$0x2840] =	vst v0  }
0x1b: {  	[tilespmem:s26+$0x2850] =	vst v0  }
0x1c: {  	[tilespmem:s26+$0x2860] =	vst v0;
	s26 =	sshra.s32 s28, $0x2;
	s28 =	sadd.s32 $0x200, s28  }
0x1d: {  	[tilespmem:s26+$0x2870] =	vst v0  }
0x1e: {  	[tilespmem:s26+$0x2800] =	vst v0  }
0x1f: {  	[tilespmem:s26+$0x2810] =	vst v0  }
0x20: {  	[tilespmem:s26+$0x2820] =	vst v0  }
0x21: {  	[tilespmem:s26+$0x2830] =	vst v0  }
0x22: {  	[tilespmem:s26+$0x2840] =	vst v0  }
0x23: {  	[tilespmem:s26+$0x2850] =	vst v0  }
0x24: {  	[tilespmem:s26+$0x2860] =	vst v0  }
0x25: {  	[spmem:s5] =	stream.linear.scatter [tilespmem:s16], [sflag:$0x3], $0x4000, $0x38;
	[tilespmem:$0x1E800] =	vst v63  }
0x26: {  	_ =	swait.ge [sflag:s17], $0x4000  }
0x27: {  	[sflag:s17] =	ssyncset.done $0x0  }
0x28: {  	[sflag:s17] =	ssyncadd.s32 $0xFFFFC000  }
0x29: {  	[spmem:s6] =	stream.linear.scatter [tilespmem:s16], [sflag:$0x3], $0x4000, $0x38;
	[tilespmem:$0x1E800] =	vst v63  }
0x2a: {  	_ =	swait.ge [sflag:s17], $0x4000  }
0x2b: {  	[sflag:s17] =	ssyncset.done $0x0  }
0x2c: {  	[sflag:s17] =	ssyncadd.s32 $0xFFFFC000  }
0x2d: {  	[spmem:s7] =	stream.linear.scatter [tilespmem:s16], [sflag:$0x3], $0x4000, $0x38;
	[tilespmem:$0x1E800] =	vst v63  }
0x2e: {  	_ =	swait.ge [sflag:s17], $0x4000  }
0x2f: {  	[sflag:s17] =	ssyncset.done $0x0  }
0x30: {  	[sflag:s17] =	ssyncadd.s32 $0xFFFFC000  }
0x31: {  	[spmem:s8] =	stream.linear.scatter [tilespmem:s16], [sflag:$0x3], $0x4000, $0x38;
	[tilespmem:$0x1E800] =	vst v63  }
0x32: {  	_ =	swait.ge [sflag:s17], $0x4000  }
0x33: {  	[sflag:s17] =	ssyncset.done $0x0  }
0x34: {  	[sflag:s17] =	ssyncadd.s32 $0xFFFFC000  }
0x35: {  	[spmem:s9] =	stream.linear.scatter [tilespmem:s16], [sflag:$0x3], $0x4000, $0x38;
	[tilespmem:$0x1E800] =	vst v63  }
0x36: {  	_ =	swait.ge [sflag:s17], $0x4000  }
0x37: {  	[sflag:s17] =	ssyncset.done $0x0  }
0x38: {  	[sflag:s17] =	ssyncadd.s32 $0xFFFFC000  }
0x39: {  	s30 =	simm.s32 $0x0;
	[bflag:$0x0] =	sbarrier.arrive $0xFFFF  }
0x3a: {  	[tilespmem:s30], [sflag:$0x3] =	stream.linear.gather [hbm4b:s12+s30], $0x1400, $0x38;
	[tilespmem:$0x1E800] =	vst v63  }
0x3b: {  	_ =	swait.ge [sflag:s17], $0x1400  }
0x3c: {  	[sflag:s17] =	ssyncset.done $0x0  }
0x3d: {  	[sflag:s17] =	ssyncadd.s32 $0xFFFFEC00  }
0x3e: {  	[tilespmem:s18], [sflag:$0x3] =	stream.linear.gather [hbm4b:s13+s30], $0x1400, $0x38;
	[tilespmem:$0x1E800] =	vst v63  }
0x3f: {  	_ =	swait.ge [sflag:s17], $0x1400  }
0x40: {  	[sflag:s17] =	ssyncset.done $0x0  }
0x41: {  	[sflag:s17] =	ssyncadd.s32 $0xFFFFEC00  }
0x42: {  	[tilespmem:s16], [sflag:$0x1] =	stream.indirect.gather [hbm4b:s4+s19], $0x80, s30, s19, $0xb8;
	[tilespmem:$0x1E800] =	vst v63  }
0x43: {  	s31 =	simm.s32 $0x80  }
0x44: {  	[tilespmem:s20], [sflag:$0x2] =	stream.indirect.gather [hbm4b:s4+s19], $0x80, s31, s19, $0xb8;
	[tilespmem:$0x1E800] =	vst v63  }
0x45: {  	_ =	swait.ge [sflag:s21], $0x4000  }
0x46: {  	[sflag:s21] =	ssyncset.done $0x0  }
0x47: {  	s29 =	simm.s32 $0x1400;
	[sflag:s21] =	ssyncadd.s32 $0xFFFFC000  }
0x48: {  	[spmem:s1] =	stream.indirect.scatter.add.f32 [tilespmem:s16], [sflag:$0x3], $0x80, s29, s19, $0xb8;
	[tilespmem:$0x1E800] =	vst v63  }
0x49: {  	_ =	swait.ge [sflag:s17], $0x4000  }
0x4a: {  	[sflag:s17] =	ssyncset.done $0x0  }
0x4b: {  	s30 =	simm.s32 $0x100;
	[sflag:s17] =	ssyncadd.s32 $0xFFFFC000  }
0x4c: {  	[tilespmem:s16], [sflag:$0x1] =	stream.indirect.gather [hbm4b:s4+s19], $0x80, s30, s19, $0xb8;
	[tilespmem:$0x1E800] =	vst v63  }
0x4d: {  	_ =	swait.ge [sflag:s22], $0x4000  }
0x4e: {  	[sflag:s22] =	ssyncset.done $0x0  }
0x4f: {  	s31 =	simm.s32 $0x1480;
	[sflag:s22] =	ssyncadd.s32 $0xFFFFC000  }
0x50: {  	[spmem:s1] =	stream.indirect.scatter.add.f32 [tilespmem:s20], [sflag:$0x3], $0x80, s31, s19, $0xb8;
	[tilespmem:$0x1E800] =	vst v63  }
0x51: {  	_ =	swait.ge [sflag:s17], $0x4000  }
0x52: {  	s28 =	simm.s32 $0x800;
	s26 =	simm.s32 $0x100;
	[sflag:s17] =	ssyncset.done $0x0  }
.LBB2_4:
0x53: {  	s29 =	sadd.s32 $0x80, s26  }
0x54: {  	[sflag:s17] =	ssyncadd.s32 $0xFFFFC000;
	s30 =	smov.u32 s28;
	s31 =	sadd.s32 $0x400, s28  }
0x55: {  	[tilespmem:s20], [sflag:$0x2] =	stream.indirect.gather [hbm4b:s4+s19], $0x80, s29, s19, $0xb8;
	[tilespmem:$0x1E800] =	vst v63  }
0x56: {  	p0 =	sne.s32 s28, $0x4800;
	_ =	swait.ge [sflag:s21], $0x4000  }
0x57: {  	[sflag:s21] =	ssyncset.done $0x0  }
0x58: {  	s28 =	sadd.s32 $0x1400, s26;
	[sflag:s21] =	ssyncadd.s32 $0xFFFFC000  }
0x59: {  	[spmem:s1] =	stream.indirect.scatter.add.f32 [tilespmem:s16], [sflag:$0x3], $0x80, s28, s19, $0xb8;
	[tilespmem:$0x1E800] =	vst v63  }
0x5a: {  	_ =	swait.ge [sflag:s17], $0x4000  }
0x5b: {  	[sflag:s17] =	ssyncset.done $0x0  }
0x5c: {  	s28 =	sadd.s32 $0x100, s26;
	[sflag:s17] =	ssyncadd.s32 $0xFFFFC000  }
0x5d: {  	[tilespmem:s16], [sflag:$0x1] =	stream.indirect.gather [hbm4b:s4+s19], $0x80, s28, s19, $0xb8;
	[tilespmem:$0x1E800] =	vst v63  }
0x5e: {  	_ =	swait.ge [sflag:s22], $0x4000  }
.Ltmp1:
0x5f: {  	[sflag:s22] =	ssyncset.done $0x0;
	(pc) =	sbr.rel @p0 .LBB2_4-.Ltmp1, $4  }
0x60: {  	s26 =	sadd.s32 $0x1480, s26;
	[sflag:s22] =	ssyncadd.s32 $0xFFFFC000  }
0x61: {  	[spmem:s1] =	stream.indirect.scatter.add.f32 [tilespmem:s20], [sflag:$0x3], $0x80, s26, s19, $0xb8;
	[tilespmem:$0x1E800] =	vst v63  }
0x62: {  	_ =	swait.ge [sflag:s17], $0x4000  }
0x63: {  	s28 =	smov.u32 s31;
	s26 =	sshra.s32 s30, $0x2;
	[sflag:s17] =	ssyncset.done $0x0  }
0x64: {  	s28 =	sadd.s32 $0x80, s26;
	[sflag:s17] =	ssyncadd.s32 $0xFFFFC000  }
0x65: {  	[tilespmem:s20], [sflag:$0x2] =	stream.indirect.gather [hbm4b:s4+s19], $0x80, s28, s19, $0xb8;
	[tilespmem:$0x1E800] =	vst v63  }
0x66: {  	_ =	swait.ge [sflag:s21], $0x4000  }
0x67: {  	[sflag:s21] =	ssyncset.done $0x0  }
0x68: {  	s28 =	sadd.s32 $0x1400, s26;
	[sflag:s21] =	ssyncadd.s32 $0xFFFFC000  }
0x69: {  	[spmem:s1] =	stream.indirect.scatter.add.f32 [tilespmem:s16], [sflag:$0x3], $0x80, s28, s19, $0xb8;
	[tilespmem:$0x1E800] =	vst v63  }
0x6a: {  	_ =	swait.ge [sflag:s17], $0x4000  }
0x6b: {  	[sflag:s17] =	ssyncset.done $0x0  }
0x6c: {  	s28 =	sadd.s32 $0x100, s26;
	[sflag:s17] =	ssyncadd.s32 $0xFFFFC000  }
0x6d: {  	[tilespmem:s16], [sflag:$0x1] =	stream.indirect.gather [hbm4b:s4+s19], $0x80, s28, s19, $0xb8;
	[tilespmem:$0x1E800] =	vst v63  }
0x6e: {  	_ =	swait.ge [sflag:s22], $0x4000  }
0x6f: {  	[sflag:s22] =	ssyncset.done $0x0  }
0x70: {  	s29 =	sadd.s32 $0x1480, s26;
	[sflag:s22] =	ssyncadd.s32 $0xFFFFC000  }
0x71: {  	[spmem:s1] =	stream.indirect.scatter.add.f32 [tilespmem:s20], [sflag:$0x3], $0x80, s29, s19, $0xb8;
	[tilespmem:$0x1E800] =	vst v63  }
0x72: {  	_ =	swait.ge [sflag:s17], $0x4000  }
0x73: {  	[sflag:s17] =	ssyncset.done $0x0  }
0x74: {  	[sflag:s17] =	ssyncadd.s32 $0xFFFFC000  }
0x75: {  	[tilespmem:s20], [sflag:$0x2] =	stream.indirect.gather [hbm4b:s4+s19], $0x80, s23, s19, $0xb8;
	[tilespmem:$0x1E800] =	vst v63  }
0x76: {  	_ =	swait.ge [sflag:s21], $0x4000  }
0x77: {  	[sflag:s21] =	ssyncset.done $0x0  }
0x78: {  	[sflag:s21] =	ssyncadd.s32 $0xFFFFC000  }
0x79: {  	[spmem:s1] =	stream.indirect.scatter.add.f32 [tilespmem:s16], [sflag:$0x3], $0x80, s24, s19, $0xb8;
	[tilespmem:$0x1E800] =	vst v63  }
0x7a: {  	_ =	swait.ge [sflag:s17], $0x4000  }
0x7b: {  	[sflag:s17] =	ssyncset.done $0x0  }
0x7c: {  	[sflag:s17] =	ssyncadd.s32 $0xFFFFC000  }
0x7d: {  	[tilespmem:s16], [sflag:$0x1] =	stream.indirect.gather [hbm4b:s4+s19], $0x80, s23, s19, $0xb8;
	[tilespmem:$0x1E800] =	vst v63  }
0x7e: {  	_ =	swait.ge [sflag:s22], $0x4000  }
0x7f: {  	[sflag:s22] =	ssyncset.done $0x0  }
0x80: {  	[sflag:s22] =	ssyncadd.s32 $0xFFFFC000  }
0x81: {  	[spmem:s1] =	stream.indirect.scatter.add.f32 [tilespmem:s20], [sflag:$0x3], $0x80, s25, s19, $0xb8;
	[tilespmem:$0x1E800] =	vst v63  }
0x82: {  	_ =	swait.ge [sflag:s17], $0x4000  }
0x83: {  	[sflag:s17] =	ssyncset.done $0x0  }
0x84: {  	[sflag:s17] =	ssyncadd.s32 $0xFFFFC000  }
0x85: {  	_ =	swait.ge [sflag:s21], $0x4000  }
0x86: {  	[sflag:s21] =	ssyncset.done $0x0  }
0x87: {  	s30 =	simm.s32 $0x0;
	[sflag:s21] =	ssyncadd.s32 $0xFFFFC000  }
0x88: {  	[tilespmem:s30], [sflag:$0x3] =	stream.linear.gather [hbm4b:s14+s30], $0x1400, $0x38;
	[tilespmem:$0x1E800] =	vst v63  }
0x89: {  	_ =	swait.ge [sflag:s17], $0x1400  }
0x8a: {  	[sflag:s17] =	ssyncset.done $0x0  }
0x8b: {  	[sflag:s17] =	ssyncadd.s32 $0xFFFFEC00  }
0x8c: {  	[tilespmem:s18], [sflag:$0x3] =	stream.linear.gather [hbm4b:s15+s30], $0x1400, $0x38;
	[tilespmem:$0x1E800] =	vst v63  }
0x8d: {  	_ =	swait.ge [sflag:s17], $0x1400  }
0x8e: {  	[sflag:s17] =	ssyncset.done $0x0  }
0x8f: {  	[sflag:s17] =	ssyncadd.s32 $0xFFFFEC00  }
0x90: {  	[tilespmem:s16], [sflag:$0x1] =	stream.indirect.gather [hbm4b:s4+s19], $0x80, s30, s19, $0xb8;
	[tilespmem:$0x1E800] =	vst v63  }
0x91: {  	s31 =	simm.s32 $0x80  }
0x92: {  	[tilespmem:s20], [sflag:$0x2] =	stream.indirect.gather [hbm4b:s4+s19], $0x80, s31, s19, $0xb8;
	[tilespmem:$0x1E800] =	vst v63  }
0x93: {  	_ =	swait.ge [sflag:s21], $0x4000  }
0x94: {  	[sflag:s21] =	ssyncset.done $0x0  }
0x95: {  	s29 =	simm.s32 $0x1400;
	[sflag:s21] =	ssyncadd.s32 $0xFFFFC000  }
0x96: {  	[spmem:s1] =	stream.indirect.scatter.add.f32 [tilespmem:s16], [sflag:$0x3], $0x80, s29, s19, $0xb8;
	[tilespmem:$0x1E800] =	vst v63  }
0x97: {  	_ =	swait.ge [sflag:s17], $0x4000  }
0x98: {  	[sflag:s17] =	ssyncset.done $0x0  }
0x99: {  	s30 =	simm.s32 $0x100;
	[sflag:s17] =	ssyncadd.s32 $0xFFFFC000  }
0x9a: {  	[tilespmem:s16], [sflag:$0x1] =	stream.indirect.gather [hbm4b:s4+s19], $0x80, s30, s19, $0xb8;
	[tilespmem:$0x1E800] =	vst v63  }
0x9b: {  	_ =	swait.ge [sflag:s22], $0x4000  }
0x9c: {  	[sflag:s22] =	ssyncset.done $0x0  }
0x9d: {  	s31 =	simm.s32 $0x1480;
	[sflag:s22] =	ssyncadd.s32 $0xFFFFC000  }
0x9e: {  	[spmem:s1] =	stream.indirect.scatter.add.f32 [tilespmem:s20], [sflag:$0x3], $0x80, s31, s19, $0xb8;
	[tilespmem:$0x1E800] =	vst v63  }
0x9f: {  	_ =	swait.ge [sflag:s17], $0x4000  }
0xa0: {  	s26 =	simm.s32 $0x100;
	s28 =	simm.s32 $0x800;
	[sflag:s17] =	ssyncset.done $0x0  }
.LBB2_6:
0xa1: {  	s29 =	sadd.s32 $0x80, s26  }
0xa2: {  	[sflag:s17] =	ssyncadd.s32 $0xFFFFC000;
	s30 =	smov.u32 s28;
	s31 =	sadd.s32 $0x400, s28  }
0xa3: {  	[tilespmem:s20], [sflag:$0x2] =	stream.indirect.gather [hbm4b:s4+s19], $0x80, s29, s19, $0xb8;
	[tilespmem:$0x1E800] =	vst v63  }
0xa4: {  	p0 =	sne.s32 s28, $0x4800;
	_ =	swait.ge [sflag:s21], $0x4000  }
0xa5: {  	[sflag:s21] =	ssyncset.done $0x0  }
0xa6: {  	s28 =	sadd.s32 $0x1400, s26;
	[sflag:s21] =	ssyncadd.s32 $0xFFFFC000  }
0xa7: {  	[spmem:s1] =	stream.indirect.scatter.add.f32 [tilespmem:s16], [sflag:$0x3], $0x80, s28, s19, $0xb8;
	[tilespmem:$0x1E800] =	vst v63  }
0xa8: {  	_ =	swait.ge [sflag:s17], $0x4000  }
0xa9: {  	[sflag:s17] =	ssyncset.done $0x0  }
0xaa: {  	s28 =	sadd.s32 $0x100, s26;
	[sflag:s17] =	ssyncadd.s32 $0xFFFFC000  }
0xab: {  	[tilespmem:s16], [sflag:$0x1] =	stream.indirect.gather [hbm4b:s4+s19], $0x80, s28, s19, $0xb8;
	[tilespmem:$0x1E800] =	vst v63  }
0xac: {  	_ =	swait.ge [sflag:s22], $0x4000  }
.Ltmp2:
0xad: {  	[sflag:s22] =	ssyncset.done $0x0;
	(pc) =	sbr.rel @p0 .LBB2_6-.Ltmp2, $4  }
0xae: {  	s26 =	sadd.s32 $0x1480, s26;
	[sflag:s22] =	ssyncadd.s32 $0xFFFFC000  }
0xaf: {  	[spmem:s1] =	stream.indirect.scatter.add.f32 [tilespmem:s20], [sflag:$0x3], $0x80, s26, s19, $0xb8;
	[tilespmem:$0x1E800] =	vst v63  }
0xb0: {  	_ =	swait.ge [sflag:s17], $0x4000  }
0xb1: {  	s28 =	smov.u32 s31;
	s26 =	sshra.s32 s30, $0x2;
	[sflag:s17] =	ssyncset.done $0x0  }
0xb2: {  	s28 =	sadd.s32 $0x80, s26;
	[sflag:s17] =	ssyncadd.s32 $0xFFFFC000  }
0xb3: {  	[tilespmem:s20], [sflag:$0x2] =	stream.indirect.gather [hbm4b:s4+s19], $0x80, s28, s19, $0xb8;
	[tilespmem:$0x1E800] =	vst v63  }
0xb4: {  	_ =	swait.ge [sflag:s21], $0x4000  }
0xb5: {  	[sflag:s21] =	ssyncset.done $0x0  }
0xb6: {  	s30 =	sadd.s32 $0x1400, s26;
	[sflag:s21] =	ssyncadd.s32 $0xFFFFC000  }
0xb7: {  	[spmem:s1] =	stream.indirect.scatter.add.f32 [tilespmem:s16], [sflag:$0x3], $0x80, s30, s19, $0xb8;
	[tilespmem:$0x1E800] =	vst v63  }
0xb8: {  	_ =	swait.ge [sflag:s17], $0x4000  }
0xb9: {  	[sflag:s17] =	ssyncset.done $0x0  }
0xba: {  	s31 =	sadd.s32 $0x100, s26;
	[sflag:s17] =	ssyncadd.s32 $0xFFFFC000  }
0xbb: {  	[tilespmem:s16], [sflag:$0x1] =	stream.indirect.gather [hbm4b:s4+s19], $0x80, s31, s19, $0xb8;
	[tilespmem:$0x1E800] =	vst v63  }
0xbc: {  	_ =	swait.ge [sflag:s22], $0x4000  }
0xbd: {  	[sflag:s22] =	ssyncset.done $0x0  }
0xbe: {  	s29 =	sadd.s32 $0x1480, s26;
	[sflag:s22] =	ssyncadd.s32 $0xFFFFC000  }
0xbf: {  	[spmem:s1] =	stream.indirect.scatter.add.f32 [tilespmem:s20], [sflag:$0x3], $0x80, s29, s19, $0xb8;
	[tilespmem:$0x1E800] =	vst v63  }
0xc0: {  	_ =	swait.ge [sflag:s17], $0x4000  }
0xc1: {  	[sflag:s17] =	ssyncset.done $0x0  }
0xc2: {  	[sflag:s17] =	ssyncadd.s32 $0xFFFFC000  }
0xc3: {  	[tilespmem:s20], [sflag:$0x2] =	stream.indirect.gather [hbm4b:s4+s19], $0x80, s23, s19, $0xb8;
	[tilespmem:$0x1E800] =	vst v63  }
0xc4: {  	_ =	swait.ge [sflag:s21], $0x4000  }
0xc5: {  	[sflag:s21] =	ssyncset.done $0x0  }
0xc6: {  	[sflag:s21] =	ssyncadd.s32 $0xFFFFC000  }
0xc7: {  	[spmem:s1] =	stream.indirect.scatter.add.f32 [tilespmem:s16], [sflag:$0x3], $0x80, s24, s19, $0xb8;
	[tilespmem:$0x1E800] =	vst v63  }
0xc8: {  	_ =	swait.ge [sflag:s17], $0x4000  }
0xc9: {  	[sflag:s17] =	ssyncset.done $0x0  }
0xca: {  	[sflag:s17] =	ssyncadd.s32 $0xFFFFC000  }
0xcb: {  	[tilespmem:s16], [sflag:$0x1] =	stream.indirect.gather [hbm4b:s4+s19], $0x80, s23, s19, $0xb8;
	[tilespmem:$0x1E800] =	vst v63  }
0xcc: {  	_ =	swait.ge [sflag:s22], $0x4000  }
0xcd: {  	[sflag:s22] =	ssyncset.done $0x0  }
0xce: {  	[sflag:s22] =	ssyncadd.s32 $0xFFFFC000  }
0xcf: {  	[spmem:s1] =	stream.indirect.scatter.add.f32 [tilespmem:s20], [sflag:$0x3], $0x80, s25, s19, $0xb8;
	[tilespmem:$0x1E800] =	vst v63  }
0xd0: {  	_ =	swait.ge [sflag:s17], $0x4000  }
0xd1: {  	[sflag:s17] =	ssyncset.done $0x0  }
0xd2: {  	[sflag:s17] =	ssyncadd.s32 $0xFFFFC000  }
0xd3: {  	_ =	swait.ge [sflag:s21], $0x4000  }
0xd4: {  	s3 =	sadd.s32 $0x1, s3;
	s30 =	sshll.u32 s2, $0x6;
	[sflag:s21] =	ssyncset.done $0x0  }
0xd5: {  	p0 =	sne.s32 s3, s11;
	s26 =	sor.u32 $0x1C03, s30;
	[sflag:s21] =	ssyncadd.s32 $0xFFFFC000  }
.Ltmp3:
0xd6: {  	s31 =	sshrl.u32 s5, $0x3;
	[bflag:$0x0] =	sbarrier.arrive $0xFFFF;
	(pc) =	sbr.rel @p0 .LBB2_1-.Ltmp3, $4  }
0xd7: {  	[hbm:s10], [sflag:s26] =	dma.local [spmem:s31], $0x2800  }
0xd8: {  	_ =	swait.ge [sflag:s17], $0x2800  }
0xd9: {  	[sflag:s17] =	ssyncset.done $0x0  }
0xda: {  	[sflag:s17] =	ssyncadd.s32 $0xFFFFD800  }
0xdb: {  	_ =	sfence.sel $0x180000  }
0xdc: {  	[bflag:$0x0] =	sbarrier.arrive $0xFFFF  }
0xdd: {  	p0 =	sne.s32 s2, $0x0;
	_ =	strace $0x9000004D  }
0xde: {  	s0 =	sadd.s32 @!p0 $0x100000, s0;
	[bflag:$0x2] =	sbarrier.arrive $0xFFFF  }
0xdf: {  	[sflag:s0] =	ssyncadd.tile.s32 @!p0 $0x1;
	_ =	shalt  }
.Lfunc_end2:
_tile_overlayer_lowered:
.L_overlay_start_2:
0xe0: {  	(tag) =	ssettag $0x2  }
0xe1: {  	s0 =	rddreg [dreg:$0x0];
	s2 =	stileid.u32  }
0xe2: {  	s1 =	rddreg [dreg:$0x1];
	p0 =	sne.s32 s2, $0x0  }
0xe3: {  	s3 =	rddreg [dreg:$0x2];
	[bflag:$0x3] =	sbarrier.arrive $0xFFFF;
	s2 =	simm.s32 @!p0 $0x1C03  }
0xe4: {  	[timem:s3], [sflag:s2] =	dma.local @!p0 [hbm:s0], s1  }
0xe5: {  	s0 =	simm.s32 @!p0 $0x3  }
0xe6: {  	_ =	swait.ge @!p0 [sflag:s0], s1  }
0xe7: {  	s1 =	ssub.s32 @!p0 $0x0, s1;
	[sflag:s0] =	ssyncset.done @!p0 $0x0  }
0xe8: {  	[sflag:s0] =	ssyncadd.s32 @!p0 s1  }
0xe9: {  	[bflag:$0x3] =	sbarrier.arrive $0xFFFF  }
0xea: {  	_ =	shalt  }

// kernel: kernel.19.cloned.1.call-start
scs
__scs_entry_jumppad:
0x0: {  	(pc) =	sbr.rel $0x88, $3  }
0x1: {  	(tag) =	ssettag $0x0;
	lr =	simm.s32 $0x1  }
0x2: {  	[smem:$0x3F9A] =	sst lr;
	_ =	strace $0xD0000000  }
0x3: {  	_ = 	snop  }
0x4: {  	_ = 	snop  }
0x5: {  	_ = 	snop  }
0x6: {  	_ = 	snop  }
0x7: {  	_ = 	snop  }
__scs_overlays_trampoline_lowered:
0x8: {  	[smem:$0x3FA9] =	sst s0  }
0x9: {  	[smem:$0x3FAA] =	sst s1  }
0xa: {  	[smem:$0x3FAB] =	sst s2  }
0xb: {  	[smem:$0x3FAC] =	sst s3  }
0xc: {  	[smem:$0x3FAD] =	sst s4  }
0xd: {  	[smem:$0x3FAE] =	sst s5  }
0xe: {  	[smem:$0x3FAF] =	sst s6  }
0xf: {  	[smem:$0x3FB0] =	sst s7  }
0x10: {  	[smem:$0x3FB1] =	sst s8  }
0x11: {  	[smem:$0x3FB2] =	sst s9;
	s0 =	simm.s32 @!p0 $0x0  }
0x12: {  	s1 =	sld [smem:$0x3F98];
	s0 =	simm.s32 @p0 $0x1  }
0x13: {  	[smem:$0x3FB3] =	sst s0;
	s0 =	simm.s32 @!p1 $0x0  }
0x14: {  	s2 =	sld [smem:$0x3F97];
	s0 =	simm.s32 @p1 $0x1  }
0x15: {  	[smem:$0x3FB4] =	sst s0;
	s0 =	simm.s32 @!p2 $0x0  }
0x16: {  	s3 =	sld [smem:$0x3FDB];
	s0 =	simm.s32 @p2 $0x1  }
0x17: {  	s4 =	simm.s32 $0x1BF5;
	[smem:$0x3FB6] =	sst s0  }
0x18: {  	s0 =	sld [smem:$0x3F99];
	_ =	swait.ge [sflag:s4], $0x0  }
0x19: {  	s7 =	sld [smem:$0x3F9A]  }
0x1a: {  	s8 =	sadd.s32 $0xFFFFE003, lr  }
0x1b: {  	s9 =	sadd.s32 $0xFFFFFEF7, lr;
	s5 =	simm.s32 $0xFFFFFFFF;
	p2 =	slt.u32 s8, $0xFFFFF086  }
0x1c: {  	p1 =	slt.u32 s9, $0xF7A;
	s5 =	simm.s32 @!p2 $0x0  }
0x1d: {  	s5 =	simm.s32 @p1 $0x1;
	p0 =	seq.s32 s7, s2  }
0x1e: {  	s7 =	smul.u32 @!p0 $0xF7A, s2;
	p2 =	seq.s32 @!p0 s5, $0x0  }
0x1f: {  	s9 =	smul.u32 $0xF7A, s1;
	s8 =	simm.s32 @!p0 $0x1BF5;
	p2 =	por !p2, p0  }
0x20: {  	[sflag:s8] =	ssyncset.s32 @!p0 $0xFFFFF086;
	s6 =	sadd.s32 @!p0 s3, s7;
	s7 =	simm.s32 @!p0 $0x108  }
0x21: {  	s3 =	sadd.s32 s3, s9;
	s6 =	sadd.s32 @!p0 $0x88, s6;
	s7 =	simm.s32 @p2 $0x1082  }
0x22: {  	[simem:s7], [sflag:s8] =	dma.local @!p0 [hbm:s6], $0xF7A  }
0x23: {  	s9 =	sor.u32 $0xD0000000, s2;
	s6 =	simm.s32 $0x108;
	_ =	swait.ge @!p0 [sflag:s8], $0x0  }
0x24: {  	s3 =	sadd.s32 $0x88, s3;
	s6 =	simm.s32 @!p1 $0x1082;
	[sflag:s4] =	ssyncset.s32 $0xFFFFF086  }
0x25: {  	[simem:s6], [sflag:s4] =	dma.local [hbm:s3], $0xF7A  }
0x26: {  	[smem:$0x3F9A] =	sst s1;
	(tag) =	ssettag s2;
	_ =	strace s9  }
0x27: {  	s1 =	sld [smem:$0x3FAA]  }
0x28: {  	s2 =	sld [smem:$0x3FAB]  }
0x29: {  	s4 =	sld [smem:$0x3FAD]  }
0x2a: {  	p0 =	seq.s32 s5, $0x0;
	s5 =	sld [smem:$0x3FAE]  }
0x2b: {  	s6 =	sld [smem:$0x3FAF]  }
0x2c: {  	s7 =	sld [smem:$0x3FB0]  }
0x2d: {  	s3 =	simm.s32 $0x108;
	s8 =	sld [smem:$0x3FB1]  }
0x2e: {  	s3 =	simm.s32 @!p0 $0x1082;
	s9 =	sld [smem:$0x3FB2]  }
0x2f: {  	lr =	sadd.s32 s0, s3;
	s0 =	sld [smem:$0x3FA9]  }
0x30: {  	s3 =	sld [smem:$0x3FAC]  }
0x31: {  	[smem:$0x3FB5] =	sst s10  }
0x32: {  	s10 =	sld [smem:$0x3FB3];
	_ =	sdelay $0x3  }
0x33: {  	p0 =	seq.s32 s10, $0x1;
	s10 =	sld [smem:$0x3FB5];
	_ =	sdelay $0x3  }
0x34: {  	[smem:$0x3FB5] =	sst s10  }
0x35: {  	s10 =	sld [smem:$0x3FB4];
	_ =	sdelay $0x3  }
0x36: {  	p1 =	seq.s32 s10, $0x1;
	s10 =	sld [smem:$0x3FB5];
	_ =	sdelay $0x3  }
0x37: {  	[smem:$0x3FB5] =	sst s10  }
0x38: {  	s10 =	sld [smem:$0x3FB6]  }
0x39: {  	_ = 	snop;
	(pc) =	sbr.ind lr, $3  }
0x3a: {  	_ = 	snop  }
0x3b: {  	_ = 	snop  }
0x3c: {  	p2 =	seq.s32 s10, $0x1;
	s10 =	sld [smem:$0x3FB5]  }
0x3d: {  	_ =	shalt  }
0x3e: {  	_ =	shalt  }
0x3f: {  	_ =	shalt  }
0x40: {  	_ =	shalt  }
0x41: {  	_ =	shalt  }
0x42: {  	_ =	shalt  }
0x43: {  	_ =	shalt  }
0x44: {  	_ =	shalt  }
0x45: {  	_ =	shalt  }
0x46: {  	_ =	shalt  }
0x47: {  	_ =	shalt  }
0x48: {  	_ =	shalt  }
0x49: {  	_ =	shalt  }
0x4a: {  	_ =	shalt  }
0x4b: {  	_ =	shalt  }
0x4c: {  	_ =	shalt  }
0x4d: {  	_ =	shalt  }
0x4e: {  	_ =	shalt  }
0x4f: {  	_ =	shalt  }
0x50: {  	_ =	shalt  }
0x51: {  	_ =	shalt  }
0x52: {  	_ =	shalt  }
0x53: {  	_ =	shalt  }
0x54: {  	_ =	shalt  }
0x55: {  	_ =	shalt  }
0x56: {  	_ =	shalt  }
0x57: {  	_ =	shalt  }
0x58: {  	_ =	shalt  }
0x59: {  	_ =	shalt  }
0x5a: {  	_ =	shalt  }
0x5b: {  	_ =	shalt  }
0x5c: {  	_ =	shalt  }
0x5d: {  	_ =	shalt  }
0x5e: {  	_ =	shalt  }
0x5f: {  	_ =	shalt  }
0x60: {  	_ =	shalt  }
0x61: {  	_ =	shalt  }
0x62: {  	_ =	shalt  }
0x63: {  	_ =	shalt  }
0x64: {  	_ =	shalt  }
0x65: {  	_ =	shalt  }
0x66: {  	_ =	shalt  }
0x67: {  	_ =	shalt  }
0x68: {  	_ =	shalt  }
0x69: {  	_ =	shalt  }
0x6a: {  	_ =	shalt  }
0x6b: {  	_ =	shalt  }
0x6c: {  	_ =	shalt  }
0x6d: {  	_ =	shalt  }
0x6e: {  	_ =	shalt  }
0x6f: {  	_ =	shalt  }
0x70: {  	_ =	shalt  }
0x71: {  	_ =	shalt  }
0x72: {  	_ =	shalt  }
0x73: {  	_ =	shalt  }
0x74: {  	_ =	shalt  }
0x75: {  	_ =	shalt  }
0x76: {  	_ =	shalt  }
0x77: {  	_ =	shalt  }
0x78: {  	_ =	shalt  }
0x79: {  	_ =	shalt  }
0x7a: {  	_ =	shalt  }
0x7b: {  	_ =	shalt  }
0x7c: {  	_ =	shalt  }
0x7d: {  	_ =	shalt  }
0x7e: {  	_ =	shalt  }
0x7f: {  	_ =	shalt  }
0x80: {  	_ =	shalt  }
0x81: {  	_ =	shalt  }
0x82: {  	_ =	shalt  }
0x83: {  	_ =	shalt  }
0x84: {  	_ =	shalt  }
0x85: {  	_ =	shalt  }
0x86: {  	_ =	shalt  }
0x87: {  	_ =	shalt  }
.Lfunc_end0:
.L_simem_size_0:
called_computation.3_lowered:
.L_overlay_start_0:
0x88: {  	s2 =	sld [smem:$0x3FD9]  }
0x89: {  	s3 =	sld [smem:$0x3FFE];
	_ =	sdelay $0x1  }
0x8a: {  	s1 =	srdreg.scid  }
0x8b: {  	s0 =	sand.u32 $0x1, s1  }
0x8c: {  	s16 =	sshll.u32 s0, $0xA;
	s2 =	sadd.s32 s3, s2  }
0x8d: {  	s2 =	sadd.s32 s2, s16  }
0x8e: {  	[smem:$0x3FC1] =	sst s2  }
0x8f: {  	_ = 	snop  }
0x90: {  	(tm) =	ssettm $0x1  }
0x91: {  	s17 =	sld [smem:$0x3FFB];
	_ =	sdelay $0x3  }
0x92: {  	_ =	strace s17  }
0x93: {  	s2 =	sld [smem:$0x3FFC];
	_ =	sdelay $0x3  }
0x94: {  	_ =	strace s2  }
0x95: {  	s2 =	sld [smem:$0x3FFD];
	_ =	sdelay $0x3  }
0x96: {  	_ =	strace s2  }
0x97: {  	_ =	strace $0x8FFFFFFF  }
0x98: {  	s18 =	sld [smem:$0x3FDB];
	_ =	sdelay $0x1  }
0x99: {  	s19 =	simm.s32 $_scs_section_size  }
0x9a: {  	s4 =	simm.s32 $_size__tile_overlayer_lowered;
	s5 =	simm.s32 $_tile_overlayer_lowered  }
0x9b: {  	s22 =	simm.s32 $0x1BFF;
	s21 =	sshll.u32 s5, $0x1;
	s2 =	sadd.s32 s19, s18  }
0x9c: {  	s6 =	simm.s32 $0x0;
	s20 =	sshll.u32 s4, $0x1;
	s4 =	sadd.s32 s21, s2  }
0x9d: {  	[timem:s6], [sflag:s22] =	dma.local [hbm:s4], s20  }
0x9e: {  	_ =	swait.ge [sflag:s22], s20  }
0x9f: {  	s3 =	ssub.s32 $0x0, s20;
	[sflag:s22] =	ssyncset.done $0x0  }
0xa0: {  	[sflag:s22] =	ssyncadd.s32 s3;
	_ =	sdelay $0x1  }
0xa1: {  	s23 =	simm.s32 $0x1B8B  }
0xa2: {  	_ =	swait.ge [sflag:s23], $0x1  }
0xa3: {  	[sflag:s23] =	ssyncset.done $0x0  }
0xa4: {  	s25 =	simm.s32 $0x1B8E;
	s24 =	sld [smem:$0x3FFE];
	[sflag:s23] =	ssyncadd.s32 $0xFFFFFFFF  }
0xa5: {  	s26 =	simm.s32 $execute0_lowered;
	[smem:$0x3FD2] =	sst s25  }
0xa6: {  	s4 =	sshll.u32 s26, $0x1;
	_ =	strace $0x8000004F;
	[dreg:$0x1] =	wrdreg $0xFFFFFFFF  }
0xa7: {  	s28 =	simm.s32 $_size_execute0_lowered;
	s2 =	sadd.s32 s2, s4;
	[dreg:$0x0] =	wrdreg $0x0  }
0xa8: {  	s4 =	sshll.u32 s28, $0x1;
	[dreg:$0x2] =	wrdreg s2  }
0xa9: {  	[dreg:$0x3] =	wrdreg s4  }
0xaa: {  	[dreg:$0x4] =	wrdreg $0xC0  }
0xab: {  	_ =	task [dreg:s6], $0x5FFFF  }
0xac: {  	[dreg:$0x1] =	wrdreg $0xFFFFFFFF  }
0xad: {  	[dreg:$0x0] =	wrdreg $0x60  }
0xae: {  	[dreg:$0x2] =	wrdreg s24  }
0xaf: {  	[dreg:$0x3] =	wrdreg $0xA8000  }
0xb0: {  	[dreg:$0x4] =	wrdreg $0x9  }
0xb1: {  	_ =	task.clear_ibuf [dreg:s6], $0x5FFFF;
	_ =	strace $0x9000004F  }
0xb2: {  	s29 =	simm.s32 $0x9;
	_ =	strace $0x80000051  }
0xb3: {  	_ =	swait.ge [sflag:s29], $0x1  }
0xb4: {  	[sflag:s29] =	ssyncadd.s32 $0xFFFFFFFF  }
0xb5: {  	_ =	strace $0x90000051  }
0xb6: {  	_ =	sfence  }
0xb7: {  	s30 =	sld [smem:$0x0];
	_ =	sdelay $0x2  }
0xb8: {  	s31 =	sshll.u32 s1, $0xD;
	s1 =	sshrl.u32 s1, $0x2  }
0xb9: {  	s3 =	sand.u32 $0x4000, s31;
	s1 =	sadd.s32 s1, s30  }
0xba: {  	s0 =	sor.u32 s3, s0;
	s1 =	sshll.u32 s1, $0x11  }
0xbb: {  	s0 =	sor.u32 s1, s0  }
0xbc: {  	s0 =	sadd.s32 $0x8F2B, s0  }
0xbd: {  	[sflag:s0] =	ssyncadd.remote.s32 $0x1  }
0xbe: {  	_ =	sfence.sel $0xFFFF  }
0xbf: {  	[dreg:$0x0] =	wrdreg $0xFFFFFFFF;
	(pc) =	sbr.abs _section_cstart, $3  }
0xc0: {  	[dreg:$0x1] =	wrdreg $0xFFFFFFFF  }
0xc1: {  	_ =	task.clear_ibuf [dreg:s6], $0x2FFFF;
	_ =	strace $0x9FFFFFFF  }
0xc2: {  	(tm) =	ssettm $0x7FFFFFFF  }
0xc3: {  	_ =	shalt  }
tec
execute0_lowered:
.L_overlay_start_1:
0x0: {  	(tag) =	ssettag $0x1  }
0x1: {  	s5 =	rddreg [dreg:$0x0]  }
0x2: {  	s1 =	rddreg [dreg:$0x1]  }
0x3: {  	s2 =	srdreg.scid;
	s0 =	rddreg [dreg:$0x2]  }
0x4: {  	s3 =	simm.s32 $0x0;
	s19 =	simm.s32 $0x80;
	s20 =	simm.s32 $0x6800  }
0x5: {  	s21 =	simm.s32 $0x1;
	s22 =	simm.s32 $0x2;
	s23 =	simm.s32 $0x1380  }
0x6: {  	s24 =	simm.s32 $0x2700;
	s10 =	sand.u32 $0x1, s2;
	s2 =	stileid.u32  }
0x7: {  	s25 =	simm.s32 $0x2780;
	[smem:$0x7FF] =	sst s3;
	s6 =	smul.u32 $0x140000, s10  }
0x8: {  	s4 =	sadd.s32 $0x21000, s5;
	s11 =	sadd.s32 $0x1C000, s5;
	s7 =	smul.u32 $0x14000, s2  }
0x9: {  	s12 =	sadd.s32 $0x17000, s5;
	s14 =	sadd.s32 $0xD000, s5;
	s28 =	smul.u32 $0x50000, s2  }
0xa: {  	s15 =	sadd.s32 $0x12000, s5;
	_ =	strace $0x80000050;
	s16 =	smul.u32 $0x2800, s2  }
0xb: {  	s29 =	ssub.s32 $0x2, s10;
	p0 =	seq.s32 s10, $0x0;
	s18 =	smul.u32 $0x500, s2  }
0xc: {  	s31 =	sshrl.u32 s29, $0x1;
	s14 =	smov.u32 @p0 s11;
	s15 =	smov.u32 @p0 s12  }
0xd: {  	s6 =	sadd.s32 s7, s6;
	s30 =	sshrl.u32 s28, $0x2;
	s17 =	ssub.s32 s29, s31  }
0xe: {  	s16 =	sshrl.u32 s16, $0x3;
	s12 =	sadd.s32 s14, s18;
	s6 =	sshrl.u32 s6, $0x3  }
0xf: {  	s16 =	sadd.s32 $0x280, s16;
	s11 =	smax.u32 s17, $0x1;
	s17 =	simm.s32 $0x3  }
0x10: {  	s13 =	sadd.s32 s6, s5;
	s5 =	sadd.s32 s30, s1;
	s14 =	sadd.s32 s14, s16  }
0x11: {  	s6 =	sadd.s32 $0x4000, s5;
	s7 =	sadd.s32 $0x8000, s5;
	s8 =	sadd.s32 $0xC000, s5  }
0x12: {  	s9 =	sadd.s32 $0x10000, s5;
	s10 =	sadd.s32 $0x49000, s13;
	s13 =	sadd.s32 s15, s18  }
0x13: {  	v0 =	vimm.f32 $0.0e+00;
	s15 =	sadd.s32 s15, s16;
	s16 =	simm.s32 $0x2800;
	s18 =	simm.s32 $0x1400  }
.LBB2_1:
0x14: {  	s26 =	simm.s32 $0x0;
	s28 =	simm.s32 $0x200  }
.LBB2_2:
0x15: {  	p0 =	sne.s32 s28, $0xFE00;
	[tilespmem:s26+$0x2870] =	vst v0  }
0x16: {  	[tilespmem:s26+$0x2800] =	vst v0  }
0x17: {  	[tilespmem:s26+$0x2810] =	vst v0  }
.Ltmp0:
0x18: {  	[tilespmem:s26+$0x2820] =	vst v0;
	(pc) =	sbr.rel @p0 .LBB2_2-.Ltmp0, $4  }
0x19: {  	[tilespmem:s26+$0x2830] =	vst v0  }
0x1a: {  	[tilespmem:s26+$0x2840] =	vst v0  }
0x1b: {  	[tilespmem:s26+$0x2850] =	vst v0  }
0x1c: {  	[tilespmem:s26+$0x2860] =	vst v0;
	s26 =	sshra.s32 s28, $0x2;
	s28 =	sadd.s32 $0x200, s28  }
0x1d: {  	[tilespmem:s26+$0x2870] =	vst v0  }
0x1e: {  	[tilespmem:s26+$0x2800] =	vst v0  }
0x1f: {  	[tilespmem:s26+$0x2810] =	vst v0  }
0x20: {  	[tilespmem:s26+$0x2820] =	vst v0  }
0x21: {  	[tilespmem:s26+$0x2830] =	vst v0  }
0x22: {  	[tilespmem:s26+$0x2840] =	vst v0  }
0x23: {  	[tilespmem:s26+$0x2850] =	vst v0  }
0x24: {  	[tilespmem:s26+$0x2860] =	vst v0  }
0x25: {  	[spmem:s5] =	stream.linear.scatter [tilespmem:s16], [sflag:$0x3], $0x4000, $0x38;
	[tilespmem:$0x1E800] =	vst v63  }
0x26: {  	_ =	swait.ge [sflag:s17], $0x4000  }
0x27: {  	[sflag:s17] =	ssyncset.done $0x0  }
0x28: {  	[sflag:s17] =	ssyncadd.s32 $0xFFFFC000  }
0x29: {  	[spmem:s6] =	stream.linear.scatter [tilespmem:s16], [sflag:$0x3], $0x4000, $0x38;
	[tilespmem:$0x1E800] =	vst v63  }
0x2a: {  	_ =	swait.ge [sflag:s17], $0x4000  }
0x2b: {  	[sflag:s17] =	ssyncset.done $0x0  }
0x2c: {  	[sflag:s17] =	ssyncadd.s32 $0xFFFFC000  }
0x2d: {  	[spmem:s7] =	stream.linear.scatter [tilespmem:s16], [sflag:$0x3], $0x4000, $0x38;
	[tilespmem:$0x1E800] =	vst v63  }
0x2e: {  	_ =	swait.ge [sflag:s17], $0x4000  }
0x2f: {  	[sflag:s17] =	ssyncset.done $0x0  }
0x30: {  	[sflag:s17] =	ssyncadd.s32 $0xFFFFC000  }
0x31: {  	[spmem:s8] =	stream.linear.scatter [tilespmem:s16], [sflag:$0x3], $0x4000, $0x38;
	[tilespmem:$0x1E800] =	vst v63  }
0x32: {  	_ =	swait.ge [sflag:s17], $0x4000  }
0x33: {  	[sflag:s17] =	ssyncset.done $0x0  }
0x34: {  	[sflag:s17] =	ssyncadd.s32 $0xFFFFC000  }
0x35: {  	[spmem:s9] =	stream.linear.scatter [tilespmem:s16], [sflag:$0x3], $0x4000, $0x38;
	[tilespmem:$0x1E800] =	vst v63  }
0x36: {  	_ =	swait.ge [sflag:s17], $0x4000  }
0x37: {  	[sflag:s17] =	ssyncset.done $0x0  }
0x38: {  	[sflag:s17] =	ssyncadd.s32 $0xFFFFC000  }
0x39: {  	s30 =	simm.s32 $0x0;
	[bflag:$0x0] =	sbarrier.arrive $0xFFFF  }
0x3a: {  	[tilespmem:s30], [sflag:$0x3] =	stream.linear.gather [hbm4b:s12+s30], $0x1400, $0x38;
	[tilespmem:$0x1E800] =	vst v63  }
0x3b: {  	_ =	swait.ge [sflag:s17], $0x1400  }
0x3c: {  	[sflag:s17] =	ssyncset.done $0x0  }
0x3d: {  	[sflag:s17] =	ssyncadd.s32 $0xFFFFEC00  }
0x3e: {  	[tilespmem:s18], [sflag:$0x3] =	stream.linear.gather [hbm4b:s13+s30], $0x1400, $0x38;
	[tilespmem:$0x1E800] =	vst v63  }
0x3f: {  	_ =	swait.ge [sflag:s17], $0x1400  }
0x40: {  	[sflag:s17] =	ssyncset.done $0x0  }
0x41: {  	[sflag:s17] =	ssyncadd.s32 $0xFFFFEC00  }
0x42: {  	[tilespmem:s16], [sflag:$0x1] =	stream.indirect.gather [hbm4b:s4+s19], $0x80, s30, s19, $0xb8;
	[tilespmem:$0x1E800] =	vst v63  }
0x43: {  	s31 =	simm.s32 $0x80  }
0x44: {  	[tilespmem:s20], [sflag:$0x2] =	stream.indirect.gather [hbm4b:s4+s19], $0x80, s31, s19, $0xb8;
	[tilespmem:$0x1E800] =	vst v63  }
0x45: {  	_ =	swait.ge [sflag:s21], $0x4000  }
0x46: {  	[sflag:s21] =	ssyncset.done $0x0  }
0x47: {  	s29 =	simm.s32 $0x1400;
	[sflag:s21] =	ssyncadd.s32 $0xFFFFC000  }
0x48: {  	[spmem:s1] =	stream.indirect.scatter.add.f32 [tilespmem:s16], [sflag:$0x3], $0x80, s29, s19, $0xb8;
	[tilespmem:$0x1E800] =	vst v63  }
0x49: {  	_ =	swait.ge [sflag:s17], $0x4000  }
0x4a: {  	[sflag:s17] =	ssyncset.done $0x0  }
0x4b: {  	s30 =	simm.s32 $0x100;
	[sflag:s17] =	ssyncadd.s32 $0xFFFFC000  }
0x4c: {  	[tilespmem:s16], [sflag:$0x1] =	stream.indirect.gather [hbm4b:s4+s19], $0x80, s30, s19, $0xb8;
	[tilespmem:$0x1E800] =	vst v63  }
0x4d: {  	_ =	swait.ge [sflag:s22], $0x4000  }
0x4e: {  	[sflag:s22] =	ssyncset.done $0x0  }
0x4f: {  	s31 =	simm.s32 $0x1480;
	[sflag:s22] =	ssyncadd.s32 $0xFFFFC000  }
0x50: {  	[spmem:s1] =	stream.indirect.scatter.add.f32 [tilespmem:s20], [sflag:$0x3], $0x80, s31, s19, $0xb8;
	[tilespmem:$0x1E800] =	vst v63  }
0x51: {  	_ =	swait.ge [sflag:s17], $0x4000  }
0x52: {  	s28 =	simm.s32 $0x800;
	s26 =	simm.s32 $0x100;
	[sflag:s17] =	ssyncset.done $0x0  }
.LBB2_4:
0x53: {  	s29 =	sadd.s32 $0x80, s26  }
0x54: {  	[sflag:s17] =	ssyncadd.s32 $0xFFFFC000;
	s30 =	smov.u32 s28;
	s31 =	sadd.s32 $0x400, s28  }
0x55: {  	[tilespmem:s20], [sflag:$0x2] =	stream.indirect.gather [hbm4b:s4+s19], $0x80, s29, s19, $0xb8;
	[tilespmem:$0x1E800] =	vst v63  }
0x56: {  	p0 =	sne.s32 s28, $0x4800;
	_ =	swait.ge [sflag:s21], $0x4000  }
0x57: {  	[sflag:s21] =	ssyncset.done $0x0  }
0x58: {  	s28 =	sadd.s32 $0x1400, s26;
	[sflag:s21] =	ssyncadd.s32 $0xFFFFC000  }
0x59: {  	[spmem:s1] =	stream.indirect.scatter.add.f32 [tilespmem:s16], [sflag:$0x3], $0x80, s28, s19, $0xb8;
	[tilespmem:$0x1E800] =	vst v63  }
0x5a: {  	_ =	swait.ge [sflag:s17], $0x4000  }
0x5b: {  	[sflag:s17] =	ssyncset.done $0x0  }
0x5c: {  	s28 =	sadd.s32 $0x100, s26;
	[sflag:s17] =	ssyncadd.s32 $0xFFFFC000  }
0x5d: {  	[tilespmem:s16], [sflag:$0x1] =	stream.indirect.gather [hbm4b:s4+s19], $0x80, s28, s19, $0xb8;
	[tilespmem:$0x1E800] =	vst v63  }
0x5e: {  	_ =	swait.ge [sflag:s22], $0x4000  }
.Ltmp1:
0x5f: {  	[sflag:s22] =	ssyncset.done $0x0;
	(pc) =	sbr.rel @p0 .LBB2_4-.Ltmp1, $4  }
0x60: {  	s26 =	sadd.s32 $0x1480, s26;
	[sflag:s22] =	ssyncadd.s32 $0xFFFFC000  }
0x61: {  	[spmem:s1] =	stream.indirect.scatter.add.f32 [tilespmem:s20], [sflag:$0x3], $0x80, s26, s19, $0xb8;
	[tilespmem:$0x1E800] =	vst v63  }
0x62: {  	_ =	swait.ge [sflag:s17], $0x4000  }
0x63: {  	s28 =	smov.u32 s31;
	s26 =	sshra.s32 s30, $0x2;
	[sflag:s17] =	ssyncset.done $0x0  }
0x64: {  	s28 =	sadd.s32 $0x80, s26;
	[sflag:s17] =	ssyncadd.s32 $0xFFFFC000  }
0x65: {  	[tilespmem:s20], [sflag:$0x2] =	stream.indirect.gather [hbm4b:s4+s19], $0x80, s28, s19, $0xb8;
	[tilespmem:$0x1E800] =	vst v63  }
0x66: {  	_ =	swait.ge [sflag:s21], $0x4000  }
0x67: {  	[sflag:s21] =	ssyncset.done $0x0  }
0x68: {  	s28 =	sadd.s32 $0x1400, s26;
	[sflag:s21] =	ssyncadd.s32 $0xFFFFC000  }
0x69: {  	[spmem:s1] =	stream.indirect.scatter.add.f32 [tilespmem:s16], [sflag:$0x3], $0x80, s28, s19, $0xb8;
	[tilespmem:$0x1E800] =	vst v63  }
0x6a: {  	_ =	swait.ge [sflag:s17], $0x4000  }
0x6b: {  	[sflag:s17] =	ssyncset.done $0x0  }
0x6c: {  	s28 =	sadd.s32 $0x100, s26;
	[sflag:s17] =	ssyncadd.s32 $0xFFFFC000  }
0x6d: {  	[tilespmem:s16], [sflag:$0x1] =	stream.indirect.gather [hbm4b:s4+s19], $0x80, s28, s19, $0xb8;
	[tilespmem:$0x1E800] =	vst v63  }
0x6e: {  	_ =	swait.ge [sflag:s22], $0x4000  }
0x6f: {  	[sflag:s22] =	ssyncset.done $0x0  }
0x70: {  	s29 =	sadd.s32 $0x1480, s26;
	[sflag:s22] =	ssyncadd.s32 $0xFFFFC000  }
0x71: {  	[spmem:s1] =	stream.indirect.scatter.add.f32 [tilespmem:s20], [sflag:$0x3], $0x80, s29, s19, $0xb8;
	[tilespmem:$0x1E800] =	vst v63  }
0x72: {  	_ =	swait.ge [sflag:s17], $0x4000  }
0x73: {  	[sflag:s17] =	ssyncset.done $0x0  }
0x74: {  	[sflag:s17] =	ssyncadd.s32 $0xFFFFC000  }
0x75: {  	[tilespmem:s20], [sflag:$0x2] =	stream.indirect.gather [hbm4b:s4+s19], $0x80, s23, s19, $0xb8;
	[tilespmem:$0x1E800] =	vst v63  }
0x76: {  	_ =	swait.ge [sflag:s21], $0x4000  }
0x77: {  	[sflag:s21] =	ssyncset.done $0x0  }
0x78: {  	[sflag:s21] =	ssyncadd.s32 $0xFFFFC000  }
0x79: {  	[spmem:s1] =	stream.indirect.scatter.add.f32 [tilespmem:s16], [sflag:$0x3], $0x80, s24, s19, $0xb8;
	[tilespmem:$0x1E800] =	vst v63  }
0x7a: {  	_ =	swait.ge [sflag:s17], $0x4000  }
0x7b: {  	[sflag:s17] =	ssyncset.done $0x0  }
0x7c: {  	[sflag:s17] =	ssyncadd.s32 $0xFFFFC000  }
0x7d: {  	[tilespmem:s16], [sflag:$0x1] =	stream.indirect.gather [hbm4b:s4+s19], $0x80, s23, s19, $0xb8;
	[tilespmem:$0x1E800] =	vst v63  }
0x7e: {  	_ =	swait.ge [sflag:s22], $0x4000  }
0x7f: {  	[sflag:s22] =	ssyncset.done $0x0  }
0x80: {  	[sflag:s22] =	ssyncadd.s32 $0xFFFFC000  }
0x81: {  	[spmem:s1] =	stream.indirect.scatter.add.f32 [tilespmem:s20], [sflag:$0x3], $0x80, s25, s19, $0xb8;
	[tilespmem:$0x1E800] =	vst v63  }
0x82: {  	_ =	swait.ge [sflag:s17], $0x4000  }
0x83: {  	[sflag:s17] =	ssyncset.done $0x0  }
0x84: {  	[sflag:s17] =	ssyncadd.s32 $0xFFFFC000  }
0x85: {  	_ =	swait.ge [sflag:s21], $0x4000  }
0x86: {  	[sflag:s21] =	ssyncset.done $0x0  }
0x87: {  	s30 =	simm.s32 $0x0;
	[sflag:s21] =	ssyncadd.s32 $0xFFFFC000  }
0x88: {  	[tilespmem:s30], [sflag:$0x3] =	stream.linear.gather [hbm4b:s14+s30], $0x1400, $0x38;
	[tilespmem:$0x1E800] =	vst v63  }
0x89: {  	_ =	swait.ge [sflag:s17], $0x1400  }
0x8a: {  	[sflag:s17] =	ssyncset.done $0x0  }
0x8b: {  	[sflag:s17] =	ssyncadd.s32 $0xFFFFEC00  }
0x8c: {  	[tilespmem:s18], [sflag:$0x3] =	stream.linear.gather [hbm4b:s15+s30], $0x1400, $0x38;
	[tilespmem:$0x1E800] =	vst v63  }
0x8d: {  	_ =	swait.ge [sflag:s17], $0x1400  }
0x8e: {  	[sflag:s17] =	ssyncset.done $0x0  }
0x8f: {  	[sflag:s17] =	ssyncadd.s32 $0xFFFFEC00  }
0x90: {  	[tilespmem:s16], [sflag:$0x1] =	stream.indirect.gather [hbm4b:s4+s19], $0x80, s30, s19, $0xb8;
	[tilespmem:$0x1E800] =	vst v63  }
0x91: {  	s31 =	simm.s32 $0x80  }
0x92: {  	[tilespmem:s20], [sflag:$0x2] =	stream.indirect.gather [hbm4b:s4+s19], $0x80, s31, s19, $0xb8;
	[tilespmem:$0x1E800] =	vst v63  }
0x93: {  	_ =	swait.ge [sflag:s21], $0x4000  }
0x94: {  	[sflag:s21] =	ssyncset.done $0x0  }
0x95: {  	s29 =	simm.s32 $0x1400;
	[sflag:s21] =	ssyncadd.s32 $0xFFFFC000  }
0x96: {  	[spmem:s1] =	stream.indirect.scatter.add.f32 [tilespmem:s16], [sflag:$0x3], $0x80, s29, s19, $0xb8;
	[tilespmem:$0x1E800] =	vst v63  }
0x97: {  	_ =	swait.ge [sflag:s17], $0x4000  }
0x98: {  	[sflag:s17] =	ssyncset.done $0x0  }
0x99: {  	s30 =	simm.s32 $0x100;
	[sflag:s17] =	ssyncadd.s32 $0xFFFFC000  }
0x9a: {  	[tilespmem:s16], [sflag:$0x1] =	stream.indirect.gather [hbm4b:s4+s19], $0x80, s30, s19, $0xb8;
	[tilespmem:$0x1E800] =	vst v63  }
0x9b: {  	_ =	swait.ge [sflag:s22], $0x4000  }
0x9c: {  	[sflag:s22] =	ssyncset.done $0x0  }
0x9d: {  	s31 =	simm.s32 $0x1480;
	[sflag:s22] =	ssyncadd.s32 $0xFFFFC000  }
0x9e: {  	[spmem:s1] =	stream.indirect.scatter.add.f32 [tilespmem:s20], [sflag:$0x3], $0x80, s31, s19, $0xb8;
	[tilespmem:$0x1E800] =	vst v63  }
0x9f: {  	_ =	swait.ge [sflag:s17], $0x4000  }
0xa0: {  	s26 =	simm.s32 $0x100;
	s28 =	simm.s32 $0x800;
	[sflag:s17] =	ssyncset.done $0x0  }
.LBB2_6:
0xa1: {  	s29 =	sadd.s32 $0x80, s26  }
0xa2: {  	[sflag:s17] =	ssyncadd.s32 $0xFFFFC000;
	s30 =	smov.u32 s28;
	s31 =	sadd.s32 $0x400, s28  }
0xa3: {  	[tilespmem:s20], [sflag:$0x2] =	stream.indirect.gather [hbm4b:s4+s19], $0x80, s29, s19, $0xb8;
	[tilespmem:$0x1E800] =	vst v63  }
0xa4: {  	p0 =	sne.s32 s28, $0x4800;
	_ =	swait.ge [sflag:s21], $0x4000  }
0xa5: {  	[sflag:s21] =	ssyncset.done $0x0  }
0xa6: {  	s28 =	sadd.s32 $0x1400, s26;
	[sflag:s21] =	ssyncadd.s32 $0xFFFFC000  }
0xa7: {  	[spmem:s1] =	stream.indirect.scatter.add.f32 [tilespmem:s16], [sflag:$0x3], $0x80, s28, s19, $0xb8;
	[tilespmem:$0x1E800] =	vst v63  }
0xa8: {  	_ =	swait.ge [sflag:s17], $0x4000  }
0xa9: {  	[sflag:s17] =	ssyncset.done $0x0  }
0xaa: {  	s28 =	sadd.s32 $0x100, s26;
	[sflag:s17] =	ssyncadd.s32 $0xFFFFC000  }
0xab: {  	[tilespmem:s16], [sflag:$0x1] =	stream.indirect.gather [hbm4b:s4+s19], $0x80, s28, s19, $0xb8;
	[tilespmem:$0x1E800] =	vst v63  }
0xac: {  	_ =	swait.ge [sflag:s22], $0x4000  }
.Ltmp2:
0xad: {  	[sflag:s22] =	ssyncset.done $0x0;
	(pc) =	sbr.rel @p0 .LBB2_6-.Ltmp2, $4  }
0xae: {  	s26 =	sadd.s32 $0x1480, s26;
	[sflag:s22] =	ssyncadd.s32 $0xFFFFC000  }
0xaf: {  	[spmem:s1] =	stream.indirect.scatter.add.f32 [tilespmem:s20], [sflag:$0x3], $0x80, s26, s19, $0xb8;
	[tilespmem:$0x1E800] =	vst v63  }
0xb0: {  	_ =	swait.ge [sflag:s17], $0x4000  }
0xb1: {  	s28 =	smov.u32 s31;
	s26 =	sshra.s32 s30, $0x2;
	[sflag:s17] =	ssyncset.done $0x0  }
0xb2: {  	s28 =	sadd.s32 $0x80, s26;
	[sflag:s17] =	ssyncadd.s32 $0xFFFFC000  }
0xb3: {  	[tilespmem:s20], [sflag:$0x2] =	stream.indirect.gather [hbm4b:s4+s19], $0x80, s28, s19, $0xb8;
	[tilespmem:$0x1E800] =	vst v63  }
0xb4: {  	_ =	swait.ge [sflag:s21], $0x4000  }
0xb5: {  	[sflag:s21] =	ssyncset.done $0x0  }
0xb6: {  	s30 =	sadd.s32 $0x1400, s26;
	[sflag:s21] =	ssyncadd.s32 $0xFFFFC000  }
0xb7: {  	[spmem:s1] =	stream.indirect.scatter.add.f32 [tilespmem:s16], [sflag:$0x3], $0x80, s30, s19, $0xb8;
	[tilespmem:$0x1E800] =	vst v63  }
0xb8: {  	_ =	swait.ge [sflag:s17], $0x4000  }
0xb9: {  	[sflag:s17] =	ssyncset.done $0x0  }
0xba: {  	s31 =	sadd.s32 $0x100, s26;
	[sflag:s17] =	ssyncadd.s32 $0xFFFFC000  }
0xbb: {  	[tilespmem:s16], [sflag:$0x1] =	stream.indirect.gather [hbm4b:s4+s19], $0x80, s31, s19, $0xb8;
	[tilespmem:$0x1E800] =	vst v63  }
0xbc: {  	_ =	swait.ge [sflag:s22], $0x4000  }
0xbd: {  	[sflag:s22] =	ssyncset.done $0x0  }
0xbe: {  	s29 =	sadd.s32 $0x1480, s26;
	[sflag:s22] =	ssyncadd.s32 $0xFFFFC000  }
0xbf: {  	[spmem:s1] =	stream.indirect.scatter.add.f32 [tilespmem:s20], [sflag:$0x3], $0x80, s29, s19, $0xb8;
	[tilespmem:$0x1E800] =	vst v63  }
0xc0: {  	_ =	swait.ge [sflag:s17], $0x4000  }
0xc1: {  	[sflag:s17] =	ssyncset.done $0x0  }
0xc2: {  	[sflag:s17] =	ssyncadd.s32 $0xFFFFC000  }
0xc3: {  	[tilespmem:s20], [sflag:$0x2] =	stream.indirect.gather [hbm4b:s4+s19], $0x80, s23, s19, $0xb8;
	[tilespmem:$0x1E800] =	vst v63  }
0xc4: {  	_ =	swait.ge [sflag:s21], $0x4000  }
0xc5: {  	[sflag:s21] =	ssyncset.done $0x0  }
0xc6: {  	[sflag:s21] =	ssyncadd.s32 $0xFFFFC000  }
0xc7: {  	[spmem:s1] =	stream.indirect.scatter.add.f32 [tilespmem:s16], [sflag:$0x3], $0x80, s24, s19, $0xb8;
	[tilespmem:$0x1E800] =	vst v63  }
0xc8: {  	_ =	swait.ge [sflag:s17], $0x4000  }
0xc9: {  	[sflag:s17] =	ssyncset.done $0x0  }
0xca: {  	[sflag:s17] =	ssyncadd.s32 $0xFFFFC000  }
0xcb: {  	[tilespmem:s16], [sflag:$0x1] =	stream.indirect.gather [hbm4b:s4+s19], $0x80, s23, s19, $0xb8;
	[tilespmem:$0x1E800] =	vst v63  }
0xcc: {  	_ =	swait.ge [sflag:s22], $0x4000  }
0xcd: {  	[sflag:s22] =	ssyncset.done $0x0  }
0xce: {  	[sflag:s22] =	ssyncadd.s32 $0xFFFFC000  }
0xcf: {  	[spmem:s1] =	stream.indirect.scatter.add.f32 [tilespmem:s20], [sflag:$0x3], $0x80, s25, s19, $0xb8;
	[tilespmem:$0x1E800] =	vst v63  }
0xd0: {  	_ =	swait.ge [sflag:s17], $0x4000  }
0xd1: {  	[sflag:s17] =	ssyncset.done $0x0  }
0xd2: {  	[sflag:s17] =	ssyncadd.s32 $0xFFFFC000  }
0xd3: {  	_ =	swait.ge [sflag:s21], $0x4000  }
0xd4: {  	s3 =	sadd.s32 $0x1, s3;
	s30 =	sshll.u32 s2, $0x6;
	[sflag:s21] =	ssyncset.done $0x0  }
0xd5: {  	p0 =	sne.s32 s3, s11;
	s26 =	sor.u32 $0x1C03, s30;
	[sflag:s21] =	ssyncadd.s32 $0xFFFFC000  }
.Ltmp3:
0xd6: {  	s31 =	sshrl.u32 s5, $0x3;
	[bflag:$0x0] =	sbarrier.arrive $0xFFFF;
	(pc) =	sbr.rel @p0 .LBB2_1-.Ltmp3, $4  }
0xd7: {  	[hbm:s10], [sflag:s26] =	dma.local [spmem:s31], $0x2800  }
0xd8: {  	_ =	swait.ge [sflag:s17], $0x2800  }
0xd9: {  	[sflag:s17] =	ssyncset.done $0x0  }
0xda: {  	[sflag:s17] =	ssyncadd.s32 $0xFFFFD800  }
0xdb: {  	_ =	sfence.sel $0x180000  }
0xdc: {  	[bflag:$0x0] =	sbarrier.arrive $0xFFFF  }
0xdd: {  	p0 =	sne.s32 s2, $0x0;
	_ =	strace $0x90000050  }
0xde: {  	s0 =	sadd.s32 @!p0 $0x100000, s0;
	[bflag:$0x2] =	sbarrier.arrive $0xFFFF  }
0xdf: {  	[sflag:s0] =	ssyncadd.tile.s32 @!p0 $0x1;
	_ =	shalt  }
.Lfunc_end2:
_tile_overlayer_lowered:
.L_overlay_start_2:
0xe0: {  	(tag) =	ssettag $0x2  }
0xe1: {  	s0 =	rddreg [dreg:$0x0];
	s2 =	stileid.u32  }
0xe2: {  	s1 =	rddreg [dreg:$0x1];
	p0 =	sne.s32 s2, $0x0  }
0xe3: {  	s3 =	rddreg [dreg:$0x2];
	[bflag:$0x3] =	sbarrier.arrive $0xFFFF;
	s2 =	simm.s32 @!p0 $0x1C03  }
0xe4: {  	[timem:s3], [sflag:s2] =	dma.local @!p0 [hbm:s0], s1  }
0xe5: {  	s0 =	simm.s32 @!p0 $0x3  }
0xe6: {  	_ =	swait.ge @!p0 [sflag:s0], s1  }
0xe7: {  	s1 =	ssub.s32 @!p0 $0x0, s1;
	[sflag:s0] =	ssyncset.done @!p0 $0x0  }
0xe8: {  	[sflag:s0] =	ssyncadd.s32 @!p0 s1  }
0xe9: {  	[bflag:$0x3] =	sbarrier.arrive $0xFFFF  }
0xea: {  	_ =	shalt  }

</sc_bundles>
